<compile_context>
chip_gen: v7x
topology: tpu7x:2x2x1
jax: 0.10.2.dev20260603
libtpu: 0.0.44.dev20260713+nightly
codegen_flags: <defaults>
</compile_context>

<pallas_src>
import functools
import math

import jax
import jax.numpy as jnp
from jax import lax
from jax.experimental import pallas as pl
from jax.experimental.pallas import tpu as pltpu
from jax.experimental.pallas import tpu_sc as plsc

B, N, K = 2, 4096, 4
PC, QKV, CI = 64, 128, 64
H = W = 128
HW = H * W
BN = B * N
T = 512
NT = N // T
_BF = jnp.bfloat16

_NC, _NS, _L = 2, 16, 16
_NW = _NC * _NS
_BP = BN // _NW


@functools.cache
def _sc_kernels():
    mesh = plsc.VectorSubcoreMesh(core_axis_name="c", subcore_axis_name="s")
    nlp = pltpu.CompilerParams(use_tc_tiling_on_sc=False,
                               needs_layout_passes=False)

    @functools.partial(
        pl.kernel, mesh=mesh,
        out_type=jax.ShapeDtypeStruct((BN, CI), jnp.float32),
        compiler_params=pltpu.CompilerParams(use_tc_tiling_on_sc=False),
        scratch_types=[
            pltpu.VMEM((_BP,), jnp.int32),
            pltpu.VMEM((_BP, CI), jnp.float32),
            pltpu.SemaphoreType.DMA,
        ],
    )
    def _img_gather(tab_hbm, idx_hbm, out_hbm, idx_v, rows_v, sem):
        wid = lax.axis_index("s") * _NC + lax.axis_index("c")
        base = wid * _BP
        pltpu.sync_copy(idx_hbm.at[pl.ds(base, _BP)], idx_v)
        boff = (base // N) * HW
        for c in range(_BP // _L):
            sl = pl.ds(c * _L, _L)
            idx_v[sl] = idx_v[sl] + jnp.broadcast_to(boff, (_L,))
        pltpu.async_copy(tab_hbm.at[idx_v], rows_v, sem).wait()
        pltpu.sync_copy(rows_v, out_hbm.at[pl.ds(base, _BP)])

    @functools.partial(
        pl.kernel, mesh=mesh,
        out_type=jax.ShapeDtypeStruct((BN, CI), jnp.float32),
        compiler_params=nlp,
        scratch_types=[
            pltpu.VMEM((_BP * K,), jnp.int32),
            pltpu.VMEM((_BP * K,), jnp.int32),
            pltpu.VMEM((_BP * K,), jnp.float32),
            pltpu.VMEM((_BP * K,), jnp.float32),
            pltpu.VMEM((_BP * K, CI), jnp.float32),
            pltpu.VMEM((BN,), jnp.float32),
            pltpu.VMEM((CI,), jnp.float32),
            pltpu.VMEM((_BP, CI), jnp.float32),
            pltpu.SemaphoreType.DMA,
        ],
    )
    def _knn_attend(knn_hbm, s_hbm, u_hbm, bo_hbm, ret_hbm,
                    idx_v, idxk_v, sg_v, w_v, urows_v, sv, bo_v, ret_v, sem):
        wid = lax.axis_index("s") * _NC + lax.axis_index("c")
        base = wid * _BP
        bi = base * K
        pltpu.sync_copy(knn_hbm.at[pl.ds(bi, _BP * K)], idx_v)
        pltpu.sync_copy(s_hbm, sv)
        pltpu.sync_copy(bo_hbm, bo_v)
        boff = (base // N) * N
        for c in range((_BP * K) // _L):
            sl = pl.ds(c * _L, _L)
            idx_v[sl] = idx_v[sl] + jnp.broadcast_to(boff, (_L,))
        lane = lax.iota(jnp.int32, _L)
        for k in range(K):
            for c in range(_BP // _L):
                src = jnp.broadcast_to(c * _L * K + k, (_L,)) + lane * K
                v = plsc.load_gather(idx_v, [src])
                idxk_v[pl.ds(k * _BP + c * _L, _L)] = v
                sg_v[pl.ds(k * _BP + c * _L, _L)] = (
                    plsc.load_gather(sv, [v]))
        pltpu.async_copy(u_hbm.at[idxk_v], urows_v, sem).wait()
        for c in range(_BP // _L):
            sl = [pl.ds(k * _BP + c * _L, _L) for k in range(K)]
            e = [sg_v[sl[k]] for k in range(K)]
            m = jnp.maximum(jnp.maximum(e[0], e[1]),
                            jnp.maximum(e[2], e[3]))
            e = [jnp.exp(x - m) for x in e]
            z = ((e[0] + e[1]) + e[2]) + e[3]
            for k in range(K):
                w_v[sl[k]] = e[k] / z
        def body(p, _):
            acc = [jnp.zeros((_L,), jnp.float32) for _ in range(CI // _L)]
            for k in range(K):
                wspl = plsc.load_gather(
                    w_v, [jnp.broadcast_to(k * _BP + p, (_L,))])
                row = k * _BP + p
                for ch in range(CI // _L):
                    acc[ch] = acc[ch] + wspl * urows_v[row,
                                                       pl.ds(ch * _L, _L)]
            for ch in range(CI // _L):
                csl = pl.ds(ch * _L, _L)
                ret_v[p, csl] = 0.25 * acc[ch] + bo_v[csl]
            return 0
        lax.fori_loop(0, _BP, body, 0)
        pltpu.sync_copy(ret_v, ret_hbm.at[pl.ds(base, _BP)])

    return _img_gather, _knn_attend



def _knn_body(xq_ref, xs_ref, knn_ref):
    q8 = xq_ref[0]
    st = xs_ref[0]
    sq_q = jnp.sum(q8 * q8, axis=1)
    sq_s = jnp.sum(st * st, axis=0)
    qs = lax.dot_general(q8.astype(_BF), st.astype(_BF),
                         (((1,), (0,)), ((), ())),
                         preferred_element_type=jnp.float32)
    d = sq_q[:, None] + sq_s[None, :] - 2.0 * qs
    itf = lax.broadcasted_iota(jnp.int32, (T, N), 1).astype(jnp.float32)
    cols = []
    for k in range(K):
        ik = jnp.argmin(d, axis=1).astype(jnp.float32)[:, None]
        cols.append(ik)
        if k < K - 1:
            d = jnp.where(itf == ik, jnp.inf, d)
    knn_ref[...] = jnp.concatenate(cols, axis=1).astype(jnp.int32)


def _knn_call(xyz_q, xyz_sT):
    return pl.pallas_call(
        _knn_body,
        grid=(B, NT),
        in_specs=[
            pl.BlockSpec((1, T, 8), lambda b, t: (b, t, 0)),
            pl.BlockSpec((1, 8, N), lambda b, t: (b, 0, 0)),
        ],
        out_specs=pl.BlockSpec((T, K), lambda b, t: (b * NT + t, 0)),
        out_shape=jax.ShapeDtypeStruct((BN, K), jnp.int32),
    )(xyz_q, xyz_sT)



def _proj_body(img_ref, pf_ref, wq_ref, bq_ref, wk_ref, bk_ref,
               wv_ref, bv_ref, wo_ref, s_ref, u_ref):
    img = img_ref[...]
    imgb = img.astype(_BF)
    pfb = pf_ref[0].astype(_BF)
    qp = lax.dot_general(pfb, wq_ref[...].astype(_BF),
                         (((0,), (0,)), ((), ())),
                         preferred_element_type=jnp.float32) + bq_ref[...]
    kp = jnp.dot(imgb, wk_ref[...].astype(_BF),
                 preferred_element_type=jnp.float32) + bk_ref[...]
    s_ref[...] = jnp.sum(qp * kp, axis=1) * (1.0 / math.sqrt(QKV))
    v1 = jnp.dot(imgb, wv_ref[...].astype(_BF),
                 preferred_element_type=jnp.float32) + bv_ref[...]
    u_ref[...] = jnp.dot(v1.astype(_BF), wo_ref[...].astype(_BF),
                         preferred_element_type=jnp.float32)


def _proj_call(img_ff, point_feas, Wq, bq, Wk, bk, Wv, bv, Wo):
    return pl.pallas_call(
        _proj_body,
        grid=(B, NT),
        in_specs=[
            pl.BlockSpec((T, CI), lambda b, t: (b * NT + t, 0)),
            pl.BlockSpec((1, PC, T), lambda b, t: (b, 0, t)),
            pl.BlockSpec((PC, QKV), lambda b, t: (0, 0)),
            pl.BlockSpec((QKV,), lambda b, t: (0,)),
            pl.BlockSpec((CI, QKV), lambda b, t: (0, 0)),
            pl.BlockSpec((QKV,), lambda b, t: (0,)),
            pl.BlockSpec((CI, QKV), lambda b, t: (0, 0)),
            pl.BlockSpec((QKV,), lambda b, t: (0,)),
            pl.BlockSpec((QKV, CI), lambda b, t: (0, 0)),
        ],
        out_specs=[
            pl.BlockSpec((T,), lambda b, t: (b * NT + t,)),
            pl.BlockSpec((T, CI), lambda b, t: (b * NT + t, 0)),
        ],
        out_shape=[
            jax.ShapeDtypeStruct((BN,), jnp.float32),
            jax.ShapeDtypeStruct((BN, CI), jnp.float32),
        ],
    )(img_ff, point_feas, Wq, bq, Wk, bk, Wv, bv, Wo)



def kernel(img_feas, point_feas, li_index, li_xyz, Wq, bq, Wk, bk, Wv, bv, Wo, bo):
    flat_img = jnp.transpose(img_feas, (0, 2, 3, 1)).reshape(B * HW, CI)
    xyz_q = jnp.pad(li_xyz, ((0, 0), (0, 0), (0, 5)))
    xyz_sT = jnp.transpose(xyz_q, (0, 2, 1))

    _img_gather, _knn_attend = _sc_kernels()

    knn2 = _knn_call(xyz_q, xyz_sT)

    img_ff = _img_gather(flat_img, li_index.reshape(BN))

    s, u = _proj_call(img_ff, point_feas, Wq, bq, Wk, bk, Wv, bv, Wo)

    ret = _knn_attend(knn2.reshape(BN * K), s, u, bo)

    return jnp.transpose(ret.reshape(B, N, CI), (0, 2, 1))

# --- scband reference (transcript-rebuilt; emitter-appended) ---
"""Pipeline reference for scband-crossalign-k-60421599920362 (READ-ONLY COPY).

The authoritative reference and input builder live on the scoring server;
editing this copy changes nothing except your own understanding.
"""

import jax, jax.numpy as jnp
import numpy as np


def k_nearest_neighbor(query, support, k):
    # squared euclidean distances via |q|^2 + |s|^2 - 2 q.s (avoids materializing [B,N,N,3])
    sq_q = jnp.sum(query * query, axis=-1)
    sq_s = jnp.sum(support * support, axis=-1)
    d = sq_q[:, :, None] + sq_s[:, None, :] - 2.0 * jnp.einsum('bnd,bmd->bnm', query, support)
    _, idx = jax.lax.top_k(-d, k)
    return idx  # [B, N, k]


def setup_inputs(seed: int = 0) -> dict:
    key = jax.random.key(seed)
    ks = jax.random.split(key, 12)
    B, C_img, H, W = 2, 64, 128, 128
    N, pc, qkv = 4096, 64, 128
    img_feas = jax.random.normal(ks[0], (B, C_img, H, W), dtype=jnp.float32)
    point_feas = jax.random.normal(ks[1], (B, pc, N), dtype=jnp.float32)
    li_index = jax.random.randint(ks[2], (B, N), 0, H * W, dtype=jnp.int32)
    li_xyz = jax.random.normal(ks[3], (B, N, 3), dtype=jnp.float32)
    Wq = 0.02 * jax.random.normal(ks[4], (pc, qkv), dtype=jnp.float32)
    bq = jnp.zeros((qkv,), dtype=jnp.float32)
    Wk = 0.02 * jax.random.normal(ks[5], (C_img, qkv), dtype=jnp.float32)
    bk = jnp.zeros((qkv,), dtype=jnp.float32)
    Wv = 0.02 * jax.random.normal(ks[6], (C_img, qkv), dtype=jnp.float32)
    bv = jnp.zeros((qkv,), dtype=jnp.float32)
    Wo = 0.02 * jax.random.normal(ks[7], (qkv, C_img), dtype=jnp.float32)
    bo = jnp.zeros((C_img,), dtype=jnp.float32)
    return {"img_feas": img_feas, "point_feas": point_feas, "li_index": li_index,
            "li_xyz": li_xyz, "Wq": Wq, "bq": bq, "Wk": Wk, "bk": bk,
            "Wv": Wv, "bv": bv, "Wo": Wo, "bo": bo}


def reference(img_feas, point_feas, li_index, li_xyz, Wq, bq, Wk, bk, Wv, bv, Wo, bo):
    B = img_feas.shape[0]
    knn = k_nearest_neighbor(li_xyz, li_xyz, 4)  # [B, N, 4]
    img_p = jnp.transpose(img_feas, (0, 2, 3, 1))  # [B,H,W,C]
    flat_img = img_p.reshape(B, -1, img_p.shape[3])  # [B,HW,C]
    ic = flat_img.shape[2]
    N = li_index.shape[1]
    idx = jnp.broadcast_to(li_index[:, :, None], (B, N, ic))
    img_ff = jnp.take_along_axis(flat_img, idx, axis=1)  # [B,N,C]
    point_f = jnp.transpose(point_feas, (0, 2, 1))  # [B,N,pc]
    K = knn.shape[2]
    img_ff4 = jnp.broadcast_to(img_ff[:, :, None, :], (B, N, K, ic))
    knn_d = jnp.broadcast_to(knn[:, :, :, None], (B, N, K, ic))
    img_ff_g = jnp.take_along_axis(img_ff4, knn_d, axis=1)  # [B,N,K,ic]
    pc_dim = point_f.shape[2]
    pf4 = jnp.broadcast_to(point_f[:, :, None, :], (B, N, K, pc_dim))
    knn_l = jnp.broadcast_to(knn[:, :, :, None], (B, N, K, pc_dim))
    pf_g = jnp.take_along_axis(pf4, knn_l, axis=1)  # [B,N,K,pc]
    q = pf_g @ Wq + bq
    k_ = img_ff_g @ Wk + bk
    v = img_ff_g @ Wv + bv
    aff = jnp.einsum('bnkc,bnkc->bnk', q, k_) / jnp.sqrt(jnp.asarray(q.shape[-1], dtype=jnp.float32))
    w = jax.nn.softmax(aff, axis=-1)
    ret = w[..., None] * v
    ret = ret @ Wo + bo  # [B,N,K,ic]
    ret = jnp.mean(ret, axis=2)  # [B,N,ic]
    out = jnp.transpose(ret, (0, 2, 1))  # [B,ic,N]
    return out

if __name__ == "__main__":
    import jax
    _d = setup_inputs()
    print(jax.jit(kernel)(*tuple(_d.values())))

</pallas_src>

<mosaic_0001>
#map = affine_map<(d0, d1) -> (0)>
#map1 = affine_map<(d0, d1) -> (0, 0)>
module attributes {stable_mosaic.version = 14 : i64} {
  func.func @_knn_attend(%arg0: i32, %arg1: i32, %arg2: memref<32768xi32, #tpu.memory_space<hbm>>, %arg3: memref<8192xf32, #tpu.memory_space<hbm>>, %arg4: memref<8192x64xf32, #tpu.memory_space<hbm>>, %arg5: memref<64xf32, #tpu.memory_space<hbm>>, %arg6: memref<8192x64xf32, #tpu.memory_space<hbm>>, %arg7: memref<1024xi32, #tpu.memory_space<vmem>>, %arg8: memref<1024xi32, #tpu.memory_space<vmem>>, %arg9: memref<1024xf32, #tpu.memory_space<vmem>>, %arg10: memref<1024xf32, #tpu.memory_space<vmem>>, %arg11: memref<1024x64xf32, #tpu.memory_space<vmem>>, %arg12: memref<8192xf32, #tpu.memory_space<vmem>>, %arg13: memref<64xf32, #tpu.memory_space<vmem>>, %arg14: memref<256x64xf32, #tpu.memory_space<vmem>>, %arg15: memref<!tpu.dma_semaphore, #tpu.memory_space<semaphore_mem>>) attributes {dimension_semantics = [#tpu.dimension_semantics<core_parallel>, #tpu.dimension_semantics<subcore_parallel>], iteration_bounds = array<i64: 2, 16>, scalar_prefetch = 0 : i64, scratch_operands = 9 : i64, tpu.core_type = #tpu.core_type<sc_vector_subcore>, window_params = [{transform_indices = #map}, {transform_indices = #map}, {transform_indices = #map1}, {transform_indices = #map}, {transform_indices = #map1}]} {
    %mul3A = arith.constant 2 : i32
    %mul3A_0 = arith.muli %arg1, %mul3A : i32
    %add3A = arith.addi %mul3A_0, %arg0 : i32
    %mul3A_1 = arith.constant 256 : i32
    %mul3A_2 = arith.muli %add3A, %mul3A_1 : i32
    %mul3A_3 = arith.constant 4 : i32
    %mul3A_4 = arith.muli %mul3A_2, %mul3A_3 : i32
    "tpu.region"() ({
      %run_scoped3A = tpu.sem_alloc : memref<!tpu.dma_semaphore, #tpu.memory_space<semaphore_mem>>
      %dma_start3A_1723 = tpu.memref_slice %arg2[%mul3A_4] : memref<32768xi32, #tpu.memory_space<hbm>> -> memref<1024xi32, #tpu.memory_space<hbm>>
      %dma_start3A_1724 = tpu.memref_slice %arg2[%mul3A_4] : memref<32768xi32, #tpu.memory_space<hbm>> -> memref<1024xi32, #tpu.memory_space<hbm>>
      tpu.enqueue_dma source(%dma_start3A_1724 : memref<1024xi32, #tpu.memory_space<hbm>>) target(%arg7 : memref<1024xi32, #tpu.memory_space<vmem>>) target_semaphore(%run_scoped3A : memref<!tpu.dma_semaphore, #tpu.memory_space<semaphore_mem>>)
      %dma_wait3A_1725 = tpu.memref_slice %arg2[%mul3A_4] : memref<32768xi32, #tpu.memory_space<hbm>> -> memref<1024xi32, #tpu.memory_space<hbm>>
      %dma_wait3A_1726 = tpu.memref_slice %arg2[%mul3A_4] : memref<32768xi32, #tpu.memory_space<hbm>> -> memref<1024xi32, #tpu.memory_space<hbm>>
      tpu.wait_dma2 semaphore(%run_scoped3A : memref<!tpu.dma_semaphore, #tpu.memory_space<semaphore_mem>>) src(%dma_wait3A_1726 : memref<1024xi32, #tpu.memory_space<hbm>>) dst(%arg7 : memref<1024xi32, #tpu.memory_space<vmem>>)
      tpu.yield
    }) : () -> ()
    "tpu.region"() ({
      %run_scoped3A = tpu.sem_alloc : memref<!tpu.dma_semaphore, #tpu.memory_space<semaphore_mem>>
      tpu.enqueue_dma source(%arg3 : memref<8192xf32, #tpu.memory_space<hbm>>) target(%arg12 : memref<8192xf32, #tpu.memory_space<vmem>>) target_semaphore(%run_scoped3A : memref<!tpu.dma_semaphore, #tpu.memory_space<semaphore_mem>>)
      tpu.wait_dma2 semaphore(%run_scoped3A : memref<!tpu.dma_semaphore, #tpu.memory_space<semaphore_mem>>) src(%arg3 : memref<8192xf32, #tpu.memory_space<hbm>>) dst(%arg12 : memref<8192xf32, #tpu.memory_space<vmem>>)
      tpu.yield
    }) : () -> ()
    "tpu.region"() ({
      %run_scoped3A = tpu.sem_alloc : memref<!tpu.dma_semaphore, #tpu.memory_space<semaphore_mem>>
      tpu.enqueue_dma source(%arg5 : memref<64xf32, #tpu.memory_space<hbm>>) target(%arg13 : memref<64xf32, #tpu.memory_space<vmem>>) target_semaphore(%run_scoped3A : memref<!tpu.dma_semaphore, #tpu.memory_space<semaphore_mem>>)
      tpu.wait_dma2 semaphore(%run_scoped3A : memref<!tpu.dma_semaphore, #tpu.memory_space<semaphore_mem>>) src(%arg5 : memref<64xf32, #tpu.memory_space<hbm>>) dst(%arg13 : memref<64xf32, #tpu.memory_space<vmem>>)
      tpu.yield
    }) : () -> ()
    %jit3A = arith.constant 4096 : i32
    %div3A = arith.divsi %mul3A_2, %jit3A : i32
    %sign3A = arith.constant 0 : i32
    %sign3A_5 = arith.cmpi sgt, %mul3A_2, %sign3A : i32
    %sign3A_6 = arith.extui %sign3A_5 : i1 to i32
    %sign3A_7 = arith.constant 0 : i32
    %sign3A_8 = arith.cmpi slt, %mul3A_2, %sign3A_7 : i32
    %sign3A_9 = arith.extui %sign3A_8 : i1 to i32
    %sign3A_10 = arith.subi %sign3A_6, %sign3A_9 : i32
    %sign3A_11 = arith.constant 0 : i32
    %sign3A_12 = arith.cmpi sgt, %jit3A, %sign3A_11 : i32
    %sign3A_13 = arith.extui %sign3A_12 : i1 to i32
    %sign3A_14 = arith.constant 0 : i32
    %sign3A_15 = arith.cmpi slt, %jit3A, %sign3A_14 : i32
    %sign3A_16 = arith.extui %sign3A_15 : i1 to i32
    %sign3A_17 = arith.subi %sign3A_13, %sign3A_16 : i32
    %ne3A = arith.cmpi ne, %sign3A_10, %sign3A_17 : i32
    %rem3A = arith.remsi %mul3A_2, %jit3A : i32
    %ne3A_18 = arith.constant 0 : i32
    %ne3A_19 = arith.cmpi ne, %rem3A, %ne3A_18 : i32
    %and3A = arith.andi %ne3A, %ne3A_19 : i1
    %sub3A = arith.constant 1 : i32
    %sub3A_20 = arith.subi %div3A, %sub3A : i32
    %select_n3A = arith.select %and3A, %sub3A_20, %div3A : i32
    %mul3A_21 = arith.constant 4096 : i32
    %mul3A_22 = arith.muli %select_n3A, %mul3A_21 : i32
    %get3A = arith.constant 0 : index
    %get3A_23 = tpu.vector_load %arg7[%get3A] {strides = array<i32>} : memref<1024xi32, #tpu.memory_space<vmem>>, vector<16xi32>,
    %broadcast_in_dim3A = vector.broadcast %mul3A_22 : i32 to vector<16xi32>
    %add3A_24 = arith.addi %get3A_23, %broadcast_in_dim3A : vector<16xi32>
    %swap3A = arith.constant 0 : index
    %swap3A_25 = tpu.vector_load %arg7[%swap3A] {strides = array<i32>} : memref<1024xi32, #tpu.memory_space<vmem>>, vector<16xi32>,
    tpu.vector_store %arg7[%swap3A], %add3A_24 {strides = array<i32>} : memref<1024xi32, #tpu.memory_space<vmem>>, vector<16xi32>,
    %get3A_26 = arith.constant 16 : index
    %get3A_27 = tpu.vector_load %arg7[%get3A_26] {strides = array<i32>} : memref<1024xi32, #tpu.memory_space<vmem>>, vector<16xi32>,
    %broadcast_in_dim3A_28 = vector.broadcast %mul3A_22 : i32 to vector<16xi32>
    %add3A_29 = arith.addi %get3A_27, %broadcast_in_dim3A_28 : vector<16xi32>
    %swap3A_30 = arith.constant 16 : index
    %swap3A_31 = tpu.vector_load %arg7[%swap3A_30] {strides = array<i32>} : memref<1024xi32, #tpu.memory_space<vmem>>, vector<16xi32>,
    tpu.vector_store %arg7[%swap3A_30], %add3A_29 {strides = array<i32>} : memref<1024xi32, #tpu.memory_space<vmem>>, vector<16xi32>,
    %get3A_32 = arith.constant 32 : index
    %get3A_33 = tpu.vector_load %arg7[%get3A_32] {strides = array<i32>} : memref<1024xi32, #tpu.memory_space<vmem>>, vector<16xi32>,
    %broadcast_in_dim3A_34 = vector.broadcast %mul3A_22 : i32 to vector<16xi32>
    %add3A_35 = arith.addi %get3A_33, %broadcast_in_dim3A_34 : vector<16xi32>
    %swap3A_36 = arith.constant 32 : index
    %swap3A_37 = tpu.vector_load %arg7[%swap3A_36] {strides = array<i32>} : memref<1024xi32, #tpu.memory_space<vmem>>, vector<16xi32>,
    tpu.vector_store %arg7[%swap3A_36], %add3A_35 {strides = array<i32>} : memref<1024xi32, #tpu.memory_space<vmem>>, vector<16xi32>,
    %get3A_38 = arith.constant 48 : index
    %get3A_39 = tpu.vector_load %arg7[%get3A_38] {strides = array<i32>} : memref<1024xi32, #tpu.memory_space<vmem>>, vector<16xi32>,
    %broadcast_in_dim3A_40 = vector.broadcast %mul3A_22 : i32 to vector<16xi32>
    %add3A_41 = arith.addi %get3A_39, %broadcast_in_dim3A_40 : vector<16xi32>
    %swap3A_42 = arith.constant 48 : index
    %swap3A_43 = tpu.vector_load %arg7[%swap3A_42] {strides = array<i32>} : memref<1024xi32, #tpu.memory_space<vmem>>, vector<16xi32>,
    tpu.vector_store %arg7[%swap3A_42], %add3A_41 {strides = array<i32>} : memref<1024xi32, #tpu.memory_space<vmem>>, vector<16xi32>,
    %get3A_44 = arith.constant 64 : index
    %get3A_45 = tpu.vector_load %arg7[%get3A_44] {strides = array<i32>} : memref<1024xi32, #tpu.memory_space<vmem>>, vector<16xi32>,
    %broadcast_in_dim3A_46 = vector.broadcast %mul3A_22 : i32 to vector<16xi32>
    %add3A_47 = arith.addi %get3A_45, %broadcast_in_dim3A_46 : vector<16xi32>
    %swap3A_48 = arith.constant 64 : index
    %swap3A_49 = tpu.vector_load %arg7[%swap3A_48] {strides = array<i32>} : memref<1024xi32, #tpu.memory_space<vmem>>, vector<16xi32>,
    tpu.vector_store %arg7[%swap3A_48], %add3A_47 {strides = array<i32>} : memref<1024xi32, #tpu.memory_space<vmem>>, vector<16xi32>,
    %get3A_50 = arith.constant 80 : index
    %get3A_51 = tpu.vector_load %arg7[%get3A_50] {strides = array<i32>} : memref<1024xi32, #tpu.memory_space<vmem>>, vector<16xi32>,
    %broadcast_in_dim3A_52 = vector.broadcast %mul3A_22 : i32 to vector<16xi32>
    %add3A_53 = arith.addi %get3A_51, %broadcast_in_dim3A_52 : vector<16xi32>
    %swap3A_54 = arith.constant 80 : index
    %swap3A_55 = tpu.vector_load %arg7[%swap3A_54] {strides = array<i32>} : memref<1024xi32, #tpu.memory_space<vmem>>, vector<16xi32>,
    tpu.vector_store %arg7[%swap3A_54], %add3A_53 {strides = array<i32>} : memref<1024xi32, #tpu.memory_space<vmem>>, vector<16xi32>,
    %get3A_56 = arith.constant 96 : index
    %get3A_57 = tpu.vector_load %arg7[%get3A_56] {strides = array<i32>} : memref<1024xi32, #tpu.memory_space<vmem>>, vector<16xi32>,
    %broadcast_in_dim3A_58 = vector.broadcast %mul3A_22 : i32 to vector<16xi32>
    %add3A_59 = arith.addi %get3A_57, %broadcast_in_dim3A_58 : vector<16xi32>
    %swap3A_60 = arith.constant 96 : index
    %swap3A_61 = tpu.vector_load %arg7[%swap3A_60] {strides = array<i32>} : memref<1024xi32, #tpu.memory_space<vmem>>, vector<16xi32>,
    tpu.vector_store %arg7[%swap3A_60], %add3A_59 {strides = array<i32>} : memref<1024xi32, #tpu.memory_space<vmem>>, vector<16xi32>,
    %get3A_62 = arith.constant 112 : index
    %get3A_63 = tpu.vector_load %arg7[%get3A_62] {strides = array<i32>} : memref<1024xi32, #tpu.memory_space<vmem>>, vector<16xi32>,
    %broadcast_in_dim3A_64 = vector.broadcast %mul3A_22 : i32 to vector<16xi32>
    %add3A_65 = arith.addi %get3A_63, %broadcast_in_dim3A_64 : vector<16xi32>
    %swap3A_66 = arith.constant 112 : index
    %swap3A_67 = tpu.vector_load %arg7[%swap3A_66] {strides = array<i32>} : memref<1024xi32, #tpu.memory_space<vmem>>, vector<16xi32>,
    tpu.vector_store %arg7[%swap3A_66], %add3A_65 {strides = array<i32>} : memref<1024xi32, #tpu.memory_space<vmem>>, vector<16xi32>,
    %get3A_68 = arith.constant 128 : index
    %get3A_69 = tpu.vector_load %arg7[%get3A_68] {strides = array<i32>} : memref<1024xi32, #tpu.memory_space<vmem>>, vector<16xi32>,
    %broadcast_in_dim3A_70 = vector.broadcast %mul3A_22 : i32 to vector<16xi32>
    %add3A_71 = arith.addi %get3A_69, %broadcast_in_dim3A_70 : vector<16xi32>
    %swap3A_72 = arith.constant 128 : index
    %swap3A_73 = tpu.vector_load %arg7[%swap3A_72] {strides = array<i32>} : memref<1024xi32, #tpu.memory_space<vmem>>, vector<16xi32>,
    tpu.vector_store %arg7[%swap3A_72], %add3A_71 {strides = array<i32>} : memref<1024xi32, #tpu.memory_space<vmem>>, vector<16xi32>,
    %get3A_74 = arith.constant 144 : index
    %get3A_75 = tpu.vector_load %arg7[%get3A_74] {strides = array<i32>} : memref<1024xi32, #tpu.memory_space<vmem>>, vector<16xi32>,
    %broadcast_in_dim3A_76 = vector.broadcast %mul3A_22 : i32 to vector<16xi32>
    %add3A_77 = arith.addi %get3A_75, %broadcast_in_dim3A_76 : vector<16xi32>
    %swap3A_78 = arith.constant 144 : index
    %swap3A_79 = tpu.vector_load %arg7[%swap3A_78] {strides = array<i32>} : memref<1024xi32, #tpu.memory_space<vmem>>, vector<16xi32>,
    tpu.vector_store %arg7[%swap3A_78], %add3A_77 {strides = array<i32>} : memref<1024xi32, #tpu.memory_space<vmem>>, vector<16xi32>,
    %get3A_80 = arith.constant 160 : index
    %get3A_81 = tpu.vector_load %arg7[%get3A_80] {strides = array<i32>} : memref<1024xi32, #tpu.memory_space<vmem>>, vector<16xi32>,
    %broadcast_in_dim3A_82 = vector.broadcast %mul3A_22 : i32 to vector<16xi32>
    %add3A_83 = arith.addi %get3A_81, %broadcast_in_dim3A_82 : vector<16xi32>
    %swap3A_84 = arith.constant 160 : index
    %swap3A_85 = tpu.vector_load %arg7[%swap3A_84] {strides = array<i32>} : memref<1024xi32, #tpu.memory_space<vmem>>, vector<16xi32>,
    tpu.vector_store %arg7[%swap3A_84], %add3A_83 {strides = array<i32>} : memref<1024xi32, #tpu.memory_space<vmem>>, vector<16xi32>,
    %get3A_86 = arith.constant 176 : index
    %get3A_87 = tpu.vector_load %arg7[%get3A_86] {strides = array<i32>} : memref<1024xi32, #tpu.memory_space<vmem>>, vector<16xi32>,
    %broadcast_in_dim3A_88 = vector.broadcast %mul3A_22 : i32 to vector<16xi32>
    %add3A_89 = arith.addi %get3A_87, %broadcast_in_dim3A_88 : vector<16xi32>
    %swap3A_90 = arith.constant 176 : index
    %swap3A_91 = tpu.vector_load %arg7[%swap3A_90] {strides = array<i32>} : memref<1024xi32, #tpu.memory_space<vmem>>, vector<16xi32>,
    tpu.vector_store %arg7[%swap3A_90], %add3A_89 {strides = array<i32>} : memref<1024xi32, #tpu.memory_space<vmem>>, vector<16xi32>,
    %get3A_92 = arith.constant 192 : index
    %get3A_93 = tpu.vector_load %arg7[%get3A_92] {strides = array<i32>} : memref<1024xi32, #tpu.memory_space<vmem>>, vector<16xi32>,
    %broadcast_in_dim3A_94 = vector.broadcast %mul3A_22 : i32 to vector<16xi32>
    %add3A_95 = arith.addi %get3A_93, %broadcast_in_dim3A_94 : vector<16xi32>
    %swap3A_96 = arith.constant 192 : index
    %swap3A_97 = tpu.vector_load %arg7[%swap3A_96] {strides = array<i32>} : memref<1024xi32, #tpu.memory_space<vmem>>, vector<16xi32>,
    tpu.vector_store %arg7[%swap3A_96], %add3A_95 {strides = array<i32>} : memref<1024xi32, #tpu.memory_space<vmem>>, vector<16xi32>,
    %get3A_98 = arith.constant 208 : index
    %get3A_99 = tpu.vector_load %arg7[%get3A_98] {strides = array<i32>} : memref<1024xi32, #tpu.memory_space<vmem>>, vector<16xi32>,
    %broadcast_in_dim3A_100 = vector.broadcast %mul3A_22 : i32 to vector<16xi32>
    %add3A_101 = arith.addi %get3A_99, %broadcast_in_dim3A_100 : vector<16xi32>
    %swap3A_102 = arith.constant 208 : index
    %swap3A_103 = tpu.vector_load %arg7[%swap3A_102] {strides = array<i32>} : memref<1024xi32, #tpu.memory_space<vmem>>, vector<16xi32>,
    tpu.vector_store %arg7[%swap3A_102], %add3A_101 {strides = array<i32>} : memref<1024xi32, #tpu.memory_space<vmem>>, vector<16xi32>,
    %get3A_104 = arith.constant 224 : index
    %get3A_105 = tpu.vector_load %arg7[%get3A_104] {strides = array<i32>} : memref<1024xi32, #tpu.memory_space<vmem>>, vector<16xi32>,
    %broadcast_in_dim3A_106 = vector.broadcast %mul3A_22 : i32 to vector<16xi32>
    %add3A_107 = arith.addi %get3A_105, %broadcast_in_dim3A_106 : vector<16xi32>
    %swap3A_108 = arith.constant 224 : index
    %swap3A_109 = tpu.vector_load %arg7[%swap3A_108] {strides = array<i32>} : memref<1024xi32, #tpu.memory_space<vmem>>, vector<16xi32>,
    tpu.vector_store %arg7[%swap3A_108], %add3A_107 {strides = array<i32>} : memref<1024xi32, #tpu.memory_space<vmem>>, vector<16xi32>,
    %get3A_110 = arith.constant 240 : index
    %get3A_111 = tpu.vector_load %arg7[%get3A_110] {strides = array<i32>} : memref<1024xi32, #tpu.memory_space<vmem>>, vector<16xi32>,
    %broadcast_in_dim3A_112 = vector.broadcast %mul3A_22 : i32 to vector<16xi32>
    %add3A_113 = arith.addi %get3A_111, %broadcast_in_dim3A_112 : vector<16xi32>
    %swap3A_114 = arith.constant 240 : index
    %swap3A_115 = tpu.vector_load %arg7[%swap3A_114] {strides = array<i32>} : memref<1024xi32, #tpu.memory_space<vmem>>, vector<16xi32>,
    tpu.vector_store %arg7[%swap3A_114], %add3A_113 {strides = array<i32>} : memref<1024xi32, #tpu.memory_space<vmem>>, vector<16xi32>,
    %get3A_116 = arith.constant 256 : index
    %get3A_117 = tpu.vector_load %arg7[%get3A_116] {strides = array<i32>} : memref<1024xi32, #tpu.memory_space<vmem>>, vector<16xi32>,
    %broadcast_in_dim3A_118 = vector.broadcast %mul3A_22 : i32 to vector<16xi32>
    %add3A_119 = arith.addi %get3A_117, %broadcast_in_dim3A_118 : vector<16xi32>
    %swap3A_120 = arith.constant 256 : index
    %swap3A_121 = tpu.vector_load %arg7[%swap3A_120] {strides = array<i32>} : memref<1024xi32, #tpu.memory_space<vmem>>, vector<16xi32>,
    tpu.vector_store %arg7[%swap3A_120], %add3A_119 {strides = array<i32>} : memref<1024xi32, #tpu.memory_space<vmem>>, vector<16xi32>,
    %get3A_122 = arith.constant 272 : index
    %get3A_123 = tpu.vector_load %arg7[%get3A_122] {strides = array<i32>} : memref<1024xi32, #tpu.memory_space<vmem>>, vector<16xi32>,
    %broadcast_in_dim3A_124 = vector.broadcast %mul3A_22 : i32 to vector<16xi32>
    %add3A_125 = arith.addi %get3A_123, %broadcast_in_dim3A_124 : vector<16xi32>
    %swap3A_126 = arith.constant 272 : index
    %swap3A_127 = tpu.vector_load %arg7[%swap3A_126] {strides = array<i32>} : memref<1024xi32, #tpu.memory_space<vmem>>, vector<16xi32>,
    tpu.vector_store %arg7[%swap3A_126], %add3A_125 {strides = array<i32>} : memref<1024xi32, #tpu.memory_space<vmem>>, vector<16xi32>,
    %get3A_128 = arith.constant 288 : index
    %get3A_129 = tpu.vector_load %arg7[%get3A_128] {strides = array<i32>} : memref<1024xi32, #tpu.memory_space<vmem>>, vector<16xi32>,
    %broadcast_in_dim3A_130 = vector.broadcast %mul3A_22 : i32 to vector<16xi32>
    %add3A_131 = arith.addi %get3A_129, %broadcast_in_dim3A_130 : vector<16xi32>
    %swap3A_132 = arith.constant 288 : index
    %swap3A_133 = tpu.vector_load %arg7[%swap3A_132] {strides = array<i32>} : memref<1024xi32, #tpu.memory_space<vmem>>, vector<16xi32>,
    tpu.vector_store %arg7[%swap3A_132], %add3A_131 {strides = array<i32>} : memref<1024xi32, #tpu.memory_space<vmem>>, vector<16xi32>,
    %get3A_134 = arith.constant 304 : index
    %get3A_135 = tpu.vector_load %arg7[%get3A_134] {strides = array<i32>} : memref<1024xi32, #tpu.memory_space<vmem>>, vector<16xi32>,
    %broadcast_in_dim3A_136 = vector.broadcast %mul3A_22 : i32 to vector<16xi32>
    %add3A_137 = arith.addi %get3A_135, %broadcast_in_dim3A_136 : vector<16xi32>
    %swap3A_138 = arith.constant 304 : index
    %swap3A_139 = tpu.vector_load %arg7[%swap3A_138] {strides = array<i32>} : memref<1024xi32, #tpu.memory_space<vmem>>, vector<16xi32>,
    tpu.vector_store %arg7[%swap3A_138], %add3A_137 {strides = array<i32>} : memref<1024xi32, #tpu.memory_space<vmem>>, vector<16xi32>,
    %get3A_140 = arith.constant 320 : index
    %get3A_141 = tpu.vector_load %arg7[%get3A_140] {strides = array<i32>} : memref<1024xi32, #tpu.memory_space<vmem>>, vector<16xi32>,
    %broadcast_in_dim3A_142 = vector.broadcast %mul3A_22 : i32 to vector<16xi32>
    %add3A_143 = arith.addi %get3A_141, %broadcast_in_dim3A_142 : vector<16xi32>
    %swap3A_144 = arith.constant 320 : index
    %swap3A_145 = tpu.vector_load %arg7[%swap3A_144] {strides = array<i32>} : memref<1024xi32, #tpu.memory_space<vmem>>, vector<16xi32>,
    tpu.vector_store %arg7[%swap3A_144], %add3A_143 {strides = array<i32>} : memref<1024xi32, #tpu.memory_space<vmem>>, vector<16xi32>,
    %get3A_146 = arith.constant 336 : index
    %get3A_147 = tpu.vector_load %arg7[%get3A_146] {strides = array<i32>} : memref<1024xi32, #tpu.memory_space<vmem>>, vector<16xi32>,
    %broadcast_in_dim3A_148 = vector.broadcast %mul3A_22 : i32 to vector<16xi32>
    %add3A_149 = arith.addi %get3A_147, %broadcast_in_dim3A_148 : vector<16xi32>
    %swap3A_150 = arith.constant 336 : index
    %swap3A_151 = tpu.vector_load %arg7[%swap3A_150] {strides = array<i32>} : memref<1024xi32, #tpu.memory_space<vmem>>, vector<16xi32>,
    tpu.vector_store %arg7[%swap3A_150], %add3A_149 {strides = array<i32>} : memref<1024xi32, #tpu.memory_space<vmem>>, vector<16xi32>,
    %get3A_152 = arith.constant 352 : index
    %get3A_153 = tpu.vector_load %arg7[%get3A_152] {strides = array<i32>} : memref<1024xi32, #tpu.memory_space<vmem>>, vector<16xi32>,
    %broadcast_in_dim3A_154 = vector.broadcast %mul3A_22 : i32 to vector<16xi32>
    %add3A_155 = arith.addi %get3A_153, %broadcast_in_dim3A_154 : vector<16xi32>
    %swap3A_156 = arith.constant 352 : index
    %swap3A_157 = tpu.vector_load %arg7[%swap3A_156] {strides = array<i32>} : memref<1024xi32, #tpu.memory_space<vmem>>, vector<16xi32>,
    tpu.vector_store %arg7[%swap3A_156], %add3A_155 {strides = array<i32>} : memref<1024xi32, #tpu.memory_space<vmem>>, vector<16xi32>,
    %get3A_158 = arith.constant 368 : index
    %get3A_159 = tpu.vector_load %arg7[%get3A_158] {strides = array<i32>} : memref<1024xi32, #tpu.memory_space<vmem>>, vector<16xi32>,
    %broadcast_in_dim3A_160 = vector.broadcast %mul3A_22 : i32 to vector<16xi32>
    %add3A_161 = arith.addi %get3A_159, %broadcast_in_dim3A_160 : vector<16xi32>
    %swap3A_162 = arith.constant 368 : index
    %swap3A_163 = tpu.vector_load %arg7[%swap3A_162] {strides = array<i32>} : memref<1024xi32, #tpu.memory_space<vmem>>, vector<16xi32>,
    tpu.vector_store %arg7[%swap3A_162], %add3A_161 {strides = array<i32>} : memref<1024xi32, #tpu.memory_space<vmem>>, vector<16xi32>,
    %get3A_164 = arith.constant 384 : index
    %get3A_165 = tpu.vector_load %arg7[%get3A_164] {strides = array<i32>} : memref<1024xi32, #tpu.memory_space<vmem>>, vector<16xi32>,
    %broadcast_in_dim3A_166 = vector.broadcast %mul3A_22 : i32 to vector<16xi32>
    %add3A_167 = arith.addi %get3A_165, %broadcast_in_dim3A_166 : vector<16xi32>
    %swap3A_168 = arith.constant 384 : index
    %swap3A_169 = tpu.vector_load %arg7[%swap3A_168] {strides = array<i32>} : memref<1024xi32, #tpu.memory_space<vmem>>, vector<16xi32>,
    tpu.vector_store %arg7[%swap3A_168], %add3A_167 {strides = array<i32>} : memref<1024xi32, #tpu.memory_space<vmem>>, vector<16xi32>,
    %get3A_170 = arith.constant 400 : index
    %get3A_171 = tpu.vector_load %arg7[%get3A_170] {strides = array<i32>} : memref<1024xi32, #tpu.memory_space<vmem>>, vector<16xi32>,
    %broadcast_in_dim3A_172 = vector.broadcast %mul3A_22 : i32 to vector<16xi32>
    %add3A_173 = arith.addi %get3A_171, %broadcast_in_dim3A_172 : vector<16xi32>
    %swap3A_174 = arith.constant 400 : index
    %swap3A_175 = tpu.vector_load %arg7[%swap3A_174] {strides = array<i32>} : memref<1024xi32, #tpu.memory_space<vmem>>, vector<16xi32>,
    tpu.vector_store %arg7[%swap3A_174], %add3A_173 {strides = array<i32>} : memref<1024xi32, #tpu.memory_space<vmem>>, vector<16xi32>,
    %get3A_176 = arith.constant 416 : index
    %get3A_177 = tpu.vector_load %arg7[%get3A_176] {strides = array<i32>} : memref<1024xi32, #tpu.memory_space<vmem>>, vector<16xi32>,
    %broadcast_in_dim3A_178 = vector.broadcast %mul3A_22 : i32 to vector<16xi32>
    %add3A_179 = arith.addi %get3A_177, %broadcast_in_dim3A_178 : vector<16xi32>
    %swap3A_180 = arith.constant 416 : index
    %swap3A_181 = tpu.vector_load %arg7[%swap3A_180] {strides = array<i32>} : memref<1024xi32, #tpu.memory_space<vmem>>, vector<16xi32>,
    tpu.vector_store %arg7[%swap3A_180], %add3A_179 {strides = array<i32>} : memref<1024xi32, #tpu.memory_space<vmem>>, vector<16xi32>,
    %get3A_182 = arith.constant 432 : index
    %get3A_183 = tpu.vector_load %arg7[%get3A_182] {strides = array<i32>} : memref<1024xi32, #tpu.memory_space<vmem>>, vector<16xi32>,
    %broadcast_in_dim3A_184 = vector.broadcast %mul3A_22 : i32 to vector<16xi32>
    %add3A_185 = arith.addi %get3A_183, %broadcast_in_dim3A_184 : vector<16xi32>
    %swap3A_186 = arith.constant 432 : index
    %swap3A_187 = tpu.vector_load %arg7[%swap3A_186] {strides = array<i32>} : memref<1024xi32, #tpu.memory_space<vmem>>, vector<16xi32>,
    tpu.vector_store %arg7[%swap3A_186], %add3A_185 {strides = array<i32>} : memref<1024xi32, #tpu.memory_space<vmem>>, vector<16xi32>,
    %get3A_188 = arith.constant 448 : index
    %get3A_189 = tpu.vector_load %arg7[%get3A_188] {strides = array<i32>} : memref<1024xi32, #tpu.memory_space<vmem>>, vector<16xi32>,
    %broadcast_in_dim3A_190 = vector.broadcast %mul3A_22 : i32 to vector<16xi32>
    %add3A_191 = arith.addi %get3A_189, %broadcast_in_dim3A_190 : vector<16xi32>
    %swap3A_192 = arith.constant 448 : index
    %swap3A_193 = tpu.vector_load %arg7[%swap3A_192] {strides = array<i32>} : memref<1024xi32, #tpu.memory_space<vmem>>, vector<16xi32>,
    tpu.vector_store %arg7[%swap3A_192], %add3A_191 {strides = array<i32>} : memref<1024xi32, #tpu.memory_space<vmem>>, vector<16xi32>,
    %get3A_194 = arith.constant 464 : index
    %get3A_195 = tpu.vector_load %arg7[%get3A_194] {strides = array<i32>} : memref<1024xi32, #tpu.memory_space<vmem>>, vector<16xi32>,
    %broadcast_in_dim3A_196 = vector.broadcast %mul3A_22 : i32 to vector<16xi32>
    %add3A_197 = arith.addi %get3A_195, %broadcast_in_dim3A_196 : vector<16xi32>
    %swap3A_198 = arith.constant 464 : index
    %swap3A_199 = tpu.vector_load %arg7[%swap3A_198] {strides = array<i32>} : memref<1024xi32, #tpu.memory_space<vmem>>, vector<16xi32>,
    tpu.vector_store %arg7[%swap3A_198], %add3A_197 {strides = array<i32>} : memref<1024xi32, #tpu.memory_space<vmem>>, vector<16xi32>,
    %get3A_200 = arith.constant 480 : index
    %get3A_201 = tpu.vector_load %arg7[%get3A_200] {strides = array<i32>} : memref<1024xi32, #tpu.memory_space<vmem>>, vector<16xi32>,
    %broadcast_in_dim3A_202 = vector.broadcast %mul3A_22 : i32 to vector<16xi32>
    %add3A_203 = arith.addi %get3A_201, %broadcast_in_dim3A_202 : vector<16xi32>
    %swap3A_204 = arith.constant 480 : index
    %swap3A_205 = tpu.vector_load %arg7[%swap3A_204] {strides = array<i32>} : memref<1024xi32, #tpu.memory_space<vmem>>, vector<16xi32>,
    tpu.vector_store %arg7[%swap3A_204], %add3A_203 {strides = array<i32>} : memref<1024xi32, #tpu.memory_space<vmem>>, vector<16xi32>,
    %get3A_206 = arith.constant 496 : index
    %get3A_207 = tpu.vector_load %arg7[%get3A_206] {strides = array<i32>} : memref<1024xi32, #tpu.memory_space<vmem>>, vector<16xi32>,
    %broadcast_in_dim3A_208 = vector.broadcast %mul3A_22 : i32 to vector<16xi32>
    %add3A_209 = arith.addi %get3A_207, %broadcast_in_dim3A_208 : vector<16xi32>
    %swap3A_210 = arith.constant 496 : index
    %swap3A_211 = tpu.vector_load %arg7[%swap3A_210] {strides = array<i32>} : memref<1024xi32, #tpu.memory_space<vmem>>, vector<16xi32>,
    tpu.vector_store %arg7[%swap3A_210], %add3A_209 {strides = array<i32>} : memref<1024xi32, #tpu.memory_space<vmem>>, vector<16xi32>,
    %get3A_212 = arith.constant 512 : index
    %get3A_213 = tpu.vector_load %arg7[%get3A_212] {strides = array<i32>} : memref<1024xi32, #tpu.memory_space<vmem>>, vector<16xi32>,
    %broadcast_in_dim3A_214 = vector.broadcast %mul3A_22 : i32 to vector<16xi32>
    %add3A_215 = arith.addi %get3A_213, %broadcast_in_dim3A_214 : vector<16xi32>
    %swap3A_216 = arith.constant 512 : index
    %swap3A_217 = tpu.vector_load %arg7[%swap3A_216] {strides = array<i32>} : memref<1024xi32, #tpu.memory_space<vmem>>, vector<16xi32>,
    tpu.vector_store %arg7[%swap3A_216], %add3A_215 {strides = array<i32>} : memref<1024xi32, #tpu.memory_space<vmem>>, vector<16xi32>,
    %get3A_218 = arith.constant 528 : index
    %get3A_219 = tpu.vector_load %arg7[%get3A_218] {strides = array<i32>} : memref<1024xi32, #tpu.memory_space<vmem>>, vector<16xi32>,
    %broadcast_in_dim3A_220 = vector.broadcast %mul3A_22 : i32 to vector<16xi32>
    %add3A_221 = arith.addi %get3A_219, %broadcast_in_dim3A_220 : vector<16xi32>
    %swap3A_222 = arith.constant 528 : index
    %swap3A_223 = tpu.vector_load %arg7[%swap3A_222] {strides = array<i32>} : memref<1024xi32, #tpu.memory_space<vmem>>, vector<16xi32>,
    tpu.vector_store %arg7[%swap3A_222], %add3A_221 {strides = array<i32>} : memref<1024xi32, #tpu.memory_space<vmem>>, vector<16xi32>,
    %get3A_224 = arith.constant 544 : index
    %get3A_225 = tpu.vector_load %arg7[%get3A_224] {strides = array<i32>} : memref<1024xi32, #tpu.memory_space<vmem>>, vector<16xi32>,
    %broadcast_in_dim3A_226 = vector.broadcast %mul3A_22 : i32 to vector<16xi32>
    %add3A_227 = arith.addi %get3A_225, %broadcast_in_dim3A_226 : vector<16xi32>
    %swap3A_228 = arith.constant 544 : index
    %swap3A_229 = tpu.vector_load %arg7[%swap3A_228] {strides = array<i32>} : memref<1024xi32, #tpu.memory_space<vmem>>, vector<16xi32>,
    tpu.vector_store %arg7[%swap3A_228], %add3A_227 {strides = array<i32>} : memref<1024xi32, #tpu.memory_space<vmem>>, vector<16xi32>,
    %get3A_230 = arith.constant 560 : index
    %get3A_231 = tpu.vector_load %arg7[%get3A_230] {strides = array<i32>} : memref<1024xi32, #tpu.memory_space<vmem>>, vector<16xi32>,
    %broadcast_in_dim3A_232 = vector.broadcast %mul3A_22 : i32 to vector<16xi32>
    %add3A_233 = arith.addi %get3A_231, %broadcast_in_dim3A_232 : vector<16xi32>
    %swap3A_234 = arith.constant 560 : index
    %swap3A_235 = tpu.vector_load %arg7[%swap3A_234] {strides = array<i32>} : memref<1024xi32, #tpu.memory_space<vmem>>, vector<16xi32>,
    tpu.vector_store %arg7[%swap3A_234], %add3A_233 {strides = array<i32>} : memref<1024xi32, #tpu.memory_space<vmem>>, vector<16xi32>,
    %get3A_236 = arith.constant 576 : index
    %get3A_237 = tpu.vector_load %arg7[%get3A_236] {strides = array<i32>} : memref<1024xi32, #tpu.memory_space<vmem>>, vector<16xi32>,
    %broadcast_in_dim3A_238 = vector.broadcast %mul3A_22 : i32 to vector<16xi32>
    %add3A_239 = arith.addi %get3A_237, %broadcast_in_dim3A_238 : vector<16xi32>
    %swap3A_240 = arith.constant 576 : index
    %swap3A_241 = tpu.vector_load %arg7[%swap3A_240] {strides = array<i32>} : memref<1024xi32, #tpu.memory_space<vmem>>, vector<16xi32>,
    tpu.vector_store %arg7[%swap3A_240], %add3A_239 {strides = array<i32>} : memref<1024xi32, #tpu.memory_space<vmem>>, vector<16xi32>,
    %get3A_242 = arith.constant 592 : index
    %get3A_243 = tpu.vector_load %arg7[%get3A_242] {strides = array<i32>} : memref<1024xi32, #tpu.memory_space<vmem>>, vector<16xi32>,
    %broadcast_in_dim3A_244 = vector.broadcast %mul3A_22 : i32 to vector<16xi32>
    %add3A_245 = arith.addi %get3A_243, %broadcast_in_dim3A_244 : vector<16xi32>
    %swap3A_246 = arith.constant 592 : index
    %swap3A_247 = tpu.vector_load %arg7[%swap3A_246] {strides = array<i32>} : memref<1024xi32, #tpu.memory_space<vmem>>, vector<16xi32>,
    tpu.vector_store %arg7[%swap3A_246], %add3A_245 {strides = array<i32>} : memref<1024xi32, #tpu.memory_space<vmem>>, vector<16xi32>,
    %get3A_248 = arith.constant 608 : index
    %get3A_249 = tpu.vector_load %arg7[%get3A_248] {strides = array<i32>} : memref<1024xi32, #tpu.memory_space<vmem>>, vector<16xi32>,
    %broadcast_in_dim3A_250 = vector.broadcast %mul3A_22 : i32 to vector<16xi32>
    %add3A_251 = arith.addi %get3A_249, %broadcast_in_dim3A_250 : vector<16xi32>
    %swap3A_252 = arith.constant 608 : index
    %swap3A_253 = tpu.vector_load %arg7[%swap3A_252] {strides = array<i32>} : memref<1024xi32, #tpu.memory_space<vmem>>, vector<16xi32>,
    tpu.vector_store %arg7[%swap3A_252], %add3A_251 {strides = array<i32>} : memref<1024xi32, #tpu.memory_space<vmem>>, vector<16xi32>,
    %get3A_254 = arith.constant 624 : index
    %get3A_255 = tpu.vector_load %arg7[%get3A_254] {strides = array<i32>} : memref<1024xi32, #tpu.memory_space<vmem>>, vector<16xi32>,
    %broadcast_in_dim3A_256 = vector.broadcast %mul3A_22 : i32 to vector<16xi32>
    %add3A_257 = arith.addi %get3A_255, %broadcast_in_dim3A_256 : vector<16xi32>
    %swap3A_258 = arith.constant 624 : index
    %swap3A_259 = tpu.vector_load %arg7[%swap3A_258] {strides = array<i32>} : memref<1024xi32, #tpu.memory_space<vmem>>, vector<16xi32>,
    tpu.vector_store %arg7[%swap3A_258], %add3A_257 {strides = array<i32>} : memref<1024xi32, #tpu.memory_space<vmem>>, vector<16xi32>,
    %get3A_260 = arith.constant 640 : index
    %get3A_261 = tpu.vector_load %arg7[%get3A_260] {strides = array<i32>} : memref<1024xi32, #tpu.memory_space<vmem>>, vector<16xi32>,
    %broadcast_in_dim3A_262 = vector.broadcast %mul3A_22 : i32 to vector<16xi32>
    %add3A_263 = arith.addi %get3A_261, %broadcast_in_dim3A_262 : vector<16xi32>
    %swap3A_264 = arith.constant 640 : index
    %swap3A_265 = tpu.vector_load %arg7[%swap3A_264] {strides = array<i32>} : memref<1024xi32, #tpu.memory_space<vmem>>, vector<16xi32>,
    tpu.vector_store %arg7[%swap3A_264], %add3A_263 {strides = array<i32>} : memref<1024xi32, #tpu.memory_space<vmem>>, vector<16xi32>,
    %get3A_266 = arith.constant 656 : index
    %get3A_267 = tpu.vector_load %arg7[%get3A_266] {strides = array<i32>} : memref<1024xi32, #tpu.memory_space<vmem>>, vector<16xi32>,
    %broadcast_in_dim3A_268 = vector.broadcast %mul3A_22 : i32 to vector<16xi32>
    %add3A_269 = arith.addi %get3A_267, %broadcast_in_dim3A_268 : vector<16xi32>
    %swap3A_270 = arith.constant 656 : index
    %swap3A_271 = tpu.vector_load %arg7[%swap3A_270] {strides = array<i32>} : memref<1024xi32, #tpu.memory_space<vmem>>, vector<16xi32>,
    tpu.vector_store %arg7[%swap3A_270], %add3A_269 {strides = array<i32>} : memref<1024xi32, #tpu.memory_space<vmem>>, vector<16xi32>,
    %get3A_272 = arith.constant 672 : index
    %get3A_273 = tpu.vector_load %arg7[%get3A_272] {strides = array<i32>} : memref<1024xi32, #tpu.memory_space<vmem>>, vector<16xi32>,
    %broadcast_in_dim3A_274 = vector.broadcast %mul3A_22 : i32 to vector<16xi32>
    %add3A_275 = arith.addi %get3A_273, %broadcast_in_dim3A_274 : vector<16xi32>
    %swap3A_276 = arith.constant 672 : index
    %swap3A_277 = tpu.vector_load %arg7[%swap3A_276] {strides = array<i32>} : memref<1024xi32, #tpu.memory_space<vmem>>, vector<16xi32>,
    tpu.vector_store %arg7[%swap3A_276], %add3A_275 {strides = array<i32>} : memref<1024xi32, #tpu.memory_space<vmem>>, vector<16xi32>,
    %get3A_278 = arith.constant 688 : index
    %get3A_279 = tpu.vector_load %arg7[%get3A_278] {strides = array<i32>} : memref<1024xi32, #tpu.memory_space<vmem>>, vector<16xi32>,
    %broadcast_in_dim3A_280 = vector.broadcast %mul3A_22 : i32 to vector<16xi32>
    %add3A_281 = arith.addi %get3A_279, %broadcast_in_dim3A_280 : vector<16xi32>
    %swap3A_282 = arith.constant 688 : index
    %swap3A_283 = tpu.vector_load %arg7[%swap3A_282] {strides = array<i32>} : memref<1024xi32, #tpu.memory_space<vmem>>, vector<16xi32>,
    tpu.vector_store %arg7[%swap3A_282], %add3A_281 {strides = array<i32>} : memref<1024xi32, #tpu.memory_space<vmem>>, vector<16xi32>,
    %get3A_284 = arith.constant 704 : index
    %get3A_285 = tpu.vector_load %arg7[%get3A_284] {strides = array<i32>} : memref<1024xi32, #tpu.memory_space<vmem>>, vector<16xi32>,
    %broadcast_in_dim3A_286 = vector.broadcast %mul3A_22 : i32 to vector<16xi32>
    %add3A_287 = arith.addi %get3A_285, %broadcast_in_dim3A_286 : vector<16xi32>
    %swap3A_288 = arith.constant 704 : index
    %swap3A_289 = tpu.vector_load %arg7[%swap3A_288] {strides = array<i32>} : memref<1024xi32, #tpu.memory_space<vmem>>, vector<16xi32>,
    tpu.vector_store %arg7[%swap3A_288], %add3A_287 {strides = array<i32>} : memref<1024xi32, #tpu.memory_space<vmem>>, vector<16xi32>,
    %get3A_290 = arith.constant 720 : index
    %get3A_291 = tpu.vector_load %arg7[%get3A_290] {strides = array<i32>} : memref<1024xi32, #tpu.memory_space<vmem>>, vector<16xi32>,
    %broadcast_in_dim3A_292 = vector.broadcast %mul3A_22 : i32 to vector<16xi32>
    %add3A_293 = arith.addi %get3A_291, %broadcast_in_dim3A_292 : vector<16xi32>
    %swap3A_294 = arith.constant 720 : index
    %swap3A_295 = tpu.vector_load %arg7[%swap3A_294] {strides = array<i32>} : memref<1024xi32, #tpu.memory_space<vmem>>, vector<16xi32>,
    tpu.vector_store %arg7[%swap3A_294], %add3A_293 {strides = array<i32>} : memref<1024xi32, #tpu.memory_space<vmem>>, vector<16xi32>,
    %get3A_296 = arith.constant 736 : index
    %get3A_297 = tpu.vector_load %arg7[%get3A_296] {strides = array<i32>} : memref<1024xi32, #tpu.memory_space<vmem>>, vector<16xi32>,
    %broadcast_in_dim3A_298 = vector.broadcast %mul3A_22 : i32 to vector<16xi32>
    %add3A_299 = arith.addi %get3A_297, %broadcast_in_dim3A_298 : vector<16xi32>
    %swap3A_300 = arith.constant 736 : index
    %swap3A_301 = tpu.vector_load %arg7[%swap3A_300] {strides = array<i32>} : memref<1024xi32, #tpu.memory_space<vmem>>, vector<16xi32>,
    tpu.vector_store %arg7[%swap3A_300], %add3A_299 {strides = array<i32>} : memref<1024xi32, #tpu.memory_space<vmem>>, vector<16xi32>,
    %get3A_302 = arith.constant 752 : index
    %get3A_303 = tpu.vector_load %arg7[%get3A_302] {strides = array<i32>} : memref<1024xi32, #tpu.memory_space<vmem>>, vector<16xi32>,
    %broadcast_in_dim3A_304 = vector.broadcast %mul3A_22 : i32 to vector<16xi32>
    %add3A_305 = arith.addi %get3A_303, %broadcast_in_dim3A_304 : vector<16xi32>
    %swap3A_306 = arith.constant 752 : index
    %swap3A_307 = tpu.vector_load %arg7[%swap3A_306] {strides = array<i32>} : memref<1024xi32, #tpu.memory_space<vmem>>, vector<16xi32>,
    tpu.vector_store %arg7[%swap3A_306], %add3A_305 {strides = array<i32>} : memref<1024xi32, #tpu.memory_space<vmem>>, vector<16xi32>,
    %get3A_308 = arith.constant 768 : index
    %get3A_309 = tpu.vector_load %arg7[%get3A_308] {strides = array<i32>} : memref<1024xi32, #tpu.memory_space<vmem>>, vector<16xi32>,
    %broadcast_in_dim3A_310 = vector.broadcast %mul3A_22 : i32 to vector<16xi32>
    %add3A_311 = arith.addi %get3A_309, %broadcast_in_dim3A_310 : vector<16xi32>
    %swap3A_312 = arith.constant 768 : index
    %swap3A_313 = tpu.vector_load %arg7[%swap3A_312] {strides = array<i32>} : memref<1024xi32, #tpu.memory_space<vmem>>, vector<16xi32>,
    tpu.vector_store %arg7[%swap3A_312], %add3A_311 {strides = array<i32>} : memref<1024xi32, #tpu.memory_space<vmem>>, vector<16xi32>,
    %get3A_314 = arith.constant 784 : index
    %get3A_315 = tpu.vector_load %arg7[%get3A_314] {strides = array<i32>} : memref<1024xi32, #tpu.memory_space<vmem>>, vector<16xi32>,
    %broadcast_in_dim3A_316 = vector.broadcast %mul3A_22 : i32 to vector<16xi32>
    %add3A_317 = arith.addi %get3A_315, %broadcast_in_dim3A_316 : vector<16xi32>
    %swap3A_318 = arith.constant 784 : index
    %swap3A_319 = tpu.vector_load %arg7[%swap3A_318] {strides = array<i32>} : memref<1024xi32, #tpu.memory_space<vmem>>, vector<16xi32>,
    tpu.vector_store %arg7[%swap3A_318], %add3A_317 {strides = array<i32>} : memref<1024xi32, #tpu.memory_space<vmem>>, vector<16xi32>,
    %get3A_320 = arith.constant 800 : index
    %get3A_321 = tpu.vector_load %arg7[%get3A_320] {strides = array<i32>} : memref<1024xi32, #tpu.memory_space<vmem>>, vector<16xi32>,
    %broadcast_in_dim3A_322 = vector.broadcast %mul3A_22 : i32 to vector<16xi32>
    %add3A_323 = arith.addi %get3A_321, %broadcast_in_dim3A_322 : vector<16xi32>
    %swap3A_324 = arith.constant 800 : index
    %swap3A_325 = tpu.vector_load %arg7[%swap3A_324] {strides = array<i32>} : memref<1024xi32, #tpu.memory_space<vmem>>, vector<16xi32>,
    tpu.vector_store %arg7[%swap3A_324], %add3A_323 {strides = array<i32>} : memref<1024xi32, #tpu.memory_space<vmem>>, vector<16xi32>,
    %get3A_326 = arith.constant 816 : index
    %get3A_327 = tpu.vector_load %arg7[%get3A_326] {strides = array<i32>} : memref<1024xi32, #tpu.memory_space<vmem>>, vector<16xi32>,
    %broadcast_in_dim3A_328 = vector.broadcast %mul3A_22 : i32 to vector<16xi32>
    %add3A_329 = arith.addi %get3A_327, %broadcast_in_dim3A_328 : vector<16xi32>
    %swap3A_330 = arith.constant 816 : index
    %swap3A_331 = tpu.vector_load %arg7[%swap3A_330] {strides = array<i32>} : memref<1024xi32, #tpu.memory_space<vmem>>, vector<16xi32>,
    tpu.vector_store %arg7[%swap3A_330], %add3A_329 {strides = array<i32>} : memref<1024xi32, #tpu.memory_space<vmem>>, vector<16xi32>,
    %get3A_332 = arith.constant 832 : index
    %get3A_333 = tpu.vector_load %arg7[%get3A_332] {strides = array<i32>} : memref<1024xi32, #tpu.memory_space<vmem>>, vector<16xi32>,
    %broadcast_in_dim3A_334 = vector.broadcast %mul3A_22 : i32 to vector<16xi32>
    %add3A_335 = arith.addi %get3A_333, %broadcast_in_dim3A_334 : vector<16xi32>
    %swap3A_336 = arith.constant 832 : index
    %swap3A_337 = tpu.vector_load %arg7[%swap3A_336] {strides = array<i32>} : memref<1024xi32, #tpu.memory_space<vmem>>, vector<16xi32>,
    tpu.vector_store %arg7[%swap3A_336], %add3A_335 {strides = array<i32>} : memref<1024xi32, #tpu.memory_space<vmem>>, vector<16xi32>,
    %get3A_338 = arith.constant 848 : index
    %get3A_339 = tpu.vector_load %arg7[%get3A_338] {strides = array<i32>} : memref<1024xi32, #tpu.memory_space<vmem>>, vector<16xi32>,
    %broadcast_in_dim3A_340 = vector.broadcast %mul3A_22 : i32 to vector<16xi32>
    %add3A_341 = arith.addi %get3A_339, %broadcast_in_dim3A_340 : vector<16xi32>
    %swap3A_342 = arith.constant 848 : index
    %swap3A_343 = tpu.vector_load %arg7[%swap3A_342] {strides = array<i32>} : memref<1024xi32, #tpu.memory_space<vmem>>, vector<16xi32>,
    tpu.vector_store %arg7[%swap3A_342], %add3A_341 {strides = array<i32>} : memref<1024xi32, #tpu.memory_space<vmem>>, vector<16xi32>,
    %get3A_344 = arith.constant 864 : index
    %get3A_345 = tpu.vector_load %arg7[%get3A_344] {strides = array<i32>} : memref<1024xi32, #tpu.memory_space<vmem>>, vector<16xi32>,
    %broadcast_in_dim3A_346 = vector.broadcast %mul3A_22 : i32 to vector<16xi32>
    %add3A_347 = arith.addi %get3A_345, %broadcast_in_dim3A_346 : vector<16xi32>
    %swap3A_348 = arith.constant 864 : index
    %swap3A_349 = tpu.vector_load %arg7[%swap3A_348] {strides = array<i32>} : memref<1024xi32, #tpu.memory_space<vmem>>, vector<16xi32>,
    tpu.vector_store %arg7[%swap3A_348], %add3A_347 {strides = array<i32>} : memref<1024xi32, #tpu.memory_space<vmem>>, vector<16xi32>,
    %get3A_350 = arith.constant 880 : index
    %get3A_351 = tpu.vector_load %arg7[%get3A_350] {strides = array<i32>} : memref<1024xi32, #tpu.memory_space<vmem>>, vector<16xi32>,
    %broadcast_in_dim3A_352 = vector.broadcast %mul3A_22 : i32 to vector<16xi32>
    %add3A_353 = arith.addi %get3A_351, %broadcast_in_dim3A_352 : vector<16xi32>
    %swap3A_354 = arith.constant 880 : index
    %swap3A_355 = tpu.vector_load %arg7[%swap3A_354] {strides = array<i32>} : memref<1024xi32, #tpu.memory_space<vmem>>, vector<16xi32>,
    tpu.vector_store %arg7[%swap3A_354], %add3A_353 {strides = array<i32>} : memref<1024xi32, #tpu.memory_space<vmem>>, vector<16xi32>,
    %get3A_356 = arith.constant 896 : index
    %get3A_357 = tpu.vector_load %arg7[%get3A_356] {strides = array<i32>} : memref<1024xi32, #tpu.memory_space<vmem>>, vector<16xi32>,
    %broadcast_in_dim3A_358 = vector.broadcast %mul3A_22 : i32 to vector<16xi32>
    %add3A_359 = arith.addi %get3A_357, %broadcast_in_dim3A_358 : vector<16xi32>
    %swap3A_360 = arith.constant 896 : index
    %swap3A_361 = tpu.vector_load %arg7[%swap3A_360] {strides = array<i32>} : memref<1024xi32, #tpu.memory_space<vmem>>, vector<16xi32>,
    tpu.vector_store %arg7[%swap3A_360], %add3A_359 {strides = array<i32>} : memref<1024xi32, #tpu.memory_space<vmem>>, vector<16xi32>,
    %get3A_362 = arith.constant 912 : index
    %get3A_363 = tpu.vector_load %arg7[%get3A_362] {strides = array<i32>} : memref<1024xi32, #tpu.memory_space<vmem>>, vector<16xi32>,
    %broadcast_in_dim3A_364 = vector.broadcast %mul3A_22 : i32 to vector<16xi32>
    %add3A_365 = arith.addi %get3A_363, %broadcast_in_dim3A_364 : vector<16xi32>
    %swap3A_366 = arith.constant 912 : index
    %swap3A_367 = tpu.vector_load %arg7[%swap3A_366] {strides = array<i32>} : memref<1024xi32, #tpu.memory_space<vmem>>, vector<16xi32>,
    tpu.vector_store %arg7[%swap3A_366], %add3A_365 {strides = array<i32>} : memref<1024xi32, #tpu.memory_space<vmem>>, vector<16xi32>,
    %get3A_368 = arith.constant 928 : index
    %get3A_369 = tpu.vector_load %arg7[%get3A_368] {strides = array<i32>} : memref<1024xi32, #tpu.memory_space<vmem>>, vector<16xi32>,
    %broadcast_in_dim3A_370 = vector.broadcast %mul3A_22 : i32 to vector<16xi32>
    %add3A_371 = arith.addi %get3A_369, %broadcast_in_dim3A_370 : vector<16xi32>
    %swap3A_372 = arith.constant 928 : index
    %swap3A_373 = tpu.vector_load %arg7[%swap3A_372] {strides = array<i32>} : memref<1024xi32, #tpu.memory_space<vmem>>, vector<16xi32>,
    tpu.vector_store %arg7[%swap3A_372], %add3A_371 {strides = array<i32>} : memref<1024xi32, #tpu.memory_space<vmem>>, vector<16xi32>,
    %get3A_374 = arith.constant 944 : index
    %get3A_375 = tpu.vector_load %arg7[%get3A_374] {strides = array<i32>} : memref<1024xi32, #tpu.memory_space<vmem>>, vector<16xi32>,
    %broadcast_in_dim3A_376 = vector.broadcast %mul3A_22 : i32 to vector<16xi32>
    %add3A_377 = arith.addi %get3A_375, %broadcast_in_dim3A_376 : vector<16xi32>
    %swap3A_378 = arith.constant 944 : index
    %swap3A_379 = tpu.vector_load %arg7[%swap3A_378] {strides = array<i32>} : memref<1024xi32, #tpu.memory_space<vmem>>, vector<16xi32>,
    tpu.vector_store %arg7[%swap3A_378], %add3A_377 {strides = array<i32>} : memref<1024xi32, #tpu.memory_space<vmem>>, vector<16xi32>,
    %get3A_380 = arith.constant 960 : index
    %get3A_381 = tpu.vector_load %arg7[%get3A_380] {strides = array<i32>} : memref<1024xi32, #tpu.memory_space<vmem>>, vector<16xi32>,
    %broadcast_in_dim3A_382 = vector.broadcast %mul3A_22 : i32 to vector<16xi32>
    %add3A_383 = arith.addi %get3A_381, %broadcast_in_dim3A_382 : vector<16xi32>
    %swap3A_384 = arith.constant 960 : index
    %swap3A_385 = tpu.vector_load %arg7[%swap3A_384] {strides = array<i32>} : memref<1024xi32, #tpu.memory_space<vmem>>, vector<16xi32>,
    tpu.vector_store %arg7[%swap3A_384], %add3A_383 {strides = array<i32>} : memref<1024xi32, #tpu.memory_space<vmem>>, vector<16xi32>,
    %get3A_386 = arith.constant 976 : index
    %get3A_387 = tpu.vector_load %arg7[%get3A_386] {strides = array<i32>} : memref<1024xi32, #tpu.memory_space<vmem>>, vector<16xi32>,
    %broadcast_in_dim3A_388 = vector.broadcast %mul3A_22 : i32 to vector<16xi32>
    %add3A_389 = arith.addi %get3A_387, %broadcast_in_dim3A_388 : vector<16xi32>
    %swap3A_390 = arith.constant 976 : index
    %swap3A_391 = tpu.vector_load %arg7[%swap3A_390] {strides = array<i32>} : memref<1024xi32, #tpu.memory_space<vmem>>, vector<16xi32>,
    tpu.vector_store %arg7[%swap3A_390], %add3A_389 {strides = array<i32>} : memref<1024xi32, #tpu.memory_space<vmem>>, vector<16xi32>,
    %get3A_392 = arith.constant 992 : index
    %get3A_393 = tpu.vector_load %arg7[%get3A_392] {strides = array<i32>} : memref<1024xi32, #tpu.memory_space<vmem>>, vector<16xi32>,
    %broadcast_in_dim3A_394 = vector.broadcast %mul3A_22 : i32 to vector<16xi32>
    %add3A_395 = arith.addi %get3A_393, %broadcast_in_dim3A_394 : vector<16xi32>
    %swap3A_396 = arith.constant 992 : index
    %swap3A_397 = tpu.vector_load %arg7[%swap3A_396] {strides = array<i32>} : memref<1024xi32, #tpu.memory_space<vmem>>, vector<16xi32>,
    tpu.vector_store %arg7[%swap3A_396], %add3A_395 {strides = array<i32>} : memref<1024xi32, #tpu.memory_space<vmem>>, vector<16xi32>,
    %get3A_398 = arith.constant 1008 : index
    %get3A_399 = tpu.vector_load %arg7[%get3A_398] {strides = array<i32>} : memref<1024xi32, #tpu.memory_space<vmem>>, vector<16xi32>,
    %broadcast_in_dim3A_400 = vector.broadcast %mul3A_22 : i32 to vector<16xi32>
    %add3A_401 = arith.addi %get3A_399, %broadcast_in_dim3A_400 : vector<16xi32>
    %swap3A_402 = arith.constant 1008 : index
    %swap3A_403 = tpu.vector_load %arg7[%swap3A_402] {strides = array<i32>} : memref<1024xi32, #tpu.memory_space<vmem>>, vector<16xi32>,
    tpu.vector_store %arg7[%swap3A_402], %add3A_401 {strides = array<i32>} : memref<1024xi32, #tpu.memory_space<vmem>>, vector<16xi32>,
    %iota3A = tpu.iota {dimensions = array<i32: 0>} : vector<16xi32>
    %broadcast_in_dim3A_404 = arith.constant 0 : i32
    %broadcast_in_dim3A_405 = vector.broadcast %broadcast_in_dim3A_404 : i32 to vector<16xi32>
    %mul3A_406 = arith.constant 4 : i32
    %mul3A_407 = vector.broadcast %mul3A_406 : i32 to vector<16xi32>
    %mul3A_408 = arith.muli %iota3A, %mul3A_407 : vector<16xi32>
    %add3A_409 = arith.addi %broadcast_in_dim3A_405, %mul3A_408 : vector<16xi32>
    %gather3A = tpu.vector_load_idx %arg7[%add3A_409] : memref<1024xi32, #tpu.memory_space<vmem>>[vector<16xi32>], vector<16xi32>,
    %swap3A_410 = arith.constant 0 : index
    %swap3A_411 = tpu.vector_load %arg8[%swap3A_410] {strides = array<i32>} : memref<1024xi32, #tpu.memory_space<vmem>>, vector<16xi32>,
    tpu.vector_store %arg8[%swap3A_410], %gather3A {strides = array<i32>} : memref<1024xi32, #tpu.memory_space<vmem>>, vector<16xi32>,
    %gather3A_412 = tpu.vector_load_idx %arg12[%gather3A] : memref<8192xf32, #tpu.memory_space<vmem>>[vector<16xi32>], vector<16xf32>,
    %swap3A_413 = arith.constant 0 : index
    %swap3A_414 = tpu.vector_load %arg9[%swap3A_413] {strides = array<i32>} : memref<1024xf32, #tpu.memory_space<vmem>>, vector<16xf32>,
    tpu.vector_store %arg9[%swap3A_413], %gather3A_412 {strides = array<i32>} : memref<1024xf32, #tpu.memory_space<vmem>>, vector<16xf32>,
    %broadcast_in_dim3A_415 = arith.constant 64 : i32
    %broadcast_in_dim3A_416 = vector.broadcast %broadcast_in_dim3A_415 : i32 to vector<16xi32>
    %mul3A_417 = arith.constant 4 : i32
    %mul3A_418 = vector.broadcast %mul3A_417 : i32 to vector<16xi32>
    %mul3A_419 = arith.muli %iota3A, %mul3A_418 : vector<16xi32>
    %add3A_420 = arith.addi %broadcast_in_dim3A_416, %mul3A_419 : vector<16xi32>
    %gather3A_421 = tpu.vector_load_idx %arg7[%add3A_420] : memref<1024xi32, #tpu.memory_space<vmem>>[vector<16xi32>], vector<16xi32>,
    %swap3A_422 = arith.constant 16 : index
    %swap3A_423 = tpu.vector_load %arg8[%swap3A_422] {strides = array<i32>} : memref<1024xi32, #tpu.memory_space<vmem>>, vector<16xi32>,
    tpu.vector_store %arg8[%swap3A_422], %gather3A_421 {strides = array<i32>} : memref<1024xi32, #tpu.memory_space<vmem>>, vector<16xi32>,
    %gather3A_424 = tpu.vector_load_idx %arg12[%gather3A_421] : memref<8192xf32, #tpu.memory_space<vmem>>[vector<16xi32>], vector<16xf32>,
    %swap3A_425 = arith.constant 16 : index
    %swap3A_426 = tpu.vector_load %arg9[%swap3A_425] {strides = array<i32>} : memref<1024xf32, #tpu.memory_space<vmem>>, vector<16xf32>,
    tpu.vector_store %arg9[%swap3A_425], %gather3A_424 {strides = array<i32>} : memref<1024xf32, #tpu.memory_space<vmem>>, vector<16xf32>,
    %broadcast_in_dim3A_427 = arith.constant 128 : i32
    %broadcast_in_dim3A_428 = vector.broadcast %broadcast_in_dim3A_427 : i32 to vector<16xi32>
    %mul3A_429 = arith.constant 4 : i32
    %mul3A_430 = vector.broadcast %mul3A_429 : i32 to vector<16xi32>
    %mul3A_431 = arith.muli %iota3A, %mul3A_430 : vector<16xi32>
    %add3A_432 = arith.addi %broadcast_in_dim3A_428, %mul3A_431 : vector<16xi32>
    %gather3A_433 = tpu.vector_load_idx %arg7[%add3A_432] : memref<1024xi32, #tpu.memory_space<vmem>>[vector<16xi32>], vector<16xi32>,
    %swap3A_434 = arith.constant 32 : index
    %swap3A_435 = tpu.vector_load %arg8[%swap3A_434] {strides = array<i32>} : memref<1024xi32, #tpu.memory_space<vmem>>, vector<16xi32>,
    tpu.vector_store %arg8[%swap3A_434], %gather3A_433 {strides = array<i32>} : memref<1024xi32, #tpu.memory_space<vmem>>, vector<16xi32>,
    %gather3A_436 = tpu.vector_load_idx %arg12[%gather3A_433] : memref<8192xf32, #tpu.memory_space<vmem>>[vector<16xi32>], vector<16xf32>,
    %swap3A_437 = arith.constant 32 : index
    %swap3A_438 = tpu.vector_load %arg9[%swap3A_437] {strides = array<i32>} : memref<1024xf32, #tpu.memory_space<vmem>>, vector<16xf32>,
    tpu.vector_store %arg9[%swap3A_437], %gather3A_436 {strides = array<i32>} : memref<1024xf32, #tpu.memory_space<vmem>>, vector<16xf32>,
    %broadcast_in_dim3A_439 = arith.constant 192 : i32
    %broadcast_in_dim3A_440 = vector.broadcast %broadcast_in_dim3A_439 : i32 to vector<16xi32>
    %mul3A_441 = arith.constant 4 : i32
    %mul3A_442 = vector.broadcast %mul3A_441 : i32 to vector<16xi32>
    %mul3A_443 = arith.muli %iota3A, %mul3A_442 : vector<16xi32>
    %add3A_444 = arith.addi %broadcast_in_dim3A_440, %mul3A_443 : vector<16xi32>
    %gather3A_445 = tpu.vector_load_idx %arg7[%add3A_444] : memref<1024xi32, #tpu.memory_space<vmem>>[vector<16xi32>], vector<16xi32>,
    %swap3A_446 = arith.constant 48 : index
    %swap3A_447 = tpu.vector_load %arg8[%swap3A_446] {strides = array<i32>} : memref<1024xi32, #tpu.memory_space<vmem>>, vector<16xi32>,
    tpu.vector_store %arg8[%swap3A_446], %gather3A_445 {strides = array<i32>} : memref<1024xi32, #tpu.memory_space<vmem>>, vector<16xi32>,
    %gather3A_448 = tpu.vector_load_idx %arg12[%gather3A_445] : memref<8192xf32, #tpu.memory_space<vmem>>[vector<16xi32>], vector<16xf32>,
    %swap3A_449 = arith.constant 48 : index
    %swap3A_450 = tpu.vector_load %arg9[%swap3A_449] {strides = array<i32>} : memref<1024xf32, #tpu.memory_space<vmem>>, vector<16xf32>,
    tpu.vector_store %arg9[%swap3A_449], %gather3A_448 {strides = array<i32>} : memref<1024xf32, #tpu.memory_space<vmem>>, vector<16xf32>,
    %broadcast_in_dim3A_451 = arith.constant 256 : i32
    %broadcast_in_dim3A_452 = vector.broadcast %broadcast_in_dim3A_451 : i32 to vector<16xi32>
    %mul3A_453 = arith.constant 4 : i32
    %mul3A_454 = vector.broadcast %mul3A_453 : i32 to vector<16xi32>
    %mul3A_455 = arith.muli %iota3A, %mul3A_454 : vector<16xi32>
    %add3A_456 = arith.addi %broadcast_in_dim3A_452, %mul3A_455 : vector<16xi32>
    %gather3A_457 = tpu.vector_load_idx %arg7[%add3A_456] : memref<1024xi32, #tpu.memory_space<vmem>>[vector<16xi32>], vector<16xi32>,
    %swap3A_458 = arith.constant 64 : index
    %swap3A_459 = tpu.vector_load %arg8[%swap3A_458] {strides = array<i32>} : memref<1024xi32, #tpu.memory_space<vmem>>, vector<16xi32>,
    tpu.vector_store %arg8[%swap3A_458], %gather3A_457 {strides = array<i32>} : memref<1024xi32, #tpu.memory_space<vmem>>, vector<16xi32>,
    %gather3A_460 = tpu.vector_load_idx %arg12[%gather3A_457] : memref<8192xf32, #tpu.memory_space<vmem>>[vector<16xi32>], vector<16xf32>,
    %swap3A_461 = arith.constant 64 : index
    %swap3A_462 = tpu.vector_load %arg9[%swap3A_461] {strides = array<i32>} : memref<1024xf32, #tpu.memory_space<vmem>>, vector<16xf32>,
    tpu.vector_store %arg9[%swap3A_461], %gather3A_460 {strides = array<i32>} : memref<1024xf32, #tpu.memory_space<vmem>>, vector<16xf32>,
    %broadcast_in_dim3A_463 = arith.constant 320 : i32
    %broadcast_in_dim3A_464 = vector.broadcast %broadcast_in_dim3A_463 : i32 to vector<16xi32>
    %mul3A_465 = arith.constant 4 : i32
    %mul3A_466 = vector.broadcast %mul3A_465 : i32 to vector<16xi32>
    %mul3A_467 = arith.muli %iota3A, %mul3A_466 : vector<16xi32>
    %add3A_468 = arith.addi %broadcast_in_dim3A_464, %mul3A_467 : vector<16xi32>
    %gather3A_469 = tpu.vector_load_idx %arg7[%add3A_468] : memref<1024xi32, #tpu.memory_space<vmem>>[vector<16xi32>], vector<16xi32>,
    %swap3A_470 = arith.constant 80 : index
    %swap3A_471 = tpu.vector_load %arg8[%swap3A_470] {strides = array<i32>} : memref<1024xi32, #tpu.memory_space<vmem>>, vector<16xi32>,
    tpu.vector_store %arg8[%swap3A_470], %gather3A_469 {strides = array<i32>} : memref<1024xi32, #tpu.memory_space<vmem>>, vector<16xi32>,
    %gather3A_472 = tpu.vector_load_idx %arg12[%gather3A_469] : memref<8192xf32, #tpu.memory_space<vmem>>[vector<16xi32>], vector<16xf32>,
    %swap3A_473 = arith.constant 80 : index
    %swap3A_474 = tpu.vector_load %arg9[%swap3A_473] {strides = array<i32>} : memref<1024xf32, #tpu.memory_space<vmem>>, vector<16xf32>,
    tpu.vector_store %arg9[%swap3A_473], %gather3A_472 {strides = array<i32>} : memref<1024xf32, #tpu.memory_space<vmem>>, vector<16xf32>,
    %broadcast_in_dim3A_475 = arith.constant 384 : i32
    %broadcast_in_dim3A_476 = vector.broadcast %broadcast_in_dim3A_475 : i32 to vector<16xi32>
    %mul3A_477 = arith.constant 4 : i32
    %mul3A_478 = vector.broadcast %mul3A_477 : i32 to vector<16xi32>
    %mul3A_479 = arith.muli %iota3A, %mul3A_478 : vector<16xi32>
    %add3A_480 = arith.addi %broadcast_in_dim3A_476, %mul3A_479 : vector<16xi32>
    %gather3A_481 = tpu.vector_load_idx %arg7[%add3A_480] : memref<1024xi32, #tpu.memory_space<vmem>>[vector<16xi32>], vector<16xi32>,
    %swap3A_482 = arith.constant 96 : index
    %swap3A_483 = tpu.vector_load %arg8[%swap3A_482] {strides = array<i32>} : memref<1024xi32, #tpu.memory_space<vmem>>, vector<16xi32>,
    tpu.vector_store %arg8[%swap3A_482], %gather3A_481 {strides = array<i32>} : memref<1024xi32, #tpu.memory_space<vmem>>, vector<16xi32>,
    %gather3A_484 = tpu.vector_load_idx %arg12[%gather3A_481] : memref<8192xf32, #tpu.memory_space<vmem>>[vector<16xi32>], vector<16xf32>,
    %swap3A_485 = arith.constant 96 : index
    %swap3A_486 = tpu.vector_load %arg9[%swap3A_485] {strides = array<i32>} : memref<1024xf32, #tpu.memory_space<vmem>>, vector<16xf32>,
    tpu.vector_store %arg9[%swap3A_485], %gather3A_484 {strides = array<i32>} : memref<1024xf32, #tpu.memory_space<vmem>>, vector<16xf32>,
    %broadcast_in_dim3A_487 = arith.constant 448 : i32
    %broadcast_in_dim3A_488 = vector.broadcast %broadcast_in_dim3A_487 : i32 to vector<16xi32>
    %mul3A_489 = arith.constant 4 : i32
    %mul3A_490 = vector.broadcast %mul3A_489 : i32 to vector<16xi32>
    %mul3A_491 = arith.muli %iota3A, %mul3A_490 : vector<16xi32>
    %add3A_492 = arith.addi %broadcast_in_dim3A_488, %mul3A_491 : vector<16xi32>
    %gather3A_493 = tpu.vector_load_idx %arg7[%add3A_492] : memref<1024xi32, #tpu.memory_space<vmem>>[vector<16xi32>], vector<16xi32>,
    %swap3A_494 = arith.constant 112 : index
    %swap3A_495 = tpu.vector_load %arg8[%swap3A_494] {strides = array<i32>} : memref<1024xi32, #tpu.memory_space<vmem>>, vector<16xi32>,
    tpu.vector_store %arg8[%swap3A_494], %gather3A_493 {strides = array<i32>} : memref<1024xi32, #tpu.memory_space<vmem>>, vector<16xi32>,
    %gather3A_496 = tpu.vector_load_idx %arg12[%gather3A_493] : memref<8192xf32, #tpu.memory_space<vmem>>[vector<16xi32>], vector<16xf32>,
    %swap3A_497 = arith.constant 112 : index
    %swap3A_498 = tpu.vector_load %arg9[%swap3A_497] {strides = array<i32>} : memref<1024xf32, #tpu.memory_space<vmem>>, vector<16xf32>,
    tpu.vector_store %arg9[%swap3A_497], %gather3A_496 {strides = array<i32>} : memref<1024xf32, #tpu.memory_space<vmem>>, vector<16xf32>,
    %broadcast_in_dim3A_499 = arith.constant 512 : i32
    %broadcast_in_dim3A_500 = vector.broadcast %broadcast_in_dim3A_499 : i32 to vector<16xi32>
    %mul3A_501 = arith.constant 4 : i32
    %mul3A_502 = vector.broadcast %mul3A_501 : i32 to vector<16xi32>
    %mul3A_503 = arith.muli %iota3A, %mul3A_502 : vector<16xi32>
    %add3A_504 = arith.addi %broadcast_in_dim3A_500, %mul3A_503 : vector<16xi32>
    %gather3A_505 = tpu.vector_load_idx %arg7[%add3A_504] : memref<1024xi32, #tpu.memory_space<vmem>>[vector<16xi32>], vector<16xi32>,
    %swap3A_506 = arith.constant 128 : index
    %swap3A_507 = tpu.vector_load %arg8[%swap3A_506] {strides = array<i32>} : memref<1024xi32, #tpu.memory_space<vmem>>, vector<16xi32>,
    tpu.vector_store %arg8[%swap3A_506], %gather3A_505 {strides = array<i32>} : memref<1024xi32, #tpu.memory_space<vmem>>, vector<16xi32>,
    %gather3A_508 = tpu.vector_load_idx %arg12[%gather3A_505] : memref<8192xf32, #tpu.memory_space<vmem>>[vector<16xi32>], vector<16xf32>,
    %swap3A_509 = arith.constant 128 : index
    %swap3A_510 = tpu.vector_load %arg9[%swap3A_509] {strides = array<i32>} : memref<1024xf32, #tpu.memory_space<vmem>>, vector<16xf32>,
    tpu.vector_store %arg9[%swap3A_509], %gather3A_508 {strides = array<i32>} : memref<1024xf32, #tpu.memory_space<vmem>>, vector<16xf32>,
    %broadcast_in_dim3A_511 = arith.constant 576 : i32
    %broadcast_in_dim3A_512 = vector.broadcast %broadcast_in_dim3A_511 : i32 to vector<16xi32>
    %mul3A_513 = arith.constant 4 : i32
    %mul3A_514 = vector.broadcast %mul3A_513 : i32 to vector<16xi32>
    %mul3A_515 = arith.muli %iota3A, %mul3A_514 : vector<16xi32>
    %add3A_516 = arith.addi %broadcast_in_dim3A_512, %mul3A_515 : vector<16xi32>
    %gather3A_517 = tpu.vector_load_idx %arg7[%add3A_516] : memref<1024xi32, #tpu.memory_space<vmem>>[vector<16xi32>], vector<16xi32>,
    %swap3A_518 = arith.constant 144 : index
    %swap3A_519 = tpu.vector_load %arg8[%swap3A_518] {strides = array<i32>} : memref<1024xi32, #tpu.memory_space<vmem>>, vector<16xi32>,
    tpu.vector_store %arg8[%swap3A_518], %gather3A_517 {strides = array<i32>} : memref<1024xi32, #tpu.memory_space<vmem>>, vector<16xi32>,
    %gather3A_520 = tpu.vector_load_idx %arg12[%gather3A_517] : memref<8192xf32, #tpu.memory_space<vmem>>[vector<16xi32>], vector<16xf32>,
    %swap3A_521 = arith.constant 144 : index
    %swap3A_522 = tpu.vector_load %arg9[%swap3A_521] {strides = array<i32>} : memref<1024xf32, #tpu.memory_space<vmem>>, vector<16xf32>,
    tpu.vector_store %arg9[%swap3A_521], %gather3A_520 {strides = array<i32>} : memref<1024xf32, #tpu.memory_space<vmem>>, vector<16xf32>,
    %broadcast_in_dim3A_523 = arith.constant 640 : i32
    %broadcast_in_dim3A_524 = vector.broadcast %broadcast_in_dim3A_523 : i32 to vector<16xi32>
    %mul3A_525 = arith.constant 4 : i32
    %mul3A_526 = vector.broadcast %mul3A_525 : i32 to vector<16xi32>
    %mul3A_527 = arith.muli %iota3A, %mul3A_526 : vector<16xi32>
    %add3A_528 = arith.addi %broadcast_in_dim3A_524, %mul3A_527 : vector<16xi32>
    %gather3A_529 = tpu.vector_load_idx %arg7[%add3A_528] : memref<1024xi32, #tpu.memory_space<vmem>>[vector<16xi32>], vector<16xi32>,
    %swap3A_530 = arith.constant 160 : index
    %swap3A_531 = tpu.vector_load %arg8[%swap3A_530] {strides = array<i32>} : memref<1024xi32, #tpu.memory_space<vmem>>, vector<16xi32>,
    tpu.vector_store %arg8[%swap3A_530], %gather3A_529 {strides = array<i32>} : memref<1024xi32, #tpu.memory_space<vmem>>, vector<16xi32>,
    %gather3A_532 = tpu.vector_load_idx %arg12[%gather3A_529] : memref<8192xf32, #tpu.memory_space<vmem>>[vector<16xi32>], vector<16xf32>,
    %swap3A_533 = arith.constant 160 : index
    %swap3A_534 = tpu.vector_load %arg9[%swap3A_533] {strides = array<i32>} : memref<1024xf32, #tpu.memory_space<vmem>>, vector<16xf32>,
    tpu.vector_store %arg9[%swap3A_533], %gather3A_532 {strides = array<i32>} : memref<1024xf32, #tpu.memory_space<vmem>>, vector<16xf32>,
    %broadcast_in_dim3A_535 = arith.constant 704 : i32
    %broadcast_in_dim3A_536 = vector.broadcast %broadcast_in_dim3A_535 : i32 to vector<16xi32>
    %mul3A_537 = arith.constant 4 : i32
    %mul3A_538 = vector.broadcast %mul3A_537 : i32 to vector<16xi32>
    %mul3A_539 = arith.muli %iota3A, %mul3A_538 : vector<16xi32>
    %add3A_540 = arith.addi %broadcast_in_dim3A_536, %mul3A_539 : vector<16xi32>
    %gather3A_541 = tpu.vector_load_idx %arg7[%add3A_540] : memref<1024xi32, #tpu.memory_space<vmem>>[vector<16xi32>], vector<16xi32>,
    %swap3A_542 = arith.constant 176 : index
    %swap3A_543 = tpu.vector_load %arg8[%swap3A_542] {strides = array<i32>} : memref<1024xi32, #tpu.memory_space<vmem>>, vector<16xi32>,
    tpu.vector_store %arg8[%swap3A_542], %gather3A_541 {strides = array<i32>} : memref<1024xi32, #tpu.memory_space<vmem>>, vector<16xi32>,
    %gather3A_544 = tpu.vector_load_idx %arg12[%gather3A_541] : memref<8192xf32, #tpu.memory_space<vmem>>[vector<16xi32>], vector<16xf32>,
    %swap3A_545 = arith.constant 176 : index
    %swap3A_546 = tpu.vector_load %arg9[%swap3A_545] {strides = array<i32>} : memref<1024xf32, #tpu.memory_space<vmem>>, vector<16xf32>,
    tpu.vector_store %arg9[%swap3A_545], %gather3A_544 {strides = array<i32>} : memref<1024xf32, #tpu.memory_space<vmem>>, vector<16xf32>,
    %broadcast_in_dim3A_547 = arith.constant 768 : i32
    %broadcast_in_dim3A_548 = vector.broadcast %broadcast_in_dim3A_547 : i32 to vector<16xi32>
    %mul3A_549 = arith.constant 4 : i32
    %mul3A_550 = vector.broadcast %mul3A_549 : i32 to vector<16xi32>
    %mul3A_551 = arith.muli %iota3A, %mul3A_550 : vector<16xi32>
    %add3A_552 = arith.addi %broadcast_in_dim3A_548, %mul3A_551 : vector<16xi32>
    %gather3A_553 = tpu.vector_load_idx %arg7[%add3A_552] : memref<1024xi32, #tpu.memory_space<vmem>>[vector<16xi32>], vector<16xi32>,
    %swap3A_554 = arith.constant 192 : index
    %swap3A_555 = tpu.vector_load %arg8[%swap3A_554] {strides = array<i32>} : memref<1024xi32, #tpu.memory_space<vmem>>, vector<16xi32>,
    tpu.vector_store %arg8[%swap3A_554], %gather3A_553 {strides = array<i32>} : memref<1024xi32, #tpu.memory_space<vmem>>, vector<16xi32>,
    %gather3A_556 = tpu.vector_load_idx %arg12[%gather3A_553] : memref<8192xf32, #tpu.memory_space<vmem>>[vector<16xi32>], vector<16xf32>,
    %swap3A_557 = arith.constant 192 : index
    %swap3A_558 = tpu.vector_load %arg9[%swap3A_557] {strides = array<i32>} : memref<1024xf32, #tpu.memory_space<vmem>>, vector<16xf32>,
    tpu.vector_store %arg9[%swap3A_557], %gather3A_556 {strides = array<i32>} : memref<1024xf32, #tpu.memory_space<vmem>>, vector<16xf32>,
    %broadcast_in_dim3A_559 = arith.constant 832 : i32
    %broadcast_in_dim3A_560 = vector.broadcast %broadcast_in_dim3A_559 : i32 to vector<16xi32>
    %mul3A_561 = arith.constant 4 : i32
    %mul3A_562 = vector.broadcast %mul3A_561 : i32 to vector<16xi32>
    %mul3A_563 = arith.muli %iota3A, %mul3A_562 : vector<16xi32>
    %add3A_564 = arith.addi %broadcast_in_dim3A_560, %mul3A_563 : vector<16xi32>
    %gather3A_565 = tpu.vector_load_idx %arg7[%add3A_564] : memref<1024xi32, #tpu.memory_space<vmem>>[vector<16xi32>], vector<16xi32>,
    %swap3A_566 = arith.constant 208 : index
    %swap3A_567 = tpu.vector_load %arg8[%swap3A_566] {strides = array<i32>} : memref<1024xi32, #tpu.memory_space<vmem>>, vector<16xi32>,
    tpu.vector_store %arg8[%swap3A_566], %gather3A_565 {strides = array<i32>} : memref<1024xi32, #tpu.memory_space<vmem>>, vector<16xi32>,
    %gather3A_568 = tpu.vector_load_idx %arg12[%gather3A_565] : memref<8192xf32, #tpu.memory_space<vmem>>[vector<16xi32>], vector<16xf32>,
    %swap3A_569 = arith.constant 208 : index
    %swap3A_570 = tpu.vector_load %arg9[%swap3A_569] {strides = array<i32>} : memref<1024xf32, #tpu.memory_space<vmem>>, vector<16xf32>,
    tpu.vector_store %arg9[%swap3A_569], %gather3A_568 {strides = array<i32>} : memref<1024xf32, #tpu.memory_space<vmem>>, vector<16xf32>,
    %broadcast_in_dim3A_571 = arith.constant 896 : i32
    %broadcast_in_dim3A_572 = vector.broadcast %broadcast_in_dim3A_571 : i32 to vector<16xi32>
    %mul3A_573 = arith.constant 4 : i32
    %mul3A_574 = vector.broadcast %mul3A_573 : i32 to vector<16xi32>
    %mul3A_575 = arith.muli %iota3A, %mul3A_574 : vector<16xi32>
    %add3A_576 = arith.addi %broadcast_in_dim3A_572, %mul3A_575 : vector<16xi32>
    %gather3A_577 = tpu.vector_load_idx %arg7[%add3A_576] : memref<1024xi32, #tpu.memory_space<vmem>>[vector<16xi32>], vector<16xi32>,
    %swap3A_578 = arith.constant 224 : index
    %swap3A_579 = tpu.vector_load %arg8[%swap3A_578] {strides = array<i32>} : memref<1024xi32, #tpu.memory_space<vmem>>, vector<16xi32>,
    tpu.vector_store %arg8[%swap3A_578], %gather3A_577 {strides = array<i32>} : memref<1024xi32, #tpu.memory_space<vmem>>, vector<16xi32>,
    %gather3A_580 = tpu.vector_load_idx %arg12[%gather3A_577] : memref<8192xf32, #tpu.memory_space<vmem>>[vector<16xi32>], vector<16xf32>,
    %swap3A_581 = arith.constant 224 : index
    %swap3A_582 = tpu.vector_load %arg9[%swap3A_581] {strides = array<i32>} : memref<1024xf32, #tpu.memory_space<vmem>>, vector<16xf32>,
    tpu.vector_store %arg9[%swap3A_581], %gather3A_580 {strides = array<i32>} : memref<1024xf32, #tpu.memory_space<vmem>>, vector<16xf32>,
    %broadcast_in_dim3A_583 = arith.constant 960 : i32
    %broadcast_in_dim3A_584 = vector.broadcast %broadcast_in_dim3A_583 : i32 to vector<16xi32>
    %mul3A_585 = arith.constant 4 : i32
    %mul3A_586 = vector.broadcast %mul3A_585 : i32 to vector<16xi32>
    %mul3A_587 = arith.muli %iota3A, %mul3A_586 : vector<16xi32>
    %add3A_588 = arith.addi %broadcast_in_dim3A_584, %mul3A_587 : vector<16xi32>
    %gather3A_589 = tpu.vector_load_idx %arg7[%add3A_588] : memref<1024xi32, #tpu.memory_space<vmem>>[vector<16xi32>], vector<16xi32>,
    %swap3A_590 = arith.constant 240 : index
    %swap3A_591 = tpu.vector_load %arg8[%swap3A_590] {strides = array<i32>} : memref<1024xi32, #tpu.memory_space<vmem>>, vector<16xi32>,
    tpu.vector_store %arg8[%swap3A_590], %gather3A_589 {strides = array<i32>} : memref<1024xi32, #tpu.memory_space<vmem>>, vector<16xi32>,
    %gather3A_592 = tpu.vector_load_idx %arg12[%gather3A_589] : memref<8192xf32, #tpu.memory_space<vmem>>[vector<16xi32>], vector<16xf32>,
    %swap3A_593 = arith.constant 240 : index
    %swap3A_594 = tpu.vector_load %arg9[%swap3A_593] {strides = array<i32>} : memref<1024xf32, #tpu.memory_space<vmem>>, vector<16xf32>,
    tpu.vector_store %arg9[%swap3A_593], %gather3A_592 {strides = array<i32>} : memref<1024xf32, #tpu.memory_space<vmem>>, vector<16xf32>,
    %broadcast_in_dim3A_595 = arith.constant 1 : i32
    %broadcast_in_dim3A_596 = vector.broadcast %broadcast_in_dim3A_595 : i32 to vector<16xi32>
    %mul3A_597 = arith.constant 4 : i32
    %mul3A_598 = vector.broadcast %mul3A_597 : i32 to vector<16xi32>
    %mul3A_599 = arith.muli %iota3A, %mul3A_598 : vector<16xi32>
    %add3A_600 = arith.addi %broadcast_in_dim3A_596, %mul3A_599 : vector<16xi32>
    %gather3A_601 = tpu.vector_load_idx %arg7[%add3A_600] : memref<1024xi32, #tpu.memory_space<vmem>>[vector<16xi32>], vector<16xi32>,
    %swap3A_602 = arith.constant 256 : index
    %swap3A_603 = tpu.vector_load %arg8[%swap3A_602] {strides = array<i32>} : memref<1024xi32, #tpu.memory_space<vmem>>, vector<16xi32>,
    tpu.vector_store %arg8[%swap3A_602], %gather3A_601 {strides = array<i32>} : memref<1024xi32, #tpu.memory_space<vmem>>, vector<16xi32>,
    %gather3A_604 = tpu.vector_load_idx %arg12[%gather3A_601] : memref<8192xf32, #tpu.memory_space<vmem>>[vector<16xi32>], vector<16xf32>,
    %swap3A_605 = arith.constant 256 : index
    %swap3A_606 = tpu.vector_load %arg9[%swap3A_605] {strides = array<i32>} : memref<1024xf32, #tpu.memory_space<vmem>>, vector<16xf32>,
    tpu.vector_store %arg9[%swap3A_605], %gather3A_604 {strides = array<i32>} : memref<1024xf32, #tpu.memory_space<vmem>>, vector<16xf32>,
    %broadcast_in_dim3A_607 = arith.constant 65 : i32
    %broadcast_in_dim3A_608 = vector.broadcast %broadcast_in_dim3A_607 : i32 to vector<16xi32>
    %mul3A_609 = arith.constant 4 : i32
    %mul3A_610 = vector.broadcast %mul3A_609 : i32 to vector<16xi32>
    %mul3A_611 = arith.muli %iota3A, %mul3A_610 : vector<16xi32>
    %add3A_612 = arith.addi %broadcast_in_dim3A_608, %mul3A_611 : vector<16xi32>
    %gather3A_613 = tpu.vector_load_idx %arg7[%add3A_612] : memref<1024xi32, #tpu.memory_space<vmem>>[vector<16xi32>], vector<16xi32>,
    %swap3A_614 = arith.constant 272 : index
    %swap3A_615 = tpu.vector_load %arg8[%swap3A_614] {strides = array<i32>} : memref<1024xi32, #tpu.memory_space<vmem>>, vector<16xi32>,
    tpu.vector_store %arg8[%swap3A_614], %gather3A_613 {strides = array<i32>} : memref<1024xi32, #tpu.memory_space<vmem>>, vector<16xi32>,
    %gather3A_616 = tpu.vector_load_idx %arg12[%gather3A_613] : memref<8192xf32, #tpu.memory_space<vmem>>[vector<16xi32>], vector<16xf32>,
    %swap3A_617 = arith.constant 272 : index
    %swap3A_618 = tpu.vector_load %arg9[%swap3A_617] {strides = array<i32>} : memref<1024xf32, #tpu.memory_space<vmem>>, vector<16xf32>,
    tpu.vector_store %arg9[%swap3A_617], %gather3A_616 {strides = array<i32>} : memref<1024xf32, #tpu.memory_space<vmem>>, vector<16xf32>,
    %broadcast_in_dim3A_619 = arith.constant 129 : i32
    %broadcast_in_dim3A_620 = vector.broadcast %broadcast_in_dim3A_619 : i32 to vector<16xi32>
    %mul3A_621 = arith.constant 4 : i32
    %mul3A_622 = vector.broadcast %mul3A_621 : i32 to vector<16xi32>
    %mul3A_623 = arith.muli %iota3A, %mul3A_622 : vector<16xi32>
    %add3A_624 = arith.addi %broadcast_in_dim3A_620, %mul3A_623 : vector<16xi32>
    %gather3A_625 = tpu.vector_load_idx %arg7[%add3A_624] : memref<1024xi32, #tpu.memory_space<vmem>>[vector<16xi32>], vector<16xi32>,
    %swap3A_626 = arith.constant 288 : index
    %swap3A_627 = tpu.vector_load %arg8[%swap3A_626] {strides = array<i32>} : memref<1024xi32, #tpu.memory_space<vmem>>, vector<16xi32>,
    tpu.vector_store %arg8[%swap3A_626], %gather3A_625 {strides = array<i32>} : memref<1024xi32, #tpu.memory_space<vmem>>, vector<16xi32>,
    %gather3A_628 = tpu.vector_load_idx %arg12[%gather3A_625] : memref<8192xf32, #tpu.memory_space<vmem>>[vector<16xi32>], vector<16xf32>,
    %swap3A_629 = arith.constant 288 : index
    %swap3A_630 = tpu.vector_load %arg9[%swap3A_629] {strides = array<i32>} : memref<1024xf32, #tpu.memory_space<vmem>>, vector<16xf32>,
    tpu.vector_store %arg9[%swap3A_629], %gather3A_628 {strides = array<i32>} : memref<1024xf32, #tpu.memory_space<vmem>>, vector<16xf32>,
    %broadcast_in_dim3A_631 = arith.constant 193 : i32
    %broadcast_in_dim3A_632 = vector.broadcast %broadcast_in_dim3A_631 : i32 to vector<16xi32>
    %mul3A_633 = arith.constant 4 : i32
    %mul3A_634 = vector.broadcast %mul3A_633 : i32 to vector<16xi32>
    %mul3A_635 = arith.muli %iota3A, %mul3A_634 : vector<16xi32>
    %add3A_636 = arith.addi %broadcast_in_dim3A_632, %mul3A_635 : vector<16xi32>
    %gather3A_637 = tpu.vector_load_idx %arg7[%add3A_636] : memref<1024xi32, #tpu.memory_space<vmem>>[vector<16xi32>], vector<16xi32>,
    %swap3A_638 = arith.constant 304 : index
    %swap3A_639 = tpu.vector_load %arg8[%swap3A_638] {strides = array<i32>} : memref<1024xi32, #tpu.memory_space<vmem>>, vector<16xi32>,
    tpu.vector_store %arg8[%swap3A_638], %gather3A_637 {strides = array<i32>} : memref<1024xi32, #tpu.memory_space<vmem>>, vector<16xi32>,
    %gather3A_640 = tpu.vector_load_idx %arg12[%gather3A_637] : memref<8192xf32, #tpu.memory_space<vmem>>[vector<16xi32>], vector<16xf32>,
    %swap3A_641 = arith.constant 304 : index
    %swap3A_642 = tpu.vector_load %arg9[%swap3A_641] {strides = array<i32>} : memref<1024xf32, #tpu.memory_space<vmem>>, vector<16xf32>,
    tpu.vector_store %arg9[%swap3A_641], %gather3A_640 {strides = array<i32>} : memref<1024xf32, #tpu.memory_space<vmem>>, vector<16xf32>,
    %broadcast_in_dim3A_643 = arith.constant 257 : i32
    %broadcast_in_dim3A_644 = vector.broadcast %broadcast_in_dim3A_643 : i32 to vector<16xi32>
    %mul3A_645 = arith.constant 4 : i32
    %mul3A_646 = vector.broadcast %mul3A_645 : i32 to vector<16xi32>
    %mul3A_647 = arith.muli %iota3A, %mul3A_646 : vector<16xi32>
    %add3A_648 = arith.addi %broadcast_in_dim3A_644, %mul3A_647 : vector<16xi32>
    %gather3A_649 = tpu.vector_load_idx %arg7[%add3A_648] : memref<1024xi32, #tpu.memory_space<vmem>>[vector<16xi32>], vector<16xi32>,
    %swap3A_650 = arith.constant 320 : index
    %swap3A_651 = tpu.vector_load %arg8[%swap3A_650] {strides = array<i32>} : memref<1024xi32, #tpu.memory_space<vmem>>, vector<16xi32>,
    tpu.vector_store %arg8[%swap3A_650], %gather3A_649 {strides = array<i32>} : memref<1024xi32, #tpu.memory_space<vmem>>, vector<16xi32>,
    %gather3A_652 = tpu.vector_load_idx %arg12[%gather3A_649] : memref<8192xf32, #tpu.memory_space<vmem>>[vector<16xi32>], vector<16xf32>,
    %swap3A_653 = arith.constant 320 : index
    %swap3A_654 = tpu.vector_load %arg9[%swap3A_653] {strides = array<i32>} : memref<1024xf32, #tpu.memory_space<vmem>>, vector<16xf32>,
    tpu.vector_store %arg9[%swap3A_653], %gather3A_652 {strides = array<i32>} : memref<1024xf32, #tpu.memory_space<vmem>>, vector<16xf32>,
    %broadcast_in_dim3A_655 = arith.constant 321 : i32
    %broadcast_in_dim3A_656 = vector.broadcast %broadcast_in_dim3A_655 : i32 to vector<16xi32>
    %mul3A_657 = arith.constant 4 : i32
    %mul3A_658 = vector.broadcast %mul3A_657 : i32 to vector<16xi32>
    %mul3A_659 = arith.muli %iota3A, %mul3A_658 : vector<16xi32>
    %add3A_660 = arith.addi %broadcast_in_dim3A_656, %mul3A_659 : vector<16xi32>
    %gather3A_661 = tpu.vector_load_idx %arg7[%add3A_660] : memref<1024xi32, #tpu.memory_space<vmem>>[vector<16xi32>], vector<16xi32>,
    %swap3A_662 = arith.constant 336 : index
    %swap3A_663 = tpu.vector_load %arg8[%swap3A_662] {strides = array<i32>} : memref<1024xi32, #tpu.memory_space<vmem>>, vector<16xi32>,
    tpu.vector_store %arg8[%swap3A_662], %gather3A_661 {strides = array<i32>} : memref<1024xi32, #tpu.memory_space<vmem>>, vector<16xi32>,
    %gather3A_664 = tpu.vector_load_idx %arg12[%gather3A_661] : memref<8192xf32, #tpu.memory_space<vmem>>[vector<16xi32>], vector<16xf32>,
    %swap3A_665 = arith.constant 336 : index
    %swap3A_666 = tpu.vector_load %arg9[%swap3A_665] {strides = array<i32>} : memref<1024xf32, #tpu.memory_space<vmem>>, vector<16xf32>,
    tpu.vector_store %arg9[%swap3A_665], %gather3A_664 {strides = array<i32>} : memref<1024xf32, #tpu.memory_space<vmem>>, vector<16xf32>,
    %broadcast_in_dim3A_667 = arith.constant 385 : i32
    %broadcast_in_dim3A_668 = vector.broadcast %broadcast_in_dim3A_667 : i32 to vector<16xi32>
    %mul3A_669 = arith.constant 4 : i32
    %mul3A_670 = vector.broadcast %mul3A_669 : i32 to vector<16xi32>
    %mul3A_671 = arith.muli %iota3A, %mul3A_670 : vector<16xi32>
    %add3A_672 = arith.addi %broadcast_in_dim3A_668, %mul3A_671 : vector<16xi32>
    %gather3A_673 = tpu.vector_load_idx %arg7[%add3A_672] : memref<1024xi32, #tpu.memory_space<vmem>>[vector<16xi32>], vector<16xi32>,
    %swap3A_674 = arith.constant 352 : index
    %swap3A_675 = tpu.vector_load %arg8[%swap3A_674] {strides = array<i32>} : memref<1024xi32, #tpu.memory_space<vmem>>, vector<16xi32>,
    tpu.vector_store %arg8[%swap3A_674], %gather3A_673 {strides = array<i32>} : memref<1024xi32, #tpu.memory_space<vmem>>, vector<16xi32>,
    %gather3A_676 = tpu.vector_load_idx %arg12[%gather3A_673] : memref<8192xf32, #tpu.memory_space<vmem>>[vector<16xi32>], vector<16xf32>,
    %swap3A_677 = arith.constant 352 : index
    %swap3A_678 = tpu.vector_load %arg9[%swap3A_677] {strides = array<i32>} : memref<1024xf32, #tpu.memory_space<vmem>>, vector<16xf32>,
    tpu.vector_store %arg9[%swap3A_677], %gather3A_676 {strides = array<i32>} : memref<1024xf32, #tpu.memory_space<vmem>>, vector<16xf32>,
    %broadcast_in_dim3A_679 = arith.constant 449 : i32
    %broadcast_in_dim3A_680 = vector.broadcast %broadcast_in_dim3A_679 : i32 to vector<16xi32>
    %mul3A_681 = arith.constant 4 : i32
    %mul3A_682 = vector.broadcast %mul3A_681 : i32 to vector<16xi32>
    %mul3A_683 = arith.muli %iota3A, %mul3A_682 : vector<16xi32>
    %add3A_684 = arith.addi %broadcast_in_dim3A_680, %mul3A_683 : vector<16xi32>
    %gather3A_685 = tpu.vector_load_idx %arg7[%add3A_684] : memref<1024xi32, #tpu.memory_space<vmem>>[vector<16xi32>], vector<16xi32>,
    %swap3A_686 = arith.constant 368 : index
    %swap3A_687 = tpu.vector_load %arg8[%swap3A_686] {strides = array<i32>} : memref<1024xi32, #tpu.memory_space<vmem>>, vector<16xi32>,
    tpu.vector_store %arg8[%swap3A_686], %gather3A_685 {strides = array<i32>} : memref<1024xi32, #tpu.memory_space<vmem>>, vector<16xi32>,
    %gather3A_688 = tpu.vector_load_idx %arg12[%gather3A_685] : memref<8192xf32, #tpu.memory_space<vmem>>[vector<16xi32>], vector<16xf32>,
    %swap3A_689 = arith.constant 368 : index
    %swap3A_690 = tpu.vector_load %arg9[%swap3A_689] {strides = array<i32>} : memref<1024xf32, #tpu.memory_space<vmem>>, vector<16xf32>,
    tpu.vector_store %arg9[%swap3A_689], %gather3A_688 {strides = array<i32>} : memref<1024xf32, #tpu.memory_space<vmem>>, vector<16xf32>,
    %broadcast_in_dim3A_691 = arith.constant 513 : i32
    %broadcast_in_dim3A_692 = vector.broadcast %broadcast_in_dim3A_691 : i32 to vector<16xi32>
    %mul3A_693 = arith.constant 4 : i32
    %mul3A_694 = vector.broadcast %mul3A_693 : i32 to vector<16xi32>
    %mul3A_695 = arith.muli %iota3A, %mul3A_694 : vector<16xi32>
    %add3A_696 = arith.addi %broadcast_in_dim3A_692, %mul3A_695 : vector<16xi32>
    %gather3A_697 = tpu.vector_load_idx %arg7[%add3A_696] : memref<1024xi32, #tpu.memory_space<vmem>>[vector<16xi32>], vector<16xi32>,
    %swap3A_698 = arith.constant 384 : index
    %swap3A_699 = tpu.vector_load %arg8[%swap3A_698] {strides = array<i32>} : memref<1024xi32, #tpu.memory_space<vmem>>, vector<16xi32>,
    tpu.vector_store %arg8[%swap3A_698], %gather3A_697 {strides = array<i32>} : memref<1024xi32, #tpu.memory_space<vmem>>, vector<16xi32>,
    %gather3A_700 = tpu.vector_load_idx %arg12[%gather3A_697] : memref<8192xf32, #tpu.memory_space<vmem>>[vector<16xi32>], vector<16xf32>,
    %swap3A_701 = arith.constant 384 : index
    %swap3A_702 = tpu.vector_load %arg9[%swap3A_701] {strides = array<i32>} : memref<1024xf32, #tpu.memory_space<vmem>>, vector<16xf32>,
    tpu.vector_store %arg9[%swap3A_701], %gather3A_700 {strides = array<i32>} : memref<1024xf32, #tpu.memory_space<vmem>>, vector<16xf32>,
    %broadcast_in_dim3A_703 = arith.constant 577 : i32
    %broadcast_in_dim3A_704 = vector.broadcast %broadcast_in_dim3A_703 : i32 to vector<16xi32>
    %mul3A_705 = arith.constant 4 : i32
    %mul3A_706 = vector.broadcast %mul3A_705 : i32 to vector<16xi32>
    %mul3A_707 = arith.muli %iota3A, %mul3A_706 : vector<16xi32>
    %add3A_708 = arith.addi %broadcast_in_dim3A_704, %mul3A_707 : vector<16xi32>
    %gather3A_709 = tpu.vector_load_idx %arg7[%add3A_708] : memref<1024xi32, #tpu.memory_space<vmem>>[vector<16xi32>], vector<16xi32>,
    %swap3A_710 = arith.constant 400 : index
    %swap3A_711 = tpu.vector_load %arg8[%swap3A_710] {strides = array<i32>} : memref<1024xi32, #tpu.memory_space<vmem>>, vector<16xi32>,
    tpu.vector_store %arg8[%swap3A_710], %gather3A_709 {strides = array<i32>} : memref<1024xi32, #tpu.memory_space<vmem>>, vector<16xi32>,
    %gather3A_712 = tpu.vector_load_idx %arg12[%gather3A_709] : memref<8192xf32, #tpu.memory_space<vmem>>[vector<16xi32>], vector<16xf32>,
    %swap3A_713 = arith.constant 400 : index
    %swap3A_714 = tpu.vector_load %arg9[%swap3A_713] {strides = array<i32>} : memref<1024xf32, #tpu.memory_space<vmem>>, vector<16xf32>,
    tpu.vector_store %arg9[%swap3A_713], %gather3A_712 {strides = array<i32>} : memref<1024xf32, #tpu.memory_space<vmem>>, vector<16xf32>,
    %broadcast_in_dim3A_715 = arith.constant 641 : i32
    %broadcast_in_dim3A_716 = vector.broadcast %broadcast_in_dim3A_715 : i32 to vector<16xi32>
    %mul3A_717 = arith.constant 4 : i32
    %mul3A_718 = vector.broadcast %mul3A_717 : i32 to vector<16xi32>
    %mul3A_719 = arith.muli %iota3A, %mul3A_718 : vector<16xi32>
    %add3A_720 = arith.addi %broadcast_in_dim3A_716, %mul3A_719 : vector<16xi32>
    %gather3A_721 = tpu.vector_load_idx %arg7[%add3A_720] : memref<1024xi32, #tpu.memory_space<vmem>>[vector<16xi32>], vector<16xi32>,
    %swap3A_722 = arith.constant 416 : index
    %swap3A_723 = tpu.vector_load %arg8[%swap3A_722] {strides = array<i32>} : memref<1024xi32, #tpu.memory_space<vmem>>, vector<16xi32>,
    tpu.vector_store %arg8[%swap3A_722], %gather3A_721 {strides = array<i32>} : memref<1024xi32, #tpu.memory_space<vmem>>, vector<16xi32>,
    %gather3A_724 = tpu.vector_load_idx %arg12[%gather3A_721] : memref<8192xf32, #tpu.memory_space<vmem>>[vector<16xi32>], vector<16xf32>,
    %swap3A_725 = arith.constant 416 : index
    %swap3A_726 = tpu.vector_load %arg9[%swap3A_725] {strides = array<i32>} : memref<1024xf32, #tpu.memory_space<vmem>>, vector<16xf32>,
    tpu.vector_store %arg9[%swap3A_725], %gather3A_724 {strides = array<i32>} : memref<1024xf32, #tpu.memory_space<vmem>>, vector<16xf32>,
    %broadcast_in_dim3A_727 = arith.constant 705 : i32
    %broadcast_in_dim3A_728 = vector.broadcast %broadcast_in_dim3A_727 : i32 to vector<16xi32>
    %mul3A_729 = arith.constant 4 : i32
    %mul3A_730 = vector.broadcast %mul3A_729 : i32 to vector<16xi32>
    %mul3A_731 = arith.muli %iota3A, %mul3A_730 : vector<16xi32>
    %add3A_732 = arith.addi %broadcast_in_dim3A_728, %mul3A_731 : vector<16xi32>
    %gather3A_733 = tpu.vector_load_idx %arg7[%add3A_732] : memref<1024xi32, #tpu.memory_space<vmem>>[vector<16xi32>], vector<16xi32>,
    %swap3A_734 = arith.constant 432 : index
    %swap3A_735 = tpu.vector_load %arg8[%swap3A_734] {strides = array<i32>} : memref<1024xi32, #tpu.memory_space<vmem>>, vector<16xi32>,
    tpu.vector_store %arg8[%swap3A_734], %gather3A_733 {strides = array<i32>} : memref<1024xi32, #tpu.memory_space<vmem>>, vector<16xi32>,
    %gather3A_736 = tpu.vector_load_idx %arg12[%gather3A_733] : memref<8192xf32, #tpu.memory_space<vmem>>[vector<16xi32>], vector<16xf32>,
    %swap3A_737 = arith.constant 432 : index
    %swap3A_738 = tpu.vector_load %arg9[%swap3A_737] {strides = array<i32>} : memref<1024xf32, #tpu.memory_space<vmem>>, vector<16xf32>,
    tpu.vector_store %arg9[%swap3A_737], %gather3A_736 {strides = array<i32>} : memref<1024xf32, #tpu.memory_space<vmem>>, vector<16xf32>,
    %broadcast_in_dim3A_739 = arith.constant 769 : i32
    %broadcast_in_dim3A_740 = vector.broadcast %broadcast_in_dim3A_739 : i32 to vector<16xi32>
    %mul3A_741 = arith.constant 4 : i32
    %mul3A_742 = vector.broadcast %mul3A_741 : i32 to vector<16xi32>
    %mul3A_743 = arith.muli %iota3A, %mul3A_742 : vector<16xi32>
    %add3A_744 = arith.addi %broadcast_in_dim3A_740, %mul3A_743 : vector<16xi32>
    %gather3A_745 = tpu.vector_load_idx %arg7[%add3A_744] : memref<1024xi32, #tpu.memory_space<vmem>>[vector<16xi32>], vector<16xi32>,
    %swap3A_746 = arith.constant 448 : index
    %swap3A_747 = tpu.vector_load %arg8[%swap3A_746] {strides = array<i32>} : memref<1024xi32, #tpu.memory_space<vmem>>, vector<16xi32>,
    tpu.vector_store %arg8[%swap3A_746], %gather3A_745 {strides = array<i32>} : memref<1024xi32, #tpu.memory_space<vmem>>, vector<16xi32>,
    %gather3A_748 = tpu.vector_load_idx %arg12[%gather3A_745] : memref<8192xf32, #tpu.memory_space<vmem>>[vector<16xi32>], vector<16xf32>,
    %swap3A_749 = arith.constant 448 : index
    %swap3A_750 = tpu.vector_load %arg9[%swap3A_749] {strides = array<i32>} : memref<1024xf32, #tpu.memory_space<vmem>>, vector<16xf32>,
    tpu.vector_store %arg9[%swap3A_749], %gather3A_748 {strides = array<i32>} : memref<1024xf32, #tpu.memory_space<vmem>>, vector<16xf32>,
    %broadcast_in_dim3A_751 = arith.constant 833 : i32
    %broadcast_in_dim3A_752 = vector.broadcast %broadcast_in_dim3A_751 : i32 to vector<16xi32>
    %mul3A_753 = arith.constant 4 : i32
    %mul3A_754 = vector.broadcast %mul3A_753 : i32 to vector<16xi32>
    %mul3A_755 = arith.muli %iota3A, %mul3A_754 : vector<16xi32>
    %add3A_756 = arith.addi %broadcast_in_dim3A_752, %mul3A_755 : vector<16xi32>
    %gather3A_757 = tpu.vector_load_idx %arg7[%add3A_756] : memref<1024xi32, #tpu.memory_space<vmem>>[vector<16xi32>], vector<16xi32>,
    %swap3A_758 = arith.constant 464 : index
    %swap3A_759 = tpu.vector_load %arg8[%swap3A_758] {strides = array<i32>} : memref<1024xi32, #tpu.memory_space<vmem>>, vector<16xi32>,
    tpu.vector_store %arg8[%swap3A_758], %gather3A_757 {strides = array<i32>} : memref<1024xi32, #tpu.memory_space<vmem>>, vector<16xi32>,
    %gather3A_760 = tpu.vector_load_idx %arg12[%gather3A_757] : memref<8192xf32, #tpu.memory_space<vmem>>[vector<16xi32>], vector<16xf32>,
    %swap3A_761 = arith.constant 464 : index
    %swap3A_762 = tpu.vector_load %arg9[%swap3A_761] {strides = array<i32>} : memref<1024xf32, #tpu.memory_space<vmem>>, vector<16xf32>,
    tpu.vector_store %arg9[%swap3A_761], %gather3A_760 {strides = array<i32>} : memref<1024xf32, #tpu.memory_space<vmem>>, vector<16xf32>,
    %broadcast_in_dim3A_763 = arith.constant 897 : i32
    %broadcast_in_dim3A_764 = vector.broadcast %broadcast_in_dim3A_763 : i32 to vector<16xi32>
    %mul3A_765 = arith.constant 4 : i32
    %mul3A_766 = vector.broadcast %mul3A_765 : i32 to vector<16xi32>
    %mul3A_767 = arith.muli %iota3A, %mul3A_766 : vector<16xi32>
    %add3A_768 = arith.addi %broadcast_in_dim3A_764, %mul3A_767 : vector<16xi32>
    %gather3A_769 = tpu.vector_load_idx %arg7[%add3A_768] : memref<1024xi32, #tpu.memory_space<vmem>>[vector<16xi32>], vector<16xi32>,
    %swap3A_770 = arith.constant 480 : index
    %swap3A_771 = tpu.vector_load %arg8[%swap3A_770] {strides = array<i32>} : memref<1024xi32, #tpu.memory_space<vmem>>, vector<16xi32>,
    tpu.vector_store %arg8[%swap3A_770], %gather3A_769 {strides = array<i32>} : memref<1024xi32, #tpu.memory_space<vmem>>, vector<16xi32>,
    %gather3A_772 = tpu.vector_load_idx %arg12[%gather3A_769] : memref<8192xf32, #tpu.memory_space<vmem>>[vector<16xi32>], vector<16xf32>,
    %swap3A_773 = arith.constant 480 : index
    %swap3A_774 = tpu.vector_load %arg9[%swap3A_773] {strides = array<i32>} : memref<1024xf32, #tpu.memory_space<vmem>>, vector<16xf32>,
    tpu.vector_store %arg9[%swap3A_773], %gather3A_772 {strides = array<i32>} : memref<1024xf32, #tpu.memory_space<vmem>>, vector<16xf32>,
    %broadcast_in_dim3A_775 = arith.constant 961 : i32
    %broadcast_in_dim3A_776 = vector.broadcast %broadcast_in_dim3A_775 : i32 to vector<16xi32>
    %mul3A_777 = arith.constant 4 : i32
    %mul3A_778 = vector.broadcast %mul3A_777 : i32 to vector<16xi32>
    %mul3A_779 = arith.muli %iota3A, %mul3A_778 : vector<16xi32>
    %add3A_780 = arith.addi %broadcast_in_dim3A_776, %mul3A_779 : vector<16xi32>
    %gather3A_781 = tpu.vector_load_idx %arg7[%add3A_780] : memref<1024xi32, #tpu.memory_space<vmem>>[vector<16xi32>], vector<16xi32>,
    %swap3A_782 = arith.constant 496 : index
    %swap3A_783 = tpu.vector_load %arg8[%swap3A_782] {strides = array<i32>} : memref<1024xi32, #tpu.memory_space<vmem>>, vector<16xi32>,
    tpu.vector_store %arg8[%swap3A_782], %gather3A_781 {strides = array<i32>} : memref<1024xi32, #tpu.memory_space<vmem>>, vector<16xi32>,
    %gather3A_784 = tpu.vector_load_idx %arg12[%gather3A_781] : memref<8192xf32, #tpu.memory_space<vmem>>[vector<16xi32>], vector<16xf32>,
    %swap3A_785 = arith.constant 496 : index
    %swap3A_786 = tpu.vector_load %arg9[%swap3A_785] {strides = array<i32>} : memref<1024xf32, #tpu.memory_space<vmem>>, vector<16xf32>,
    tpu.vector_store %arg9[%swap3A_785], %gather3A_784 {strides = array<i32>} : memref<1024xf32, #tpu.memory_space<vmem>>, vector<16xf32>,
    %broadcast_in_dim3A_787 = arith.constant 2 : i32
    %broadcast_in_dim3A_788 = vector.broadcast %broadcast_in_dim3A_787 : i32 to vector<16xi32>
    %mul3A_789 = arith.constant 4 : i32
    %mul3A_790 = vector.broadcast %mul3A_789 : i32 to vector<16xi32>
    %mul3A_791 = arith.muli %iota3A, %mul3A_790 : vector<16xi32>
    %add3A_792 = arith.addi %broadcast_in_dim3A_788, %mul3A_791 : vector<16xi32>
    %gather3A_793 = tpu.vector_load_idx %arg7[%add3A_792] : memref<1024xi32, #tpu.memory_space<vmem>>[vector<16xi32>], vector<16xi32>,
    %swap3A_794 = arith.constant 512 : index
    %swap3A_795 = tpu.vector_load %arg8[%swap3A_794] {strides = array<i32>} : memref<1024xi32, #tpu.memory_space<vmem>>, vector<16xi32>,
    tpu.vector_store %arg8[%swap3A_794], %gather3A_793 {strides = array<i32>} : memref<1024xi32, #tpu.memory_space<vmem>>, vector<16xi32>,
    %gather3A_796 = tpu.vector_load_idx %arg12[%gather3A_793] : memref<8192xf32, #tpu.memory_space<vmem>>[vector<16xi32>], vector<16xf32>,
    %swap3A_797 = arith.constant 512 : index
    %swap3A_798 = tpu.vector_load %arg9[%swap3A_797] {strides = array<i32>} : memref<1024xf32, #tpu.memory_space<vmem>>, vector<16xf32>,
    tpu.vector_store %arg9[%swap3A_797], %gather3A_796 {strides = array<i32>} : memref<1024xf32, #tpu.memory_space<vmem>>, vector<16xf32>,
    %broadcast_in_dim3A_799 = arith.constant 66 : i32
    %broadcast_in_dim3A_800 = vector.broadcast %broadcast_in_dim3A_799 : i32 to vector<16xi32>
    %mul3A_801 = arith.constant 4 : i32
    %mul3A_802 = vector.broadcast %mul3A_801 : i32 to vector<16xi32>
    %mul3A_803 = arith.muli %iota3A, %mul3A_802 : vector<16xi32>
    %add3A_804 = arith.addi %broadcast_in_dim3A_800, %mul3A_803 : vector<16xi32>
    %gather3A_805 = tpu.vector_load_idx %arg7[%add3A_804] : memref<1024xi32, #tpu.memory_space<vmem>>[vector<16xi32>], vector<16xi32>,
    %swap3A_806 = arith.constant 528 : index
    %swap3A_807 = tpu.vector_load %arg8[%swap3A_806] {strides = array<i32>} : memref<1024xi32, #tpu.memory_space<vmem>>, vector<16xi32>,
    tpu.vector_store %arg8[%swap3A_806], %gather3A_805 {strides = array<i32>} : memref<1024xi32, #tpu.memory_space<vmem>>, vector<16xi32>,
    %gather3A_808 = tpu.vector_load_idx %arg12[%gather3A_805] : memref<8192xf32, #tpu.memory_space<vmem>>[vector<16xi32>], vector<16xf32>,
    %swap3A_809 = arith.constant 528 : index
    %swap3A_810 = tpu.vector_load %arg9[%swap3A_809] {strides = array<i32>} : memref<1024xf32, #tpu.memory_space<vmem>>, vector<16xf32>,
    tpu.vector_store %arg9[%swap3A_809], %gather3A_808 {strides = array<i32>} : memref<1024xf32, #tpu.memory_space<vmem>>, vector<16xf32>,
    %broadcast_in_dim3A_811 = arith.constant 130 : i32
    %broadcast_in_dim3A_812 = vector.broadcast %broadcast_in_dim3A_811 : i32 to vector<16xi32>
    %mul3A_813 = arith.constant 4 : i32
    %mul3A_814 = vector.broadcast %mul3A_813 : i32 to vector<16xi32>
    %mul3A_815 = arith.muli %iota3A, %mul3A_814 : vector<16xi32>
    %add3A_816 = arith.addi %broadcast_in_dim3A_812, %mul3A_815 : vector<16xi32>
    %gather3A_817 = tpu.vector_load_idx %arg7[%add3A_816] : memref<1024xi32, #tpu.memory_space<vmem>>[vector<16xi32>], vector<16xi32>,
    %swap3A_818 = arith.constant 544 : index
    %swap3A_819 = tpu.vector_load %arg8[%swap3A_818] {strides = array<i32>} : memref<1024xi32, #tpu.memory_space<vmem>>, vector<16xi32>,
    tpu.vector_store %arg8[%swap3A_818], %gather3A_817 {strides = array<i32>} : memref<1024xi32, #tpu.memory_space<vmem>>, vector<16xi32>,
    %gather3A_820 = tpu.vector_load_idx %arg12[%gather3A_817] : memref<8192xf32, #tpu.memory_space<vmem>>[vector<16xi32>], vector<16xf32>,
    %swap3A_821 = arith.constant 544 : index
    %swap3A_822 = tpu.vector_load %arg9[%swap3A_821] {strides = array<i32>} : memref<1024xf32, #tpu.memory_space<vmem>>, vector<16xf32>,
    tpu.vector_store %arg9[%swap3A_821], %gather3A_820 {strides = array<i32>} : memref<1024xf32, #tpu.memory_space<vmem>>, vector<16xf32>,
    %broadcast_in_dim3A_823 = arith.constant 194 : i32
    %broadcast_in_dim3A_824 = vector.broadcast %broadcast_in_dim3A_823 : i32 to vector<16xi32>
    %mul3A_825 = arith.constant 4 : i32
    %mul3A_826 = vector.broadcast %mul3A_825 : i32 to vector<16xi32>
    %mul3A_827 = arith.muli %iota3A, %mul3A_826 : vector<16xi32>
    %add3A_828 = arith.addi %broadcast_in_dim3A_824, %mul3A_827 : vector<16xi32>
    %gather3A_829 = tpu.vector_load_idx %arg7[%add3A_828] : memref<1024xi32, #tpu.memory_space<vmem>>[vector<16xi32>], vector<16xi32>,
    %swap3A_830 = arith.constant 560 : index
    %swap3A_831 = tpu.vector_load %arg8[%swap3A_830] {strides = array<i32>} : memref<1024xi32, #tpu.memory_space<vmem>>, vector<16xi32>,
    tpu.vector_store %arg8[%swap3A_830], %gather3A_829 {strides = array<i32>} : memref<1024xi32, #tpu.memory_space<vmem>>, vector<16xi32>,
    %gather3A_832 = tpu.vector_load_idx %arg12[%gather3A_829] : memref<8192xf32, #tpu.memory_space<vmem>>[vector<16xi32>], vector<16xf32>,
    %swap3A_833 = arith.constant 560 : index
    %swap3A_834 = tpu.vector_load %arg9[%swap3A_833] {strides = array<i32>} : memref<1024xf32, #tpu.memory_space<vmem>>, vector<16xf32>,
    tpu.vector_store %arg9[%swap3A_833], %gather3A_832 {strides = array<i32>} : memref<1024xf32, #tpu.memory_space<vmem>>, vector<16xf32>,
    %broadcast_in_dim3A_835 = arith.constant 258 : i32
    %broadcast_in_dim3A_836 = vector.broadcast %broadcast_in_dim3A_835 : i32 to vector<16xi32>
    %mul3A_837 = arith.constant 4 : i32
    %mul3A_838 = vector.broadcast %mul3A_837 : i32 to vector<16xi32>
    %mul3A_839 = arith.muli %iota3A, %mul3A_838 : vector<16xi32>
    %add3A_840 = arith.addi %broadcast_in_dim3A_836, %mul3A_839 : vector<16xi32>
    %gather3A_841 = tpu.vector_load_idx %arg7[%add3A_840] : memref<1024xi32, #tpu.memory_space<vmem>>[vector<16xi32>], vector<16xi32>,
    %swap3A_842 = arith.constant 576 : index
    %swap3A_843 = tpu.vector_load %arg8[%swap3A_842] {strides = array<i32>} : memref<1024xi32, #tpu.memory_space<vmem>>, vector<16xi32>,
    tpu.vector_store %arg8[%swap3A_842], %gather3A_841 {strides = array<i32>} : memref<1024xi32, #tpu.memory_space<vmem>>, vector<16xi32>,
    %gather3A_844 = tpu.vector_load_idx %arg12[%gather3A_841] : memref<8192xf32, #tpu.memory_space<vmem>>[vector<16xi32>], vector<16xf32>,
    %swap3A_845 = arith.constant 576 : index
    %swap3A_846 = tpu.vector_load %arg9[%swap3A_845] {strides = array<i32>} : memref<1024xf32, #tpu.memory_space<vmem>>, vector<16xf32>,
    tpu.vector_store %arg9[%swap3A_845], %gather3A_844 {strides = array<i32>} : memref<1024xf32, #tpu.memory_space<vmem>>, vector<16xf32>,
    %broadcast_in_dim3A_847 = arith.constant 322 : i32
    %broadcast_in_dim3A_848 = vector.broadcast %broadcast_in_dim3A_847 : i32 to vector<16xi32>
    %mul3A_849 = arith.constant 4 : i32
    %mul3A_850 = vector.broadcast %mul3A_849 : i32 to vector<16xi32>
    %mul3A_851 = arith.muli %iota3A, %mul3A_850 : vector<16xi32>
    %add3A_852 = arith.addi %broadcast_in_dim3A_848, %mul3A_851 : vector<16xi32>
    %gather3A_853 = tpu.vector_load_idx %arg7[%add3A_852] : memref<1024xi32, #tpu.memory_space<vmem>>[vector<16xi32>], vector<16xi32>,
    %swap3A_854 = arith.constant 592 : index
    %swap3A_855 = tpu.vector_load %arg8[%swap3A_854] {strides = array<i32>} : memref<1024xi32, #tpu.memory_space<vmem>>, vector<16xi32>,
    tpu.vector_store %arg8[%swap3A_854], %gather3A_853 {strides = array<i32>} : memref<1024xi32, #tpu.memory_space<vmem>>, vector<16xi32>,
    %gather3A_856 = tpu.vector_load_idx %arg12[%gather3A_853] : memref<8192xf32, #tpu.memory_space<vmem>>[vector<16xi32>], vector<16xf32>,
    %swap3A_857 = arith.constant 592 : index
    %swap3A_858 = tpu.vector_load %arg9[%swap3A_857] {strides = array<i32>} : memref<1024xf32, #tpu.memory_space<vmem>>, vector<16xf32>,
    tpu.vector_store %arg9[%swap3A_857], %gather3A_856 {strides = array<i32>} : memref<1024xf32, #tpu.memory_space<vmem>>, vector<16xf32>,
    %broadcast_in_dim3A_859 = arith.constant 386 : i32
    %broadcast_in_dim3A_860 = vector.broadcast %broadcast_in_dim3A_859 : i32 to vector<16xi32>
    %mul3A_861 = arith.constant 4 : i32
    %mul3A_862 = vector.broadcast %mul3A_861 : i32 to vector<16xi32>
    %mul3A_863 = arith.muli %iota3A, %mul3A_862 : vector<16xi32>
    %add3A_864 = arith.addi %broadcast_in_dim3A_860, %mul3A_863 : vector<16xi32>
    %gather3A_865 = tpu.vector_load_idx %arg7[%add3A_864] : memref<1024xi32, #tpu.memory_space<vmem>>[vector<16xi32>], vector<16xi32>,
    %swap3A_866 = arith.constant 608 : index
    %swap3A_867 = tpu.vector_load %arg8[%swap3A_866] {strides = array<i32>} : memref<1024xi32, #tpu.memory_space<vmem>>, vector<16xi32>,
    tpu.vector_store %arg8[%swap3A_866], %gather3A_865 {strides = array<i32>} : memref<1024xi32, #tpu.memory_space<vmem>>, vector<16xi32>,
    %gather3A_868 = tpu.vector_load_idx %arg12[%gather3A_865] : memref<8192xf32, #tpu.memory_space<vmem>>[vector<16xi32>], vector<16xf32>,
    %swap3A_869 = arith.constant 608 : index
    %swap3A_870 = tpu.vector_load %arg9[%swap3A_869] {strides = array<i32>} : memref<1024xf32, #tpu.memory_space<vmem>>, vector<16xf32>,
    tpu.vector_store %arg9[%swap3A_869], %gather3A_868 {strides = array<i32>} : memref<1024xf32, #tpu.memory_space<vmem>>, vector<16xf32>,
    %broadcast_in_dim3A_871 = arith.constant 450 : i32
    %broadcast_in_dim3A_872 = vector.broadcast %broadcast_in_dim3A_871 : i32 to vector<16xi32>
    %mul3A_873 = arith.constant 4 : i32
    %mul3A_874 = vector.broadcast %mul3A_873 : i32 to vector<16xi32>
    %mul3A_875 = arith.muli %iota3A, %mul3A_874 : vector<16xi32>
    %add3A_876 = arith.addi %broadcast_in_dim3A_872, %mul3A_875 : vector<16xi32>
    %gather3A_877 = tpu.vector_load_idx %arg7[%add3A_876] : memref<1024xi32, #tpu.memory_space<vmem>>[vector<16xi32>], vector<16xi32>,
    %swap3A_878 = arith.constant 624 : index
    %swap3A_879 = tpu.vector_load %arg8[%swap3A_878] {strides = array<i32>} : memref<1024xi32, #tpu.memory_space<vmem>>, vector<16xi32>,
    tpu.vector_store %arg8[%swap3A_878], %gather3A_877 {strides = array<i32>} : memref<1024xi32, #tpu.memory_space<vmem>>, vector<16xi32>,
    %gather3A_880 = tpu.vector_load_idx %arg12[%gather3A_877] : memref<8192xf32, #tpu.memory_space<vmem>>[vector<16xi32>], vector<16xf32>,
    %swap3A_881 = arith.constant 624 : index
    %swap3A_882 = tpu.vector_load %arg9[%swap3A_881] {strides = array<i32>} : memref<1024xf32, #tpu.memory_space<vmem>>, vector<16xf32>,
    tpu.vector_store %arg9[%swap3A_881], %gather3A_880 {strides = array<i32>} : memref<1024xf32, #tpu.memory_space<vmem>>, vector<16xf32>,
    %broadcast_in_dim3A_883 = arith.constant 514 : i32
    %broadcast_in_dim3A_884 = vector.broadcast %broadcast_in_dim3A_883 : i32 to vector<16xi32>
    %mul3A_885 = arith.constant 4 : i32
    %mul3A_886 = vector.broadcast %mul3A_885 : i32 to vector<16xi32>
    %mul3A_887 = arith.muli %iota3A, %mul3A_886 : vector<16xi32>
    %add3A_888 = arith.addi %broadcast_in_dim3A_884, %mul3A_887 : vector<16xi32>
    %gather3A_889 = tpu.vector_load_idx %arg7[%add3A_888] : memref<1024xi32, #tpu.memory_space<vmem>>[vector<16xi32>], vector<16xi32>,
    %swap3A_890 = arith.constant 640 : index
    %swap3A_891 = tpu.vector_load %arg8[%swap3A_890] {strides = array<i32>} : memref<1024xi32, #tpu.memory_space<vmem>>, vector<16xi32>,
    tpu.vector_store %arg8[%swap3A_890], %gather3A_889 {strides = array<i32>} : memref<1024xi32, #tpu.memory_space<vmem>>, vector<16xi32>,
    %gather3A_892 = tpu.vector_load_idx %arg12[%gather3A_889] : memref<8192xf32, #tpu.memory_space<vmem>>[vector<16xi32>], vector<16xf32>,
    %swap3A_893 = arith.constant 640 : index
    %swap3A_894 = tpu.vector_load %arg9[%swap3A_893] {strides = array<i32>} : memref<1024xf32, #tpu.memory_space<vmem>>, vector<16xf32>,
    tpu.vector_store %arg9[%swap3A_893], %gather3A_892 {strides = array<i32>} : memref<1024xf32, #tpu.memory_space<vmem>>, vector<16xf32>,
    %broadcast_in_dim3A_895 = arith.constant 578 : i32
    %broadcast_in_dim3A_896 = vector.broadcast %broadcast_in_dim3A_895 : i32 to vector<16xi32>
    %mul3A_897 = arith.constant 4 : i32
    %mul3A_898 = vector.broadcast %mul3A_897 : i32 to vector<16xi32>
    %mul3A_899 = arith.muli %iota3A, %mul3A_898 : vector<16xi32>
    %add3A_900 = arith.addi %broadcast_in_dim3A_896, %mul3A_899 : vector<16xi32>
    %gather3A_901 = tpu.vector_load_idx %arg7[%add3A_900] : memref<1024xi32, #tpu.memory_space<vmem>>[vector<16xi32>], vector<16xi32>,
    %swap3A_902 = arith.constant 656 : index
    %swap3A_903 = tpu.vector_load %arg8[%swap3A_902] {strides = array<i32>} : memref<1024xi32, #tpu.memory_space<vmem>>, vector<16xi32>,
    tpu.vector_store %arg8[%swap3A_902], %gather3A_901 {strides = array<i32>} : memref<1024xi32, #tpu.memory_space<vmem>>, vector<16xi32>,
    %gather3A_904 = tpu.vector_load_idx %arg12[%gather3A_901] : memref<8192xf32, #tpu.memory_space<vmem>>[vector<16xi32>], vector<16xf32>,
    %swap3A_905 = arith.constant 656 : index
    %swap3A_906 = tpu.vector_load %arg9[%swap3A_905] {strides = array<i32>} : memref<1024xf32, #tpu.memory_space<vmem>>, vector<16xf32>,
    tpu.vector_store %arg9[%swap3A_905], %gather3A_904 {strides = array<i32>} : memref<1024xf32, #tpu.memory_space<vmem>>, vector<16xf32>,
    %broadcast_in_dim3A_907 = arith.constant 642 : i32
    %broadcast_in_dim3A_908 = vector.broadcast %broadcast_in_dim3A_907 : i32 to vector<16xi32>
    %mul3A_909 = arith.constant 4 : i32
    %mul3A_910 = vector.broadcast %mul3A_909 : i32 to vector<16xi32>
    %mul3A_911 = arith.muli %iota3A, %mul3A_910 : vector<16xi32>
    %add3A_912 = arith.addi %broadcast_in_dim3A_908, %mul3A_911 : vector<16xi32>
    %gather3A_913 = tpu.vector_load_idx %arg7[%add3A_912] : memref<1024xi32, #tpu.memory_space<vmem>>[vector<16xi32>], vector<16xi32>,
    %swap3A_914 = arith.constant 672 : index
    %swap3A_915 = tpu.vector_load %arg8[%swap3A_914] {strides = array<i32>} : memref<1024xi32, #tpu.memory_space<vmem>>, vector<16xi32>,
    tpu.vector_store %arg8[%swap3A_914], %gather3A_913 {strides = array<i32>} : memref<1024xi32, #tpu.memory_space<vmem>>, vector<16xi32>,
    %gather3A_916 = tpu.vector_load_idx %arg12[%gather3A_913] : memref<8192xf32, #tpu.memory_space<vmem>>[vector<16xi32>], vector<16xf32>,
    %swap3A_917 = arith.constant 672 : index
    %swap3A_918 = tpu.vector_load %arg9[%swap3A_917] {strides = array<i32>} : memref<1024xf32, #tpu.memory_space<vmem>>, vector<16xf32>,
    tpu.vector_store %arg9[%swap3A_917], %gather3A_916 {strides = array<i32>} : memref<1024xf32, #tpu.memory_space<vmem>>, vector<16xf32>,
    %broadcast_in_dim3A_919 = arith.constant 706 : i32
    %broadcast_in_dim3A_920 = vector.broadcast %broadcast_in_dim3A_919 : i32 to vector<16xi32>
    %mul3A_921 = arith.constant 4 : i32
    %mul3A_922 = vector.broadcast %mul3A_921 : i32 to vector<16xi32>
    %mul3A_923 = arith.muli %iota3A, %mul3A_922 : vector<16xi32>
    %add3A_924 = arith.addi %broadcast_in_dim3A_920, %mul3A_923 : vector<16xi32>
    %gather3A_925 = tpu.vector_load_idx %arg7[%add3A_924] : memref<1024xi32, #tpu.memory_space<vmem>>[vector<16xi32>], vector<16xi32>,
    %swap3A_926 = arith.constant 688 : index
    %swap3A_927 = tpu.vector_load %arg8[%swap3A_926] {strides = array<i32>} : memref<1024xi32, #tpu.memory_space<vmem>>, vector<16xi32>,
    tpu.vector_store %arg8[%swap3A_926], %gather3A_925 {strides = array<i32>} : memref<1024xi32, #tpu.memory_space<vmem>>, vector<16xi32>,
    %gather3A_928 = tpu.vector_load_idx %arg12[%gather3A_925] : memref<8192xf32, #tpu.memory_space<vmem>>[vector<16xi32>], vector<16xf32>,
    %swap3A_929 = arith.constant 688 : index
    %swap3A_930 = tpu.vector_load %arg9[%swap3A_929] {strides = array<i32>} : memref<1024xf32, #tpu.memory_space<vmem>>, vector<16xf32>,
    tpu.vector_store %arg9[%swap3A_929], %gather3A_928 {strides = array<i32>} : memref<1024xf32, #tpu.memory_space<vmem>>, vector<16xf32>,
    %broadcast_in_dim3A_931 = arith.constant 770 : i32
    %broadcast_in_dim3A_932 = vector.broadcast %broadcast_in_dim3A_931 : i32 to vector<16xi32>
    %mul3A_933 = arith.constant 4 : i32
    %mul3A_934 = vector.broadcast %mul3A_933 : i32 to vector<16xi32>
    %mul3A_935 = arith.muli %iota3A, %mul3A_934 : vector<16xi32>
    %add3A_936 = arith.addi %broadcast_in_dim3A_932, %mul3A_935 : vector<16xi32>
    %gather3A_937 = tpu.vector_load_idx %arg7[%add3A_936] : memref<1024xi32, #tpu.memory_space<vmem>>[vector<16xi32>], vector<16xi32>,
    %swap3A_938 = arith.constant 704 : index
    %swap3A_939 = tpu.vector_load %arg8[%swap3A_938] {strides = array<i32>} : memref<1024xi32, #tpu.memory_space<vmem>>, vector<16xi32>,
    tpu.vector_store %arg8[%swap3A_938], %gather3A_937 {strides = array<i32>} : memref<1024xi32, #tpu.memory_space<vmem>>, vector<16xi32>,
    %gather3A_940 = tpu.vector_load_idx %arg12[%gather3A_937] : memref<8192xf32, #tpu.memory_space<vmem>>[vector<16xi32>], vector<16xf32>,
    %swap3A_941 = arith.constant 704 : index
    %swap3A_942 = tpu.vector_load %arg9[%swap3A_941] {strides = array<i32>} : memref<1024xf32, #tpu.memory_space<vmem>>, vector<16xf32>,
    tpu.vector_store %arg9[%swap3A_941], %gather3A_940 {strides = array<i32>} : memref<1024xf32, #tpu.memory_space<vmem>>, vector<16xf32>,
    %broadcast_in_dim3A_943 = arith.constant 834 : i32
    %broadcast_in_dim3A_944 = vector.broadcast %broadcast_in_dim3A_943 : i32 to vector<16xi32>
    %mul3A_945 = arith.constant 4 : i32
    %mul3A_946 = vector.broadcast %mul3A_945 : i32 to vector<16xi32>
    %mul3A_947 = arith.muli %iota3A, %mul3A_946 : vector<16xi32>
    %add3A_948 = arith.addi %broadcast_in_dim3A_944, %mul3A_947 : vector<16xi32>
    %gather3A_949 = tpu.vector_load_idx %arg7[%add3A_948] : memref<1024xi32, #tpu.memory_space<vmem>>[vector<16xi32>], vector<16xi32>,
    %swap3A_950 = arith.constant 720 : index
    %swap3A_951 = tpu.vector_load %arg8[%swap3A_950] {strides = array<i32>} : memref<1024xi32, #tpu.memory_space<vmem>>, vector<16xi32>,
    tpu.vector_store %arg8[%swap3A_950], %gather3A_949 {strides = array<i32>} : memref<1024xi32, #tpu.memory_space<vmem>>, vector<16xi32>,
    %gather3A_952 = tpu.vector_load_idx %arg12[%gather3A_949] : memref<8192xf32, #tpu.memory_space<vmem>>[vector<16xi32>], vector<16xf32>,
    %swap3A_953 = arith.constant 720 : index
    %swap3A_954 = tpu.vector_load %arg9[%swap3A_953] {strides = array<i32>} : memref<1024xf32, #tpu.memory_space<vmem>>, vector<16xf32>,
    tpu.vector_store %arg9[%swap3A_953], %gather3A_952 {strides = array<i32>} : memref<1024xf32, #tpu.memory_space<vmem>>, vector<16xf32>,
    %broadcast_in_dim3A_955 = arith.constant 898 : i32
    %broadcast_in_dim3A_956 = vector.broadcast %broadcast_in_dim3A_955 : i32 to vector<16xi32>
    %mul3A_957 = arith.constant 4 : i32
    %mul3A_958 = vector.broadcast %mul3A_957 : i32 to vector<16xi32>
    %mul3A_959 = arith.muli %iota3A, %mul3A_958 : vector<16xi32>
    %add3A_960 = arith.addi %broadcast_in_dim3A_956, %mul3A_959 : vector<16xi32>
    %gather3A_961 = tpu.vector_load_idx %arg7[%add3A_960] : memref<1024xi32, #tpu.memory_space<vmem>>[vector<16xi32>], vector<16xi32>,
    %swap3A_962 = arith.constant 736 : index
    %swap3A_963 = tpu.vector_load %arg8[%swap3A_962] {strides = array<i32>} : memref<1024xi32, #tpu.memory_space<vmem>>, vector<16xi32>,
    tpu.vector_store %arg8[%swap3A_962], %gather3A_961 {strides = array<i32>} : memref<1024xi32, #tpu.memory_space<vmem>>, vector<16xi32>,
    %gather3A_964 = tpu.vector_load_idx %arg12[%gather3A_961] : memref<8192xf32, #tpu.memory_space<vmem>>[vector<16xi32>], vector<16xf32>,
    %swap3A_965 = arith.constant 736 : index
    %swap3A_966 = tpu.vector_load %arg9[%swap3A_965] {strides = array<i32>} : memref<1024xf32, #tpu.memory_space<vmem>>, vector<16xf32>,
    tpu.vector_store %arg9[%swap3A_965], %gather3A_964 {strides = array<i32>} : memref<1024xf32, #tpu.memory_space<vmem>>, vector<16xf32>,
    %broadcast_in_dim3A_967 = arith.constant 962 : i32
    %broadcast_in_dim3A_968 = vector.broadcast %broadcast_in_dim3A_967 : i32 to vector<16xi32>
    %mul3A_969 = arith.constant 4 : i32
    %mul3A_970 = vector.broadcast %mul3A_969 : i32 to vector<16xi32>
    %mul3A_971 = arith.muli %iota3A, %mul3A_970 : vector<16xi32>
    %add3A_972 = arith.addi %broadcast_in_dim3A_968, %mul3A_971 : vector<16xi32>
    %gather3A_973 = tpu.vector_load_idx %arg7[%add3A_972] : memref<1024xi32, #tpu.memory_space<vmem>>[vector<16xi32>], vector<16xi32>,
    %swap3A_974 = arith.constant 752 : index
    %swap3A_975 = tpu.vector_load %arg8[%swap3A_974] {strides = array<i32>} : memref<1024xi32, #tpu.memory_space<vmem>>, vector<16xi32>,
    tpu.vector_store %arg8[%swap3A_974], %gather3A_973 {strides = array<i32>} : memref<1024xi32, #tpu.memory_space<vmem>>, vector<16xi32>,
    %gather3A_976 = tpu.vector_load_idx %arg12[%gather3A_973] : memref<8192xf32, #tpu.memory_space<vmem>>[vector<16xi32>], vector<16xf32>,
    %swap3A_977 = arith.constant 752 : index
    %swap3A_978 = tpu.vector_load %arg9[%swap3A_977] {strides = array<i32>} : memref<1024xf32, #tpu.memory_space<vmem>>, vector<16xf32>,
    tpu.vector_store %arg9[%swap3A_977], %gather3A_976 {strides = array<i32>} : memref<1024xf32, #tpu.memory_space<vmem>>, vector<16xf32>,
    %broadcast_in_dim3A_979 = arith.constant 3 : i32
    %broadcast_in_dim3A_980 = vector.broadcast %broadcast_in_dim3A_979 : i32 to vector<16xi32>
    %mul3A_981 = arith.constant 4 : i32
    %mul3A_982 = vector.broadcast %mul3A_981 : i32 to vector<16xi32>
    %mul3A_983 = arith.muli %iota3A, %mul3A_982 : vector<16xi32>
    %add3A_984 = arith.addi %broadcast_in_dim3A_980, %mul3A_983 : vector<16xi32>
    %gather3A_985 = tpu.vector_load_idx %arg7[%add3A_984] : memref<1024xi32, #tpu.memory_space<vmem>>[vector<16xi32>], vector<16xi32>,
    %swap3A_986 = arith.constant 768 : index
    %swap3A_987 = tpu.vector_load %arg8[%swap3A_986] {strides = array<i32>} : memref<1024xi32, #tpu.memory_space<vmem>>, vector<16xi32>,
    tpu.vector_store %arg8[%swap3A_986], %gather3A_985 {strides = array<i32>} : memref<1024xi32, #tpu.memory_space<vmem>>, vector<16xi32>,
    %gather3A_988 = tpu.vector_load_idx %arg12[%gather3A_985] : memref<8192xf32, #tpu.memory_space<vmem>>[vector<16xi32>], vector<16xf32>,
    %swap3A_989 = arith.constant 768 : index
    %swap3A_990 = tpu.vector_load %arg9[%swap3A_989] {strides = array<i32>} : memref<1024xf32, #tpu.memory_space<vmem>>, vector<16xf32>,
    tpu.vector_store %arg9[%swap3A_989], %gather3A_988 {strides = array<i32>} : memref<1024xf32, #tpu.memory_space<vmem>>, vector<16xf32>,
    %broadcast_in_dim3A_991 = arith.constant 67 : i32
    %broadcast_in_dim3A_992 = vector.broadcast %broadcast_in_dim3A_991 : i32 to vector<16xi32>
    %mul3A_993 = arith.constant 4 : i32
    %mul3A_994 = vector.broadcast %mul3A_993 : i32 to vector<16xi32>
    %mul3A_995 = arith.muli %iota3A, %mul3A_994 : vector<16xi32>
    %add3A_996 = arith.addi %broadcast_in_dim3A_992, %mul3A_995 : vector<16xi32>
    %gather3A_997 = tpu.vector_load_idx %arg7[%add3A_996] : memref<1024xi32, #tpu.memory_space<vmem>>[vector<16xi32>], vector<16xi32>,
    %swap3A_998 = arith.constant 784 : index
    %swap3A_999 = tpu.vector_load %arg8[%swap3A_998] {strides = array<i32>} : memref<1024xi32, #tpu.memory_space<vmem>>, vector<16xi32>,
    tpu.vector_store %arg8[%swap3A_998], %gather3A_997 {strides = array<i32>} : memref<1024xi32, #tpu.memory_space<vmem>>, vector<16xi32>,
    %gather3A_1000 = tpu.vector_load_idx %arg12[%gather3A_997] : memref<8192xf32, #tpu.memory_space<vmem>>[vector<16xi32>], vector<16xf32>,
    %swap3A_1001 = arith.constant 784 : index
    %swap3A_1002 = tpu.vector_load %arg9[%swap3A_1001] {strides = array<i32>} : memref<1024xf32, #tpu.memory_space<vmem>>, vector<16xf32>,
    tpu.vector_store %arg9[%swap3A_1001], %gather3A_1000 {strides = array<i32>} : memref<1024xf32, #tpu.memory_space<vmem>>, vector<16xf32>,
    %broadcast_in_dim3A_1003 = arith.constant 131 : i32
    %broadcast_in_dim3A_1004 = vector.broadcast %broadcast_in_dim3A_1003 : i32 to vector<16xi32>
    %mul3A_1005 = arith.constant 4 : i32
    %mul3A_1006 = vector.broadcast %mul3A_1005 : i32 to vector<16xi32>
    %mul3A_1007 = arith.muli %iota3A, %mul3A_1006 : vector<16xi32>
    %add3A_1008 = arith.addi %broadcast_in_dim3A_1004, %mul3A_1007 : vector<16xi32>
    %gather3A_1009 = tpu.vector_load_idx %arg7[%add3A_1008] : memref<1024xi32, #tpu.memory_space<vmem>>[vector<16xi32>], vector<16xi32>,
    %swap3A_1010 = arith.constant 800 : index
    %swap3A_1011 = tpu.vector_load %arg8[%swap3A_1010] {strides = array<i32>} : memref<1024xi32, #tpu.memory_space<vmem>>, vector<16xi32>,
    tpu.vector_store %arg8[%swap3A_1010], %gather3A_1009 {strides = array<i32>} : memref<1024xi32, #tpu.memory_space<vmem>>, vector<16xi32>,
    %gather3A_1012 = tpu.vector_load_idx %arg12[%gather3A_1009] : memref<8192xf32, #tpu.memory_space<vmem>>[vector<16xi32>], vector<16xf32>,
    %swap3A_1013 = arith.constant 800 : index
    %swap3A_1014 = tpu.vector_load %arg9[%swap3A_1013] {strides = array<i32>} : memref<1024xf32, #tpu.memory_space<vmem>>, vector<16xf32>,
    tpu.vector_store %arg9[%swap3A_1013], %gather3A_1012 {strides = array<i32>} : memref<1024xf32, #tpu.memory_space<vmem>>, vector<16xf32>,
    %broadcast_in_dim3A_1015 = arith.constant 195 : i32
    %broadcast_in_dim3A_1016 = vector.broadcast %broadcast_in_dim3A_1015 : i32 to vector<16xi32>
    %mul3A_1017 = arith.constant 4 : i32
    %mul3A_1018 = vector.broadcast %mul3A_1017 : i32 to vector<16xi32>
    %mul3A_1019 = arith.muli %iota3A, %mul3A_1018 : vector<16xi32>
    %add3A_1020 = arith.addi %broadcast_in_dim3A_1016, %mul3A_1019 : vector<16xi32>
    %gather3A_1021 = tpu.vector_load_idx %arg7[%add3A_1020] : memref<1024xi32, #tpu.memory_space<vmem>>[vector<16xi32>], vector<16xi32>,
    %swap3A_1022 = arith.constant 816 : index
    %swap3A_1023 = tpu.vector_load %arg8[%swap3A_1022] {strides = array<i32>} : memref<1024xi32, #tpu.memory_space<vmem>>, vector<16xi32>,
    tpu.vector_store %arg8[%swap3A_1022], %gather3A_1021 {strides = array<i32>} : memref<1024xi32, #tpu.memory_space<vmem>>, vector<16xi32>,
    %gather3A_1024 = tpu.vector_load_idx %arg12[%gather3A_1021] : memref<8192xf32, #tpu.memory_space<vmem>>[vector<16xi32>], vector<16xf32>,
    %swap3A_1025 = arith.constant 816 : index
    %swap3A_1026 = tpu.vector_load %arg9[%swap3A_1025] {strides = array<i32>} : memref<1024xf32, #tpu.memory_space<vmem>>, vector<16xf32>,
    tpu.vector_store %arg9[%swap3A_1025], %gather3A_1024 {strides = array<i32>} : memref<1024xf32, #tpu.memory_space<vmem>>, vector<16xf32>,
    %broadcast_in_dim3A_1027 = arith.constant 259 : i32
    %broadcast_in_dim3A_1028 = vector.broadcast %broadcast_in_dim3A_1027 : i32 to vector<16xi32>
    %mul3A_1029 = arith.constant 4 : i32
    %mul3A_1030 = vector.broadcast %mul3A_1029 : i32 to vector<16xi32>
    %mul3A_1031 = arith.muli %iota3A, %mul3A_1030 : vector<16xi32>
    %add3A_1032 = arith.addi %broadcast_in_dim3A_1028, %mul3A_1031 : vector<16xi32>
    %gather3A_1033 = tpu.vector_load_idx %arg7[%add3A_1032] : memref<1024xi32, #tpu.memory_space<vmem>>[vector<16xi32>], vector<16xi32>,
    %swap3A_1034 = arith.constant 832 : index
    %swap3A_1035 = tpu.vector_load %arg8[%swap3A_1034] {strides = array<i32>} : memref<1024xi32, #tpu.memory_space<vmem>>, vector<16xi32>,
    tpu.vector_store %arg8[%swap3A_1034], %gather3A_1033 {strides = array<i32>} : memref<1024xi32, #tpu.memory_space<vmem>>, vector<16xi32>,
    %gather3A_1036 = tpu.vector_load_idx %arg12[%gather3A_1033] : memref<8192xf32, #tpu.memory_space<vmem>>[vector<16xi32>], vector<16xf32>,
    %swap3A_1037 = arith.constant 832 : index
    %swap3A_1038 = tpu.vector_load %arg9[%swap3A_1037] {strides = array<i32>} : memref<1024xf32, #tpu.memory_space<vmem>>, vector<16xf32>,
    tpu.vector_store %arg9[%swap3A_1037], %gather3A_1036 {strides = array<i32>} : memref<1024xf32, #tpu.memory_space<vmem>>, vector<16xf32>,
    %broadcast_in_dim3A_1039 = arith.constant 323 : i32
    %broadcast_in_dim3A_1040 = vector.broadcast %broadcast_in_dim3A_1039 : i32 to vector<16xi32>
    %mul3A_1041 = arith.constant 4 : i32
    %mul3A_1042 = vector.broadcast %mul3A_1041 : i32 to vector<16xi32>
    %mul3A_1043 = arith.muli %iota3A, %mul3A_1042 : vector<16xi32>
    %add3A_1044 = arith.addi %broadcast_in_dim3A_1040, %mul3A_1043 : vector<16xi32>
    %gather3A_1045 = tpu.vector_load_idx %arg7[%add3A_1044] : memref<1024xi32, #tpu.memory_space<vmem>>[vector<16xi32>], vector<16xi32>,
    %swap3A_1046 = arith.constant 848 : index
    %swap3A_1047 = tpu.vector_load %arg8[%swap3A_1046] {strides = array<i32>} : memref<1024xi32, #tpu.memory_space<vmem>>, vector<16xi32>,
    tpu.vector_store %arg8[%swap3A_1046], %gather3A_1045 {strides = array<i32>} : memref<1024xi32, #tpu.memory_space<vmem>>, vector<16xi32>,
    %gather3A_1048 = tpu.vector_load_idx %arg12[%gather3A_1045] : memref<8192xf32, #tpu.memory_space<vmem>>[vector<16xi32>], vector<16xf32>,
    %swap3A_1049 = arith.constant 848 : index
    %swap3A_1050 = tpu.vector_load %arg9[%swap3A_1049] {strides = array<i32>} : memref<1024xf32, #tpu.memory_space<vmem>>, vector<16xf32>,
    tpu.vector_store %arg9[%swap3A_1049], %gather3A_1048 {strides = array<i32>} : memref<1024xf32, #tpu.memory_space<vmem>>, vector<16xf32>,
    %broadcast_in_dim3A_1051 = arith.constant 387 : i32
    %broadcast_in_dim3A_1052 = vector.broadcast %broadcast_in_dim3A_1051 : i32 to vector<16xi32>
    %mul3A_1053 = arith.constant 4 : i32
    %mul3A_1054 = vector.broadcast %mul3A_1053 : i32 to vector<16xi32>
    %mul3A_1055 = arith.muli %iota3A, %mul3A_1054 : vector<16xi32>
    %add3A_1056 = arith.addi %broadcast_in_dim3A_1052, %mul3A_1055 : vector<16xi32>
    %gather3A_1057 = tpu.vector_load_idx %arg7[%add3A_1056] : memref<1024xi32, #tpu.memory_space<vmem>>[vector<16xi32>], vector<16xi32>,
    %swap3A_1058 = arith.constant 864 : index
    %swap3A_1059 = tpu.vector_load %arg8[%swap3A_1058] {strides = array<i32>} : memref<1024xi32, #tpu.memory_space<vmem>>, vector<16xi32>,
    tpu.vector_store %arg8[%swap3A_1058], %gather3A_1057 {strides = array<i32>} : memref<1024xi32, #tpu.memory_space<vmem>>, vector<16xi32>,
    %gather3A_1060 = tpu.vector_load_idx %arg12[%gather3A_1057] : memref<8192xf32, #tpu.memory_space<vmem>>[vector<16xi32>], vector<16xf32>,
    %swap3A_1061 = arith.constant 864 : index
    %swap3A_1062 = tpu.vector_load %arg9[%swap3A_1061] {strides = array<i32>} : memref<1024xf32, #tpu.memory_space<vmem>>, vector<16xf32>,
    tpu.vector_store %arg9[%swap3A_1061], %gather3A_1060 {strides = array<i32>} : memref<1024xf32, #tpu.memory_space<vmem>>, vector<16xf32>,
    %broadcast_in_dim3A_1063 = arith.constant 451 : i32
    %broadcast_in_dim3A_1064 = vector.broadcast %broadcast_in_dim3A_1063 : i32 to vector<16xi32>
    %mul3A_1065 = arith.constant 4 : i32
    %mul3A_1066 = vector.broadcast %mul3A_1065 : i32 to vector<16xi32>
    %mul3A_1067 = arith.muli %iota3A, %mul3A_1066 : vector<16xi32>
    %add3A_1068 = arith.addi %broadcast_in_dim3A_1064, %mul3A_1067 : vector<16xi32>
    %gather3A_1069 = tpu.vector_load_idx %arg7[%add3A_1068] : memref<1024xi32, #tpu.memory_space<vmem>>[vector<16xi32>], vector<16xi32>,
    %swap3A_1070 = arith.constant 880 : index
    %swap3A_1071 = tpu.vector_load %arg8[%swap3A_1070] {strides = array<i32>} : memref<1024xi32, #tpu.memory_space<vmem>>, vector<16xi32>,
    tpu.vector_store %arg8[%swap3A_1070], %gather3A_1069 {strides = array<i32>} : memref<1024xi32, #tpu.memory_space<vmem>>, vector<16xi32>,
    %gather3A_1072 = tpu.vector_load_idx %arg12[%gather3A_1069] : memref<8192xf32, #tpu.memory_space<vmem>>[vector<16xi32>], vector<16xf32>,
    %swap3A_1073 = arith.constant 880 : index
    %swap3A_1074 = tpu.vector_load %arg9[%swap3A_1073] {strides = array<i32>} : memref<1024xf32, #tpu.memory_space<vmem>>, vector<16xf32>,
    tpu.vector_store %arg9[%swap3A_1073], %gather3A_1072 {strides = array<i32>} : memref<1024xf32, #tpu.memory_space<vmem>>, vector<16xf32>,
    %broadcast_in_dim3A_1075 = arith.constant 515 : i32
    %broadcast_in_dim3A_1076 = vector.broadcast %broadcast_in_dim3A_1075 : i32 to vector<16xi32>
    %mul3A_1077 = arith.constant 4 : i32
    %mul3A_1078 = vector.broadcast %mul3A_1077 : i32 to vector<16xi32>
    %mul3A_1079 = arith.muli %iota3A, %mul3A_1078 : vector<16xi32>
    %add3A_1080 = arith.addi %broadcast_in_dim3A_1076, %mul3A_1079 : vector<16xi32>
    %gather3A_1081 = tpu.vector_load_idx %arg7[%add3A_1080] : memref<1024xi32, #tpu.memory_space<vmem>>[vector<16xi32>], vector<16xi32>,
    %swap3A_1082 = arith.constant 896 : index
    %swap3A_1083 = tpu.vector_load %arg8[%swap3A_1082] {strides = array<i32>} : memref<1024xi32, #tpu.memory_space<vmem>>, vector<16xi32>,
    tpu.vector_store %arg8[%swap3A_1082], %gather3A_1081 {strides = array<i32>} : memref<1024xi32, #tpu.memory_space<vmem>>, vector<16xi32>,
    %gather3A_1084 = tpu.vector_load_idx %arg12[%gather3A_1081] : memref<8192xf32, #tpu.memory_space<vmem>>[vector<16xi32>], vector<16xf32>,
    %swap3A_1085 = arith.constant 896 : index
    %swap3A_1086 = tpu.vector_load %arg9[%swap3A_1085] {strides = array<i32>} : memref<1024xf32, #tpu.memory_space<vmem>>, vector<16xf32>,
    tpu.vector_store %arg9[%swap3A_1085], %gather3A_1084 {strides = array<i32>} : memref<1024xf32, #tpu.memory_space<vmem>>, vector<16xf32>,
    %broadcast_in_dim3A_1087 = arith.constant 579 : i32
    %broadcast_in_dim3A_1088 = vector.broadcast %broadcast_in_dim3A_1087 : i32 to vector<16xi32>
    %mul3A_1089 = arith.constant 4 : i32
    %mul3A_1090 = vector.broadcast %mul3A_1089 : i32 to vector<16xi32>
    %mul3A_1091 = arith.muli %iota3A, %mul3A_1090 : vector<16xi32>
    %add3A_1092 = arith.addi %broadcast_in_dim3A_1088, %mul3A_1091 : vector<16xi32>
    %gather3A_1093 = tpu.vector_load_idx %arg7[%add3A_1092] : memref<1024xi32, #tpu.memory_space<vmem>>[vector<16xi32>], vector<16xi32>,
    %swap3A_1094 = arith.constant 912 : index
    %swap3A_1095 = tpu.vector_load %arg8[%swap3A_1094] {strides = array<i32>} : memref<1024xi32, #tpu.memory_space<vmem>>, vector<16xi32>,
    tpu.vector_store %arg8[%swap3A_1094], %gather3A_1093 {strides = array<i32>} : memref<1024xi32, #tpu.memory_space<vmem>>, vector<16xi32>,
    %gather3A_1096 = tpu.vector_load_idx %arg12[%gather3A_1093] : memref<8192xf32, #tpu.memory_space<vmem>>[vector<16xi32>], vector<16xf32>,
    %swap3A_1097 = arith.constant 912 : index
    %swap3A_1098 = tpu.vector_load %arg9[%swap3A_1097] {strides = array<i32>} : memref<1024xf32, #tpu.memory_space<vmem>>, vector<16xf32>,
    tpu.vector_store %arg9[%swap3A_1097], %gather3A_1096 {strides = array<i32>} : memref<1024xf32, #tpu.memory_space<vmem>>, vector<16xf32>,
    %broadcast_in_dim3A_1099 = arith.constant 643 : i32
    %broadcast_in_dim3A_1100 = vector.broadcast %broadcast_in_dim3A_1099 : i32 to vector<16xi32>
    %mul3A_1101 = arith.constant 4 : i32
    %mul3A_1102 = vector.broadcast %mul3A_1101 : i32 to vector<16xi32>
    %mul3A_1103 = arith.muli %iota3A, %mul3A_1102 : vector<16xi32>
    %add3A_1104 = arith.addi %broadcast_in_dim3A_1100, %mul3A_1103 : vector<16xi32>
    %gather3A_1105 = tpu.vector_load_idx %arg7[%add3A_1104] : memref<1024xi32, #tpu.memory_space<vmem>>[vector<16xi32>], vector<16xi32>,
    %swap3A_1106 = arith.constant 928 : index
    %swap3A_1107 = tpu.vector_load %arg8[%swap3A_1106] {strides = array<i32>} : memref<1024xi32, #tpu.memory_space<vmem>>, vector<16xi32>,
    tpu.vector_store %arg8[%swap3A_1106], %gather3A_1105 {strides = array<i32>} : memref<1024xi32, #tpu.memory_space<vmem>>, vector<16xi32>,
    %gather3A_1108 = tpu.vector_load_idx %arg12[%gather3A_1105] : memref<8192xf32, #tpu.memory_space<vmem>>[vector<16xi32>], vector<16xf32>,
    %swap3A_1109 = arith.constant 928 : index
    %swap3A_1110 = tpu.vector_load %arg9[%swap3A_1109] {strides = array<i32>} : memref<1024xf32, #tpu.memory_space<vmem>>, vector<16xf32>,
    tpu.vector_store %arg9[%swap3A_1109], %gather3A_1108 {strides = array<i32>} : memref<1024xf32, #tpu.memory_space<vmem>>, vector<16xf32>,
    %broadcast_in_dim3A_1111 = arith.constant 707 : i32
    %broadcast_in_dim3A_1112 = vector.broadcast %broadcast_in_dim3A_1111 : i32 to vector<16xi32>
    %mul3A_1113 = arith.constant 4 : i32
    %mul3A_1114 = vector.broadcast %mul3A_1113 : i32 to vector<16xi32>
    %mul3A_1115 = arith.muli %iota3A, %mul3A_1114 : vector<16xi32>
    %add3A_1116 = arith.addi %broadcast_in_dim3A_1112, %mul3A_1115 : vector<16xi32>
    %gather3A_1117 = tpu.vector_load_idx %arg7[%add3A_1116] : memref<1024xi32, #tpu.memory_space<vmem>>[vector<16xi32>], vector<16xi32>,
    %swap3A_1118 = arith.constant 944 : index
    %swap3A_1119 = tpu.vector_load %arg8[%swap3A_1118] {strides = array<i32>} : memref<1024xi32, #tpu.memory_space<vmem>>, vector<16xi32>,
    tpu.vector_store %arg8[%swap3A_1118], %gather3A_1117 {strides = array<i32>} : memref<1024xi32, #tpu.memory_space<vmem>>, vector<16xi32>,
    %gather3A_1120 = tpu.vector_load_idx %arg12[%gather3A_1117] : memref<8192xf32, #tpu.memory_space<vmem>>[vector<16xi32>], vector<16xf32>,
    %swap3A_1121 = arith.constant 944 : index
    %swap3A_1122 = tpu.vector_load %arg9[%swap3A_1121] {strides = array<i32>} : memref<1024xf32, #tpu.memory_space<vmem>>, vector<16xf32>,
    tpu.vector_store %arg9[%swap3A_1121], %gather3A_1120 {strides = array<i32>} : memref<1024xf32, #tpu.memory_space<vmem>>, vector<16xf32>,
    %broadcast_in_dim3A_1123 = arith.constant 771 : i32
    %broadcast_in_dim3A_1124 = vector.broadcast %broadcast_in_dim3A_1123 : i32 to vector<16xi32>
    %mul3A_1125 = arith.constant 4 : i32
    %mul3A_1126 = vector.broadcast %mul3A_1125 : i32 to vector<16xi32>
    %mul3A_1127 = arith.muli %iota3A, %mul3A_1126 : vector<16xi32>
    %add3A_1128 = arith.addi %broadcast_in_dim3A_1124, %mul3A_1127 : vector<16xi32>
    %gather3A_1129 = tpu.vector_load_idx %arg7[%add3A_1128] : memref<1024xi32, #tpu.memory_space<vmem>>[vector<16xi32>], vector<16xi32>,
    %swap3A_1130 = arith.constant 960 : index
    %swap3A_1131 = tpu.vector_load %arg8[%swap3A_1130] {strides = array<i32>} : memref<1024xi32, #tpu.memory_space<vmem>>, vector<16xi32>,
    tpu.vector_store %arg8[%swap3A_1130], %gather3A_1129 {strides = array<i32>} : memref<1024xi32, #tpu.memory_space<vmem>>, vector<16xi32>,
    %gather3A_1132 = tpu.vector_load_idx %arg12[%gather3A_1129] : memref<8192xf32, #tpu.memory_space<vmem>>[vector<16xi32>], vector<16xf32>,
    %swap3A_1133 = arith.constant 960 : index
    %swap3A_1134 = tpu.vector_load %arg9[%swap3A_1133] {strides = array<i32>} : memref<1024xf32, #tpu.memory_space<vmem>>, vector<16xf32>,
    tpu.vector_store %arg9[%swap3A_1133], %gather3A_1132 {strides = array<i32>} : memref<1024xf32, #tpu.memory_space<vmem>>, vector<16xf32>,
    %broadcast_in_dim3A_1135 = arith.constant 835 : i32
    %broadcast_in_dim3A_1136 = vector.broadcast %broadcast_in_dim3A_1135 : i32 to vector<16xi32>
    %mul3A_1137 = arith.constant 4 : i32
    %mul3A_1138 = vector.broadcast %mul3A_1137 : i32 to vector<16xi32>
    %mul3A_1139 = arith.muli %iota3A, %mul3A_1138 : vector<16xi32>
    %add3A_1140 = arith.addi %broadcast_in_dim3A_1136, %mul3A_1139 : vector<16xi32>
    %gather3A_1141 = tpu.vector_load_idx %arg7[%add3A_1140] : memref<1024xi32, #tpu.memory_space<vmem>>[vector<16xi32>], vector<16xi32>,
    %swap3A_1142 = arith.constant 976 : index
    %swap3A_1143 = tpu.vector_load %arg8[%swap3A_1142] {strides = array<i32>} : memref<1024xi32, #tpu.memory_space<vmem>>, vector<16xi32>,
    tpu.vector_store %arg8[%swap3A_1142], %gather3A_1141 {strides = array<i32>} : memref<1024xi32, #tpu.memory_space<vmem>>, vector<16xi32>,
    %gather3A_1144 = tpu.vector_load_idx %arg12[%gather3A_1141] : memref<8192xf32, #tpu.memory_space<vmem>>[vector<16xi32>], vector<16xf32>,
    %swap3A_1145 = arith.constant 976 : index
    %swap3A_1146 = tpu.vector_load %arg9[%swap3A_1145] {strides = array<i32>} : memref<1024xf32, #tpu.memory_space<vmem>>, vector<16xf32>,
    tpu.vector_store %arg9[%swap3A_1145], %gather3A_1144 {strides = array<i32>} : memref<1024xf32, #tpu.memory_space<vmem>>, vector<16xf32>,
    %broadcast_in_dim3A_1147 = arith.constant 899 : i32
    %broadcast_in_dim3A_1148 = vector.broadcast %broadcast_in_dim3A_1147 : i32 to vector<16xi32>
    %mul3A_1149 = arith.constant 4 : i32
    %mul3A_1150 = vector.broadcast %mul3A_1149 : i32 to vector<16xi32>
    %mul3A_1151 = arith.muli %iota3A, %mul3A_1150 : vector<16xi32>
    %add3A_1152 = arith.addi %broadcast_in_dim3A_1148, %mul3A_1151 : vector<16xi32>
    %gather3A_1153 = tpu.vector_load_idx %arg7[%add3A_1152] : memref<1024xi32, #tpu.memory_space<vmem>>[vector<16xi32>], vector<16xi32>,
    %swap3A_1154 = arith.constant 992 : index
    %swap3A_1155 = tpu.vector_load %arg8[%swap3A_1154] {strides = array<i32>} : memref<1024xi32, #tpu.memory_space<vmem>>, vector<16xi32>,
    tpu.vector_store %arg8[%swap3A_1154], %gather3A_1153 {strides = array<i32>} : memref<1024xi32, #tpu.memory_space<vmem>>, vector<16xi32>,
    %gather3A_1156 = tpu.vector_load_idx %arg12[%gather3A_1153] : memref<8192xf32, #tpu.memory_space<vmem>>[vector<16xi32>], vector<16xf32>,
    %swap3A_1157 = arith.constant 992 : index
    %swap3A_1158 = tpu.vector_load %arg9[%swap3A_1157] {strides = array<i32>} : memref<1024xf32, #tpu.memory_space<vmem>>, vector<16xf32>,
    tpu.vector_store %arg9[%swap3A_1157], %gather3A_1156 {strides = array<i32>} : memref<1024xf32, #tpu.memory_space<vmem>>, vector<16xf32>,
    %broadcast_in_dim3A_1159 = arith.constant 963 : i32
    %broadcast_in_dim3A_1160 = vector.broadcast %broadcast_in_dim3A_1159 : i32 to vector<16xi32>
    %mul3A_1161 = arith.constant 4 : i32
    %mul3A_1162 = vector.broadcast %mul3A_1161 : i32 to vector<16xi32>
    %mul3A_1163 = arith.muli %iota3A, %mul3A_1162 : vector<16xi32>
    %add3A_1164 = arith.addi %broadcast_in_dim3A_1160, %mul3A_1163 : vector<16xi32>
    %gather3A_1165 = tpu.vector_load_idx %arg7[%add3A_1164] : memref<1024xi32, #tpu.memory_space<vmem>>[vector<16xi32>], vector<16xi32>,
    %swap3A_1166 = arith.constant 1008 : index
    %swap3A_1167 = tpu.vector_load %arg8[%swap3A_1166] {strides = array<i32>} : memref<1024xi32, #tpu.memory_space<vmem>>, vector<16xi32>,
    tpu.vector_store %arg8[%swap3A_1166], %gather3A_1165 {strides = array<i32>} : memref<1024xi32, #tpu.memory_space<vmem>>, vector<16xi32>,
    %gather3A_1168 = tpu.vector_load_idx %arg12[%gather3A_1165] : memref<8192xf32, #tpu.memory_space<vmem>>[vector<16xi32>], vector<16xf32>,
    %swap3A_1169 = arith.constant 1008 : index
    %swap3A_1170 = tpu.vector_load %arg9[%swap3A_1169] {strides = array<i32>} : memref<1024xf32, #tpu.memory_space<vmem>>, vector<16xf32>,
    tpu.vector_store %arg9[%swap3A_1169], %gather3A_1168 {strides = array<i32>} : memref<1024xf32, #tpu.memory_space<vmem>>, vector<16xf32>,
    %dma_start3A = arith.constant 0 : i32
    %dma_start3A_1171 = arith.constant 0 : i32
    %dma_start3A_1172 = tpu.memref_slice %arg4[%dma_start3A, %dma_start3A_1171] : memref<8192x64xf32, #tpu.memory_space<hbm>> -> memref<8192x64xf32, #tpu.memory_space<hbm>>
    tpu.enqueue_indirect_dma source(%dma_start3A_1172 : memref<8192x64xf32, #tpu.memory_space<hbm>>) target(%arg11 : memref<1024x64xf32, #tpu.memory_space<vmem>>) offsets(%arg8 : memref<1024xi32, #tpu.memory_space<vmem>>) semaphore(%arg15 : memref<!tpu.dma_semaphore, #tpu.memory_space<semaphore_mem>>)
    %dma_wait3A = arith.constant 0 : i32
    %dma_wait3A_1173 = arith.constant 0 : i32
    %dma_wait3A_1174 = tpu.memref_slice %arg4[%dma_wait3A, %dma_wait3A_1173] : memref<8192x64xf32, #tpu.memory_space<hbm>> -> memref<8192x64xf32, #tpu.memory_space<hbm>>
    tpu.wait_indirect_dma semaphore(%arg15 : memref<!tpu.dma_semaphore, #tpu.memory_space<semaphore_mem>>) src(%dma_wait3A_1174 : memref<8192x64xf32, #tpu.memory_space<hbm>>) dst(%arg11 : memref<1024x64xf32, #tpu.memory_space<vmem>>)
    %get3A_1175 = arith.constant 0 : index
    %get3A_1176 = tpu.vector_load %arg9[%get3A_1175] {strides = array<i32>} : memref<1024xf32, #tpu.memory_space<vmem>>, vector<16xf32>,
    %get3A_1177 = arith.constant 256 : index
    %get3A_1178 = tpu.vector_load %arg9[%get3A_1177] {strides = array<i32>} : memref<1024xf32, #tpu.memory_space<vmem>>, vector<16xf32>,
    %get3A_1179 = arith.constant 512 : index
    %get3A_1180 = tpu.vector_load %arg9[%get3A_1179] {strides = array<i32>} : memref<1024xf32, #tpu.memory_space<vmem>>, vector<16xf32>,
    %get3A_1181 = arith.constant 768 : index
    %get3A_1182 = tpu.vector_load %arg9[%get3A_1181] {strides = array<i32>} : memref<1024xf32, #tpu.memory_space<vmem>>, vector<16xf32>,
    %max3A = arith.maximumf %get3A_1176, %get3A_1178 : vector<16xf32>
    %max3A_1183 = arith.maximumf %get3A_1180, %get3A_1182 : vector<16xf32>
    %max3A_1184 = arith.maximumf %max3A, %max3A_1183 : vector<16xf32>
    %sub3A_1185 = arith.subf %get3A_1176, %max3A_1184 : vector<16xf32>
    %exp3A = math.exp %sub3A_1185 : vector<16xf32>
    %sub3A_1186 = arith.subf %get3A_1178, %max3A_1184 : vector<16xf32>
    %exp3A_1187 = math.exp %sub3A_1186 : vector<16xf32>
    %sub3A_1188 = arith.subf %get3A_1180, %max3A_1184 : vector<16xf32>
    %exp3A_1189 = math.exp %sub3A_1188 : vector<16xf32>
    %sub3A_1190 = arith.subf %get3A_1182, %max3A_1184 : vector<16xf32>
    %exp3A_1191 = math.exp %sub3A_1190 : vector<16xf32>
    %add3A_1192 = arith.addf %exp3A, %exp3A_1187 : vector<16xf32>
    %add3A_1193 = arith.addf %add3A_1192, %exp3A_1189 : vector<16xf32>
    %add3A_1194 = arith.addf %add3A_1193, %exp3A_1191 : vector<16xf32>
    %div3A_1195 = arith.divf %exp3A, %add3A_1194 : vector<16xf32>
    %swap3A_1196 = arith.constant 0 : index
    %swap3A_1197 = tpu.vector_load %arg10[%swap3A_1196] {strides = array<i32>} : memref<1024xf32, #tpu.memory_space<vmem>>, vector<16xf32>,
    tpu.vector_store %arg10[%swap3A_1196], %div3A_1195 {strides = array<i32>} : memref<1024xf32, #tpu.memory_space<vmem>>, vector<16xf32>,
    %div3A_1198 = arith.divf %exp3A_1187, %add3A_1194 : vector<16xf32>
    %swap3A_1199 = arith.constant 256 : index
    %swap3A_1200 = tpu.vector_load %arg10[%swap3A_1199] {strides = array<i32>} : memref<1024xf32, #tpu.memory_space<vmem>>, vector<16xf32>,
    tpu.vector_store %arg10[%swap3A_1199], %div3A_1198 {strides = array<i32>} : memref<1024xf32, #tpu.memory_space<vmem>>, vector<16xf32>,
    %div3A_1201 = arith.divf %exp3A_1189, %add3A_1194 : vector<16xf32>
    %swap3A_1202 = arith.constant 512 : index
    %swap3A_1203 = tpu.vector_load %arg10[%swap3A_1202] {strides = array<i32>} : memref<1024xf32, #tpu.memory_space<vmem>>, vector<16xf32>,
    tpu.vector_store %arg10[%swap3A_1202], %div3A_1201 {strides = array<i32>} : memref<1024xf32, #tpu.memory_space<vmem>>, vector<16xf32>,
    %div3A_1204 = arith.divf %exp3A_1191, %add3A_1194 : vector<16xf32>
    %swap3A_1205 = arith.constant 768 : index
    %swap3A_1206 = tpu.vector_load %arg10[%swap3A_1205] {strides = array<i32>} : memref<1024xf32, #tpu.memory_space<vmem>>, vector<16xf32>,
    tpu.vector_store %arg10[%swap3A_1205], %div3A_1204 {strides = array<i32>} : memref<1024xf32, #tpu.memory_space<vmem>>, vector<16xf32>,
    %get3A_1207 = arith.constant 16 : index
    %get3A_1208 = tpu.vector_load %arg9[%get3A_1207] {strides = array<i32>} : memref<1024xf32, #tpu.memory_space<vmem>>, vector<16xf32>,
    %get3A_1209 = arith.constant 272 : index
    %get3A_1210 = tpu.vector_load %arg9[%get3A_1209] {strides = array<i32>} : memref<1024xf32, #tpu.memory_space<vmem>>, vector<16xf32>,
    %get3A_1211 = arith.constant 528 : index
    %get3A_1212 = tpu.vector_load %arg9[%get3A_1211] {strides = array<i32>} : memref<1024xf32, #tpu.memory_space<vmem>>, vector<16xf32>,
    %get3A_1213 = arith.constant 784 : index
    %get3A_1214 = tpu.vector_load %arg9[%get3A_1213] {strides = array<i32>} : memref<1024xf32, #tpu.memory_space<vmem>>, vector<16xf32>,
    %max3A_1215 = arith.maximumf %get3A_1208, %get3A_1210 : vector<16xf32>
    %max3A_1216 = arith.maximumf %get3A_1212, %get3A_1214 : vector<16xf32>
    %max3A_1217 = arith.maximumf %max3A_1215, %max3A_1216 : vector<16xf32>
    %sub3A_1218 = arith.subf %get3A_1208, %max3A_1217 : vector<16xf32>
    %exp3A_1219 = math.exp %sub3A_1218 : vector<16xf32>
    %sub3A_1220 = arith.subf %get3A_1210, %max3A_1217 : vector<16xf32>
    %exp3A_1221 = math.exp %sub3A_1220 : vector<16xf32>
    %sub3A_1222 = arith.subf %get3A_1212, %max3A_1217 : vector<16xf32>
    %exp3A_1223 = math.exp %sub3A_1222 : vector<16xf32>
    %sub3A_1224 = arith.subf %get3A_1214, %max3A_1217 : vector<16xf32>
    %exp3A_1225 = math.exp %sub3A_1224 : vector<16xf32>
    %add3A_1226 = arith.addf %exp3A_1219, %exp3A_1221 : vector<16xf32>
    %add3A_1227 = arith.addf %add3A_1226, %exp3A_1223 : vector<16xf32>
    %add3A_1228 = arith.addf %add3A_1227, %exp3A_1225 : vector<16xf32>
    %div3A_1229 = arith.divf %exp3A_1219, %add3A_1228 : vector<16xf32>
    %swap3A_1230 = arith.constant 16 : index
    %swap3A_1231 = tpu.vector_load %arg10[%swap3A_1230] {strides = array<i32>} : memref<1024xf32, #tpu.memory_space<vmem>>, vector<16xf32>,
    tpu.vector_store %arg10[%swap3A_1230], %div3A_1229 {strides = array<i32>} : memref<1024xf32, #tpu.memory_space<vmem>>, vector<16xf32>,
    %div3A_1232 = arith.divf %exp3A_1221, %add3A_1228 : vector<16xf32>
    %swap3A_1233 = arith.constant 272 : index
    %swap3A_1234 = tpu.vector_load %arg10[%swap3A_1233] {strides = array<i32>} : memref<1024xf32, #tpu.memory_space<vmem>>, vector<16xf32>,
    tpu.vector_store %arg10[%swap3A_1233], %div3A_1232 {strides = array<i32>} : memref<1024xf32, #tpu.memory_space<vmem>>, vector<16xf32>,
    %div3A_1235 = arith.divf %exp3A_1223, %add3A_1228 : vector<16xf32>
    %swap3A_1236 = arith.constant 528 : index
    %swap3A_1237 = tpu.vector_load %arg10[%swap3A_1236] {strides = array<i32>} : memref<1024xf32, #tpu.memory_space<vmem>>, vector<16xf32>,
    tpu.vector_store %arg10[%swap3A_1236], %div3A_1235 {strides = array<i32>} : memref<1024xf32, #tpu.memory_space<vmem>>, vector<16xf32>,
    %div3A_1238 = arith.divf %exp3A_1225, %add3A_1228 : vector<16xf32>
    %swap3A_1239 = arith.constant 784 : index
    %swap3A_1240 = tpu.vector_load %arg10[%swap3A_1239] {strides = array<i32>} : memref<1024xf32, #tpu.memory_space<vmem>>, vector<16xf32>,
    tpu.vector_store %arg10[%swap3A_1239], %div3A_1238 {strides = array<i32>} : memref<1024xf32, #tpu.memory_space<vmem>>, vector<16xf32>,
    %get3A_1241 = arith.constant 32 : index
    %get3A_1242 = tpu.vector_load %arg9[%get3A_1241] {strides = array<i32>} : memref<1024xf32, #tpu.memory_space<vmem>>, vector<16xf32>,
    %get3A_1243 = arith.constant 288 : index
    %get3A_1244 = tpu.vector_load %arg9[%get3A_1243] {strides = array<i32>} : memref<1024xf32, #tpu.memory_space<vmem>>, vector<16xf32>,
    %get3A_1245 = arith.constant 544 : index
    %get3A_1246 = tpu.vector_load %arg9[%get3A_1245] {strides = array<i32>} : memref<1024xf32, #tpu.memory_space<vmem>>, vector<16xf32>,
    %get3A_1247 = arith.constant 800 : index
    %get3A_1248 = tpu.vector_load %arg9[%get3A_1247] {strides = array<i32>} : memref<1024xf32, #tpu.memory_space<vmem>>, vector<16xf32>,
    %max3A_1249 = arith.maximumf %get3A_1242, %get3A_1244 : vector<16xf32>
    %max3A_1250 = arith.maximumf %get3A_1246, %get3A_1248 : vector<16xf32>
    %max3A_1251 = arith.maximumf %max3A_1249, %max3A_1250 : vector<16xf32>
    %sub3A_1252 = arith.subf %get3A_1242, %max3A_1251 : vector<16xf32>
    %exp3A_1253 = math.exp %sub3A_1252 : vector<16xf32>
    %sub3A_1254 = arith.subf %get3A_1244, %max3A_1251 : vector<16xf32>
    %exp3A_1255 = math.exp %sub3A_1254 : vector<16xf32>
    %sub3A_1256 = arith.subf %get3A_1246, %max3A_1251 : vector<16xf32>
    %exp3A_1257 = math.exp %sub3A_1256 : vector<16xf32>
    %sub3A_1258 = arith.subf %get3A_1248, %max3A_1251 : vector<16xf32>
    %exp3A_1259 = math.exp %sub3A_1258 : vector<16xf32>
    %add3A_1260 = arith.addf %exp3A_1253, %exp3A_1255 : vector<16xf32>
    %add3A_1261 = arith.addf %add3A_1260, %exp3A_1257 : vector<16xf32>
    %add3A_1262 = arith.addf %add3A_1261, %exp3A_1259 : vector<16xf32>
    %div3A_1263 = arith.divf %exp3A_1253, %add3A_1262 : vector<16xf32>
    %swap3A_1264 = arith.constant 32 : index
    %swap3A_1265 = tpu.vector_load %arg10[%swap3A_1264] {strides = array<i32>} : memref<1024xf32, #tpu.memory_space<vmem>>, vector<16xf32>,
    tpu.vector_store %arg10[%swap3A_1264], %div3A_1263 {strides = array<i32>} : memref<1024xf32, #tpu.memory_space<vmem>>, vector<16xf32>,
    %div3A_1266 = arith.divf %exp3A_1255, %add3A_1262 : vector<16xf32>
    %swap3A_1267 = arith.constant 288 : index
    %swap3A_1268 = tpu.vector_load %arg10[%swap3A_1267] {strides = array<i32>} : memref<1024xf32, #tpu.memory_space<vmem>>, vector<16xf32>,
    tpu.vector_store %arg10[%swap3A_1267], %div3A_1266 {strides = array<i32>} : memref<1024xf32, #tpu.memory_space<vmem>>, vector<16xf32>,
    %div3A_1269 = arith.divf %exp3A_1257, %add3A_1262 : vector<16xf32>
    %swap3A_1270 = arith.constant 544 : index
    %swap3A_1271 = tpu.vector_load %arg10[%swap3A_1270] {strides = array<i32>} : memref<1024xf32, #tpu.memory_space<vmem>>, vector<16xf32>,
    tpu.vector_store %arg10[%swap3A_1270], %div3A_1269 {strides = array<i32>} : memref<1024xf32, #tpu.memory_space<vmem>>, vector<16xf32>,
    %div3A_1272 = arith.divf %exp3A_1259, %add3A_1262 : vector<16xf32>
    %swap3A_1273 = arith.constant 800 : index
    %swap3A_1274 = tpu.vector_load %arg10[%swap3A_1273] {strides = array<i32>} : memref<1024xf32, #tpu.memory_space<vmem>>, vector<16xf32>,
    tpu.vector_store %arg10[%swap3A_1273], %div3A_1272 {strides = array<i32>} : memref<1024xf32, #tpu.memory_space<vmem>>, vector<16xf32>,
    %get3A_1275 = arith.constant 48 : index
    %get3A_1276 = tpu.vector_load %arg9[%get3A_1275] {strides = array<i32>} : memref<1024xf32, #tpu.memory_space<vmem>>, vector<16xf32>,
    %get3A_1277 = arith.constant 304 : index
    %get3A_1278 = tpu.vector_load %arg9[%get3A_1277] {strides = array<i32>} : memref<1024xf32, #tpu.memory_space<vmem>>, vector<16xf32>,
    %get3A_1279 = arith.constant 560 : index
    %get3A_1280 = tpu.vector_load %arg9[%get3A_1279] {strides = array<i32>} : memref<1024xf32, #tpu.memory_space<vmem>>, vector<16xf32>,
    %get3A_1281 = arith.constant 816 : index
    %get3A_1282 = tpu.vector_load %arg9[%get3A_1281] {strides = array<i32>} : memref<1024xf32, #tpu.memory_space<vmem>>, vector<16xf32>,
    %max3A_1283 = arith.maximumf %get3A_1276, %get3A_1278 : vector<16xf32>
    %max3A_1284 = arith.maximumf %get3A_1280, %get3A_1282 : vector<16xf32>
    %max3A_1285 = arith.maximumf %max3A_1283, %max3A_1284 : vector<16xf32>
    %sub3A_1286 = arith.subf %get3A_1276, %max3A_1285 : vector<16xf32>
    %exp3A_1287 = math.exp %sub3A_1286 : vector<16xf32>
    %sub3A_1288 = arith.subf %get3A_1278, %max3A_1285 : vector<16xf32>
    %exp3A_1289 = math.exp %sub3A_1288 : vector<16xf32>
    %sub3A_1290 = arith.subf %get3A_1280, %max3A_1285 : vector<16xf32>
    %exp3A_1291 = math.exp %sub3A_1290 : vector<16xf32>
    %sub3A_1292 = arith.subf %get3A_1282, %max3A_1285 : vector<16xf32>
    %exp3A_1293 = math.exp %sub3A_1292 : vector<16xf32>
    %add3A_1294 = arith.addf %exp3A_1287, %exp3A_1289 : vector<16xf32>
    %add3A_1295 = arith.addf %add3A_1294, %exp3A_1291 : vector<16xf32>
    %add3A_1296 = arith.addf %add3A_1295, %exp3A_1293 : vector<16xf32>
    %div3A_1297 = arith.divf %exp3A_1287, %add3A_1296 : vector<16xf32>
    %swap3A_1298 = arith.constant 48 : index
    %swap3A_1299 = tpu.vector_load %arg10[%swap3A_1298] {strides = array<i32>} : memref<1024xf32, #tpu.memory_space<vmem>>, vector<16xf32>,
    tpu.vector_store %arg10[%swap3A_1298], %div3A_1297 {strides = array<i32>} : memref<1024xf32, #tpu.memory_space<vmem>>, vector<16xf32>,
    %div3A_1300 = arith.divf %exp3A_1289, %add3A_1296 : vector<16xf32>
    %swap3A_1301 = arith.constant 304 : index
    %swap3A_1302 = tpu.vector_load %arg10[%swap3A_1301] {strides = array<i32>} : memref<1024xf32, #tpu.memory_space<vmem>>, vector<16xf32>,
    tpu.vector_store %arg10[%swap3A_1301], %div3A_1300 {strides = array<i32>} : memref<1024xf32, #tpu.memory_space<vmem>>, vector<16xf32>,
    %div3A_1303 = arith.divf %exp3A_1291, %add3A_1296 : vector<16xf32>
    %swap3A_1304 = arith.constant 560 : index
    %swap3A_1305 = tpu.vector_load %arg10[%swap3A_1304] {strides = array<i32>} : memref<1024xf32, #tpu.memory_space<vmem>>, vector<16xf32>,
    tpu.vector_store %arg10[%swap3A_1304], %div3A_1303 {strides = array<i32>} : memref<1024xf32, #tpu.memory_space<vmem>>, vector<16xf32>,
    %div3A_1306 = arith.divf %exp3A_1293, %add3A_1296 : vector<16xf32>
    %swap3A_1307 = arith.constant 816 : index
    %swap3A_1308 = tpu.vector_load %arg10[%swap3A_1307] {strides = array<i32>} : memref<1024xf32, #tpu.memory_space<vmem>>, vector<16xf32>,
    tpu.vector_store %arg10[%swap3A_1307], %div3A_1306 {strides = array<i32>} : memref<1024xf32, #tpu.memory_space<vmem>>, vector<16xf32>,
    %get3A_1309 = arith.constant 64 : index
    %get3A_1310 = tpu.vector_load %arg9[%get3A_1309] {strides = array<i32>} : memref<1024xf32, #tpu.memory_space<vmem>>, vector<16xf32>,
    %get3A_1311 = arith.constant 320 : index
    %get3A_1312 = tpu.vector_load %arg9[%get3A_1311] {strides = array<i32>} : memref<1024xf32, #tpu.memory_space<vmem>>, vector<16xf32>,
    %get3A_1313 = arith.constant 576 : index
    %get3A_1314 = tpu.vector_load %arg9[%get3A_1313] {strides = array<i32>} : memref<1024xf32, #tpu.memory_space<vmem>>, vector<16xf32>,
    %get3A_1315 = arith.constant 832 : index
    %get3A_1316 = tpu.vector_load %arg9[%get3A_1315] {strides = array<i32>} : memref<1024xf32, #tpu.memory_space<vmem>>, vector<16xf32>,
    %max3A_1317 = arith.maximumf %get3A_1310, %get3A_1312 : vector<16xf32>
    %max3A_1318 = arith.maximumf %get3A_1314, %get3A_1316 : vector<16xf32>
    %max3A_1319 = arith.maximumf %max3A_1317, %max3A_1318 : vector<16xf32>
    %sub3A_1320 = arith.subf %get3A_1310, %max3A_1319 : vector<16xf32>
    %exp3A_1321 = math.exp %sub3A_1320 : vector<16xf32>
    %sub3A_1322 = arith.subf %get3A_1312, %max3A_1319 : vector<16xf32>
    %exp3A_1323 = math.exp %sub3A_1322 : vector<16xf32>
    %sub3A_1324 = arith.subf %get3A_1314, %max3A_1319 : vector<16xf32>
    %exp3A_1325 = math.exp %sub3A_1324 : vector<16xf32>
    %sub3A_1326 = arith.subf %get3A_1316, %max3A_1319 : vector<16xf32>
    %exp3A_1327 = math.exp %sub3A_1326 : vector<16xf32>
    %add3A_1328 = arith.addf %exp3A_1321, %exp3A_1323 : vector<16xf32>
    %add3A_1329 = arith.addf %add3A_1328, %exp3A_1325 : vector<16xf32>
    %add3A_1330 = arith.addf %add3A_1329, %exp3A_1327 : vector<16xf32>
    %div3A_1331 = arith.divf %exp3A_1321, %add3A_1330 : vector<16xf32>
    %swap3A_1332 = arith.constant 64 : index
    %swap3A_1333 = tpu.vector_load %arg10[%swap3A_1332] {strides = array<i32>} : memref<1024xf32, #tpu.memory_space<vmem>>, vector<16xf32>,
    tpu.vector_store %arg10[%swap3A_1332], %div3A_1331 {strides = array<i32>} : memref<1024xf32, #tpu.memory_space<vmem>>, vector<16xf32>,
    %div3A_1334 = arith.divf %exp3A_1323, %add3A_1330 : vector<16xf32>
    %swap3A_1335 = arith.constant 320 : index
    %swap3A_1336 = tpu.vector_load %arg10[%swap3A_1335] {strides = array<i32>} : memref<1024xf32, #tpu.memory_space<vmem>>, vector<16xf32>,
    tpu.vector_store %arg10[%swap3A_1335], %div3A_1334 {strides = array<i32>} : memref<1024xf32, #tpu.memory_space<vmem>>, vector<16xf32>,
    %div3A_1337 = arith.divf %exp3A_1325, %add3A_1330 : vector<16xf32>
    %swap3A_1338 = arith.constant 576 : index
    %swap3A_1339 = tpu.vector_load %arg10[%swap3A_1338] {strides = array<i32>} : memref<1024xf32, #tpu.memory_space<vmem>>, vector<16xf32>,
    tpu.vector_store %arg10[%swap3A_1338], %div3A_1337 {strides = array<i32>} : memref<1024xf32, #tpu.memory_space<vmem>>, vector<16xf32>,
    %div3A_1340 = arith.divf %exp3A_1327, %add3A_1330 : vector<16xf32>
    %swap3A_1341 = arith.constant 832 : index
    %swap3A_1342 = tpu.vector_load %arg10[%swap3A_1341] {strides = array<i32>} : memref<1024xf32, #tpu.memory_space<vmem>>, vector<16xf32>,
    tpu.vector_store %arg10[%swap3A_1341], %div3A_1340 {strides = array<i32>} : memref<1024xf32, #tpu.memory_space<vmem>>, vector<16xf32>,
    %get3A_1343 = arith.constant 80 : index
    %get3A_1344 = tpu.vector_load %arg9[%get3A_1343] {strides = array<i32>} : memref<1024xf32, #tpu.memory_space<vmem>>, vector<16xf32>,
    %get3A_1345 = arith.constant 336 : index
    %get3A_1346 = tpu.vector_load %arg9[%get3A_1345] {strides = array<i32>} : memref<1024xf32, #tpu.memory_space<vmem>>, vector<16xf32>,
    %get3A_1347 = arith.constant 592 : index
    %get3A_1348 = tpu.vector_load %arg9[%get3A_1347] {strides = array<i32>} : memref<1024xf32, #tpu.memory_space<vmem>>, vector<16xf32>,
    %get3A_1349 = arith.constant 848 : index
    %get3A_1350 = tpu.vector_load %arg9[%get3A_1349] {strides = array<i32>} : memref<1024xf32, #tpu.memory_space<vmem>>, vector<16xf32>,
    %max3A_1351 = arith.maximumf %get3A_1344, %get3A_1346 : vector<16xf32>
    %max3A_1352 = arith.maximumf %get3A_1348, %get3A_1350 : vector<16xf32>
    %max3A_1353 = arith.maximumf %max3A_1351, %max3A_1352 : vector<16xf32>
    %sub3A_1354 = arith.subf %get3A_1344, %max3A_1353 : vector<16xf32>
    %exp3A_1355 = math.exp %sub3A_1354 : vector<16xf32>
    %sub3A_1356 = arith.subf %get3A_1346, %max3A_1353 : vector<16xf32>
    %exp3A_1357 = math.exp %sub3A_1356 : vector<16xf32>
    %sub3A_1358 = arith.subf %get3A_1348, %max3A_1353 : vector<16xf32>
    %exp3A_1359 = math.exp %sub3A_1358 : vector<16xf32>
    %sub3A_1360 = arith.subf %get3A_1350, %max3A_1353 : vector<16xf32>
    %exp3A_1361 = math.exp %sub3A_1360 : vector<16xf32>
    %add3A_1362 = arith.addf %exp3A_1355, %exp3A_1357 : vector<16xf32>
    %add3A_1363 = arith.addf %add3A_1362, %exp3A_1359 : vector<16xf32>
    %add3A_1364 = arith.addf %add3A_1363, %exp3A_1361 : vector<16xf32>
    %div3A_1365 = arith.divf %exp3A_1355, %add3A_1364 : vector<16xf32>
    %swap3A_1366 = arith.constant 80 : index
    %swap3A_1367 = tpu.vector_load %arg10[%swap3A_1366] {strides = array<i32>} : memref<1024xf32, #tpu.memory_space<vmem>>, vector<16xf32>,
    tpu.vector_store %arg10[%swap3A_1366], %div3A_1365 {strides = array<i32>} : memref<1024xf32, #tpu.memory_space<vmem>>, vector<16xf32>,
    %div3A_1368 = arith.divf %exp3A_1357, %add3A_1364 : vector<16xf32>
    %swap3A_1369 = arith.constant 336 : index
    %swap3A_1370 = tpu.vector_load %arg10[%swap3A_1369] {strides = array<i32>} : memref<1024xf32, #tpu.memory_space<vmem>>, vector<16xf32>,
    tpu.vector_store %arg10[%swap3A_1369], %div3A_1368 {strides = array<i32>} : memref<1024xf32, #tpu.memory_space<vmem>>, vector<16xf32>,
    %div3A_1371 = arith.divf %exp3A_1359, %add3A_1364 : vector<16xf32>
    %swap3A_1372 = arith.constant 592 : index
    %swap3A_1373 = tpu.vector_load %arg10[%swap3A_1372] {strides = array<i32>} : memref<1024xf32, #tpu.memory_space<vmem>>, vector<16xf32>,
    tpu.vector_store %arg10[%swap3A_1372], %div3A_1371 {strides = array<i32>} : memref<1024xf32, #tpu.memory_space<vmem>>, vector<16xf32>,
    %div3A_1374 = arith.divf %exp3A_1361, %add3A_1364 : vector<16xf32>
    %swap3A_1375 = arith.constant 848 : index
    %swap3A_1376 = tpu.vector_load %arg10[%swap3A_1375] {strides = array<i32>} : memref<1024xf32, #tpu.memory_space<vmem>>, vector<16xf32>,
    tpu.vector_store %arg10[%swap3A_1375], %div3A_1374 {strides = array<i32>} : memref<1024xf32, #tpu.memory_space<vmem>>, vector<16xf32>,
    %get3A_1377 = arith.constant 96 : index
    %get3A_1378 = tpu.vector_load %arg9[%get3A_1377] {strides = array<i32>} : memref<1024xf32, #tpu.memory_space<vmem>>, vector<16xf32>,
    %get3A_1379 = arith.constant 352 : index
    %get3A_1380 = tpu.vector_load %arg9[%get3A_1379] {strides = array<i32>} : memref<1024xf32, #tpu.memory_space<vmem>>, vector<16xf32>,
    %get3A_1381 = arith.constant 608 : index
    %get3A_1382 = tpu.vector_load %arg9[%get3A_1381] {strides = array<i32>} : memref<1024xf32, #tpu.memory_space<vmem>>, vector<16xf32>,
    %get3A_1383 = arith.constant 864 : index
    %get3A_1384 = tpu.vector_load %arg9[%get3A_1383] {strides = array<i32>} : memref<1024xf32, #tpu.memory_space<vmem>>, vector<16xf32>,
    %max3A_1385 = arith.maximumf %get3A_1378, %get3A_1380 : vector<16xf32>
    %max3A_1386 = arith.maximumf %get3A_1382, %get3A_1384 : vector<16xf32>
    %max3A_1387 = arith.maximumf %max3A_1385, %max3A_1386 : vector<16xf32>
    %sub3A_1388 = arith.subf %get3A_1378, %max3A_1387 : vector<16xf32>
    %exp3A_1389 = math.exp %sub3A_1388 : vector<16xf32>
    %sub3A_1390 = arith.subf %get3A_1380, %max3A_1387 : vector<16xf32>
    %exp3A_1391 = math.exp %sub3A_1390 : vector<16xf32>
    %sub3A_1392 = arith.subf %get3A_1382, %max3A_1387 : vector<16xf32>
    %exp3A_1393 = math.exp %sub3A_1392 : vector<16xf32>
    %sub3A_1394 = arith.subf %get3A_1384, %max3A_1387 : vector<16xf32>
    %exp3A_1395 = math.exp %sub3A_1394 : vector<16xf32>
    %add3A_1396 = arith.addf %exp3A_1389, %exp3A_1391 : vector<16xf32>
    %add3A_1397 = arith.addf %add3A_1396, %exp3A_1393 : vector<16xf32>
    %add3A_1398 = arith.addf %add3A_1397, %exp3A_1395 : vector<16xf32>
    %div3A_1399 = arith.divf %exp3A_1389, %add3A_1398 : vector<16xf32>
    %swap3A_1400 = arith.constant 96 : index
    %swap3A_1401 = tpu.vector_load %arg10[%swap3A_1400] {strides = array<i32>} : memref<1024xf32, #tpu.memory_space<vmem>>, vector<16xf32>,
    tpu.vector_store %arg10[%swap3A_1400], %div3A_1399 {strides = array<i32>} : memref<1024xf32, #tpu.memory_space<vmem>>, vector<16xf32>,
    %div3A_1402 = arith.divf %exp3A_1391, %add3A_1398 : vector<16xf32>
    %swap3A_1403 = arith.constant 352 : index
    %swap3A_1404 = tpu.vector_load %arg10[%swap3A_1403] {strides = array<i32>} : memref<1024xf32, #tpu.memory_space<vmem>>, vector<16xf32>,
    tpu.vector_store %arg10[%swap3A_1403], %div3A_1402 {strides = array<i32>} : memref<1024xf32, #tpu.memory_space<vmem>>, vector<16xf32>,
    %div3A_1405 = arith.divf %exp3A_1393, %add3A_1398 : vector<16xf32>
    %swap3A_1406 = arith.constant 608 : index
    %swap3A_1407 = tpu.vector_load %arg10[%swap3A_1406] {strides = array<i32>} : memref<1024xf32, #tpu.memory_space<vmem>>, vector<16xf32>,
    tpu.vector_store %arg10[%swap3A_1406], %div3A_1405 {strides = array<i32>} : memref<1024xf32, #tpu.memory_space<vmem>>, vector<16xf32>,
    %div3A_1408 = arith.divf %exp3A_1395, %add3A_1398 : vector<16xf32>
    %swap3A_1409 = arith.constant 864 : index
    %swap3A_1410 = tpu.vector_load %arg10[%swap3A_1409] {strides = array<i32>} : memref<1024xf32, #tpu.memory_space<vmem>>, vector<16xf32>,
    tpu.vector_store %arg10[%swap3A_1409], %div3A_1408 {strides = array<i32>} : memref<1024xf32, #tpu.memory_space<vmem>>, vector<16xf32>,
    %get3A_1411 = arith.constant 112 : index
    %get3A_1412 = tpu.vector_load %arg9[%get3A_1411] {strides = array<i32>} : memref<1024xf32, #tpu.memory_space<vmem>>, vector<16xf32>,
    %get3A_1413 = arith.constant 368 : index
    %get3A_1414 = tpu.vector_load %arg9[%get3A_1413] {strides = array<i32>} : memref<1024xf32, #tpu.memory_space<vmem>>, vector<16xf32>,
    %get3A_1415 = arith.constant 624 : index
    %get3A_1416 = tpu.vector_load %arg9[%get3A_1415] {strides = array<i32>} : memref<1024xf32, #tpu.memory_space<vmem>>, vector<16xf32>,
    %get3A_1417 = arith.constant 880 : index
    %get3A_1418 = tpu.vector_load %arg9[%get3A_1417] {strides = array<i32>} : memref<1024xf32, #tpu.memory_space<vmem>>, vector<16xf32>,
    %max3A_1419 = arith.maximumf %get3A_1412, %get3A_1414 : vector<16xf32>
    %max3A_1420 = arith.maximumf %get3A_1416, %get3A_1418 : vector<16xf32>
    %max3A_1421 = arith.maximumf %max3A_1419, %max3A_1420 : vector<16xf32>
    %sub3A_1422 = arith.subf %get3A_1412, %max3A_1421 : vector<16xf32>
    %exp3A_1423 = math.exp %sub3A_1422 : vector<16xf32>
    %sub3A_1424 = arith.subf %get3A_1414, %max3A_1421 : vector<16xf32>
    %exp3A_1425 = math.exp %sub3A_1424 : vector<16xf32>
    %sub3A_1426 = arith.subf %get3A_1416, %max3A_1421 : vector<16xf32>
    %exp3A_1427 = math.exp %sub3A_1426 : vector<16xf32>
    %sub3A_1428 = arith.subf %get3A_1418, %max3A_1421 : vector<16xf32>
    %exp3A_1429 = math.exp %sub3A_1428 : vector<16xf32>
    %add3A_1430 = arith.addf %exp3A_1423, %exp3A_1425 : vector<16xf32>
    %add3A_1431 = arith.addf %add3A_1430, %exp3A_1427 : vector<16xf32>
    %add3A_1432 = arith.addf %add3A_1431, %exp3A_1429 : vector<16xf32>
    %div3A_1433 = arith.divf %exp3A_1423, %add3A_1432 : vector<16xf32>
    %swap3A_1434 = arith.constant 112 : index
    %swap3A_1435 = tpu.vector_load %arg10[%swap3A_1434] {strides = array<i32>} : memref<1024xf32, #tpu.memory_space<vmem>>, vector<16xf32>,
    tpu.vector_store %arg10[%swap3A_1434], %div3A_1433 {strides = array<i32>} : memref<1024xf32, #tpu.memory_space<vmem>>, vector<16xf32>,
    %div3A_1436 = arith.divf %exp3A_1425, %add3A_1432 : vector<16xf32>
    %swap3A_1437 = arith.constant 368 : index
    %swap3A_1438 = tpu.vector_load %arg10[%swap3A_1437] {strides = array<i32>} : memref<1024xf32, #tpu.memory_space<vmem>>, vector<16xf32>,
    tpu.vector_store %arg10[%swap3A_1437], %div3A_1436 {strides = array<i32>} : memref<1024xf32, #tpu.memory_space<vmem>>, vector<16xf32>,
    %div3A_1439 = arith.divf %exp3A_1427, %add3A_1432 : vector<16xf32>
    %swap3A_1440 = arith.constant 624 : index
    %swap3A_1441 = tpu.vector_load %arg10[%swap3A_1440] {strides = array<i32>} : memref<1024xf32, #tpu.memory_space<vmem>>, vector<16xf32>,
    tpu.vector_store %arg10[%swap3A_1440], %div3A_1439 {strides = array<i32>} : memref<1024xf32, #tpu.memory_space<vmem>>, vector<16xf32>,
    %div3A_1442 = arith.divf %exp3A_1429, %add3A_1432 : vector<16xf32>
    %swap3A_1443 = arith.constant 880 : index
    %swap3A_1444 = tpu.vector_load %arg10[%swap3A_1443] {strides = array<i32>} : memref<1024xf32, #tpu.memory_space<vmem>>, vector<16xf32>,
    tpu.vector_store %arg10[%swap3A_1443], %div3A_1442 {strides = array<i32>} : memref<1024xf32, #tpu.memory_space<vmem>>, vector<16xf32>,
    %get3A_1445 = arith.constant 128 : index
    %get3A_1446 = tpu.vector_load %arg9[%get3A_1445] {strides = array<i32>} : memref<1024xf32, #tpu.memory_space<vmem>>, vector<16xf32>,
    %get3A_1447 = arith.constant 384 : index
    %get3A_1448 = tpu.vector_load %arg9[%get3A_1447] {strides = array<i32>} : memref<1024xf32, #tpu.memory_space<vmem>>, vector<16xf32>,
    %get3A_1449 = arith.constant 640 : index
    %get3A_1450 = tpu.vector_load %arg9[%get3A_1449] {strides = array<i32>} : memref<1024xf32, #tpu.memory_space<vmem>>, vector<16xf32>,
    %get3A_1451 = arith.constant 896 : index
    %get3A_1452 = tpu.vector_load %arg9[%get3A_1451] {strides = array<i32>} : memref<1024xf32, #tpu.memory_space<vmem>>, vector<16xf32>,
    %max3A_1453 = arith.maximumf %get3A_1446, %get3A_1448 : vector<16xf32>
    %max3A_1454 = arith.maximumf %get3A_1450, %get3A_1452 : vector<16xf32>
    %max3A_1455 = arith.maximumf %max3A_1453, %max3A_1454 : vector<16xf32>
    %sub3A_1456 = arith.subf %get3A_1446, %max3A_1455 : vector<16xf32>
    %exp3A_1457 = math.exp %sub3A_1456 : vector<16xf32>
    %sub3A_1458 = arith.subf %get3A_1448, %max3A_1455 : vector<16xf32>
    %exp3A_1459 = math.exp %sub3A_1458 : vector<16xf32>
    %sub3A_1460 = arith.subf %get3A_1450, %max3A_1455 : vector<16xf32>
    %exp3A_1461 = math.exp %sub3A_1460 : vector<16xf32>
    %sub3A_1462 = arith.subf %get3A_1452, %max3A_1455 : vector<16xf32>
    %exp3A_1463 = math.exp %sub3A_1462 : vector<16xf32>
    %add3A_1464 = arith.addf %exp3A_1457, %exp3A_1459 : vector<16xf32>
    %add3A_1465 = arith.addf %add3A_1464, %exp3A_1461 : vector<16xf32>
    %add3A_1466 = arith.addf %add3A_1465, %exp3A_1463 : vector<16xf32>
    %div3A_1467 = arith.divf %exp3A_1457, %add3A_1466 : vector<16xf32>
    %swap3A_1468 = arith.constant 128 : index
    %swap3A_1469 = tpu.vector_load %arg10[%swap3A_1468] {strides = array<i32>} : memref<1024xf32, #tpu.memory_space<vmem>>, vector<16xf32>,
    tpu.vector_store %arg10[%swap3A_1468], %div3A_1467 {strides = array<i32>} : memref<1024xf32, #tpu.memory_space<vmem>>, vector<16xf32>,
    %div3A_1470 = arith.divf %exp3A_1459, %add3A_1466 : vector<16xf32>
    %swap3A_1471 = arith.constant 384 : index
    %swap3A_1472 = tpu.vector_load %arg10[%swap3A_1471] {strides = array<i32>} : memref<1024xf32, #tpu.memory_space<vmem>>, vector<16xf32>,
    tpu.vector_store %arg10[%swap3A_1471], %div3A_1470 {strides = array<i32>} : memref<1024xf32, #tpu.memory_space<vmem>>, vector<16xf32>,
    %div3A_1473 = arith.divf %exp3A_1461, %add3A_1466 : vector<16xf32>
    %swap3A_1474 = arith.constant 640 : index
    %swap3A_1475 = tpu.vector_load %arg10[%swap3A_1474] {strides = array<i32>} : memref<1024xf32, #tpu.memory_space<vmem>>, vector<16xf32>,
    tpu.vector_store %arg10[%swap3A_1474], %div3A_1473 {strides = array<i32>} : memref<1024xf32, #tpu.memory_space<vmem>>, vector<16xf32>,
    %div3A_1476 = arith.divf %exp3A_1463, %add3A_1466 : vector<16xf32>
    %swap3A_1477 = arith.constant 896 : index
    %swap3A_1478 = tpu.vector_load %arg10[%swap3A_1477] {strides = array<i32>} : memref<1024xf32, #tpu.memory_space<vmem>>, vector<16xf32>,
    tpu.vector_store %arg10[%swap3A_1477], %div3A_1476 {strides = array<i32>} : memref<1024xf32, #tpu.memory_space<vmem>>, vector<16xf32>,
    %get3A_1479 = arith.constant 144 : index
    %get3A_1480 = tpu.vector_load %arg9[%get3A_1479] {strides = array<i32>} : memref<1024xf32, #tpu.memory_space<vmem>>, vector<16xf32>,
    %get3A_1481 = arith.constant 400 : index
    %get3A_1482 = tpu.vector_load %arg9[%get3A_1481] {strides = array<i32>} : memref<1024xf32, #tpu.memory_space<vmem>>, vector<16xf32>,
    %get3A_1483 = arith.constant 656 : index
    %get3A_1484 = tpu.vector_load %arg9[%get3A_1483] {strides = array<i32>} : memref<1024xf32, #tpu.memory_space<vmem>>, vector<16xf32>,
    %get3A_1485 = arith.constant 912 : index
    %get3A_1486 = tpu.vector_load %arg9[%get3A_1485] {strides = array<i32>} : memref<1024xf32, #tpu.memory_space<vmem>>, vector<16xf32>,
    %max3A_1487 = arith.maximumf %get3A_1480, %get3A_1482 : vector<16xf32>
    %max3A_1488 = arith.maximumf %get3A_1484, %get3A_1486 : vector<16xf32>
    %max3A_1489 = arith.maximumf %max3A_1487, %max3A_1488 : vector<16xf32>
    %sub3A_1490 = arith.subf %get3A_1480, %max3A_1489 : vector<16xf32>
    %exp3A_1491 = math.exp %sub3A_1490 : vector<16xf32>
    %sub3A_1492 = arith.subf %get3A_1482, %max3A_1489 : vector<16xf32>
    %exp3A_1493 = math.exp %sub3A_1492 : vector<16xf32>
    %sub3A_1494 = arith.subf %get3A_1484, %max3A_1489 : vector<16xf32>
    %exp3A_1495 = math.exp %sub3A_1494 : vector<16xf32>
    %sub3A_1496 = arith.subf %get3A_1486, %max3A_1489 : vector<16xf32>
    %exp3A_1497 = math.exp %sub3A_1496 : vector<16xf32>
    %add3A_1498 = arith.addf %exp3A_1491, %exp3A_1493 : vector<16xf32>
    %add3A_1499 = arith.addf %add3A_1498, %exp3A_1495 : vector<16xf32>
    %add3A_1500 = arith.addf %add3A_1499, %exp3A_1497 : vector<16xf32>
    %div3A_1501 = arith.divf %exp3A_1491, %add3A_1500 : vector<16xf32>
    %swap3A_1502 = arith.constant 144 : index
    %swap3A_1503 = tpu.vector_load %arg10[%swap3A_1502] {strides = array<i32>} : memref<1024xf32, #tpu.memory_space<vmem>>, vector<16xf32>,
    tpu.vector_store %arg10[%swap3A_1502], %div3A_1501 {strides = array<i32>} : memref<1024xf32, #tpu.memory_space<vmem>>, vector<16xf32>,
    %div3A_1504 = arith.divf %exp3A_1493, %add3A_1500 : vector<16xf32>
    %swap3A_1505 = arith.constant 400 : index
    %swap3A_1506 = tpu.vector_load %arg10[%swap3A_1505] {strides = array<i32>} : memref<1024xf32, #tpu.memory_space<vmem>>, vector<16xf32>,
    tpu.vector_store %arg10[%swap3A_1505], %div3A_1504 {strides = array<i32>} : memref<1024xf32, #tpu.memory_space<vmem>>, vector<16xf32>,
    %div3A_1507 = arith.divf %exp3A_1495, %add3A_1500 : vector<16xf32>
    %swap3A_1508 = arith.constant 656 : index
    %swap3A_1509 = tpu.vector_load %arg10[%swap3A_1508] {strides = array<i32>} : memref<1024xf32, #tpu.memory_space<vmem>>, vector<16xf32>,
    tpu.vector_store %arg10[%swap3A_1508], %div3A_1507 {strides = array<i32>} : memref<1024xf32, #tpu.memory_space<vmem>>, vector<16xf32>,
    %div3A_1510 = arith.divf %exp3A_1497, %add3A_1500 : vector<16xf32>
    %swap3A_1511 = arith.constant 912 : index
    %swap3A_1512 = tpu.vector_load %arg10[%swap3A_1511] {strides = array<i32>} : memref<1024xf32, #tpu.memory_space<vmem>>, vector<16xf32>,
    tpu.vector_store %arg10[%swap3A_1511], %div3A_1510 {strides = array<i32>} : memref<1024xf32, #tpu.memory_space<vmem>>, vector<16xf32>,
    %get3A_1513 = arith.constant 160 : index
    %get3A_1514 = tpu.vector_load %arg9[%get3A_1513] {strides = array<i32>} : memref<1024xf32, #tpu.memory_space<vmem>>, vector<16xf32>,
    %get3A_1515 = arith.constant 416 : index
    %get3A_1516 = tpu.vector_load %arg9[%get3A_1515] {strides = array<i32>} : memref<1024xf32, #tpu.memory_space<vmem>>, vector<16xf32>,
    %get3A_1517 = arith.constant 672 : index
    %get3A_1518 = tpu.vector_load %arg9[%get3A_1517] {strides = array<i32>} : memref<1024xf32, #tpu.memory_space<vmem>>, vector<16xf32>,
    %get3A_1519 = arith.constant 928 : index
    %get3A_1520 = tpu.vector_load %arg9[%get3A_1519] {strides = array<i32>} : memref<1024xf32, #tpu.memory_space<vmem>>, vector<16xf32>,
    %max3A_1521 = arith.maximumf %get3A_1514, %get3A_1516 : vector<16xf32>
    %max3A_1522 = arith.maximumf %get3A_1518, %get3A_1520 : vector<16xf32>
    %max3A_1523 = arith.maximumf %max3A_1521, %max3A_1522 : vector<16xf32>
    %sub3A_1524 = arith.subf %get3A_1514, %max3A_1523 : vector<16xf32>
    %exp3A_1525 = math.exp %sub3A_1524 : vector<16xf32>
    %sub3A_1526 = arith.subf %get3A_1516, %max3A_1523 : vector<16xf32>
    %exp3A_1527 = math.exp %sub3A_1526 : vector<16xf32>
    %sub3A_1528 = arith.subf %get3A_1518, %max3A_1523 : vector<16xf32>
    %exp3A_1529 = math.exp %sub3A_1528 : vector<16xf32>
    %sub3A_1530 = arith.subf %get3A_1520, %max3A_1523 : vector<16xf32>
    %exp3A_1531 = math.exp %sub3A_1530 : vector<16xf32>
    %add3A_1532 = arith.addf %exp3A_1525, %exp3A_1527 : vector<16xf32>
    %add3A_1533 = arith.addf %add3A_1532, %exp3A_1529 : vector<16xf32>
    %add3A_1534 = arith.addf %add3A_1533, %exp3A_1531 : vector<16xf32>
    %div3A_1535 = arith.divf %exp3A_1525, %add3A_1534 : vector<16xf32>
    %swap3A_1536 = arith.constant 160 : index
    %swap3A_1537 = tpu.vector_load %arg10[%swap3A_1536] {strides = array<i32>} : memref<1024xf32, #tpu.memory_space<vmem>>, vector<16xf32>,
    tpu.vector_store %arg10[%swap3A_1536], %div3A_1535 {strides = array<i32>} : memref<1024xf32, #tpu.memory_space<vmem>>, vector<16xf32>,
    %div3A_1538 = arith.divf %exp3A_1527, %add3A_1534 : vector<16xf32>
    %swap3A_1539 = arith.constant 416 : index
    %swap3A_1540 = tpu.vector_load %arg10[%swap3A_1539] {strides = array<i32>} : memref<1024xf32, #tpu.memory_space<vmem>>, vector<16xf32>,
    tpu.vector_store %arg10[%swap3A_1539], %div3A_1538 {strides = array<i32>} : memref<1024xf32, #tpu.memory_space<vmem>>, vector<16xf32>,
    %div3A_1541 = arith.divf %exp3A_1529, %add3A_1534 : vector<16xf32>
    %swap3A_1542 = arith.constant 672 : index
    %swap3A_1543 = tpu.vector_load %arg10[%swap3A_1542] {strides = array<i32>} : memref<1024xf32, #tpu.memory_space<vmem>>, vector<16xf32>,
    tpu.vector_store %arg10[%swap3A_1542], %div3A_1541 {strides = array<i32>} : memref<1024xf32, #tpu.memory_space<vmem>>, vector<16xf32>,
    %div3A_1544 = arith.divf %exp3A_1531, %add3A_1534 : vector<16xf32>
    %swap3A_1545 = arith.constant 928 : index
    %swap3A_1546 = tpu.vector_load %arg10[%swap3A_1545] {strides = array<i32>} : memref<1024xf32, #tpu.memory_space<vmem>>, vector<16xf32>,
    tpu.vector_store %arg10[%swap3A_1545], %div3A_1544 {strides = array<i32>} : memref<1024xf32, #tpu.memory_space<vmem>>, vector<16xf32>,
    %get3A_1547 = arith.constant 176 : index
    %get3A_1548 = tpu.vector_load %arg9[%get3A_1547] {strides = array<i32>} : memref<1024xf32, #tpu.memory_space<vmem>>, vector<16xf32>,
    %get3A_1549 = arith.constant 432 : index
    %get3A_1550 = tpu.vector_load %arg9[%get3A_1549] {strides = array<i32>} : memref<1024xf32, #tpu.memory_space<vmem>>, vector<16xf32>,
    %get3A_1551 = arith.constant 688 : index
    %get3A_1552 = tpu.vector_load %arg9[%get3A_1551] {strides = array<i32>} : memref<1024xf32, #tpu.memory_space<vmem>>, vector<16xf32>,
    %get3A_1553 = arith.constant 944 : index
    %get3A_1554 = tpu.vector_load %arg9[%get3A_1553] {strides = array<i32>} : memref<1024xf32, #tpu.memory_space<vmem>>, vector<16xf32>,
    %max3A_1555 = arith.maximumf %get3A_1548, %get3A_1550 : vector<16xf32>
    %max3A_1556 = arith.maximumf %get3A_1552, %get3A_1554 : vector<16xf32>
    %max3A_1557 = arith.maximumf %max3A_1555, %max3A_1556 : vector<16xf32>
    %sub3A_1558 = arith.subf %get3A_1548, %max3A_1557 : vector<16xf32>
    %exp3A_1559 = math.exp %sub3A_1558 : vector<16xf32>
    %sub3A_1560 = arith.subf %get3A_1550, %max3A_1557 : vector<16xf32>
    %exp3A_1561 = math.exp %sub3A_1560 : vector<16xf32>
    %sub3A_1562 = arith.subf %get3A_1552, %max3A_1557 : vector<16xf32>
    %exp3A_1563 = math.exp %sub3A_1562 : vector<16xf32>
    %sub3A_1564 = arith.subf %get3A_1554, %max3A_1557 : vector<16xf32>
    %exp3A_1565 = math.exp %sub3A_1564 : vector<16xf32>
    %add3A_1566 = arith.addf %exp3A_1559, %exp3A_1561 : vector<16xf32>
    %add3A_1567 = arith.addf %add3A_1566, %exp3A_1563 : vector<16xf32>
    %add3A_1568 = arith.addf %add3A_1567, %exp3A_1565 : vector<16xf32>
    %div3A_1569 = arith.divf %exp3A_1559, %add3A_1568 : vector<16xf32>
    %swap3A_1570 = arith.constant 176 : index
    %swap3A_1571 = tpu.vector_load %arg10[%swap3A_1570] {strides = array<i32>} : memref<1024xf32, #tpu.memory_space<vmem>>, vector<16xf32>,
    tpu.vector_store %arg10[%swap3A_1570], %div3A_1569 {strides = array<i32>} : memref<1024xf32, #tpu.memory_space<vmem>>, vector<16xf32>,
    %div3A_1572 = arith.divf %exp3A_1561, %add3A_1568 : vector<16xf32>
    %swap3A_1573 = arith.constant 432 : index
    %swap3A_1574 = tpu.vector_load %arg10[%swap3A_1573] {strides = array<i32>} : memref<1024xf32, #tpu.memory_space<vmem>>, vector<16xf32>,
    tpu.vector_store %arg10[%swap3A_1573], %div3A_1572 {strides = array<i32>} : memref<1024xf32, #tpu.memory_space<vmem>>, vector<16xf32>,
    %div3A_1575 = arith.divf %exp3A_1563, %add3A_1568 : vector<16xf32>
    %swap3A_1576 = arith.constant 688 : index
    %swap3A_1577 = tpu.vector_load %arg10[%swap3A_1576] {strides = array<i32>} : memref<1024xf32, #tpu.memory_space<vmem>>, vector<16xf32>,
    tpu.vector_store %arg10[%swap3A_1576], %div3A_1575 {strides = array<i32>} : memref<1024xf32, #tpu.memory_space<vmem>>, vector<16xf32>,
    %div3A_1578 = arith.divf %exp3A_1565, %add3A_1568 : vector<16xf32>
    %swap3A_1579 = arith.constant 944 : index
    %swap3A_1580 = tpu.vector_load %arg10[%swap3A_1579] {strides = array<i32>} : memref<1024xf32, #tpu.memory_space<vmem>>, vector<16xf32>,
    tpu.vector_store %arg10[%swap3A_1579], %div3A_1578 {strides = array<i32>} : memref<1024xf32, #tpu.memory_space<vmem>>, vector<16xf32>,
    %get3A_1581 = arith.constant 192 : index
    %get3A_1582 = tpu.vector_load %arg9[%get3A_1581] {strides = array<i32>} : memref<1024xf32, #tpu.memory_space<vmem>>, vector<16xf32>,
    %get3A_1583 = arith.constant 448 : index
    %get3A_1584 = tpu.vector_load %arg9[%get3A_1583] {strides = array<i32>} : memref<1024xf32, #tpu.memory_space<vmem>>, vector<16xf32>,
    %get3A_1585 = arith.constant 704 : index
    %get3A_1586 = tpu.vector_load %arg9[%get3A_1585] {strides = array<i32>} : memref<1024xf32, #tpu.memory_space<vmem>>, vector<16xf32>,
    %get3A_1587 = arith.constant 960 : index
    %get3A_1588 = tpu.vector_load %arg9[%get3A_1587] {strides = array<i32>} : memref<1024xf32, #tpu.memory_space<vmem>>, vector<16xf32>,
    %max3A_1589 = arith.maximumf %get3A_1582, %get3A_1584 : vector<16xf32>
    %max3A_1590 = arith.maximumf %get3A_1586, %get3A_1588 : vector<16xf32>
    %max3A_1591 = arith.maximumf %max3A_1589, %max3A_1590 : vector<16xf32>
    %sub3A_1592 = arith.subf %get3A_1582, %max3A_1591 : vector<16xf32>
    %exp3A_1593 = math.exp %sub3A_1592 : vector<16xf32>
    %sub3A_1594 = arith.subf %get3A_1584, %max3A_1591 : vector<16xf32>
    %exp3A_1595 = math.exp %sub3A_1594 : vector<16xf32>
    %sub3A_1596 = arith.subf %get3A_1586, %max3A_1591 : vector<16xf32>
    %exp3A_1597 = math.exp %sub3A_1596 : vector<16xf32>
    %sub3A_1598 = arith.subf %get3A_1588, %max3A_1591 : vector<16xf32>
    %exp3A_1599 = math.exp %sub3A_1598 : vector<16xf32>
    %add3A_1600 = arith.addf %exp3A_1593, %exp3A_1595 : vector<16xf32>
    %add3A_1601 = arith.addf %add3A_1600, %exp3A_1597 : vector<16xf32>
    %add3A_1602 = arith.addf %add3A_1601, %exp3A_1599 : vector<16xf32>
    %div3A_1603 = arith.divf %exp3A_1593, %add3A_1602 : vector<16xf32>
    %swap3A_1604 = arith.constant 192 : index
    %swap3A_1605 = tpu.vector_load %arg10[%swap3A_1604] {strides = array<i32>} : memref<1024xf32, #tpu.memory_space<vmem>>, vector<16xf32>,
    tpu.vector_store %arg10[%swap3A_1604], %div3A_1603 {strides = array<i32>} : memref<1024xf32, #tpu.memory_space<vmem>>, vector<16xf32>,
    %div3A_1606 = arith.divf %exp3A_1595, %add3A_1602 : vector<16xf32>
    %swap3A_1607 = arith.constant 448 : index
    %swap3A_1608 = tpu.vector_load %arg10[%swap3A_1607] {strides = array<i32>} : memref<1024xf32, #tpu.memory_space<vmem>>, vector<16xf32>,
    tpu.vector_store %arg10[%swap3A_1607], %div3A_1606 {strides = array<i32>} : memref<1024xf32, #tpu.memory_space<vmem>>, vector<16xf32>,
    %div3A_1609 = arith.divf %exp3A_1597, %add3A_1602 : vector<16xf32>
    %swap3A_1610 = arith.constant 704 : index
    %swap3A_1611 = tpu.vector_load %arg10[%swap3A_1610] {strides = array<i32>} : memref<1024xf32, #tpu.memory_space<vmem>>, vector<16xf32>,
    tpu.vector_store %arg10[%swap3A_1610], %div3A_1609 {strides = array<i32>} : memref<1024xf32, #tpu.memory_space<vmem>>, vector<16xf32>,
    %div3A_1612 = arith.divf %exp3A_1599, %add3A_1602 : vector<16xf32>
    %swap3A_1613 = arith.constant 960 : index
    %swap3A_1614 = tpu.vector_load %arg10[%swap3A_1613] {strides = array<i32>} : memref<1024xf32, #tpu.memory_space<vmem>>, vector<16xf32>,
    tpu.vector_store %arg10[%swap3A_1613], %div3A_1612 {strides = array<i32>} : memref<1024xf32, #tpu.memory_space<vmem>>, vector<16xf32>,
    %get3A_1615 = arith.constant 208 : index
    %get3A_1616 = tpu.vector_load %arg9[%get3A_1615] {strides = array<i32>} : memref<1024xf32, #tpu.memory_space<vmem>>, vector<16xf32>,
    %get3A_1617 = arith.constant 464 : index
    %get3A_1618 = tpu.vector_load %arg9[%get3A_1617] {strides = array<i32>} : memref<1024xf32, #tpu.memory_space<vmem>>, vector<16xf32>,
    %get3A_1619 = arith.constant 720 : index
    %get3A_1620 = tpu.vector_load %arg9[%get3A_1619] {strides = array<i32>} : memref<1024xf32, #tpu.memory_space<vmem>>, vector<16xf32>,
    %get3A_1621 = arith.constant 976 : index
    %get3A_1622 = tpu.vector_load %arg9[%get3A_1621] {strides = array<i32>} : memref<1024xf32, #tpu.memory_space<vmem>>, vector<16xf32>,
    %max3A_1623 = arith.maximumf %get3A_1616, %get3A_1618 : vector<16xf32>
    %max3A_1624 = arith.maximumf %get3A_1620, %get3A_1622 : vector<16xf32>
    %max3A_1625 = arith.maximumf %max3A_1623, %max3A_1624 : vector<16xf32>
    %sub3A_1626 = arith.subf %get3A_1616, %max3A_1625 : vector<16xf32>
    %exp3A_1627 = math.exp %sub3A_1626 : vector<16xf32>
    %sub3A_1628 = arith.subf %get3A_1618, %max3A_1625 : vector<16xf32>
    %exp3A_1629 = math.exp %sub3A_1628 : vector<16xf32>
    %sub3A_1630 = arith.subf %get3A_1620, %max3A_1625 : vector<16xf32>
    %exp3A_1631 = math.exp %sub3A_1630 : vector<16xf32>
    %sub3A_1632 = arith.subf %get3A_1622, %max3A_1625 : vector<16xf32>
    %exp3A_1633 = math.exp %sub3A_1632 : vector<16xf32>
    %add3A_1634 = arith.addf %exp3A_1627, %exp3A_1629 : vector<16xf32>
    %add3A_1635 = arith.addf %add3A_1634, %exp3A_1631 : vector<16xf32>
    %add3A_1636 = arith.addf %add3A_1635, %exp3A_1633 : vector<16xf32>
    %div3A_1637 = arith.divf %exp3A_1627, %add3A_1636 : vector<16xf32>
    %swap3A_1638 = arith.constant 208 : index
    %swap3A_1639 = tpu.vector_load %arg10[%swap3A_1638] {strides = array<i32>} : memref<1024xf32, #tpu.memory_space<vmem>>, vector<16xf32>,
    tpu.vector_store %arg10[%swap3A_1638], %div3A_1637 {strides = array<i32>} : memref<1024xf32, #tpu.memory_space<vmem>>, vector<16xf32>,
    %div3A_1640 = arith.divf %exp3A_1629, %add3A_1636 : vector<16xf32>
    %swap3A_1641 = arith.constant 464 : index
    %swap3A_1642 = tpu.vector_load %arg10[%swap3A_1641] {strides = array<i32>} : memref<1024xf32, #tpu.memory_space<vmem>>, vector<16xf32>,
    tpu.vector_store %arg10[%swap3A_1641], %div3A_1640 {strides = array<i32>} : memref<1024xf32, #tpu.memory_space<vmem>>, vector<16xf32>,
    %div3A_1643 = arith.divf %exp3A_1631, %add3A_1636 : vector<16xf32>
    %swap3A_1644 = arith.constant 720 : index
    %swap3A_1645 = tpu.vector_load %arg10[%swap3A_1644] {strides = array<i32>} : memref<1024xf32, #tpu.memory_space<vmem>>, vector<16xf32>,
    tpu.vector_store %arg10[%swap3A_1644], %div3A_1643 {strides = array<i32>} : memref<1024xf32, #tpu.memory_space<vmem>>, vector<16xf32>,
    %div3A_1646 = arith.divf %exp3A_1633, %add3A_1636 : vector<16xf32>
    %swap3A_1647 = arith.constant 976 : index
    %swap3A_1648 = tpu.vector_load %arg10[%swap3A_1647] {strides = array<i32>} : memref<1024xf32, #tpu.memory_space<vmem>>, vector<16xf32>,
    tpu.vector_store %arg10[%swap3A_1647], %div3A_1646 {strides = array<i32>} : memref<1024xf32, #tpu.memory_space<vmem>>, vector<16xf32>,
    %get3A_1649 = arith.constant 224 : index
    %get3A_1650 = tpu.vector_load %arg9[%get3A_1649] {strides = array<i32>} : memref<1024xf32, #tpu.memory_space<vmem>>, vector<16xf32>,
    %get3A_1651 = arith.constant 480 : index
    %get3A_1652 = tpu.vector_load %arg9[%get3A_1651] {strides = array<i32>} : memref<1024xf32, #tpu.memory_space<vmem>>, vector<16xf32>,
    %get3A_1653 = arith.constant 736 : index
    %get3A_1654 = tpu.vector_load %arg9[%get3A_1653] {strides = array<i32>} : memref<1024xf32, #tpu.memory_space<vmem>>, vector<16xf32>,
    %get3A_1655 = arith.constant 992 : index
    %get3A_1656 = tpu.vector_load %arg9[%get3A_1655] {strides = array<i32>} : memref<1024xf32, #tpu.memory_space<vmem>>, vector<16xf32>,
    %max3A_1657 = arith.maximumf %get3A_1650, %get3A_1652 : vector<16xf32>
    %max3A_1658 = arith.maximumf %get3A_1654, %get3A_1656 : vector<16xf32>
    %max3A_1659 = arith.maximumf %max3A_1657, %max3A_1658 : vector<16xf32>
    %sub3A_1660 = arith.subf %get3A_1650, %max3A_1659 : vector<16xf32>
    %exp3A_1661 = math.exp %sub3A_1660 : vector<16xf32>
    %sub3A_1662 = arith.subf %get3A_1652, %max3A_1659 : vector<16xf32>
    %exp3A_1663 = math.exp %sub3A_1662 : vector<16xf32>
    %sub3A_1664 = arith.subf %get3A_1654, %max3A_1659 : vector<16xf32>
    %exp3A_1665 = math.exp %sub3A_1664 : vector<16xf32>
    %sub3A_1666 = arith.subf %get3A_1656, %max3A_1659 : vector<16xf32>
    %exp3A_1667 = math.exp %sub3A_1666 : vector<16xf32>
    %add3A_1668 = arith.addf %exp3A_1661, %exp3A_1663 : vector<16xf32>
    %add3A_1669 = arith.addf %add3A_1668, %exp3A_1665 : vector<16xf32>
    %add3A_1670 = arith.addf %add3A_1669, %exp3A_1667 : vector<16xf32>
    %div3A_1671 = arith.divf %exp3A_1661, %add3A_1670 : vector<16xf32>
    %swap3A_1672 = arith.constant 224 : index
    %swap3A_1673 = tpu.vector_load %arg10[%swap3A_1672] {strides = array<i32>} : memref<1024xf32, #tpu.memory_space<vmem>>, vector<16xf32>,
    tpu.vector_store %arg10[%swap3A_1672], %div3A_1671 {strides = array<i32>} : memref<1024xf32, #tpu.memory_space<vmem>>, vector<16xf32>,
    %div3A_1674 = arith.divf %exp3A_1663, %add3A_1670 : vector<16xf32>
    %swap3A_1675 = arith.constant 480 : index
    %swap3A_1676 = tpu.vector_load %arg10[%swap3A_1675] {strides = array<i32>} : memref<1024xf32, #tpu.memory_space<vmem>>, vector<16xf32>,
    tpu.vector_store %arg10[%swap3A_1675], %div3A_1674 {strides = array<i32>} : memref<1024xf32, #tpu.memory_space<vmem>>, vector<16xf32>,
    %div3A_1677 = arith.divf %exp3A_1665, %add3A_1670 : vector<16xf32>
    %swap3A_1678 = arith.constant 736 : index
    %swap3A_1679 = tpu.vector_load %arg10[%swap3A_1678] {strides = array<i32>} : memref<1024xf32, #tpu.memory_space<vmem>>, vector<16xf32>,
    tpu.vector_store %arg10[%swap3A_1678], %div3A_1677 {strides = array<i32>} : memref<1024xf32, #tpu.memory_space<vmem>>, vector<16xf32>,
    %div3A_1680 = arith.divf %exp3A_1667, %add3A_1670 : vector<16xf32>
    %swap3A_1681 = arith.constant 992 : index
    %swap3A_1682 = tpu.vector_load %arg10[%swap3A_1681] {strides = array<i32>} : memref<1024xf32, #tpu.memory_space<vmem>>, vector<16xf32>,
    tpu.vector_store %arg10[%swap3A_1681], %div3A_1680 {strides = array<i32>} : memref<1024xf32, #tpu.memory_space<vmem>>, vector<16xf32>,
    %get3A_1683 = arith.constant 240 : index
    %get3A_1684 = tpu.vector_load %arg9[%get3A_1683] {strides = array<i32>} : memref<1024xf32, #tpu.memory_space<vmem>>, vector<16xf32>,
    %get3A_1685 = arith.constant 496 : index
    %get3A_1686 = tpu.vector_load %arg9[%get3A_1685] {strides = array<i32>} : memref<1024xf32, #tpu.memory_space<vmem>>, vector<16xf32>,
    %get3A_1687 = arith.constant 752 : index
    %get3A_1688 = tpu.vector_load %arg9[%get3A_1687] {strides = array<i32>} : memref<1024xf32, #tpu.memory_space<vmem>>, vector<16xf32>,
    %get3A_1689 = arith.constant 1008 : index
    %get3A_1690 = tpu.vector_load %arg9[%get3A_1689] {strides = array<i32>} : memref<1024xf32, #tpu.memory_space<vmem>>, vector<16xf32>,
    %max3A_1691 = arith.maximumf %get3A_1684, %get3A_1686 : vector<16xf32>
    %max3A_1692 = arith.maximumf %get3A_1688, %get3A_1690 : vector<16xf32>
    %max3A_1693 = arith.maximumf %max3A_1691, %max3A_1692 : vector<16xf32>
    %sub3A_1694 = arith.subf %get3A_1684, %max3A_1693 : vector<16xf32>
    %exp3A_1695 = math.exp %sub3A_1694 : vector<16xf32>
    %sub3A_1696 = arith.subf %get3A_1686, %max3A_1693 : vector<16xf32>
    %exp3A_1697 = math.exp %sub3A_1696 : vector<16xf32>
    %sub3A_1698 = arith.subf %get3A_1688, %max3A_1693 : vector<16xf32>
    %exp3A_1699 = math.exp %sub3A_1698 : vector<16xf32>
    %sub3A_1700 = arith.subf %get3A_1690, %max3A_1693 : vector<16xf32>
    %exp3A_1701 = math.exp %sub3A_1700 : vector<16xf32>
    %add3A_1702 = arith.addf %exp3A_1695, %exp3A_1697 : vector<16xf32>
    %add3A_1703 = arith.addf %add3A_1702, %exp3A_1699 : vector<16xf32>
    %add3A_1704 = arith.addf %add3A_1703, %exp3A_1701 : vector<16xf32>
    %div3A_1705 = arith.divf %exp3A_1695, %add3A_1704 : vector<16xf32>
    %swap3A_1706 = arith.constant 240 : index
    %swap3A_1707 = tpu.vector_load %arg10[%swap3A_1706] {strides = array<i32>} : memref<1024xf32, #tpu.memory_space<vmem>>, vector<16xf32>,
    tpu.vector_store %arg10[%swap3A_1706], %div3A_1705 {strides = array<i32>} : memref<1024xf32, #tpu.memory_space<vmem>>, vector<16xf32>,
    %div3A_1708 = arith.divf %exp3A_1697, %add3A_1704 : vector<16xf32>
    %swap3A_1709 = arith.constant 496 : index
    %swap3A_1710 = tpu.vector_load %arg10[%swap3A_1709] {strides = array<i32>} : memref<1024xf32, #tpu.memory_space<vmem>>, vector<16xf32>,
    tpu.vector_store %arg10[%swap3A_1709], %div3A_1708 {strides = array<i32>} : memref<1024xf32, #tpu.memory_space<vmem>>, vector<16xf32>,
    %div3A_1711 = arith.divf %exp3A_1699, %add3A_1704 : vector<16xf32>
    %swap3A_1712 = arith.constant 752 : index
    %swap3A_1713 = tpu.vector_load %arg10[%swap3A_1712] {strides = array<i32>} : memref<1024xf32, #tpu.memory_space<vmem>>, vector<16xf32>,
    tpu.vector_store %arg10[%swap3A_1712], %div3A_1711 {strides = array<i32>} : memref<1024xf32, #tpu.memory_space<vmem>>, vector<16xf32>,
    %div3A_1714 = arith.divf %exp3A_1701, %add3A_1704 : vector<16xf32>
    %swap3A_1715 = arith.constant 1008 : index
    %swap3A_1716 = tpu.vector_load %arg10[%swap3A_1715] {strides = array<i32>} : memref<1024xf32, #tpu.memory_space<vmem>>, vector<16xf32>,
    tpu.vector_store %arg10[%swap3A_1715], %div3A_1714 {strides = array<i32>} : memref<1024xf32, #tpu.memory_space<vmem>>, vector<16xf32>,
    %scan3A = arith.constant 0 : i32
    %scan3A_1717 = arith.constant 0 : i32
    %scan3A_1718 = arith.constant 256 : i32
    %scan3A_1719 = arith.addi %scan3A_1717, %scan3A_1718 : i32
    %scan3A_1720 = arith.constant 1 : i32
    %scan3A_1721 = scf.for %scan3A_1723 = %scan3A_1717 to %scan3A_1719 step %scan3A_1720 iter_args(%scan3A_1724 = %scan3A) -> (i32)  : i32 {
      %broadcast_in_dim3A_1725 = arith.constant 0.000000e+00 : f32
      %broadcast_in_dim3A_1726 = vector.broadcast %broadcast_in_dim3A_1725 : f32 to vector<16xf32>
      %broadcast_in_dim3A_1727 = arith.constant 0.000000e+00 : f32
      %broadcast_in_dim3A_1728 = vector.broadcast %broadcast_in_dim3A_1727 : f32 to vector<16xf32>
      %broadcast_in_dim3A_1729 = arith.constant 0.000000e+00 : f32
      %broadcast_in_dim3A_1730 = vector.broadcast %broadcast_in_dim3A_1729 : f32 to vector<16xf32>
      %broadcast_in_dim3A_1731 = arith.constant 0.000000e+00 : f32
      %broadcast_in_dim3A_1732 = vector.broadcast %broadcast_in_dim3A_1731 : f32 to vector<16xf32>
      %add3A_1733 = arith.constant 0 : i32
      %add3A_1734 = arith.addi %add3A_1733, %scan3A_1723 : i32
      %broadcast_in_dim3A_1735 = vector.broadcast %add3A_1734 : i32 to vector<16xi32>
      %gather3A_1736 = tpu.vector_load_idx %arg10[%broadcast_in_dim3A_1735] : memref<1024xf32, #tpu.memory_space<vmem>>[vector<16xi32>], vector<16xf32>,
      %add3A_1737 = arith.constant 0 : i32
      %add3A_1738 = arith.addi %add3A_1737, %scan3A_1723 : i32
      %get3A_1739 = arith.index_cast %add3A_1738 : i32 to index
      %get3A_1740 = arith.constant 0 : index
      %get3A_1741 = tpu.vector_load %arg11[%get3A_1739, %get3A_1740] {strides = array<i32>} : memref<1024x64xf32, #tpu.memory_space<vmem>>, vector<16xf32>,
      %mul3A_1742 = arith.mulf %gather3A_1736, %get3A_1741 : vector<16xf32>
      %add3A_1743 = arith.addf %broadcast_in_dim3A_1726, %mul3A_1742 : vector<16xf32>
      %get3A_1744 = arith.index_cast %add3A_1738 : i32 to index
      %get3A_1745 = arith.constant 16 : index
      %get3A_1746 = tpu.vector_load %arg11[%get3A_1744, %get3A_1745] {strides = array<i32>} : memref<1024x64xf32, #tpu.memory_space<vmem>>, vector<16xf32>,
      %mul3A_1747 = arith.mulf %gather3A_1736, %get3A_1746 : vector<16xf32>
      %add3A_1748 = arith.addf %broadcast_in_dim3A_1728, %mul3A_1747 : vector<16xf32>
      %get3A_1749 = arith.index_cast %add3A_1738 : i32 to index
      %get3A_1750 = arith.constant 32 : index
      %get3A_1751 = tpu.vector_load %arg11[%get3A_1749, %get3A_1750] {strides = array<i32>} : memref<1024x64xf32, #tpu.memory_space<vmem>>, vector<16xf32>,
      %mul3A_1752 = arith.mulf %gather3A_1736, %get3A_1751 : vector<16xf32>
      %add3A_1753 = arith.addf %broadcast_in_dim3A_1730, %mul3A_1752 : vector<16xf32>
      %get3A_1754 = arith.index_cast %add3A_1738 : i32 to index
      %get3A_1755 = arith.constant 48 : index
      %get3A_1756 = tpu.vector_load %arg11[%get3A_1754, %get3A_1755] {strides = array<i32>} : memref<1024x64xf32, #tpu.memory_space<vmem>>, vector<16xf32>,
      %mul3A_1757 = arith.mulf %gather3A_1736, %get3A_1756 : vector<16xf32>
      %add3A_1758 = arith.addf %broadcast_in_dim3A_1732, %mul3A_1757 : vector<16xf32>
      %add3A_1759 = arith.constant 256 : i32
      %add3A_1760 = arith.addi %add3A_1759, %scan3A_1723 : i32
      %broadcast_in_dim3A_1761 = vector.broadcast %add3A_1760 : i32 to vector<16xi32>
      %gather3A_1762 = tpu.vector_load_idx %arg10[%broadcast_in_dim3A_1761] : memref<1024xf32, #tpu.memory_space<vmem>>[vector<16xi32>], vector<16xf32>,
      %add3A_1763 = arith.constant 256 : i32
      %add3A_1764 = arith.addi %add3A_1763, %scan3A_1723 : i32
      %get3A_1765 = arith.index_cast %add3A_1764 : i32 to index
      %get3A_1766 = arith.constant 0 : index
      %get3A_1767 = tpu.vector_load %arg11[%get3A_1765, %get3A_1766] {strides = array<i32>} : memref<1024x64xf32, #tpu.memory_space<vmem>>, vector<16xf32>,
      %mul3A_1768 = arith.mulf %gather3A_1762, %get3A_1767 : vector<16xf32>
      %add3A_1769 = arith.addf %add3A_1743, %mul3A_1768 : vector<16xf32>
      %get3A_1770 = arith.index_cast %add3A_1764 : i32 to index
      %get3A_1771 = arith.constant 16 : index
      %get3A_1772 = tpu.vector_load %arg11[%get3A_1770, %get3A_1771] {strides = array<i32>} : memref<1024x64xf32, #tpu.memory_space<vmem>>, vector<16xf32>,
      %mul3A_1773 = arith.mulf %gather3A_1762, %get3A_1772 : vector<16xf32>
      %add3A_1774 = arith.addf %add3A_1748, %mul3A_1773 : vector<16xf32>
      %get3A_1775 = arith.index_cast %add3A_1764 : i32 to index
      %get3A_1776 = arith.constant 32 : index
      %get3A_1777 = tpu.vector_load %arg11[%get3A_1775, %get3A_1776] {strides = array<i32>} : memref<1024x64xf32, #tpu.memory_space<vmem>>, vector<16xf32>,
      %mul3A_1778 = arith.mulf %gather3A_1762, %get3A_1777 : vector<16xf32>
      %add3A_1779 = arith.addf %add3A_1753, %mul3A_1778 : vector<16xf32>
      %get3A_1780 = arith.index_cast %add3A_1764 : i32 to index
      %get3A_1781 = arith.constant 48 : index
      %get3A_1782 = tpu.vector_load %arg11[%get3A_1780, %get3A_1781] {strides = array<i32>} : memref<1024x64xf32, #tpu.memory_space<vmem>>, vector<16xf32>,
      %mul3A_1783 = arith.mulf %gather3A_1762, %get3A_1782 : vector<16xf32>
      %add3A_1784 = arith.addf %add3A_1758, %mul3A_1783 : vector<16xf32>
      %add3A_1785 = arith.constant 512 : i32
      %add3A_1786 = arith.addi %add3A_1785, %scan3A_1723 : i32
      %broadcast_in_dim3A_1787 = vector.broadcast %add3A_1786 : i32 to vector<16xi32>
      %gather3A_1788 = tpu.vector_load_idx %arg10[%broadcast_in_dim3A_1787] : memref<1024xf32, #tpu.memory_space<vmem>>[vector<16xi32>], vector<16xf32>,
      %add3A_1789 = arith.constant 512 : i32
      %add3A_1790 = arith.addi %add3A_1789, %scan3A_1723 : i32
      %get3A_1791 = arith.index_cast %add3A_1790 : i32 to index
      %get3A_1792 = arith.constant 0 : index
      %get3A_1793 = tpu.vector_load %arg11[%get3A_1791, %get3A_1792] {strides = array<i32>} : memref<1024x64xf32, #tpu.memory_space<vmem>>, vector<16xf32>,
      %mul3A_1794 = arith.mulf %gather3A_1788, %get3A_1793 : vector<16xf32>
      %add3A_1795 = arith.addf %add3A_1769, %mul3A_1794 : vector<16xf32>
      %get3A_1796 = arith.index_cast %add3A_1790 : i32 to index
      %get3A_1797 = arith.constant 16 : index
      %get3A_1798 = tpu.vector_load %arg11[%get3A_1796, %get3A_1797] {strides = array<i32>} : memref<1024x64xf32, #tpu.memory_space<vmem>>, vector<16xf32>,
      %mul3A_1799 = arith.mulf %gather3A_1788, %get3A_1798 : vector<16xf32>
      %add3A_1800 = arith.addf %add3A_1774, %mul3A_1799 : vector<16xf32>
      %get3A_1801 = arith.index_cast %add3A_1790 : i32 to index
      %get3A_1802 = arith.constant 32 : index
      %get3A_1803 = tpu.vector_load %arg11[%get3A_1801, %get3A_1802] {strides = array<i32>} : memref<1024x64xf32, #tpu.memory_space<vmem>>, vector<16xf32>,
      %mul3A_1804 = arith.mulf %gather3A_1788, %get3A_1803 : vector<16xf32>
      %add3A_1805 = arith.addf %add3A_1779, %mul3A_1804 : vector<16xf32>
      %get3A_1806 = arith.index_cast %add3A_1790 : i32 to index
      %get3A_1807 = arith.constant 48 : index
      %get3A_1808 = tpu.vector_load %arg11[%get3A_1806, %get3A_1807] {strides = array<i32>} : memref<1024x64xf32, #tpu.memory_space<vmem>>, vector<16xf32>,
      %mul3A_1809 = arith.mulf %gather3A_1788, %get3A_1808 : vector<16xf32>
      %add3A_1810 = arith.addf %add3A_1784, %mul3A_1809 : vector<16xf32>
      %add3A_1811 = arith.constant 768 : i32
      %add3A_1812 = arith.addi %add3A_1811, %scan3A_1723 : i32
      %broadcast_in_dim3A_1813 = vector.broadcast %add3A_1812 : i32 to vector<16xi32>
      %gather3A_1814 = tpu.vector_load_idx %arg10[%broadcast_in_dim3A_1813] : memref<1024xf32, #tpu.memory_space<vmem>>[vector<16xi32>], vector<16xf32>,
      %add3A_1815 = arith.constant 768 : i32
      %add3A_1816 = arith.addi %add3A_1815, %scan3A_1723 : i32
      %get3A_1817 = arith.index_cast %add3A_1816 : i32 to index
      %get3A_1818 = arith.constant 0 : index
      %get3A_1819 = tpu.vector_load %arg11[%get3A_1817, %get3A_1818] {strides = array<i32>} : memref<1024x64xf32, #tpu.memory_space<vmem>>, vector<16xf32>,
      %mul3A_1820 = arith.mulf %gather3A_1814, %get3A_1819 : vector<16xf32>
      %add3A_1821 = arith.addf %add3A_1795, %mul3A_1820 : vector<16xf32>
      %get3A_1822 = arith.index_cast %add3A_1816 : i32 to index
      %get3A_1823 = arith.constant 16 : index
      %get3A_1824 = tpu.vector_load %arg11[%get3A_1822, %get3A_1823] {strides = array<i32>} : memref<1024x64xf32, #tpu.memory_space<vmem>>, vector<16xf32>,
      %mul3A_1825 = arith.mulf %gather3A_1814, %get3A_1824 : vector<16xf32>
      %add3A_1826 = arith.addf %add3A_1800, %mul3A_1825 : vector<16xf32>
      %get3A_1827 = arith.index_cast %add3A_1816 : i32 to index
      %get3A_1828 = arith.constant 32 : index
      %get3A_1829 = tpu.vector_load %arg11[%get3A_1827, %get3A_1828] {strides = array<i32>} : memref<1024x64xf32, #tpu.memory_space<vmem>>, vector<16xf32>,
      %mul3A_1830 = arith.mulf %gather3A_1814, %get3A_1829 : vector<16xf32>
      %add3A_1831 = arith.addf %add3A_1805, %mul3A_1830 : vector<16xf32>
      %get3A_1832 = arith.index_cast %add3A_1816 : i32 to index
      %get3A_1833 = arith.constant 48 : index
      %get3A_1834 = tpu.vector_load %arg11[%get3A_1832, %get3A_1833] {strides = array<i32>} : memref<1024x64xf32, #tpu.memory_space<vmem>>, vector<16xf32>,
      %mul3A_1835 = arith.mulf %gather3A_1814, %get3A_1834 : vector<16xf32>
      %add3A_1836 = arith.addf %add3A_1810, %mul3A_1835 : vector<16xf32>
      %mul3A_1837 = arith.constant 2.500000e-01 : f32
      %mul3A_1838 = vector.broadcast %mul3A_1837 : f32 to vector<16xf32>
      %mul3A_1839 = arith.mulf %mul3A_1838, %add3A_1821 : vector<16xf32>
      %get3A_1840 = arith.constant 0 : index
      %get3A_1841 = tpu.vector_load %arg13[%get3A_1840] {strides = array<i32>} : memref<64xf32, #tpu.memory_space<vmem>>, vector<16xf32>,
      %add3A_1842 = arith.addf %mul3A_1839, %get3A_1841 : vector<16xf32>
      %swap3A_1843 = arith.index_cast %scan3A_1723 : i32 to index
      %swap3A_1844 = arith.constant 0 : index
      %swap3A_1845 = tpu.vector_load %arg14[%swap3A_1843, %swap3A_1844] {strides = array<i32>} : memref<256x64xf32, #tpu.memory_space<vmem>>, vector<16xf32>,
      tpu.vector_store %arg14[%swap3A_1843, %swap3A_1844], %add3A_1842 {strides = array<i32>} : memref<256x64xf32, #tpu.memory_space<vmem>>, vector<16xf32>,
      %mul3A_1846 = arith.constant 2.500000e-01 : f32
      %mul3A_1847 = vector.broadcast %mul3A_1846 : f32 to vector<16xf32>
      %mul3A_1848 = arith.mulf %mul3A_1847, %add3A_1826 : vector<16xf32>
      %get3A_1849 = arith.constant 16 : index
      %get3A_1850 = tpu.vector_load %arg13[%get3A_1849] {strides = array<i32>} : memref<64xf32, #tpu.memory_space<vmem>>, vector<16xf32>,
      %add3A_1851 = arith.addf %mul3A_1848, %get3A_1850 : vector<16xf32>
      %swap3A_1852 = arith.index_cast %scan3A_1723 : i32 to index
      %swap3A_1853 = arith.constant 16 : index
      %swap3A_1854 = tpu.vector_load %arg14[%swap3A_1852, %swap3A_1853] {strides = array<i32>} : memref<256x64xf32, #tpu.memory_space<vmem>>, vector<16xf32>,
      tpu.vector_store %arg14[%swap3A_1852, %swap3A_1853], %add3A_1851 {strides = array<i32>} : memref<256x64xf32, #tpu.memory_space<vmem>>, vector<16xf32>,
      %mul3A_1855 = arith.constant 2.500000e-01 : f32
      %mul3A_1856 = vector.broadcast %mul3A_1855 : f32 to vector<16xf32>
      %mul3A_1857 = arith.mulf %mul3A_1856, %add3A_1831 : vector<16xf32>
      %get3A_1858 = arith.constant 32 : index
      %get3A_1859 = tpu.vector_load %arg13[%get3A_1858] {strides = array<i32>} : memref<64xf32, #tpu.memory_space<vmem>>, vector<16xf32>,
      %add3A_1860 = arith.addf %mul3A_1857, %get3A_1859 : vector<16xf32>
      %swap3A_1861 = arith.index_cast %scan3A_1723 : i32 to index
      %swap3A_1862 = arith.constant 32 : index
      %swap3A_1863 = tpu.vector_load %arg14[%swap3A_1861, %swap3A_1862] {strides = array<i32>} : memref<256x64xf32, #tpu.memory_space<vmem>>, vector<16xf32>,
      tpu.vector_store %arg14[%swap3A_1861, %swap3A_1862], %add3A_1860 {strides = array<i32>} : memref<256x64xf32, #tpu.memory_space<vmem>>, vector<16xf32>,
      %mul3A_1864 = arith.constant 2.500000e-01 : f32
      %mul3A_1865 = vector.broadcast %mul3A_1864 : f32 to vector<16xf32>
      %mul3A_1866 = arith.mulf %mul3A_1865, %add3A_1836 : vector<16xf32>
      %get3A_1867 = arith.constant 48 : index
      %get3A_1868 = tpu.vector_load %arg13[%get3A_1867] {strides = array<i32>} : memref<64xf32, #tpu.memory_space<vmem>>, vector<16xf32>,
      %add3A_1869 = arith.addf %mul3A_1866, %get3A_1868 : vector<16xf32>
      %swap3A_1870 = arith.index_cast %scan3A_1723 : i32 to index
      %swap3A_1871 = arith.constant 48 : index
      %swap3A_1872 = tpu.vector_load %arg14[%swap3A_1870, %swap3A_1871] {strides = array<i32>} : memref<256x64xf32, #tpu.memory_space<vmem>>, vector<16xf32>,
      tpu.vector_store %arg14[%swap3A_1870, %swap3A_1871], %add3A_1869 {strides = array<i32>} : memref<256x64xf32, #tpu.memory_space<vmem>>, vector<16xf32>,
      %scan3A_1873 = arith.constant 0 : i32
      scf.yield %scan3A_1873 : i32
    }
    %scan3A_1722 = arith.constant 256 : i32
    "tpu.region"() ({
      %run_scoped3A = tpu.sem_alloc : memref<!tpu.dma_semaphore, #tpu.memory_space<semaphore_mem>>
      %dma_start3A_1723 = arith.constant 0 : i32
      %dma_start3A_1724 = tpu.memref_slice %arg6[%mul3A_2, %dma_start3A_1723] : memref<8192x64xf32, #tpu.memory_space<hbm>> -> memref<256x64xf32, #tpu.memory_space<hbm>>
      %dma_start3A_1725 = arith.constant 0 : i32
      %dma_start3A_1726 = tpu.memref_slice %arg6[%mul3A_2, %dma_start3A_1725] : memref<8192x64xf32, #tpu.memory_space<hbm>> -> memref<256x64xf32, #tpu.memory_space<hbm>>
      tpu.enqueue_dma source(%arg14 : memref<256x64xf32, #tpu.memory_space<vmem>>) target(%dma_start3A_1726 : memref<256x64xf32, #tpu.memory_space<hbm>>) target_semaphore(%run_scoped3A : memref<!tpu.dma_semaphore, #tpu.memory_space<semaphore_mem>>)
      %dma_wait3A_1727 = arith.constant 0 : i32
      %dma_wait3A_1728 = tpu.memref_slice %arg6[%mul3A_2, %dma_wait3A_1727] : memref<8192x64xf32, #tpu.memory_space<hbm>> -> memref<256x64xf32, #tpu.memory_space<hbm>>
      %dma_wait3A_1729 = arith.constant 0 : i32
      %dma_wait3A_1730 = tpu.memref_slice %arg6[%mul3A_2, %dma_wait3A_1729] : memref<8192x64xf32, #tpu.memory_space<hbm>> -> memref<256x64xf32, #tpu.memory_space<hbm>>
      tpu.wait_dma2 semaphore(%run_scoped3A : memref<!tpu.dma_semaphore, #tpu.memory_space<semaphore_mem>>) src(%arg14 : memref<256x64xf32, #tpu.memory_space<vmem>>) dst(%dma_wait3A_1730 : memref<256x64xf32, #tpu.memory_space<hbm>>)
      tpu.yield
    }) : () -> ()
    return
  }
}

#map = affine_map<(d0, d1) -> (0, 0)>
#map1 = affine_map<(d0, d1) -> (0)>
module attributes {stable_mosaic.version = 14 : i64} {
  func.func @_img_gather(%arg0: i32, %arg1: i32, %arg2: memref<32768x64xf32, #tpu.memory_space<hbm>>, %arg3: memref<8192xi32, #tpu.memory_space<hbm>>, %arg4: memref<8192x64xf32, #tpu.memory_space<hbm>>, %arg5: memref<256xi32, #tpu.memory_space<vmem>>, %arg6: memref<256x64xf32, #tpu.memory_space<vmem>>, %arg7: memref<!tpu.dma_semaphore, #tpu.memory_space<semaphore_mem>>) attributes {dimension_semantics = [#tpu.dimension_semantics<core_parallel>, #tpu.dimension_semantics<subcore_parallel>], iteration_bounds = array<i64: 2, 16>, scalar_prefetch = 0 : i64, scratch_operands = 3 : i64, tpu.core_type = #tpu.core_type<sc_vector_subcore>, window_params = [{transform_indices = #map}, {transform_indices = #map1}, {transform_indices = #map}]} {
    %mul3A = arith.constant 2 : i32
    %mul3A_0 = arith.muli %arg1, %mul3A : i32
    %add3A = arith.addi %mul3A_0, %arg0 : i32
    %mul3A_1 = arith.constant 256 : i32
    %mul3A_2 = arith.muli %add3A, %mul3A_1 : i32
    "tpu.region"() ({
      %run_scoped3A = tpu.sem_alloc : memref<!tpu.dma_semaphore, #tpu.memory_space<semaphore_mem>>
      %dma_start3A_166 = tpu.memref_slice %arg3[%mul3A_2] : memref<8192xi32, #tpu.memory_space<hbm>> -> memref<256xi32, #tpu.memory_space<hbm>>
      %dma_start3A_167 = tpu.memref_slice %arg3[%mul3A_2] : memref<8192xi32, #tpu.memory_space<hbm>> -> memref<256xi32, #tpu.memory_space<hbm>>
      tpu.enqueue_dma source(%dma_start3A_167 : memref<256xi32, #tpu.memory_space<hbm>>) target(%arg5 : memref<256xi32, #tpu.memory_space<vmem>>) target_semaphore(%run_scoped3A : memref<!tpu.dma_semaphore, #tpu.memory_space<semaphore_mem>>)
      %dma_wait3A_168 = tpu.memref_slice %arg3[%mul3A_2] : memref<8192xi32, #tpu.memory_space<hbm>> -> memref<256xi32, #tpu.memory_space<hbm>>
      %dma_wait3A_169 = tpu.memref_slice %arg3[%mul3A_2] : memref<8192xi32, #tpu.memory_space<hbm>> -> memref<256xi32, #tpu.memory_space<hbm>>
      tpu.wait_dma2 semaphore(%run_scoped3A : memref<!tpu.dma_semaphore, #tpu.memory_space<semaphore_mem>>) src(%dma_wait3A_169 : memref<256xi32, #tpu.memory_space<hbm>>) dst(%arg5 : memref<256xi32, #tpu.memory_space<vmem>>)
      tpu.yield
    }) : () -> ()
    %jit3A = arith.constant 4096 : i32
    %div3A = arith.divsi %mul3A_2, %jit3A : i32
    %sign3A = arith.constant 0 : i32
    %sign3A_3 = arith.cmpi sgt, %mul3A_2, %sign3A : i32
    %sign3A_4 = arith.extui %sign3A_3 : i1 to i32
    %sign3A_5 = arith.constant 0 : i32
    %sign3A_6 = arith.cmpi slt, %mul3A_2, %sign3A_5 : i32
    %sign3A_7 = arith.extui %sign3A_6 : i1 to i32
    %sign3A_8 = arith.subi %sign3A_4, %sign3A_7 : i32
    %sign3A_9 = arith.constant 0 : i32
    %sign3A_10 = arith.cmpi sgt, %jit3A, %sign3A_9 : i32
    %sign3A_11 = arith.extui %sign3A_10 : i1 to i32
    %sign3A_12 = arith.constant 0 : i32
    %sign3A_13 = arith.cmpi slt, %jit3A, %sign3A_12 : i32
    %sign3A_14 = arith.extui %sign3A_13 : i1 to i32
    %sign3A_15 = arith.subi %sign3A_11, %sign3A_14 : i32
    %ne3A = arith.cmpi ne, %sign3A_8, %sign3A_15 : i32
    %rem3A = arith.remsi %mul3A_2, %jit3A : i32
    %ne3A_16 = arith.constant 0 : i32
    %ne3A_17 = arith.cmpi ne, %rem3A, %ne3A_16 : i32
    %and3A = arith.andi %ne3A, %ne3A_17 : i1
    %sub3A = arith.constant 1 : i32
    %sub3A_18 = arith.subi %div3A, %sub3A : i32
    %select_n3A = arith.select %and3A, %sub3A_18, %div3A : i32
    %mul3A_19 = arith.constant 16384 : i32
    %mul3A_20 = arith.muli %select_n3A, %mul3A_19 : i32
    %get3A = arith.constant 0 : index
    %get3A_21 = tpu.vector_load %arg5[%get3A] {strides = array<i32>} : memref<256xi32, #tpu.memory_space<vmem>>, vector<16xi32>,
    %get3A_22 = vector.shape_cast %get3A_21 : vector<16xi32> to vector<16xi32>
    %broadcast_in_dim3A = vector.broadcast %mul3A_20 : i32 to vector<16xi32>
    %add3A_23 = arith.addi %get3A_22, %broadcast_in_dim3A : vector<16xi32>
    %swap3A = arith.constant 0 : index
    %swap3A_24 = tpu.vector_load %arg5[%swap3A] {strides = array<i32>} : memref<256xi32, #tpu.memory_space<vmem>>, vector<16xi32>,
    %swap3A_25 = vector.shape_cast %swap3A_24 : vector<16xi32> to vector<16xi32>
    %swap3A_26 = vector.shape_cast %add3A_23 : vector<16xi32> to vector<16xi32>
    tpu.vector_store %arg5[%swap3A], %swap3A_26 {strides = array<i32>} : memref<256xi32, #tpu.memory_space<vmem>>, vector<16xi32>,
    %get3A_27 = arith.constant 16 : index
    %get3A_28 = tpu.vector_load %arg5[%get3A_27] {strides = array<i32>} : memref<256xi32, #tpu.memory_space<vmem>>, vector<16xi32>,
    %get3A_29 = vector.shape_cast %get3A_28 : vector<16xi32> to vector<16xi32>
    %broadcast_in_dim3A_30 = vector.broadcast %mul3A_20 : i32 to vector<16xi32>
    %add3A_31 = arith.addi %get3A_29, %broadcast_in_dim3A_30 : vector<16xi32>
    %swap3A_32 = arith.constant 16 : index
    %swap3A_33 = tpu.vector_load %arg5[%swap3A_32] {strides = array<i32>} : memref<256xi32, #tpu.memory_space<vmem>>, vector<16xi32>,
    %swap3A_34 = vector.shape_cast %swap3A_33 : vector<16xi32> to vector<16xi32>
    %swap3A_35 = vector.shape_cast %add3A_31 : vector<16xi32> to vector<16xi32>
    tpu.vector_store %arg5[%swap3A_32], %swap3A_35 {strides = array<i32>} : memref<256xi32, #tpu.memory_space<vmem>>, vector<16xi32>,
    %get3A_36 = arith.constant 32 : index
    %get3A_37 = tpu.vector_load %arg5[%get3A_36] {strides = array<i32>} : memref<256xi32, #tpu.memory_space<vmem>>, vector<16xi32>,
    %get3A_38 = vector.shape_cast %get3A_37 : vector<16xi32> to vector<16xi32>
    %broadcast_in_dim3A_39 = vector.broadcast %mul3A_20 : i32 to vector<16xi32>
    %add3A_40 = arith.addi %get3A_38, %broadcast_in_dim3A_39 : vector<16xi32>
    %swap3A_41 = arith.constant 32 : index
    %swap3A_42 = tpu.vector_load %arg5[%swap3A_41] {strides = array<i32>} : memref<256xi32, #tpu.memory_space<vmem>>, vector<16xi32>,
    %swap3A_43 = vector.shape_cast %swap3A_42 : vector<16xi32> to vector<16xi32>
    %swap3A_44 = vector.shape_cast %add3A_40 : vector<16xi32> to vector<16xi32>
    tpu.vector_store %arg5[%swap3A_41], %swap3A_44 {strides = array<i32>} : memref<256xi32, #tpu.memory_space<vmem>>, vector<16xi32>,
    %get3A_45 = arith.constant 48 : index
    %get3A_46 = tpu.vector_load %arg5[%get3A_45] {strides = array<i32>} : memref<256xi32, #tpu.memory_space<vmem>>, vector<16xi32>,
    %get3A_47 = vector.shape_cast %get3A_46 : vector<16xi32> to vector<16xi32>
    %broadcast_in_dim3A_48 = vector.broadcast %mul3A_20 : i32 to vector<16xi32>
    %add3A_49 = arith.addi %get3A_47, %broadcast_in_dim3A_48 : vector<16xi32>
    %swap3A_50 = arith.constant 48 : index
    %swap3A_51 = tpu.vector_load %arg5[%swap3A_50] {strides = array<i32>} : memref<256xi32, #tpu.memory_space<vmem>>, vector<16xi32>,
    %swap3A_52 = vector.shape_cast %swap3A_51 : vector<16xi32> to vector<16xi32>
    %swap3A_53 = vector.shape_cast %add3A_49 : vector<16xi32> to vector<16xi32>
    tpu.vector_store %arg5[%swap3A_50], %swap3A_53 {strides = array<i32>} : memref<256xi32, #tpu.memory_space<vmem>>, vector<16xi32>,
    %get3A_54 = arith.constant 64 : index
    %get3A_55 = tpu.vector_load %arg5[%get3A_54] {strides = array<i32>} : memref<256xi32, #tpu.memory_space<vmem>>, vector<16xi32>,
    %get3A_56 = vector.shape_cast %get3A_55 : vector<16xi32> to vector<16xi32>
    %broadcast_in_dim3A_57 = vector.broadcast %mul3A_20 : i32 to vector<16xi32>
    %add3A_58 = arith.addi %get3A_56, %broadcast_in_dim3A_57 : vector<16xi32>
    %swap3A_59 = arith.constant 64 : index
    %swap3A_60 = tpu.vector_load %arg5[%swap3A_59] {strides = array<i32>} : memref<256xi32, #tpu.memory_space<vmem>>, vector<16xi32>,
    %swap3A_61 = vector.shape_cast %swap3A_60 : vector<16xi32> to vector<16xi32>
    %swap3A_62 = vector.shape_cast %add3A_58 : vector<16xi32> to vector<16xi32>
    tpu.vector_store %arg5[%swap3A_59], %swap3A_62 {strides = array<i32>} : memref<256xi32, #tpu.memory_space<vmem>>, vector<16xi32>,
    %get3A_63 = arith.constant 80 : index
    %get3A_64 = tpu.vector_load %arg5[%get3A_63] {strides = array<i32>} : memref<256xi32, #tpu.memory_space<vmem>>, vector<16xi32>,
    %get3A_65 = vector.shape_cast %get3A_64 : vector<16xi32> to vector<16xi32>
    %broadcast_in_dim3A_66 = vector.broadcast %mul3A_20 : i32 to vector<16xi32>
    %add3A_67 = arith.addi %get3A_65, %broadcast_in_dim3A_66 : vector<16xi32>
    %swap3A_68 = arith.constant 80 : index
    %swap3A_69 = tpu.vector_load %arg5[%swap3A_68] {strides = array<i32>} : memref<256xi32, #tpu.memory_space<vmem>>, vector<16xi32>,
    %swap3A_70 = vector.shape_cast %swap3A_69 : vector<16xi32> to vector<16xi32>
    %swap3A_71 = vector.shape_cast %add3A_67 : vector<16xi32> to vector<16xi32>
    tpu.vector_store %arg5[%swap3A_68], %swap3A_71 {strides = array<i32>} : memref<256xi32, #tpu.memory_space<vmem>>, vector<16xi32>,
    %get3A_72 = arith.constant 96 : index
    %get3A_73 = tpu.vector_load %arg5[%get3A_72] {strides = array<i32>} : memref<256xi32, #tpu.memory_space<vmem>>, vector<16xi32>,
    %get3A_74 = vector.shape_cast %get3A_73 : vector<16xi32> to vector<16xi32>
    %broadcast_in_dim3A_75 = vector.broadcast %mul3A_20 : i32 to vector<16xi32>
    %add3A_76 = arith.addi %get3A_74, %broadcast_in_dim3A_75 : vector<16xi32>
    %swap3A_77 = arith.constant 96 : index
    %swap3A_78 = tpu.vector_load %arg5[%swap3A_77] {strides = array<i32>} : memref<256xi32, #tpu.memory_space<vmem>>, vector<16xi32>,
    %swap3A_79 = vector.shape_cast %swap3A_78 : vector<16xi32> to vector<16xi32>
    %swap3A_80 = vector.shape_cast %add3A_76 : vector<16xi32> to vector<16xi32>
    tpu.vector_store %arg5[%swap3A_77], %swap3A_80 {strides = array<i32>} : memref<256xi32, #tpu.memory_space<vmem>>, vector<16xi32>,
    %get3A_81 = arith.constant 112 : index
    %get3A_82 = tpu.vector_load %arg5[%get3A_81] {strides = array<i32>} : memref<256xi32, #tpu.memory_space<vmem>>, vector<16xi32>,
    %get3A_83 = vector.shape_cast %get3A_82 : vector<16xi32> to vector<16xi32>
    %broadcast_in_dim3A_84 = vector.broadcast %mul3A_20 : i32 to vector<16xi32>
    %add3A_85 = arith.addi %get3A_83, %broadcast_in_dim3A_84 : vector<16xi32>
    %swap3A_86 = arith.constant 112 : index
    %swap3A_87 = tpu.vector_load %arg5[%swap3A_86] {strides = array<i32>} : memref<256xi32, #tpu.memory_space<vmem>>, vector<16xi32>,
    %swap3A_88 = vector.shape_cast %swap3A_87 : vector<16xi32> to vector<16xi32>
    %swap3A_89 = vector.shape_cast %add3A_85 : vector<16xi32> to vector<16xi32>
    tpu.vector_store %arg5[%swap3A_86], %swap3A_89 {strides = array<i32>} : memref<256xi32, #tpu.memory_space<vmem>>, vector<16xi32>,
    %get3A_90 = arith.constant 128 : index
    %get3A_91 = tpu.vector_load %arg5[%get3A_90] {strides = array<i32>} : memref<256xi32, #tpu.memory_space<vmem>>, vector<16xi32>,
    %get3A_92 = vector.shape_cast %get3A_91 : vector<16xi32> to vector<16xi32>
    %broadcast_in_dim3A_93 = vector.broadcast %mul3A_20 : i32 to vector<16xi32>
    %add3A_94 = arith.addi %get3A_92, %broadcast_in_dim3A_93 : vector<16xi32>
    %swap3A_95 = arith.constant 128 : index
    %swap3A_96 = tpu.vector_load %arg5[%swap3A_95] {strides = array<i32>} : memref<256xi32, #tpu.memory_space<vmem>>, vector<16xi32>,
    %swap3A_97 = vector.shape_cast %swap3A_96 : vector<16xi32> to vector<16xi32>
    %swap3A_98 = vector.shape_cast %add3A_94 : vector<16xi32> to vector<16xi32>
    tpu.vector_store %arg5[%swap3A_95], %swap3A_98 {strides = array<i32>} : memref<256xi32, #tpu.memory_space<vmem>>, vector<16xi32>,
    %get3A_99 = arith.constant 144 : index
    %get3A_100 = tpu.vector_load %arg5[%get3A_99] {strides = array<i32>} : memref<256xi32, #tpu.memory_space<vmem>>, vector<16xi32>,
    %get3A_101 = vector.shape_cast %get3A_100 : vector<16xi32> to vector<16xi32>
    %broadcast_in_dim3A_102 = vector.broadcast %mul3A_20 : i32 to vector<16xi32>
    %add3A_103 = arith.addi %get3A_101, %broadcast_in_dim3A_102 : vector<16xi32>
    %swap3A_104 = arith.constant 144 : index
    %swap3A_105 = tpu.vector_load %arg5[%swap3A_104] {strides = array<i32>} : memref<256xi32, #tpu.memory_space<vmem>>, vector<16xi32>,
    %swap3A_106 = vector.shape_cast %swap3A_105 : vector<16xi32> to vector<16xi32>
    %swap3A_107 = vector.shape_cast %add3A_103 : vector<16xi32> to vector<16xi32>
    tpu.vector_store %arg5[%swap3A_104], %swap3A_107 {strides = array<i32>} : memref<256xi32, #tpu.memory_space<vmem>>, vector<16xi32>,
    %get3A_108 = arith.constant 160 : index
    %get3A_109 = tpu.vector_load %arg5[%get3A_108] {strides = array<i32>} : memref<256xi32, #tpu.memory_space<vmem>>, vector<16xi32>,
    %get3A_110 = vector.shape_cast %get3A_109 : vector<16xi32> to vector<16xi32>
    %broadcast_in_dim3A_111 = vector.broadcast %mul3A_20 : i32 to vector<16xi32>
    %add3A_112 = arith.addi %get3A_110, %broadcast_in_dim3A_111 : vector<16xi32>
    %swap3A_113 = arith.constant 160 : index
    %swap3A_114 = tpu.vector_load %arg5[%swap3A_113] {strides = array<i32>} : memref<256xi32, #tpu.memory_space<vmem>>, vector<16xi32>,
    %swap3A_115 = vector.shape_cast %swap3A_114 : vector<16xi32> to vector<16xi32>
    %swap3A_116 = vector.shape_cast %add3A_112 : vector<16xi32> to vector<16xi32>
    tpu.vector_store %arg5[%swap3A_113], %swap3A_116 {strides = array<i32>} : memref<256xi32, #tpu.memory_space<vmem>>, vector<16xi32>,
    %get3A_117 = arith.constant 176 : index
    %get3A_118 = tpu.vector_load %arg5[%get3A_117] {strides = array<i32>} : memref<256xi32, #tpu.memory_space<vmem>>, vector<16xi32>,
    %get3A_119 = vector.shape_cast %get3A_118 : vector<16xi32> to vector<16xi32>
    %broadcast_in_dim3A_120 = vector.broadcast %mul3A_20 : i32 to vector<16xi32>
    %add3A_121 = arith.addi %get3A_119, %broadcast_in_dim3A_120 : vector<16xi32>
    %swap3A_122 = arith.constant 176 : index
    %swap3A_123 = tpu.vector_load %arg5[%swap3A_122] {strides = array<i32>} : memref<256xi32, #tpu.memory_space<vmem>>, vector<16xi32>,
    %swap3A_124 = vector.shape_cast %swap3A_123 : vector<16xi32> to vector<16xi32>
    %swap3A_125 = vector.shape_cast %add3A_121 : vector<16xi32> to vector<16xi32>
    tpu.vector_store %arg5[%swap3A_122], %swap3A_125 {strides = array<i32>} : memref<256xi32, #tpu.memory_space<vmem>>, vector<16xi32>,
    %get3A_126 = arith.constant 192 : index
    %get3A_127 = tpu.vector_load %arg5[%get3A_126] {strides = array<i32>} : memref<256xi32, #tpu.memory_space<vmem>>, vector<16xi32>,
    %get3A_128 = vector.shape_cast %get3A_127 : vector<16xi32> to vector<16xi32>
    %broadcast_in_dim3A_129 = vector.broadcast %mul3A_20 : i32 to vector<16xi32>
    %add3A_130 = arith.addi %get3A_128, %broadcast_in_dim3A_129 : vector<16xi32>
    %swap3A_131 = arith.constant 192 : index
    %swap3A_132 = tpu.vector_load %arg5[%swap3A_131] {strides = array<i32>} : memref<256xi32, #tpu.memory_space<vmem>>, vector<16xi32>,
    %swap3A_133 = vector.shape_cast %swap3A_132 : vector<16xi32> to vector<16xi32>
    %swap3A_134 = vector.shape_cast %add3A_130 : vector<16xi32> to vector<16xi32>
    tpu.vector_store %arg5[%swap3A_131], %swap3A_134 {strides = array<i32>} : memref<256xi32, #tpu.memory_space<vmem>>, vector<16xi32>,
    %get3A_135 = arith.constant 208 : index
    %get3A_136 = tpu.vector_load %arg5[%get3A_135] {strides = array<i32>} : memref<256xi32, #tpu.memory_space<vmem>>, vector<16xi32>,
    %get3A_137 = vector.shape_cast %get3A_136 : vector<16xi32> to vector<16xi32>
    %broadcast_in_dim3A_138 = vector.broadcast %mul3A_20 : i32 to vector<16xi32>
    %add3A_139 = arith.addi %get3A_137, %broadcast_in_dim3A_138 : vector<16xi32>
    %swap3A_140 = arith.constant 208 : index
    %swap3A_141 = tpu.vector_load %arg5[%swap3A_140] {strides = array<i32>} : memref<256xi32, #tpu.memory_space<vmem>>, vector<16xi32>,
    %swap3A_142 = vector.shape_cast %swap3A_141 : vector<16xi32> to vector<16xi32>
    %swap3A_143 = vector.shape_cast %add3A_139 : vector<16xi32> to vector<16xi32>
    tpu.vector_store %arg5[%swap3A_140], %swap3A_143 {strides = array<i32>} : memref<256xi32, #tpu.memory_space<vmem>>, vector<16xi32>,
    %get3A_144 = arith.constant 224 : index
    %get3A_145 = tpu.vector_load %arg5[%get3A_144] {strides = array<i32>} : memref<256xi32, #tpu.memory_space<vmem>>, vector<16xi32>,
    %get3A_146 = vector.shape_cast %get3A_145 : vector<16xi32> to vector<16xi32>
    %broadcast_in_dim3A_147 = vector.broadcast %mul3A_20 : i32 to vector<16xi32>
    %add3A_148 = arith.addi %get3A_146, %broadcast_in_dim3A_147 : vector<16xi32>
    %swap3A_149 = arith.constant 224 : index
    %swap3A_150 = tpu.vector_load %arg5[%swap3A_149] {strides = array<i32>} : memref<256xi32, #tpu.memory_space<vmem>>, vector<16xi32>,
    %swap3A_151 = vector.shape_cast %swap3A_150 : vector<16xi32> to vector<16xi32>
    %swap3A_152 = vector.shape_cast %add3A_148 : vector<16xi32> to vector<16xi32>
    tpu.vector_store %arg5[%swap3A_149], %swap3A_152 {strides = array<i32>} : memref<256xi32, #tpu.memory_space<vmem>>, vector<16xi32>,
    %get3A_153 = arith.constant 240 : index
    %get3A_154 = tpu.vector_load %arg5[%get3A_153] {strides = array<i32>} : memref<256xi32, #tpu.memory_space<vmem>>, vector<16xi32>,
    %get3A_155 = vector.shape_cast %get3A_154 : vector<16xi32> to vector<16xi32>
    %broadcast_in_dim3A_156 = vector.broadcast %mul3A_20 : i32 to vector<16xi32>
    %add3A_157 = arith.addi %get3A_155, %broadcast_in_dim3A_156 : vector<16xi32>
    %swap3A_158 = arith.constant 240 : index
    %swap3A_159 = tpu.vector_load %arg5[%swap3A_158] {strides = array<i32>} : memref<256xi32, #tpu.memory_space<vmem>>, vector<16xi32>,
    %swap3A_160 = vector.shape_cast %swap3A_159 : vector<16xi32> to vector<16xi32>
    %swap3A_161 = vector.shape_cast %add3A_157 : vector<16xi32> to vector<16xi32>
    tpu.vector_store %arg5[%swap3A_158], %swap3A_161 {strides = array<i32>} : memref<256xi32, #tpu.memory_space<vmem>>, vector<16xi32>,
    %dma_start3A = arith.constant 0 : i32
    %dma_start3A_162 = arith.constant 0 : i32
    %dma_start3A_163 = tpu.memref_slice %arg2[%dma_start3A, %dma_start3A_162] : memref<32768x64xf32, #tpu.memory_space<hbm>> -> memref<32768x64xf32, #tpu.memory_space<hbm>>
    tpu.enqueue_indirect_dma source(%dma_start3A_163 : memref<32768x64xf32, #tpu.memory_space<hbm>>) target(%arg6 : memref<256x64xf32, #tpu.memory_space<vmem>>) offsets(%arg5 : memref<256xi32, #tpu.memory_space<vmem>>) semaphore(%arg7 : memref<!tpu.dma_semaphore, #tpu.memory_space<semaphore_mem>>)
    %dma_wait3A = arith.constant 0 : i32
    %dma_wait3A_164 = arith.constant 0 : i32
    %dma_wait3A_165 = tpu.memref_slice %arg2[%dma_wait3A, %dma_wait3A_164] : memref<32768x64xf32, #tpu.memory_space<hbm>> -> memref<32768x64xf32, #tpu.memory_space<hbm>>
    tpu.wait_indirect_dma semaphore(%arg7 : memref<!tpu.dma_semaphore, #tpu.memory_space<semaphore_mem>>) src(%dma_wait3A_165 : memref<32768x64xf32, #tpu.memory_space<hbm>>) dst(%arg6 : memref<256x64xf32, #tpu.memory_space<vmem>>)
    "tpu.region"() ({
      %run_scoped3A = tpu.sem_alloc : memref<!tpu.dma_semaphore, #tpu.memory_space<semaphore_mem>>
      %dma_start3A_166 = arith.constant 0 : i32
      %dma_start3A_167 = tpu.memref_slice %arg4[%mul3A_2, %dma_start3A_166] : memref<8192x64xf32, #tpu.memory_space<hbm>> -> memref<256x64xf32, #tpu.memory_space<hbm>>
      %dma_start3A_168 = arith.constant 0 : i32
      %dma_start3A_169 = tpu.memref_slice %arg4[%mul3A_2, %dma_start3A_168] : memref<8192x64xf32, #tpu.memory_space<hbm>> -> memref<256x64xf32, #tpu.memory_space<hbm>>
      tpu.enqueue_dma source(%arg6 : memref<256x64xf32, #tpu.memory_space<vmem>>) target(%dma_start3A_169 : memref<256x64xf32, #tpu.memory_space<hbm>>) target_semaphore(%run_scoped3A : memref<!tpu.dma_semaphore, #tpu.memory_space<semaphore_mem>>)
      %dma_wait3A_170 = arith.constant 0 : i32
      %dma_wait3A_171 = tpu.memref_slice %arg4[%mul3A_2, %dma_wait3A_170] : memref<8192x64xf32, #tpu.memory_space<hbm>> -> memref<256x64xf32, #tpu.memory_space<hbm>>
      %dma_wait3A_172 = arith.constant 0 : i32
      %dma_wait3A_173 = tpu.memref_slice %arg4[%mul3A_2, %dma_wait3A_172] : memref<8192x64xf32, #tpu.memory_space<hbm>> -> memref<256x64xf32, #tpu.memory_space<hbm>>
      tpu.wait_dma2 semaphore(%run_scoped3A : memref<!tpu.dma_semaphore, #tpu.memory_space<semaphore_mem>>) src(%arg6 : memref<256x64xf32, #tpu.memory_space<vmem>>) dst(%dma_wait3A_173 : memref<256x64xf32, #tpu.memory_space<hbm>>)
      tpu.yield
    }) : () -> ()
    return
  }
}

module attributes {stable_mosaic.version = 14 : i64} {
  func.func @_knn_body(%arg0: i32, %arg1: i32, %arg2: memref<1x512x8xf32, #tpu.memory_space<vmem>>, %arg3: memref<1x8x4096xf32, #tpu.memory_space<vmem>>, %arg4: memref<512x4xi32, #tpu.memory_space<vmem>>) attributes {dimension_semantics = [#tpu.dimension_semantics<arbitrary>, #tpu.dimension_semantics<arbitrary>], iteration_bounds = array<i64: 2, 8>, scalar_prefetch = 0 : i64, scratch_operands = 0 : i64, tpu.core_type = #tpu.core_type<tc>, window_params = [{transform_indices = @transform_0, window_bounds = array<i64: 1, 512, 8>}, {transform_indices = @transform_1, window_bounds = array<i64: 1, 8, 4096>}, {transform_indices = @transform_2, window_bounds = array<i64: 512, 4>}]} {
    %get3A = arith.constant 0 : index
    %get3A_0 = arith.constant 0 : index
    %get3A_1 = arith.constant 0 : index
    %get3A_2 = vector.load %arg2[%get3A, %get3A_0, %get3A_1] : memref<1x512x8xf32, #tpu.memory_space<vmem>>, vector<1x512x8xf32>
    %get3A_3 = vector.shape_cast %get3A_2 : vector<1x512x8xf32> to vector<512x8xf32>
    %get3A_4 = arith.constant 0 : index
    %get3A_5 = arith.constant 0 : index
    %get3A_6 = arith.constant 0 : index
    %get3A_7 = vector.load %arg3[%get3A_4, %get3A_5, %get3A_6] : memref<1x8x4096xf32, #tpu.memory_space<vmem>>, vector<1x8x4096xf32>
    %get3A_8 = vector.shape_cast %get3A_7 : vector<1x8x4096xf32> to vector<8x4096xf32>
    %mul3A = arith.mulf %get3A_3, %get3A_3 : vector<512x8xf32>
    %reduce_sum3A = arith.constant dense<0.000000e+00> : vector<512xf32>
    %reduce_sum3A_9 = vector.multi_reduction <add>, %mul3A, %reduce_sum3A [1] : vector<512x8xf32> to vector<512xf32>
    %mul3A_10 = arith.mulf %get3A_8, %get3A_8 : vector<8x4096xf32>
    %reduce_sum3A_11 = arith.constant dense<0.000000e+00> : vector<4096xf32>
    %reduce_sum3A_12 = vector.multi_reduction <add>, %mul3A_10, %reduce_sum3A_11 [0] : vector<8x4096xf32> to vector<4096xf32>
    %convert_element_type3A = arith.truncf %get3A_3 : vector<512x8xf32> to vector<512x8xbf16>
    %convert_element_type3A_13 = arith.truncf %get3A_8 : vector<8x4096xf32> to vector<8x4096xbf16>
    %dot_general3A = arith.constant dense<0.000000e+00> : vector<512x4096xf32>
    %dot_general3A_14 = tpu.matmul %convert_element_type3A, %convert_element_type3A_13, %dot_general3A {dimension_numbers = #tpu.dot_dimension_numbers<[1], [0], [0], [1], [0, 0, 1, 1], [], []>, transpose_lhs_hint = false} : vector<512x8xbf16>, vector<8x4096xbf16>, vector<512x4096xf32> -> vector<512x4096xf32>
    %broadcast_in_dim3A = vector.shape_cast %reduce_sum3A_9 : vector<512xf32> to vector<512x1xf32>
    %broadcast_in_dim3A_15 = vector.shape_cast %reduce_sum3A_12 : vector<4096xf32> to vector<1x4096xf32>
    %add3A = vector.broadcast %broadcast_in_dim3A : vector<512x1xf32> to vector<512x4096xf32>
    %add3A_16 = vector.broadcast %broadcast_in_dim3A_15 : vector<1x4096xf32> to vector<512x4096xf32>
    %add3A_17 = arith.addf %add3A, %add3A_16 : vector<512x4096xf32>
    %mul3A_18 = arith.constant 2.000000e+00 : f32
    %mul3A_19 = vector.broadcast %mul3A_18 : f32 to vector<512x4096xf32>
    %mul3A_20 = arith.mulf %mul3A_19, %dot_general3A_14 : vector<512x4096xf32>
    %sub3A = arith.subf %add3A_17, %mul3A_20 : vector<512x4096xf32>
    %iota3A = tpu.iota {dimensions = array<i32: 1>} : vector<512x4096xi32>
    %convert_element_type3A_21 = arith.sitofp %iota3A : vector<512x4096xi32> to vector<512x4096xf32>
    %argmin3A = tpu.reduce_index %sub3A {axis = 1 : i32, kind = #tpu.reduction_kind<arg_min>} : vector<512x4096xf32> -> vector<512xi32>
    %convert_element_type3A_22 = arith.sitofp %argmin3A : vector<512xi32> to vector<512xf32>
    %broadcast_in_dim3A_23 = vector.shape_cast %convert_element_type3A_22 : vector<512xf32> to vector<512x1xf32>
    %eq3A = vector.broadcast %broadcast_in_dim3A_23 : vector<512x1xf32> to vector<512x4096xf32>
    %eq3A_24 = arith.cmpf oeq, %convert_element_type3A_21, %eq3A : vector<512x4096xf32>
    %jit3A = arith.constant 0x7F800000 : f32
    %broadcast_in_dim3A_25 = vector.broadcast %jit3A : f32 to vector<512x4096xf32>
    %select_n3A = arith.select %eq3A_24, %broadcast_in_dim3A_25, %sub3A : vector<512x4096xi1>, vector<512x4096xf32>
    %argmin3A_26 = tpu.reduce_index %select_n3A {axis = 1 : i32, kind = #tpu.reduction_kind<arg_min>} : vector<512x4096xf32> -> vector<512xi32>
    %convert_element_type3A_27 = arith.sitofp %argmin3A_26 : vector<512xi32> to vector<512xf32>
    %broadcast_in_dim3A_28 = vector.shape_cast %convert_element_type3A_27 : vector<512xf32> to vector<512x1xf32>
    %eq3A_29 = vector.broadcast %broadcast_in_dim3A_28 : vector<512x1xf32> to vector<512x4096xf32>
    %eq3A_30 = arith.cmpf oeq, %convert_element_type3A_21, %eq3A_29 : vector<512x4096xf32>
    %jit3A_31 = arith.constant 0x7F800000 : f32
    %broadcast_in_dim3A_32 = vector.broadcast %jit3A_31 : f32 to vector<512x4096xf32>
    %select_n3A_33 = arith.select %eq3A_30, %broadcast_in_dim3A_32, %select_n3A : vector<512x4096xi1>, vector<512x4096xf32>
    %argmin3A_34 = tpu.reduce_index %select_n3A_33 {axis = 1 : i32, kind = #tpu.reduction_kind<arg_min>} : vector<512x4096xf32> -> vector<512xi32>
    %convert_element_type3A_35 = arith.sitofp %argmin3A_34 : vector<512xi32> to vector<512xf32>
    %broadcast_in_dim3A_36 = vector.shape_cast %convert_element_type3A_35 : vector<512xf32> to vector<512x1xf32>
    %eq3A_37 = vector.broadcast %broadcast_in_dim3A_36 : vector<512x1xf32> to vector<512x4096xf32>
    %eq3A_38 = arith.cmpf oeq, %convert_element_type3A_21, %eq3A_37 : vector<512x4096xf32>
    %jit3A_39 = arith.constant 0x7F800000 : f32
    %broadcast_in_dim3A_40 = vector.broadcast %jit3A_39 : f32 to vector<512x4096xf32>
    %select_n3A_41 = arith.select %eq3A_38, %broadcast_in_dim3A_40, %select_n3A_33 : vector<512x4096xi1>, vector<512x4096xf32>
    %argmin3A_42 = tpu.reduce_index %select_n3A_41 {axis = 1 : i32, kind = #tpu.reduction_kind<arg_min>} : vector<512x4096xf32> -> vector<512xi32>
    %convert_element_type3A_43 = arith.sitofp %argmin3A_42 : vector<512xi32> to vector<512xf32>
    %broadcast_in_dim3A_44 = vector.shape_cast %convert_element_type3A_43 : vector<512xf32> to vector<512x1xf32>
    %concatenate3A = tpu.concatenate %broadcast_in_dim3A_23, %broadcast_in_dim3A_28, %broadcast_in_dim3A_36, %broadcast_in_dim3A_44 in 1 : vector<512x1xf32>, vector<512x1xf32>, vector<512x1xf32>, vector<512x1xf32> -> vector<512x4xf32>
    %convert_element_type3A_45 = arith.fptosi %concatenate3A : vector<512x4xf32> to vector<512x4xi32>
    %swap3A = arith.constant 0 : index
    %swap3A_46 = arith.constant 0 : index
    %swap3A_47 = vector.load %arg4[%swap3A, %swap3A_46] : memref<512x4xi32, #tpu.memory_space<vmem>>, vector<512x4xi32>
    tpu.vector_store %arg4[%swap3A, %swap3A_46], %convert_element_type3A_45 {strides = array<i32>} : memref<512x4xi32, #tpu.memory_space<vmem>>, vector<512x4xi32>,
    return
  }
  func.func @transform_0(%arg0: i32, %arg1: i32) -> (i32, i32, i32) {
    %c0_i32 = arith.constant 0 : i32
    %c0_i32_0 = arith.constant 0 : i32
    return %arg0, %arg1, %c0_i32 : i32, i32, i32
  }
  func.func @transform_1(%arg0: i32, %arg1: i32) -> (i32, i32, i32) {
    %c0_i32 = arith.constant 0 : i32
    %c0_i32_0 = arith.constant 0 : i32
    %c0_i32_1 = arith.constant 0 : i32
    return %arg0, %c0_i32, %c0_i32_0 : i32, i32, i32
  }
  func.func @transform_2(%arg0: i32, %arg1: i32) -> (i32, i32) {
    %mul3A = arith.constant 8 : i32
    %mul3A_0 = arith.muli %arg0, %mul3A : i32
    %add3A = arith.addi %mul3A_0, %arg1 : i32
    %c0_i32 = arith.constant 0 : i32
    %c0_i32_1 = arith.constant 0 : i32
    return %add3A, %c0_i32 : i32, i32
  }
}

module attributes {stable_mosaic.version = 14 : i64} {
  func.func @_proj_body(%arg0: i32, %arg1: i32, %arg2: memref<512x64xf32, #tpu.memory_space<vmem>>, %arg3: memref<1x64x512xf32, #tpu.memory_space<vmem>>, %arg4: memref<64x128xf32, #tpu.memory_space<vmem>>, %arg5: memref<128xf32, #tpu.memory_space<vmem>>, %arg6: memref<64x128xf32, #tpu.memory_space<vmem>>, %arg7: memref<128xf32, #tpu.memory_space<vmem>>, %arg8: memref<64x128xf32, #tpu.memory_space<vmem>>, %arg9: memref<128xf32, #tpu.memory_space<vmem>>, %arg10: memref<128x64xf32, #tpu.memory_space<vmem>>, %arg11: memref<512xf32, #tpu.memory_space<vmem>>, %arg12: memref<512x64xf32, #tpu.memory_space<vmem>>) attributes {dimension_semantics = [#tpu.dimension_semantics<arbitrary>, #tpu.dimension_semantics<arbitrary>], iteration_bounds = array<i64: 2, 8>, scalar_prefetch = 0 : i64, scratch_operands = 0 : i64, tpu.core_type = #tpu.core_type<tc>, window_params = [{transform_indices = @transform_0, window_bounds = array<i64: 512, 64>}, {transform_indices = @transform_1, window_bounds = array<i64: 1, 64, 512>}, {pipeline_mode = #tpu.pipeline_mode<synchronous>, transform_indices = @transform_2, window_bounds = array<i64: 64, 128>}, {pipeline_mode = #tpu.pipeline_mode<synchronous>, transform_indices = @transform_3, window_bounds = array<i64: 128>}, {pipeline_mode = #tpu.pipeline_mode<synchronous>, transform_indices = @transform_4, window_bounds = array<i64: 64, 128>}, {pipeline_mode = #tpu.pipeline_mode<synchronous>, transform_indices = @transform_5, window_bounds = array<i64: 128>}, {pipeline_mode = #tpu.pipeline_mode<synchronous>, transform_indices = @transform_6, window_bounds = array<i64: 64, 128>}, {pipeline_mode = #tpu.pipeline_mode<synchronous>, transform_indices = @transform_7, window_bounds = array<i64: 128>}, {pipeline_mode = #tpu.pipeline_mode<synchronous>, transform_indices = @transform_8, window_bounds = array<i64: 128, 64>}, {transform_indices = @transform_9, window_bounds = array<i64: 512>}, {transform_indices = @transform_10, window_bounds = array<i64: 512, 64>}]} {
    %get3A = arith.constant 0 : index
    %get3A_0 = arith.constant 0 : index
    %get3A_1 = vector.load %arg2[%get3A, %get3A_0] : memref<512x64xf32, #tpu.memory_space<vmem>>, vector<512x64xf32>
    %convert_element_type3A = arith.truncf %get3A_1 : vector<512x64xf32> to vector<512x64xbf16>
    %get3A_2 = arith.constant 0 : index
    %get3A_3 = arith.constant 0 : index
    %get3A_4 = arith.constant 0 : index
    %get3A_5 = vector.load %arg3[%get3A_2, %get3A_3, %get3A_4] : memref<1x64x512xf32, #tpu.memory_space<vmem>>, vector<1x64x512xf32>
    %get3A_6 = vector.shape_cast %get3A_5 : vector<1x64x512xf32> to vector<64x512xf32>
    %convert_element_type3A_7 = arith.truncf %get3A_6 : vector<64x512xf32> to vector<64x512xbf16>
    %get3A_8 = arith.constant 0 : index
    %get3A_9 = arith.constant 0 : index
    %get3A_10 = vector.load %arg4[%get3A_8, %get3A_9] : memref<64x128xf32, #tpu.memory_space<vmem>>, vector<64x128xf32>
    %convert_element_type3A_11 = arith.truncf %get3A_10 : vector<64x128xf32> to vector<64x128xbf16>
    %dot_general3A = arith.constant dense<0.000000e+00> : vector<512x128xf32>
    %dot_general3A_12 = tpu.matmul %convert_element_type3A_7, %convert_element_type3A_11, %dot_general3A {dimension_numbers = #tpu.dot_dimension_numbers<[0], [0], [1], [1], [0, 1, 1, 1], [], []>, transpose_lhs_hint = false} : vector<64x512xbf16>, vector<64x128xbf16>, vector<512x128xf32> -> vector<512x128xf32>
    %get3A_13 = arith.constant 0 : index
    %get3A_14 = vector.load %arg5[%get3A_13] : memref<128xf32, #tpu.memory_space<vmem>>, vector<128xf32>
    %broadcast_in_dim3A = vector.shape_cast %get3A_14 : vector<128xf32> to vector<1x128xf32>
    %add3A = vector.broadcast %broadcast_in_dim3A : vector<1x128xf32> to vector<512x128xf32>
    %add3A_15 = arith.addf %dot_general3A_12, %add3A : vector<512x128xf32>
    %get3A_16 = arith.constant 0 : index
    %get3A_17 = arith.constant 0 : index
    %get3A_18 = vector.load %arg6[%get3A_16, %get3A_17] : memref<64x128xf32, #tpu.memory_space<vmem>>, vector<64x128xf32>
    %convert_element_type3A_19 = arith.truncf %get3A_18 : vector<64x128xf32> to vector<64x128xbf16>
    %dot_general3A_20 = arith.constant dense<0.000000e+00> : vector<512x128xf32>
    %dot_general3A_21 = tpu.matmul %convert_element_type3A, %convert_element_type3A_19, %dot_general3A_20 {dimension_numbers = #tpu.dot_dimension_numbers<[1], [0], [0], [1], [0, 0, 1, 1], [], []>, transpose_lhs_hint = false} : vector<512x64xbf16>, vector<64x128xbf16>, vector<512x128xf32> -> vector<512x128xf32>
    %get3A_22 = arith.constant 0 : index
    %get3A_23 = vector.load %arg7[%get3A_22] : memref<128xf32, #tpu.memory_space<vmem>>, vector<128xf32>
    %broadcast_in_dim3A_24 = vector.shape_cast %get3A_23 : vector<128xf32> to vector<1x128xf32>
    %add3A_25 = vector.broadcast %broadcast_in_dim3A_24 : vector<1x128xf32> to vector<512x128xf32>
    %add3A_26 = arith.addf %dot_general3A_21, %add3A_25 : vector<512x128xf32>
    %mul3A = arith.mulf %add3A_15, %add3A_26 : vector<512x128xf32>
    %reduce_sum3A = arith.constant dense<0.000000e+00> : vector<512xf32>
    %reduce_sum3A_27 = vector.multi_reduction <add>, %mul3A, %reduce_sum3A [1] : vector<512x128xf32> to vector<512xf32>
    %mul3A_28 = arith.constant 0.0883883461 : f32
    %mul3A_29 = vector.broadcast %mul3A_28 : f32 to vector<512xf32>
    %mul3A_30 = arith.mulf %reduce_sum3A_27, %mul3A_29 : vector<512xf32>
    %swap3A = arith.constant 0 : index
    %swap3A_31 = vector.load %arg11[%swap3A] : memref<512xf32, #tpu.memory_space<vmem>>, vector<512xf32>
    tpu.vector_store %arg11[%swap3A], %mul3A_30 {strides = array<i32>} : memref<512xf32, #tpu.memory_space<vmem>>, vector<512xf32>,
    %get3A_32 = arith.constant 0 : index
    %get3A_33 = arith.constant 0 : index
    %get3A_34 = vector.load %arg8[%get3A_32, %get3A_33] : memref<64x128xf32, #tpu.memory_space<vmem>>, vector<64x128xf32>
    %convert_element_type3A_35 = arith.truncf %get3A_34 : vector<64x128xf32> to vector<64x128xbf16>
    %dot_general3A_36 = arith.constant dense<0.000000e+00> : vector<512x128xf32>
    %dot_general3A_37 = tpu.matmul %convert_element_type3A, %convert_element_type3A_35, %dot_general3A_36 {dimension_numbers = #tpu.dot_dimension_numbers<[1], [0], [0], [1], [0, 0, 1, 1], [], []>, transpose_lhs_hint = false} : vector<512x64xbf16>, vector<64x128xbf16>, vector<512x128xf32> -> vector<512x128xf32>
    %get3A_38 = arith.constant 0 : index
    %get3A_39 = vector.load %arg9[%get3A_38] : memref<128xf32, #tpu.memory_space<vmem>>, vector<128xf32>
    %broadcast_in_dim3A_40 = vector.shape_cast %get3A_39 : vector<128xf32> to vector<1x128xf32>
    %add3A_41 = vector.broadcast %broadcast_in_dim3A_40 : vector<1x128xf32> to vector<512x128xf32>
    %add3A_42 = arith.addf %dot_general3A_37, %add3A_41 : vector<512x128xf32>
    %convert_element_type3A_43 = arith.truncf %add3A_42 : vector<512x128xf32> to vector<512x128xbf16>
    %get3A_44 = arith.constant 0 : index
    %get3A_45 = arith.constant 0 : index
    %get3A_46 = vector.load %arg10[%get3A_44, %get3A_45] : memref<128x64xf32, #tpu.memory_space<vmem>>, vector<128x64xf32>
    %convert_element_type3A_47 = arith.truncf %get3A_46 : vector<128x64xf32> to vector<128x64xbf16>
    %dot_general3A_48 = arith.constant dense<0.000000e+00> : vector<512x64xf32>
    %dot_general3A_49 = tpu.matmul %convert_element_type3A_43, %convert_element_type3A_47, %dot_general3A_48 {dimension_numbers = #tpu.dot_dimension_numbers<[1], [0], [0], [1], [0, 0, 1, 1], [], []>, transpose_lhs_hint = false} : vector<512x128xbf16>, vector<128x64xbf16>, vector<512x64xf32> -> vector<512x64xf32>
    %swap3A_50 = arith.constant 0 : index
    %swap3A_51 = arith.constant 0 : index
    %swap3A_52 = vector.load %arg12[%swap3A_50, %swap3A_51] : memref<512x64xf32, #tpu.memory_space<vmem>>, vector<512x64xf32>
    tpu.vector_store %arg12[%swap3A_50, %swap3A_51], %dot_general3A_49 {strides = array<i32>} : memref<512x64xf32, #tpu.memory_space<vmem>>, vector<512x64xf32>,
    return
  }
  func.func @transform_0(%arg0: i32, %arg1: i32) -> (i32, i32) {
    %mul3A = arith.constant 8 : i32
    %mul3A_0 = arith.muli %arg0, %mul3A : i32
    %add3A = arith.addi %mul3A_0, %arg1 : i32
    %c0_i32 = arith.constant 0 : i32
    %c0_i32_1 = arith.constant 0 : i32
    return %add3A, %c0_i32 : i32, i32
  }
  func.func @transform_1(%arg0: i32, %arg1: i32) -> (i32, i32, i32) {
    %c0_i32 = arith.constant 0 : i32
    %c0_i32_0 = arith.constant 0 : i32
    return %arg0, %c0_i32, %arg1 : i32, i32, i32
  }
  func.func @transform_2(%arg0: i32, %arg1: i32) -> (i32, i32) {
    %c0_i32 = arith.constant 0 : i32
    %c0_i32_0 = arith.constant 0 : i32
    %c0_i32_1 = arith.constant 0 : i32
    return %c0_i32, %c0_i32_0 : i32, i32
  }
  func.func @transform_3(%arg0: i32, %arg1: i32) -> i32 {
    %c0_i32 = arith.constant 0 : i32
    %c0_i32_0 = arith.constant 0 : i32
    return %c0_i32 : i32
  }
  func.func @transform_4(%arg0: i32, %arg1: i32) -> (i32, i32) {
    %c0_i32 = arith.constant 0 : i32
    %c0_i32_0 = arith.constant 0 : i32
    %c0_i32_1 = arith.constant 0 : i32
    return %c0_i32, %c0_i32_0 : i32, i32
  }
  func.func @transform_5(%arg0: i32, %arg1: i32) -> i32 {
    %c0_i32 = arith.constant 0 : i32
    %c0_i32_0 = arith.constant 0 : i32
    return %c0_i32 : i32
  }
  func.func @transform_6(%arg0: i32, %arg1: i32) -> (i32, i32) {
    %c0_i32 = arith.constant 0 : i32
    %c0_i32_0 = arith.constant 0 : i32
    %c0_i32_1 = arith.constant 0 : i32
    return %c0_i32, %c0_i32_0 : i32, i32
  }
  func.func @transform_7(%arg0: i32, %arg1: i32) -> i32 {
    %c0_i32 = arith.constant 0 : i32
    %c0_i32_0 = arith.constant 0 : i32
    return %c0_i32 : i32
  }
  func.func @transform_8(%arg0: i32, %arg1: i32) -> (i32, i32) {
    %c0_i32 = arith.constant 0 : i32
    %c0_i32_0 = arith.constant 0 : i32
    %c0_i32_1 = arith.constant 0 : i32
    return %c0_i32, %c0_i32_0 : i32, i32
  }
  func.func @transform_9(%arg0: i32, %arg1: i32) -> i32 {
    %mul3A = arith.constant 8 : i32
    %mul3A_0 = arith.muli %arg0, %mul3A : i32
    %add3A = arith.addi %mul3A_0, %arg1 : i32
    %c0_i32 = arith.constant 0 : i32
    return %add3A : i32
  }
  func.func @transform_10(%arg0: i32, %arg1: i32) -> (i32, i32) {
    %mul3A = arith.constant 8 : i32
    %mul3A_0 = arith.muli %arg0, %mul3A : i32
    %add3A = arith.addi %mul3A_0, %arg1 : i32
    %c0_i32 = arith.constant 0 : i32
    %c0_i32_1 = arith.constant 0 : i32
    return %add3A, %c0_i32 : i32, i32
  }
}

</mosaic_0001>

<sc_bundles>
// kernel: kernel.6.cloned.1.call-start
scs
__scs_entry_jumppad:
0x0: {  	(pc) =	sbr.rel $0x88, $3  }
0x1: {  	(tag) =	ssettag $0x0;
	lr =	simm.s32 $0x1  }
0x2: {  	[smem:$0x3F95] =	sst lr;
	_ =	strace $0xD0000000  }
0x3: {  	_ = 	snop  }
0x4: {  	_ = 	snop  }
0x5: {  	_ = 	snop  }
0x6: {  	_ = 	snop  }
0x7: {  	_ = 	snop  }
__scs_overlays_trampoline_lowered:
0x8: {  	[smem:$0x3FA4] =	sst s0  }
0x9: {  	[smem:$0x3FA5] =	sst s1  }
0xa: {  	[smem:$0x3FA6] =	sst s2  }
0xb: {  	[smem:$0x3FA7] =	sst s3  }
0xc: {  	[smem:$0x3FA8] =	sst s4  }
0xd: {  	[smem:$0x3FA9] =	sst s5  }
0xe: {  	[smem:$0x3FAA] =	sst s6  }
0xf: {  	[smem:$0x3FAB] =	sst s7  }
0x10: {  	[smem:$0x3FAC] =	sst s8  }
0x11: {  	[smem:$0x3FAD] =	sst s9;
	s0 =	simm.s32 @!p0 $0x0  }
0x12: {  	s1 =	sld [smem:$0x3F93];
	s0 =	simm.s32 @p0 $0x1  }
0x13: {  	[smem:$0x3FAE] =	sst s0;
	s0 =	simm.s32 @!p1 $0x0  }
0x14: {  	s2 =	sld [smem:$0x3F92];
	s0 =	simm.s32 @p1 $0x1  }
0x15: {  	[smem:$0x3FAF] =	sst s0;
	s0 =	simm.s32 @!p2 $0x0  }
0x16: {  	s3 =	sld [smem:$0x3FDB];
	s0 =	simm.s32 @p2 $0x1  }
0x17: {  	s4 =	simm.s32 $0x1BF5;
	[smem:$0x3FB1] =	sst s0  }
0x18: {  	s0 =	sld [smem:$0x3F94];
	_ =	swait.ge [sflag:s4], $0x0  }
0x19: {  	s7 =	sld [smem:$0x3F95]  }
0x1a: {  	s8 =	sadd.s32 $0xFFFFE003, lr  }
0x1b: {  	s9 =	sadd.s32 $0xFFFFFEF7, lr;
	s5 =	simm.s32 $0xFFFFFFFF;
	p2 =	slt.u32 s8, $0xFFFFF086  }
0x1c: {  	p1 =	slt.u32 s9, $0xF7A;
	s5 =	simm.s32 @!p2 $0x0  }
0x1d: {  	s5 =	simm.s32 @p1 $0x1;
	p0 =	seq.s32 s7, s2  }
0x1e: {  	s7 =	smul.u32 @!p0 $0xF7A, s2;
	p2 =	seq.s32 @!p0 s5, $0x0  }
0x1f: {  	s9 =	smul.u32 $0xF7A, s1;
	s8 =	simm.s32 @!p0 $0x1BF5;
	p2 =	por !p2, p0  }
0x20: {  	[sflag:s8] =	ssyncset.s32 @!p0 $0xFFFFF086;
	s6 =	sadd.s32 @!p0 s3, s7;
	s7 =	simm.s32 @!p0 $0x108  }
0x21: {  	s3 =	sadd.s32 s3, s9;
	s6 =	sadd.s32 @!p0 $0x88, s6;
	s7 =	simm.s32 @p2 $0x1082  }
0x22: {  	[simem:s7], [sflag:s8] =	dma.local @!p0 [hbm:s6], $0xF7A  }
0x23: {  	s9 =	sor.u32 $0xD0000000, s2;
	s6 =	simm.s32 $0x108;
	_ =	swait.ge @!p0 [sflag:s8], $0x0  }
0x24: {  	s3 =	sadd.s32 $0x88, s3;
	s6 =	simm.s32 @!p1 $0x1082;
	[sflag:s4] =	ssyncset.s32 $0xFFFFF086  }
0x25: {  	[simem:s6], [sflag:s4] =	dma.local [hbm:s3], $0xF7A  }
0x26: {  	[smem:$0x3F95] =	sst s1;
	(tag) =	ssettag s2;
	_ =	strace s9  }
0x27: {  	s1 =	sld [smem:$0x3FA5]  }
0x28: {  	s2 =	sld [smem:$0x3FA6]  }
0x29: {  	s4 =	sld [smem:$0x3FA8]  }
0x2a: {  	p0 =	seq.s32 s5, $0x0;
	s5 =	sld [smem:$0x3FA9]  }
0x2b: {  	s6 =	sld [smem:$0x3FAA]  }
0x2c: {  	s7 =	sld [smem:$0x3FAB]  }
0x2d: {  	s3 =	simm.s32 $0x108;
	s8 =	sld [smem:$0x3FAC]  }
0x2e: {  	s3 =	simm.s32 @!p0 $0x1082;
	s9 =	sld [smem:$0x3FAD]  }
0x2f: {  	lr =	sadd.s32 s0, s3;
	s0 =	sld [smem:$0x3FA4]  }
0x30: {  	s3 =	sld [smem:$0x3FA7]  }
0x31: {  	[smem:$0x3FB0] =	sst s10  }
0x32: {  	s10 =	sld [smem:$0x3FAE];
	_ =	sdelay $0x3  }
0x33: {  	p0 =	seq.s32 s10, $0x1;
	s10 =	sld [smem:$0x3FB0];
	_ =	sdelay $0x3  }
0x34: {  	[smem:$0x3FB0] =	sst s10  }
0x35: {  	s10 =	sld [smem:$0x3FAF];
	_ =	sdelay $0x3  }
0x36: {  	p1 =	seq.s32 s10, $0x1;
	s10 =	sld [smem:$0x3FB0];
	_ =	sdelay $0x3  }
0x37: {  	[smem:$0x3FB0] =	sst s10  }
0x38: {  	s10 =	sld [smem:$0x3FB1]  }
0x39: {  	_ = 	snop;
	(pc) =	sbr.ind lr, $3  }
0x3a: {  	_ = 	snop  }
0x3b: {  	_ = 	snop  }
0x3c: {  	p2 =	seq.s32 s10, $0x1;
	s10 =	sld [smem:$0x3FB0]  }
0x3d: {  	_ =	shalt  }
0x3e: {  	_ =	shalt  }
0x3f: {  	_ =	shalt  }
0x40: {  	_ =	shalt  }
0x41: {  	_ =	shalt  }
0x42: {  	_ =	shalt  }
0x43: {  	_ =	shalt  }
0x44: {  	_ =	shalt  }
0x45: {  	_ =	shalt  }
0x46: {  	_ =	shalt  }
0x47: {  	_ =	shalt  }
0x48: {  	_ =	shalt  }
0x49: {  	_ =	shalt  }
0x4a: {  	_ =	shalt  }
0x4b: {  	_ =	shalt  }
0x4c: {  	_ =	shalt  }
0x4d: {  	_ =	shalt  }
0x4e: {  	_ =	shalt  }
0x4f: {  	_ =	shalt  }
0x50: {  	_ =	shalt  }
0x51: {  	_ =	shalt  }
0x52: {  	_ =	shalt  }
0x53: {  	_ =	shalt  }
0x54: {  	_ =	shalt  }
0x55: {  	_ =	shalt  }
0x56: {  	_ =	shalt  }
0x57: {  	_ =	shalt  }
0x58: {  	_ =	shalt  }
0x59: {  	_ =	shalt  }
0x5a: {  	_ =	shalt  }
0x5b: {  	_ =	shalt  }
0x5c: {  	_ =	shalt  }
0x5d: {  	_ =	shalt  }
0x5e: {  	_ =	shalt  }
0x5f: {  	_ =	shalt  }
0x60: {  	_ =	shalt  }
0x61: {  	_ =	shalt  }
0x62: {  	_ =	shalt  }
0x63: {  	_ =	shalt  }
0x64: {  	_ =	shalt  }
0x65: {  	_ =	shalt  }
0x66: {  	_ =	shalt  }
0x67: {  	_ =	shalt  }
0x68: {  	_ =	shalt  }
0x69: {  	_ =	shalt  }
0x6a: {  	_ =	shalt  }
0x6b: {  	_ =	shalt  }
0x6c: {  	_ =	shalt  }
0x6d: {  	_ =	shalt  }
0x6e: {  	_ =	shalt  }
0x6f: {  	_ =	shalt  }
0x70: {  	_ =	shalt  }
0x71: {  	_ =	shalt  }
0x72: {  	_ =	shalt  }
0x73: {  	_ =	shalt  }
0x74: {  	_ =	shalt  }
0x75: {  	_ =	shalt  }
0x76: {  	_ =	shalt  }
0x77: {  	_ =	shalt  }
0x78: {  	_ =	shalt  }
0x79: {  	_ =	shalt  }
0x7a: {  	_ =	shalt  }
0x7b: {  	_ =	shalt  }
0x7c: {  	_ =	shalt  }
0x7d: {  	_ =	shalt  }
0x7e: {  	_ =	shalt  }
0x7f: {  	_ =	shalt  }
0x80: {  	_ =	shalt  }
0x81: {  	_ =	shalt  }
0x82: {  	_ =	shalt  }
0x83: {  	_ =	shalt  }
0x84: {  	_ =	shalt  }
0x85: {  	_ =	shalt  }
0x86: {  	_ =	shalt  }
0x87: {  	_ =	shalt  }
.Lfunc_end0:
.L_simem_size_0:
called_computation_lowered:
.L_overlay_start_0:
0x88: {  	s2 =	sld [smem:$0x3FD9]  }
0x89: {  	s3 =	sld [smem:$0x3FFE];
	_ =	sdelay $0x1  }
0x8a: {  	s1 =	srdreg.scid  }
0x8b: {  	s0 =	sand.u32 $0x1, s1  }
0x8c: {  	s17 =	sshll.u32 s0, $0xA;
	s2 =	sadd.s32 s3, s2  }
0x8d: {  	s2 =	sadd.s32 s2, s17  }
0x8e: {  	[smem:$0x3FBC] =	sst s2  }
0x8f: {  	_ = 	snop  }
0x90: {  	s2 =	sld [smem:$0x3FD0];
	(tm) =	ssettm $0x1  }
0x91: {  	s18 =	sld [smem:$0x3FFB];
	_ =	sdelay $0x3  }
0x92: {  	_ =	strace s18  }
0x93: {  	s3 =	sld [smem:$0x3FFC];
	_ =	sdelay $0x3  }
0x94: {  	_ =	strace s3  }
0x95: {  	s3 =	sld [smem:$0x3FFD];
	_ =	sdelay $0x3  }
0x96: {  	_ =	strace s3  }
0x97: {  	_ =	strace $0x8FFFFFFF  }
0x98: {  	s19 =	sld [smem:$0x3FDB];
	_ =	sdelay $0x1  }
0x99: {  	s4 =	simm.s32 $_scs_section_size  }
0x9a: {  	s5 =	simm.s32 $_size__tile_overlayer_lowered;
	s6 =	simm.s32 $_tile_overlayer_lowered  }
0x9b: {  	s22 =	simm.s32 $0x1BFF;
	s21 =	sshll.u32 s6, $0x1;
	s3 =	sadd.s32 s4, s19  }
0x9c: {  	s7 =	simm.s32 $0x0;
	s20 =	sshll.u32 s5, $0x1;
	s5 =	sadd.s32 s21, s3  }
0x9d: {  	[timem:s7], [sflag:s22] =	dma.local [hbm:s5], s20  }
0x9e: {  	_ =	swait.ge [sflag:s22], s20  }
0x9f: {  	s4 =	ssub.s32 $0x0, s20;
	[sflag:s22] =	ssyncset.done $0x0  }
0xa0: {  	[sflag:s22] =	ssyncadd.s32 s4;
	_ =	sdelay $0x1  }
0xa1: {  	s23 =	simm.s32 $0x1B8B  }
0xa2: {  	_ =	swait.ge [sflag:s23], $0x1  }
0xa3: {  	[sflag:s23] =	ssyncset.done $0x0  }
0xa4: {  	s25 =	simm.s32 $0x1B8E;
	s24 =	sld [smem:$0x3FFE];
	[sflag:s23] =	ssyncadd.s32 $0xFFFFFFFF  }
0xa5: {  	s26 =	simm.s32 $execute0_lowered;
	[smem:$0x3FD2] =	sst s25  }
0xa6: {  	s5 =	sshll.u32 s26, $0x1;
	_ =	strace $0x80000046;
	[dreg:$0x1] =	wrdreg $0xFFFFFFFF  }
0xa7: {  	s28 =	simm.s32 $_size_execute0_lowered;
	s3 =	sadd.s32 s3, s5;
	[dreg:$0x0] =	wrdreg $0x0  }
0xa8: {  	s5 =	sshll.u32 s28, $0x1;
	[dreg:$0x2] =	wrdreg s3  }
0xa9: {  	[dreg:$0x3] =	wrdreg s5  }
0xaa: {  	[dreg:$0x4] =	wrdreg $0xC0  }
0xab: {  	_ =	task [dreg:s7], $0x5FFFF  }
0xac: {  	[dreg:$0x1] =	wrdreg $0xFFFFFFFF  }
0xad: {  	[dreg:$0x0] =	wrdreg $0x60  }
0xae: {  	[dreg:$0x2] =	wrdreg s24  }
0xaf: {  	[dreg:$0x3] =	wrdreg s2  }
0xb0: {  	[dreg:$0x4] =	wrdreg $0x9  }
0xb1: {  	_ =	task.clear_ibuf [dreg:s7], $0x5FFFF;
	_ =	strace $0x90000046  }
0xb2: {  	s29 =	simm.s32 $0x9;
	_ =	strace $0x80000048  }
0xb3: {  	_ =	swait.ge [sflag:s29], $0x1  }
0xb4: {  	[sflag:s29] =	ssyncadd.s32 $0xFFFFFFFF  }
0xb5: {  	_ =	strace $0x90000048  }
0xb6: {  	_ =	sfence  }
0xb7: {  	s30 =	sld [smem:$0x0];
	_ =	sdelay $0x2  }
0xb8: {  	s31 =	sshll.u32 s1, $0xD;
	s1 =	sshrl.u32 s1, $0x2  }
0xb9: {  	s3 =	sand.u32 $0x4000, s31;
	s1 =	sadd.s32 s1, s30  }
0xba: {  	s0 =	sor.u32 s3, s0;
	s1 =	sshll.u32 s1, $0x11  }
0xbb: {  	s0 =	sor.u32 s1, s0  }
0xbc: {  	s0 =	sadd.s32 $0x8F2B, s0  }
0xbd: {  	[sflag:s0] =	ssyncadd.remote.s32 $0x1  }
0xbe: {  	_ =	sfence.sel $0xFFFF  }
0xbf: {  	[dreg:$0x0] =	wrdreg $0xFFFFFFFF;
	(pc) =	sbr.abs _section_cstart, $3  }
0xc0: {  	[dreg:$0x1] =	wrdreg $0xFFFFFFFF  }
0xc1: {  	_ =	task.clear_ibuf [dreg:s7], $0x2FFFF;
	_ =	strace $0x9FFFFFFF  }
0xc2: {  	(tm) =	ssettm $0x7FFFFFFF  }
0xc3: {  	_ =	shalt  }
tec
execute0_lowered:
.L_overlay_start_1:
0x0: {  	(tag) =	ssettag $0x1  }
0x1: {  	s2 =	srdreg.scid  }
0x2: {  	s3 =	sand.u32 $0x1, s2  }
0x3: {  	s4 =	rddreg [dreg:$0x0];
	s1 =	stileid.u32;
	s29 =	ssub.s32 $0x2, s3  }
0x4: {  	s6 =	sshll.u32 s1, $0x9;
	s7 =	sshll.u32 s3, $0x8;
	s9 =	sshrl.u32 s29, $0x1  }
0x5: {  	s5 =	rddreg [dreg:$0x1];
	s6 =	sor.u32 s7, s6;
	s7 =	ssub.s32 s29, s9  }
0x6: {  	s0 =	rddreg [dreg:$0x2];
	s10 =	smax.u32 s7, $0x1  }
0x7: {  	p0 =	por $0x0, $0x0;
	s2 =	simm.s32 $0x0;
	p1 =	sne.s32 s10, $0x1  }
.Ltmp0:
0x8: {  	s30 =	sshll.u32 s1, $0xB;
	[smem:$0x7FF] =	sst s2;
	(pc) =	sbr.rel @!p1 .LBB2_3-.Ltmp0, $4  }
0x9: {  	s3 =	sadd.s32 $0x2000, s4;
	s31 =	sand.u32 $0x4000, s30;
	s8 =	sshrl.u32 s6, $0x3  }
0xa: {  	_ =	strace $0x80000047;
	s6 =	sshll.u32 s6, $0x3;
	s4 =	sadd.s32 s8, s4  }
0xb: {  	s5 =	sadd.s32 s5, s6;
	s6 =	simm.s32 $0x100;
	s7 =	simm.s32 $0x1  }
0xc: {  	v0 =	vmov s31;
	s8 =	sadd.s32 $0x42000, s4;
	s4 =	simm.s32 $0x2;
	s9 =	sadd.s32 $0xFFFFFFFF, s10  }
0xd: {  	[tilespmem:s2], [sflag:$0x2] =	stream.linear.gather [hbm4b:s8+s2], $0x100, $0x38;
	[tilespmem:$0x4100] =	vst v63  }
0xe: {  	_ =	swait.ge [sflag:s4], $0x100  }
0xf: {  	[sflag:s4] =	ssyncset.done $0x0  }
0x10: {  	p1 =	sne.s32 s9, $0x1;
	[sflag:s4] =	ssyncadd.s32 $0xFFFFFF00  }
.Ltmp1:
0x11: {  	v3 =	vld [tilespmem:$0x30];
	(pc) =	sbr.rel @!p1 .LBB2_3-.Ltmp1, $4  }
0x12: {  	v5 =	vld [tilespmem:$0xF0]  }
0x13: {  	v4 =	vld [tilespmem:$0x40]  }
0x14: {  	v1 =	vld [tilespmem:$0xA0]  }
0x15: {  	s9 =	sadd.s32 $0xFFFFFFFF, s9;
	p0 =	por $0x1, $0x1;
	v2 =	vld [tilespmem:$0x80]  }
.LBB2_2:
0x16: {  	p1 =	sne.s32 s9, $0x1;
	s9 =	sadd.s32 $0xFFFFFFFF, s9;
	v6 =	vld [tilespmem:$0x90]  }
0x17: {  	v3 =	vadd.s32 v0, v3;
	v7 =	vld [tilespmem:$0x50];
	v5 =	vadd.s32 v0, v5  }
0x18: {  	v8 =	vld [tilespmem:$0x20];
	v4 =	vadd.s32 v0, v4;
	[tilespmem:$0xF0] =	vst v5  }
0x19: {  	[tilespmem:$0x40] =	vst v4;
	v4 =	vld [tilespmem:$0x60];
	v1 =	vadd.s32 v0, v1  }
0x1a: {  	v5 =	vld [tilespmem:$0x10];
	[tilespmem:$0x30] =	vst v3;
	v2 =	vadd.s32 v0, v2  }
0x1b: {  	[tilespmem:$0x80] =	vst v2;
	v2 =	vadd.s32 v0, v6;
	v3 =	vld [tilespmem:$0xB0]  }
0x1c: {  	v6 =	vadd.s32 v0, v7;
	v7 =	vld [tilespmem:$0x70];
	[tilespmem:$0x90] =	vst v2  }
0x1d: {  	v2 =	vld [tilespmem:$0x0];
	v8 =	vadd.s32 v0, v8;
	[tilespmem:$0x50] =	vst v6  }
0x1e: {  	[tilespmem:$0x20] =	vst v8;
	v4 =	vadd.s32 v0, v4;
	v6 =	vld [tilespmem:$0xC0]  }
0x1f: {  	v5 =	vadd.s32 v0, v5;
	[tilespmem:$0x60] =	vst v4;
	v4 =	vld [tilespmem:$0xD0]  }
0x20: {  	[tilespmem:$0x10] =	vst v5;
	v3 =	vadd.s32 v0, v3;
	v5 =	vld [tilespmem:$0xE0]  }
0x21: {  	v7 =	vadd.s32 v0, v7;
	[tilespmem:$0xB0] =	vst v3  }
0x22: {  	v2 =	vadd.s32 v0, v2;
	[tilespmem:$0x70] =	vst v7  }
0x23: {  	[tilespmem:$0xA0] =	vst v1;
	v1 =	vadd.s32 v0, v6  }
0x24: {  	[tilespmem:$0xC0] =	vst v1;
	v1 =	vadd.s32 v0, v4  }
0x25: {  	[tilespmem:$0x0] =	vst v2;
	v2 =	vadd.s32 v0, v5  }
0x26: {  	[tilespmem:$0xD0] =	vst v1  }
0x27: {  	[tilespmem:$0xE0] =	vst v2  }
0x28: {  	[tilespmem:s6], [sflag:$0x1] =	stream.indirect.gather [hbm4b:s3+s6], $0x40, s2, s6, $0xb8;
	[tilespmem:$0x4100] =	vst v63  }
0x29: {  	_ =	swait.ge [sflag:s7], $0x4000  }
0x2a: {  	[sflag:s7] =	ssyncset.done $0x0  }
0x2b: {  	[sflag:s7] =	ssyncadd.s32 $0xFFFFC000  }
0x2c: {  	[hbm4b:s5+s2] =	stream.linear.scatter [tilespmem:s6], [sflag:$0x2], $0x4000, $0x38;
	[tilespmem:$0x4100] =	vst v63  }
0x2d: {  	_ =	swait.ge [sflag:s4], $0x4000  }
0x2e: {  	[sflag:s4] =	ssyncset.done $0x0  }
0x2f: {  	[sflag:s4] =	ssyncadd.s32 $0xFFFFC000  }
0x30: {  	[tilespmem:s2], [sflag:$0x2] =	stream.linear.gather [hbm4b:s8+s2], $0x100, $0x38;
	[tilespmem:$0x4100] =	vst v63  }
0x31: {  	_ =	swait.ge [sflag:s4], $0x100  }
0x32: {  	[sflag:s4] =	ssyncset.done $0x0  }
0x33: {  	[sflag:s4] =	ssyncadd.s32 $0xFFFFFF00  }
.Ltmp2:
0x34: {  	v3 =	vld [tilespmem:$0x30];
	(pc) =	sbr.rel @p1 .LBB2_2-.Ltmp2, $4  }
0x35: {  	v5 =	vld [tilespmem:$0xF0]  }
0x36: {  	v4 =	vld [tilespmem:$0x40]  }
0x37: {  	v1 =	vld [tilespmem:$0xA0]  }
0x38: {  	v2 =	vld [tilespmem:$0x80]  }
.LBB2_3:
0x39: {  	v6 =	vld @p0 [tilespmem:$0x90];
	v3 =	vadd.s32 @p0 v0, v3  }
0x3a: {  	v7 =	vld @p0 [tilespmem:$0x50];
	v5 =	vadd.s32 @p0 v0, v5;
	[tilespmem:$0x30] =	vst @p0 v3  }
0x3b: {  	v8 =	vld @p0 [tilespmem:$0x20];
	v4 =	vadd.s32 @p0 v0, v4;
	[tilespmem:$0xF0] =	vst @p0 v5  }
0x3c: {  	[tilespmem:$0x40] =	vst @p0 v4;
	v4 =	vld @p0 [tilespmem:$0x60];
	v1 =	vadd.s32 @p0 v0, v1  }
0x3d: {  	v5 =	vld @p0 [tilespmem:$0x10];
	v2 =	vadd.s32 @p0 v0, v2;
	[tilespmem:$0xA0] =	vst @p0 v1  }
0x3e: {  	v3 =	vld @p0 [tilespmem:$0xB0];
	[tilespmem:$0x80] =	vst @p0 v2;
	v2 =	vadd.s32 @p0 v0, v6  }
0x3f: {  	v6 =	vadd.s32 @p0 v0, v7;
	v7 =	vld @p0 [tilespmem:$0x70];
	[tilespmem:$0x90] =	vst @p0 v2  }
0x40: {  	v2 =	vadd.s32 @p0 v0, v8;
	[tilespmem:$0x50] =	vst @p0 v6;
	v6 =	vld @p0 [tilespmem:$0x0]  }
0x41: {  	[tilespmem:$0x20] =	vst @p0 v2;
	v2 =	vadd.s32 @p0 v0, v4;
	v4 =	vld @p0 [tilespmem:$0xC0]  }
0x42: {  	v5 =	vadd.s32 @p0 v0, v5;
	[tilespmem:$0x60] =	vst @p0 v2;
	v2 =	vld @p0 [tilespmem:$0xD0]  }
0x43: {  	v3 =	vadd.s32 @p0 v0, v3;
	[tilespmem:$0x10] =	vst @p0 v5;
	v5 =	vld @p0 [tilespmem:$0xE0]  }
0x44: {  	[tilespmem:$0xB0] =	vst @p0 v3;
	v7 =	vadd.s32 @p0 v0, v7  }
0x45: {  	[tilespmem:$0x70] =	vst @p0 v7;
	v3 =	vadd.s32 @p0 v0, v6  }
0x46: {  	[tilespmem:$0x0] =	vst @p0 v3;
	v1 =	vadd.s32 @p0 v0, v4  }
0x47: {  	[tilespmem:$0xC0] =	vst @p0 v1;
	v1 =	vadd.s32 @p0 v0, v2  }
0x48: {  	v2 =	vadd.s32 @p0 v0, v5;
	[tilespmem:$0xD0] =	vst @p0 v1  }
0x49: {  	[tilespmem:$0xE0] =	vst @p0 v2  }
0x4a: {  	[tilespmem:s6], [sflag:$0x1] =	stream.indirect.gather @p0 [hbm4b:s3+s6], $0x40, s2, s6, $0xb8;
	[tilespmem:$0x4100] =	vst v63  }
0x4b: {  	_ =	swait.ge @p0 [sflag:s7], $0x4000  }
0x4c: {  	[sflag:s7] =	ssyncset.done @p0 $0x0  }
0x4d: {  	[sflag:s7] =	ssyncadd.s32 @p0 $0xFFFFC000  }
0x4e: {  	[hbm4b:s5+s2] =	stream.linear.scatter @p0 [tilespmem:s6], [sflag:$0x2], $0x4000, $0x38;
	[tilespmem:$0x4100] =	vst v63  }
0x4f: {  	_ =	swait.ge @p0 [sflag:s4], $0x4000  }
0x50: {  	[sflag:s4] =	ssyncset.done @p0 $0x0  }
0x51: {  	[sflag:s4] =	ssyncadd.s32 @p0 $0xFFFFC000  }
0x52: {  	[tilespmem:s2], [sflag:$0x2] =	stream.linear.gather [hbm4b:s8+s2], $0x100, $0x38;
	[tilespmem:$0x4100] =	vst v63  }
0x53: {  	_ =	swait.ge [sflag:s4], $0x100  }
0x54: {  	[sflag:s4] =	ssyncset.done $0x0  }
0x55: {  	[sflag:s4] =	ssyncadd.s32 $0xFFFFFF00  }
0x56: {  	v39 =	vld [tilespmem:$0xF0]  }
0x57: {  	v40 =	vld [tilespmem:$0x40]  }
0x58: {  	v41 =	vld [tilespmem:$0x30]  }
0x59: {  	v42 =	vld [tilespmem:$0x80]  }
0x5a: {  	v43 =	vld [tilespmem:$0x90]  }
0x5b: {  	v44 =	vld [tilespmem:$0x50];
	v1 =	vadd.s32 v0, v39  }
0x5c: {  	v45 =	vld [tilespmem:$0x20];
	v2 =	vadd.s32 v0, v40;
	[tilespmem:$0xF0] =	vst v1  }
0x5d: {  	v48 =	vld [tilespmem:$0x10];
	v46 =	vadd.s32 v0, v41;
	[tilespmem:$0x40] =	vst v2  }
0x5e: {  	v51 =	vld [tilespmem:$0xB0];
	v49 =	vadd.s32 v0, v42;
	[tilespmem:$0x30] =	vst v46  }
0x5f: {  	v53 =	vld [tilespmem:$0x70];
	v50 =	vadd.s32 v0, v43;
	[tilespmem:$0x80] =	vst v49  }
0x60: {  	v55 =	vld [tilespmem:$0xC0];
	v52 =	vadd.s32 v0, v44;
	[tilespmem:$0x90] =	vst v50  }
0x61: {  	v56 =	vld [tilespmem:$0x0];
	v7 =	vadd.s32 v0, v45;
	[tilespmem:$0x50] =	vst v52  }
0x62: {  	v57 =	vld [tilespmem:$0xD0];
	v3 =	vadd.s32 v0, v48;
	[tilespmem:$0x20] =	vst v7  }
0x63: {  	v59 =	vld [tilespmem:$0xE0];
	v58 =	vadd.s32 v0, v51;
	[tilespmem:$0x10] =	vst v3  }
0x64: {  	v47 =	vld [tilespmem:$0x60];
	v6 =	vadd.s32 v0, v53;
	[tilespmem:$0xB0] =	vst v58  }
0x65: {  	v54 =	vld [tilespmem:$0xA0];
	v60 =	vadd.s32 v0, v55;
	[tilespmem:$0x70] =	vst v6  }
0x66: {  	v61 =	vadd.s32 v0, v56;
	[tilespmem:$0xC0] =	vst v60  }
0x67: {  	v62 =	vadd.s32 v0, v57;
	[tilespmem:$0x0] =	vst v61  }
0x68: {  	v63 =	vadd.s32 v0, v59;
	[tilespmem:$0xD0] =	vst v62  }
0x69: {  	v2 =	vadd.s32 v0, v47;
	[tilespmem:$0xE0] =	vst v63  }
0x6a: {  	v1 =	vadd.s32 v0, v54;
	[tilespmem:$0x60] =	vst v2  }
0x6b: {  	[tilespmem:$0xA0] =	vst v1  }
0x6c: {  	[tilespmem:s6], [sflag:$0x1] =	stream.indirect.gather [hbm4b:s3+s6], $0x40, s2, s6, $0xb8;
	[tilespmem:$0x4100] =	vst v63  }
0x6d: {  	_ =	swait.ge [sflag:s7], $0x4000  }
0x6e: {  	[sflag:s7] =	ssyncset.done $0x0  }
0x6f: {  	[sflag:s7] =	ssyncadd.s32 $0xFFFFC000  }
0x70: {  	[hbm4b:s5+s2] =	stream.linear.scatter [tilespmem:s6], [sflag:$0x2], $0x4000, $0x38;
	[tilespmem:$0x4100] =	vst v63  }
0x71: {  	_ =	swait.ge [sflag:s4], $0x4000  }
0x72: {  	[sflag:s4] =	ssyncset.done $0x0  }
0x73: {  	[sflag:s4] =	ssyncadd.s32 $0xFFFFC000  }
0x74: {  	_ =	sfence.sel $0x180000  }
0x75: {  	[bflag:$0x0] =	sbarrier.arrive $0xFFFF  }
0x76: {  	p0 =	sne.s32 s1, $0x0;
	_ =	strace $0x90000047  }
0x77: {  	s0 =	sadd.s32 @!p0 $0x100000, s0;
	[bflag:$0x2] =	sbarrier.arrive $0xFFFF  }
0x78: {  	[sflag:s0] =	ssyncadd.tile.s32 @!p0 $0x1;
	_ =	shalt  }
.Lfunc_end2:
_tile_overlayer_lowered:
.L_overlay_start_2:
0x79: {  	(tag) =	ssettag $0x2  }
0x7a: {  	s0 =	rddreg [dreg:$0x0];
	s2 =	stileid.u32  }
0x7b: {  	s1 =	rddreg [dreg:$0x1];
	p0 =	sne.s32 s2, $0x0  }
0x7c: {  	s3 =	rddreg [dreg:$0x2];
	[bflag:$0x3] =	sbarrier.arrive $0xFFFF;
	s2 =	simm.s32 @!p0 $0x1C02  }
0x7d: {  	[timem:s3], [sflag:s2] =	dma.local @!p0 [hbm:s0], s1  }
0x7e: {  	s0 =	simm.s32 @!p0 $0x2  }
0x7f: {  	_ =	swait.ge @!p0 [sflag:s0], s1  }
0x80: {  	s1 =	ssub.s32 @!p0 $0x0, s1;
	[sflag:s0] =	ssyncset.done @!p0 $0x0  }
0x81: {  	[sflag:s0] =	ssyncadd.s32 @!p0 s1  }
0x82: {  	[bflag:$0x3] =	sbarrier.arrive $0xFFFF  }
0x83: {  	_ =	shalt  }

// kernel: kernel.9.cloned.1.call-start
scs
__scs_entry_jumppad:
0x0: {  	(pc) =	sbr.rel $0x88, $3  }
0x1: {  	(tag) =	ssettag $0x0;
	lr =	simm.s32 $0x1  }
0x2: {  	[smem:$0x3F95] =	sst lr;
	_ =	strace $0xD0000000  }
0x3: {  	_ = 	snop  }
0x4: {  	_ = 	snop  }
0x5: {  	_ = 	snop  }
0x6: {  	_ = 	snop  }
0x7: {  	_ = 	snop  }
__scs_overlays_trampoline_lowered:
0x8: {  	[smem:$0x3FA4] =	sst s0  }
0x9: {  	[smem:$0x3FA5] =	sst s1  }
0xa: {  	[smem:$0x3FA6] =	sst s2  }
0xb: {  	[smem:$0x3FA7] =	sst s3  }
0xc: {  	[smem:$0x3FA8] =	sst s4  }
0xd: {  	[smem:$0x3FA9] =	sst s5  }
0xe: {  	[smem:$0x3FAA] =	sst s6  }
0xf: {  	[smem:$0x3FAB] =	sst s7  }
0x10: {  	[smem:$0x3FAC] =	sst s8  }
0x11: {  	[smem:$0x3FAD] =	sst s9;
	s0 =	simm.s32 @!p0 $0x0  }
0x12: {  	s1 =	sld [smem:$0x3F93];
	s0 =	simm.s32 @p0 $0x1  }
0x13: {  	[smem:$0x3FAE] =	sst s0;
	s0 =	simm.s32 @!p1 $0x0  }
0x14: {  	s2 =	sld [smem:$0x3F92];
	s0 =	simm.s32 @p1 $0x1  }
0x15: {  	[smem:$0x3FAF] =	sst s0;
	s0 =	simm.s32 @!p2 $0x0  }
0x16: {  	s3 =	sld [smem:$0x3FDB];
	s0 =	simm.s32 @p2 $0x1  }
0x17: {  	s4 =	simm.s32 $0x1BF5;
	[smem:$0x3FB1] =	sst s0  }
0x18: {  	s0 =	sld [smem:$0x3F94];
	_ =	swait.ge [sflag:s4], $0x0  }
0x19: {  	s7 =	sld [smem:$0x3F95]  }
0x1a: {  	s8 =	sadd.s32 $0xFFFFE003, lr  }
0x1b: {  	s9 =	sadd.s32 $0xFFFFFEF7, lr;
	s5 =	simm.s32 $0xFFFFFFFF;
	p2 =	slt.u32 s8, $0xFFFFF086  }
0x1c: {  	p1 =	slt.u32 s9, $0xF7A;
	s5 =	simm.s32 @!p2 $0x0  }
0x1d: {  	s5 =	simm.s32 @p1 $0x1;
	p0 =	seq.s32 s7, s2  }
0x1e: {  	s7 =	smul.u32 @!p0 $0xF7A, s2;
	p2 =	seq.s32 @!p0 s5, $0x0  }
0x1f: {  	s9 =	smul.u32 $0xF7A, s1;
	s8 =	simm.s32 @!p0 $0x1BF5;
	p2 =	por !p2, p0  }
0x20: {  	[sflag:s8] =	ssyncset.s32 @!p0 $0xFFFFF086;
	s6 =	sadd.s32 @!p0 s3, s7;
	s7 =	simm.s32 @!p0 $0x108  }
0x21: {  	s3 =	sadd.s32 s3, s9;
	s6 =	sadd.s32 @!p0 $0x88, s6;
	s7 =	simm.s32 @p2 $0x1082  }
0x22: {  	[simem:s7], [sflag:s8] =	dma.local @!p0 [hbm:s6], $0xF7A  }
0x23: {  	s9 =	sor.u32 $0xD0000000, s2;
	s6 =	simm.s32 $0x108;
	_ =	swait.ge @!p0 [sflag:s8], $0x0  }
0x24: {  	s3 =	sadd.s32 $0x88, s3;
	s6 =	simm.s32 @!p1 $0x1082;
	[sflag:s4] =	ssyncset.s32 $0xFFFFF086  }
0x25: {  	[simem:s6], [sflag:s4] =	dma.local [hbm:s3], $0xF7A  }
0x26: {  	[smem:$0x3F95] =	sst s1;
	(tag) =	ssettag s2;
	_ =	strace s9  }
0x27: {  	s1 =	sld [smem:$0x3FA5]  }
0x28: {  	s2 =	sld [smem:$0x3FA6]  }
0x29: {  	s4 =	sld [smem:$0x3FA8]  }
0x2a: {  	p0 =	seq.s32 s5, $0x0;
	s5 =	sld [smem:$0x3FA9]  }
0x2b: {  	s6 =	sld [smem:$0x3FAA]  }
0x2c: {  	s7 =	sld [smem:$0x3FAB]  }
0x2d: {  	s3 =	simm.s32 $0x108;
	s8 =	sld [smem:$0x3FAC]  }
0x2e: {  	s3 =	simm.s32 @!p0 $0x1082;
	s9 =	sld [smem:$0x3FAD]  }
0x2f: {  	lr =	sadd.s32 s0, s3;
	s0 =	sld [smem:$0x3FA4]  }
0x30: {  	s3 =	sld [smem:$0x3FA7]  }
0x31: {  	[smem:$0x3FB0] =	sst s10  }
0x32: {  	s10 =	sld [smem:$0x3FAE];
	_ =	sdelay $0x3  }
0x33: {  	p0 =	seq.s32 s10, $0x1;
	s10 =	sld [smem:$0x3FB0];
	_ =	sdelay $0x3  }
0x34: {  	[smem:$0x3FB0] =	sst s10  }
0x35: {  	s10 =	sld [smem:$0x3FAF];
	_ =	sdelay $0x3  }
0x36: {  	p1 =	seq.s32 s10, $0x1;
	s10 =	sld [smem:$0x3FB0];
	_ =	sdelay $0x3  }
0x37: {  	[smem:$0x3FB0] =	sst s10  }
0x38: {  	s10 =	sld [smem:$0x3FB1]  }
0x39: {  	_ = 	snop;
	(pc) =	sbr.ind lr, $3  }
0x3a: {  	_ = 	snop  }
0x3b: {  	_ = 	snop  }
0x3c: {  	p2 =	seq.s32 s10, $0x1;
	s10 =	sld [smem:$0x3FB0]  }
0x3d: {  	_ =	shalt  }
0x3e: {  	_ =	shalt  }
0x3f: {  	_ =	shalt  }
0x40: {  	_ =	shalt  }
0x41: {  	_ =	shalt  }
0x42: {  	_ =	shalt  }
0x43: {  	_ =	shalt  }
0x44: {  	_ =	shalt  }
0x45: {  	_ =	shalt  }
0x46: {  	_ =	shalt  }
0x47: {  	_ =	shalt  }
0x48: {  	_ =	shalt  }
0x49: {  	_ =	shalt  }
0x4a: {  	_ =	shalt  }
0x4b: {  	_ =	shalt  }
0x4c: {  	_ =	shalt  }
0x4d: {  	_ =	shalt  }
0x4e: {  	_ =	shalt  }
0x4f: {  	_ =	shalt  }
0x50: {  	_ =	shalt  }
0x51: {  	_ =	shalt  }
0x52: {  	_ =	shalt  }
0x53: {  	_ =	shalt  }
0x54: {  	_ =	shalt  }
0x55: {  	_ =	shalt  }
0x56: {  	_ =	shalt  }
0x57: {  	_ =	shalt  }
0x58: {  	_ =	shalt  }
0x59: {  	_ =	shalt  }
0x5a: {  	_ =	shalt  }
0x5b: {  	_ =	shalt  }
0x5c: {  	_ =	shalt  }
0x5d: {  	_ =	shalt  }
0x5e: {  	_ =	shalt  }
0x5f: {  	_ =	shalt  }
0x60: {  	_ =	shalt  }
0x61: {  	_ =	shalt  }
0x62: {  	_ =	shalt  }
0x63: {  	_ =	shalt  }
0x64: {  	_ =	shalt  }
0x65: {  	_ =	shalt  }
0x66: {  	_ =	shalt  }
0x67: {  	_ =	shalt  }
0x68: {  	_ =	shalt  }
0x69: {  	_ =	shalt  }
0x6a: {  	_ =	shalt  }
0x6b: {  	_ =	shalt  }
0x6c: {  	_ =	shalt  }
0x6d: {  	_ =	shalt  }
0x6e: {  	_ =	shalt  }
0x6f: {  	_ =	shalt  }
0x70: {  	_ =	shalt  }
0x71: {  	_ =	shalt  }
0x72: {  	_ =	shalt  }
0x73: {  	_ =	shalt  }
0x74: {  	_ =	shalt  }
0x75: {  	_ =	shalt  }
0x76: {  	_ =	shalt  }
0x77: {  	_ =	shalt  }
0x78: {  	_ =	shalt  }
0x79: {  	_ =	shalt  }
0x7a: {  	_ =	shalt  }
0x7b: {  	_ =	shalt  }
0x7c: {  	_ =	shalt  }
0x7d: {  	_ =	shalt  }
0x7e: {  	_ =	shalt  }
0x7f: {  	_ =	shalt  }
0x80: {  	_ =	shalt  }
0x81: {  	_ =	shalt  }
0x82: {  	_ =	shalt  }
0x83: {  	_ =	shalt  }
0x84: {  	_ =	shalt  }
0x85: {  	_ =	shalt  }
0x86: {  	_ =	shalt  }
0x87: {  	_ =	shalt  }
.Lfunc_end0:
.L_simem_size_0:
called_computation.1_lowered:
.L_overlay_start_0:
0x88: {  	s2 =	sld [smem:$0x3FD9]  }
0x89: {  	s3 =	sld [smem:$0x3FFE];
	_ =	sdelay $0x1  }
0x8a: {  	s1 =	srdreg.scid  }
0x8b: {  	s0 =	sand.u32 $0x1, s1  }
0x8c: {  	s17 =	sshll.u32 s0, $0xA;
	s2 =	sadd.s32 s3, s2  }
0x8d: {  	s2 =	sadd.s32 s2, s17  }
0x8e: {  	[smem:$0x3FBC] =	sst s2  }
0x8f: {  	_ = 	snop  }
0x90: {  	s2 =	sld [smem:$0x3FBE]  }
0x91: {  	s18 =	sld [smem:$0x3FD0];
	(tm) =	ssettm $0x1  }
0x92: {  	s4 =	sld [smem:$0x3FFB];
	_ =	sdelay $0x3  }
0x93: {  	_ =	strace s4  }
0x94: {  	s4 =	sld [smem:$0x3FFC];
	_ =	sdelay $0x3  }
0x95: {  	_ =	strace s4  }
0x96: {  	s4 =	sld [smem:$0x3FFD];
	_ =	sdelay $0x3  }
0x97: {  	_ =	strace s4  }
0x98: {  	_ =	strace $0x8FFFFFFF  }
0x99: {  	s19 =	sld [smem:$0x3FDB];
	_ =	sdelay $0x1  }
0x9a: {  	s5 =	simm.s32 $_scs_section_size  }
0x9b: {  	s6 =	simm.s32 $_size__tile_overlayer_lowered;
	s7 =	simm.s32 $_tile_overlayer_lowered  }
0x9c: {  	s22 =	simm.s32 $0x1BFF;
	s21 =	sshll.u32 s7, $0x1;
	s4 =	sadd.s32 s5, s19  }
0x9d: {  	s8 =	simm.s32 $0x0;
	s20 =	sshll.u32 s6, $0x1;
	s6 =	sadd.s32 s21, s4  }
0x9e: {  	[timem:s8], [sflag:s22] =	dma.local [hbm:s6], s20  }
0x9f: {  	_ =	swait.ge [sflag:s22], s20  }
0xa0: {  	s5 =	ssub.s32 $0x0, s20;
	[sflag:s22] =	ssyncset.done $0x0  }
0xa1: {  	[sflag:s22] =	ssyncadd.s32 s5;
	_ =	sdelay $0x1  }
0xa2: {  	s23 =	simm.s32 $0x1B8B  }
0xa3: {  	_ =	swait.ge [sflag:s23], $0x1  }
0xa4: {  	[sflag:s23] =	ssyncset.done $0x0  }
0xa5: {  	s25 =	simm.s32 $0x1B8E;
	s24 =	sld [smem:$0x3FFE];
	[sflag:s23] =	ssyncadd.s32 $0xFFFFFFFF  }
0xa6: {  	s26 =	simm.s32 $execute0_lowered;
	[smem:$0x3FD2] =	sst s25  }
0xa7: {  	s6 =	sshll.u32 s26, $0x1;
	_ =	strace $0x80000049;
	[dreg:$0x1] =	wrdreg $0xFFFFFFFF  }
0xa8: {  	s28 =	simm.s32 $_size_execute0_lowered;
	s4 =	sadd.s32 s4, s6;
	[dreg:$0x0] =	wrdreg $0x0  }
0xa9: {  	s6 =	sshll.u32 s28, $0x1;
	[dreg:$0x2] =	wrdreg s4  }
0xaa: {  	[dreg:$0x3] =	wrdreg s6  }
0xab: {  	[dreg:$0x4] =	wrdreg $0xC0  }
0xac: {  	_ =	task [dreg:s8], $0x5FFFF  }
0xad: {  	[dreg:$0x1] =	wrdreg $0xFFFFFFFF  }
0xae: {  	[dreg:$0x0] =	wrdreg $0x60  }
0xaf: {  	[dreg:$0x2] =	wrdreg s24  }
0xb0: {  	[dreg:$0x3] =	wrdreg s18  }
0xb1: {  	[dreg:$0x4] =	wrdreg s2  }
0xb2: {  	[dreg:$0x5] =	wrdreg $0x9  }
0xb3: {  	_ =	task.clear_ibuf [dreg:s8], $0x6FFFF;
	_ =	strace $0x90000049  }
0xb4: {  	s29 =	simm.s32 $0x9;
	_ =	strace $0x8000004B  }
0xb5: {  	_ =	swait.ge [sflag:s29], $0x1  }
0xb6: {  	[sflag:s29] =	ssyncadd.s32 $0xFFFFFFFF  }
0xb7: {  	_ =	strace $0x9000004B  }
0xb8: {  	_ =	sfence  }
0xb9: {  	s30 =	sld [smem:$0x0];
	_ =	sdelay $0x2  }
0xba: {  	s31 =	sshll.u32 s1, $0xD;
	s1 =	sshrl.u32 s1, $0x2  }
0xbb: {  	s3 =	sand.u32 $0x4000, s31;
	s1 =	sadd.s32 s1, s30  }
0xbc: {  	s0 =	sor.u32 s3, s0;
	s1 =	sshll.u32 s1, $0x11  }
0xbd: {  	s0 =	sor.u32 s1, s0  }
0xbe: {  	s0 =	sadd.s32 $0x8F2B, s0  }
0xbf: {  	[sflag:s0] =	ssyncadd.remote.s32 $0x1  }
0xc0: {  	_ =	sfence.sel $0xFFFF  }
0xc1: {  	[dreg:$0x0] =	wrdreg $0xFFFFFFFF;
	(pc) =	sbr.abs _section_cstart, $3  }
0xc2: {  	[dreg:$0x1] =	wrdreg $0xFFFFFFFF  }
0xc3: {  	_ =	task.clear_ibuf [dreg:s8], $0x2FFFF;
	_ =	strace $0x9FFFFFFF  }
0xc4: {  	(tm) =	ssettm $0x7FFFFFFF  }
0xc5: {  	_ =	shalt  }
tec
execute0_lowered:
.L_overlay_start_1:
0x0: {  	(tag) =	ssettag $0x1  }
0x1: {  	s0 =	stileid.u32  }
0x2: {  	v0 =	vlaneseq.u32;
	s1 =	sshll.u32 s0, $0x9  }
0x3: {  	v0 =	vmul.u32 $0x4, v0;
	s1 =	sand.u32 $0x1000, s1  }
0x4: {  	v1 =	vmov s1  }
0x5: {  	v63 =	vor.u32 $0x40, v0;
	[tilespmem:$0x1FC00] =	vst v1  }
0x6: {  	v4 =	vor.u32 $0x80, v0;
	[tilespmem:$0x1FC10] =	vst v63  }
0x7: {  	v5 =	vor.u32 $0xC0, v0;
	[tilespmem:$0x1FC20] =	vst v4  }
0x8: {  	v6 =	vor.u32 $0x100, v0;
	[tilespmem:$0x1FC30] =	vst v5  }
0x9: {  	v7 =	vor.u32 $0x140, v0;
	[tilespmem:$0x1FC40] =	vst v6  }
0xa: {  	v8 =	vor.u32 $0x180, v0;
	[tilespmem:$0x1FC50] =	vst v7  }
0xb: {  	v9 =	vor.u32 $0x1C0, v0;
	[tilespmem:$0x1FC60] =	vst v8  }
0xc: {  	v10 =	vor.u32 $0x200, v0;
	[tilespmem:$0x1FC70] =	vst v9  }
0xd: {  	v11 =	vor.u32 $0x240, v0;
	[tilespmem:$0x1FC80] =	vst v10  }
0xe: {  	v12 =	vor.u32 $0x280, v0;
	[tilespmem:$0x1FC90] =	vst v11  }
0xf: {  	v13 =	vor.u32 $0x2C0, v0;
	[tilespmem:$0x1FCA0] =	vst v12  }
0x10: {  	v14 =	vor.u32 $0x300, v0;
	[tilespmem:$0x1FCB0] =	vst v13  }
0x11: {  	v15 =	vor.u32 $0x340, v0;
	[tilespmem:$0x1FCC0] =	vst v14  }
0x12: {  	v16 =	vor.u32 $0x380, v0;
	[tilespmem:$0x1FCD0] =	vst v15  }
0x13: {  	v17 =	vor.u32 $0x3C0, v0;
	[tilespmem:$0x1FCE0] =	vst v16  }
0x14: {  	v18 =	vor.u32 $0x1, v0;
	[tilespmem:$0x1FCF0] =	vst v17  }
0x15: {  	v19 =	vor.u32 $0x41, v0;
	[tilespmem:$0x1FD00] =	vst v18  }
0x16: {  	v20 =	vor.u32 $0x81, v0;
	[tilespmem:$0x1FD10] =	vst v19  }
0x17: {  	v21 =	vor.u32 $0xC1, v0;
	[tilespmem:$0x1FD20] =	vst v20  }
0x18: {  	v22 =	vor.u32 $0x101, v0;
	[tilespmem:$0x1FD30] =	vst v21  }
0x19: {  	v23 =	vor.u32 $0x141, v0;
	[tilespmem:$0x1FD40] =	vst v22  }
0x1a: {  	v24 =	vor.u32 $0x181, v0;
	[tilespmem:$0x1FD50] =	vst v23  }
0x1b: {  	v25 =	vor.u32 $0x1C1, v0;
	[tilespmem:$0x1FD60] =	vst v24  }
0x1c: {  	v26 =	vor.u32 $0x201, v0;
	[tilespmem:$0x1FD70] =	vst v25  }
0x1d: {  	v27 =	vor.u32 $0x241, v0;
	[tilespmem:$0x1FD80] =	vst v26  }
0x1e: {  	v28 =	vor.u32 $0x281, v0;
	[tilespmem:$0x1FD90] =	vst v27  }
0x1f: {  	v29 =	vor.u32 $0x2C1, v0;
	[tilespmem:$0x1FDA0] =	vst v28  }
0x20: {  	v30 =	vor.u32 $0x301, v0;
	[tilespmem:$0x1FDB0] =	vst v29  }
0x21: {  	v31 =	vor.u32 $0x341, v0;
	[tilespmem:$0x1FDC0] =	vst v30  }
0x22: {  	v32 =	vor.u32 $0x381, v0;
	[tilespmem:$0x1FDD0] =	vst v31  }
0x23: {  	v33 =	vor.u32 $0x3C1, v0;
	[tilespmem:$0x1FDE0] =	vst v32  }
0x24: {  	v34 =	vor.u32 $0x2, v0;
	[tilespmem:$0x1FDF0] =	vst v33  }
0x25: {  	v35 =	vor.u32 $0x42, v0;
	[tilespmem:$0x1FE00] =	vst v34  }
0x26: {  	v36 =	vor.u32 $0x82, v0;
	[tilespmem:$0x1FE10] =	vst v35  }
0x27: {  	v37 =	vor.u32 $0xC2, v0;
	[tilespmem:$0x1FE20] =	vst v36  }
0x28: {  	v38 =	vor.u32 $0x102, v0;
	[tilespmem:$0x1FE30] =	vst v37  }
0x29: {  	v39 =	vor.u32 $0x142, v0;
	[tilespmem:$0x1FE40] =	vst v38  }
0x2a: {  	v40 =	vor.u32 $0x182, v0;
	[tilespmem:$0x1FE50] =	vst v39  }
0x2b: {  	s6 =	rddreg [dreg:$0x0];
	v41 =	vor.u32 $0x1C2, v0;
	[tilespmem:$0x1FE60] =	vst v40  }
0x2c: {  	s3 =	rddreg [dreg:$0x2];
	v42 =	vor.u32 $0x202, v0;
	[tilespmem:$0x1FE70] =	vst v41  }
0x2d: {  	s2 =	rddreg [dreg:$0x3];
	s4 =	simm.s32 $0x0;
	v43 =	vor.u32 $0x242, v0;
	[tilespmem:$0x1FE80] =	vst v42  }
0x2e: {  	[smem:$0x7FF] =	sst s4;
	v44 =	vor.u32 $0x282, v0;
	[tilespmem:$0x1FE90] =	vst v43  }
0x2f: {  	s1 =	rddreg [dreg:$0x1];
	v45 =	vor.u32 $0x2C2, v0;
	_ =	strace $0x8000004A;
	[tilespmem:$0x1FEA0] =	vst v44  }
0x30: {  	v46 =	vor.u32 $0x302, v0;
	[tilespmem:$0x1FEB0] =	vst v45  }
0x31: {  	v47 =	vor.u32 $0x342, v0;
	[tilespmem:$0x1FEC0] =	vst v46  }
0x32: {  	v48 =	vor.u32 $0x382, v0;
	[tilespmem:$0x1FED0] =	vst v47  }
0x33: {  	v49 =	vor.u32 $0x3C2, v0;
	[tilespmem:$0x1FEE0] =	vst v48  }
0x34: {  	v50 =	vor.u32 $0x3, v0;
	[tilespmem:$0x1FEF0] =	vst v49  }
0x35: {  	v51 =	vor.u32 $0x43, v0;
	[tilespmem:$0x1FF00] =	vst v50  }
0x36: {  	v52 =	vor.u32 $0x83, v0;
	[tilespmem:$0x1FF10] =	vst v51  }
0x37: {  	v53 =	vor.u32 $0xC3, v0;
	[tilespmem:$0x1FF20] =	vst v52  }
0x38: {  	v54 =	vor.u32 $0x103, v0;
	[tilespmem:$0x1FF30] =	vst v53  }
0x39: {  	v55 =	vor.u32 $0x143, v0;
	[tilespmem:$0x1FF40] =	vst v54  }
0x3a: {  	v56 =	vor.u32 $0x183, v0;
	[tilespmem:$0x1FF50] =	vst v55  }
0x3b: {  	v57 =	vor.u32 $0x1C3, v0;
	[tilespmem:$0x1FF60] =	vst v56  }
0x3c: {  	v58 =	vor.u32 $0x203, v0;
	[tilespmem:$0x1FF70] =	vst v57  }
0x3d: {  	s5 =	srdreg.scid;
	s11 =	simm.s32 $0x13000;
	s12 =	simm.s32 $0x400;
	v59 =	vor.u32 $0x243, v0;
	[tilespmem:$0x1FF80] =	vst v58  }
0x3e: {  	s13 =	simm.s32 $0x1000;
	s14 =	simm.s32 $0x1;
	s15 =	simm.s32 $0xC00;
	v60 =	vor.u32 $0x283, v0;
	[tilespmem:$0x1FF90] =	vst v59  }
0x3f: {  	s16 =	simm.s32 $0x13040;
	s5 =	sand.u32 $0x1, s5;
	s7 =	sshll.u32 s0, $0x1;
	v61 =	vor.u32 $0x2C3, v0;
	[tilespmem:$0x1FFA0] =	vst v60  }
0x40: {  	s17 =	simm.s32 $0x0;
	s7 =	sor.u32 s5, s7;
	s9 =	ssub.s32 $0x2, s5;
	v62 =	vor.u32 $0x303, v0;
	[tilespmem:$0x1FFB0] =	vst v61  }
0x41: {  	s5 =	sadd.s32 $0x2000, s6;
	s8 =	sshll.u32 s7, $0x7;
	s7 =	sshll.u32 s7, $0xB;
	v63 =	vor.u32 $0x343, v0;
	[tilespmem:$0x1FFC0] =	vst v62  }
0x42: {  	s10 =	sshrl.u32 s9, $0x1;
	s8 =	sadd.s32 s8, s6;
	s7 =	sadd.s32 s7, s6;
	[tilespmem:$0x1FFD0] =	vst v63  }
0x43: {  	s9 =	ssub.s32 s9, s10;
	s10 =	simm.s32 $0x11000;
	s6 =	sadd.s32 $0x42400, s8;
	[tilespmem:$0x1FFE0] =	vst v0;
	v0 =	vor.u32 $0x383, v0  }
0x44: {  	s7 =	sadd.s32 $0x2400, s7;
	s8 =	smax.u32 s9, $0x1;
	s9 =	simm.s32 $0x2;
	[tilespmem:$0x1FFF0] =	vst v0  }
.LBB2_1:
0x45: {  	[tilespmem:s4], [sflag:$0x2] =	stream.linear.gather [hbm4b:s6+s4], $0x400, $0x38;
	[tilespmem:$0x17040] =	vst v63  }
0x46: {  	_ =	swait.ge [sflag:s9], $0x400  }
0x47: {  	[sflag:s9] =	ssyncset.done $0x0  }
0x48: {  	[sflag:s9] =	ssyncadd.s32 $0xFFFFFC00  }
0x49: {  	[tilespmem:s10], [sflag:$0x2] =	stream.linear.gather [hbm4b:s5+s4], $0x2000, $0x38;
	[tilespmem:$0x17040] =	vst v63  }
0x4a: {  	_ =	swait.ge [sflag:s9], $0x2000  }
0x4b: {  	[sflag:s9] =	ssyncset.done $0x0  }
0x4c: {  	[sflag:s9] =	ssyncadd.s32 $0xFFFFE000  }
0x4d: {  	[tilespmem:s11], [sflag:$0x2] =	stream.linear.gather [hbm4b:s3+s4], $0x40, $0x38;
	[tilespmem:$0x17040] =	vst v63  }
0x4e: {  	_ =	swait.ge [sflag:s9], $0x40  }
0x4f: {  	[sflag:s9] =	ssyncset.done $0x0  }
0x50: {  	v1 =	vld [tilespmem:$0x1FC00];
	[sflag:s9] =	ssyncadd.s32 $0xFFFFFFC0  }
0x51: {  	v0 =	vld [tilespmem:$0x0]  }
0x52: {  	v2 =	vld [tilespmem:$0x10]  }
0x53: {  	v3 =	vld [tilespmem:$0x20]  }
0x54: {  	v4 =	vld [tilespmem:$0x30]  }
0x55: {  	v5 =	vld [tilespmem:$0x40]  }
0x56: {  	v6 =	vld [tilespmem:$0x50];
	v0 =	vadd.s32 v1, v0  }
0x57: {  	[tilespmem:$0x0] =	vst v0;
	v0 =	vadd.s32 v1, v2;
	v2 =	vld [tilespmem:$0x60]  }
0x58: {  	[tilespmem:$0x10] =	vst v0;
	v0 =	vadd.s32 v1, v3;
	v3 =	vld [tilespmem:$0x70]  }
0x59: {  	[tilespmem:$0x20] =	vst v0;
	v0 =	vadd.s32 v1, v4;
	v4 =	vld [tilespmem:$0x80]  }
0x5a: {  	[tilespmem:$0x30] =	vst v0;
	v0 =	vadd.s32 v1, v5;
	v5 =	vld [tilespmem:$0x90]  }
0x5b: {  	[tilespmem:$0x40] =	vst v0;
	v0 =	vadd.s32 v1, v6;
	v6 =	vld [tilespmem:$0xA0]  }
0x5c: {  	[tilespmem:$0x50] =	vst v0;
	v0 =	vadd.s32 v1, v2;
	v2 =	vld [tilespmem:$0xB0]  }
0x5d: {  	[tilespmem:$0x60] =	vst v0;
	v0 =	vadd.s32 v1, v3;
	v3 =	vld [tilespmem:$0xC0]  }
0x5e: {  	[tilespmem:$0x70] =	vst v0;
	v0 =	vadd.s32 v1, v4;
	v4 =	vld [tilespmem:$0xD0]  }
0x5f: {  	[tilespmem:$0x80] =	vst v0;
	v0 =	vadd.s32 v1, v5;
	v5 =	vld [tilespmem:$0xE0]  }
0x60: {  	[tilespmem:$0x90] =	vst v0;
	v0 =	vadd.s32 v1, v6;
	v6 =	vld [tilespmem:$0xF0]  }
0x61: {  	[tilespmem:$0xA0] =	vst v0;
	v0 =	vadd.s32 v1, v2;
	v2 =	vld [tilespmem:$0x100]  }
0x62: {  	[tilespmem:$0xB0] =	vst v0;
	v0 =	vadd.s32 v1, v3;
	v3 =	vld [tilespmem:$0x110]  }
0x63: {  	[tilespmem:$0xC0] =	vst v0;
	v0 =	vadd.s32 v1, v4;
	v4 =	vld [tilespmem:$0x120]  }
0x64: {  	[tilespmem:$0xD0] =	vst v0;
	v0 =	vadd.s32 v1, v5;
	v5 =	vld [tilespmem:$0x130]  }
0x65: {  	[tilespmem:$0xE0] =	vst v0;
	v0 =	vadd.s32 v1, v6;
	v6 =	vld [tilespmem:$0x140]  }
0x66: {  	[tilespmem:$0xF0] =	vst v0;
	v0 =	vadd.s32 v1, v2;
	v2 =	vld [tilespmem:$0x150]  }
0x67: {  	[tilespmem:$0x100] =	vst v0;
	v0 =	vadd.s32 v1, v3;
	v3 =	vld [tilespmem:$0x160]  }
0x68: {  	[tilespmem:$0x110] =	vst v0;
	v0 =	vadd.s32 v1, v4;
	v4 =	vld [tilespmem:$0x170]  }
0x69: {  	[tilespmem:$0x120] =	vst v0;
	v0 =	vadd.s32 v1, v5;
	v5 =	vld [tilespmem:$0x180]  }
0x6a: {  	[tilespmem:$0x130] =	vst v0;
	v0 =	vadd.s32 v1, v6;
	v6 =	vld [tilespmem:$0x190]  }
0x6b: {  	[tilespmem:$0x140] =	vst v0;
	v0 =	vadd.s32 v1, v2;
	v2 =	vld [tilespmem:$0x1A0]  }
0x6c: {  	[tilespmem:$0x150] =	vst v0;
	v0 =	vadd.s32 v1, v3;
	v3 =	vld [tilespmem:$0x1B0]  }
0x6d: {  	[tilespmem:$0x160] =	vst v0;
	v0 =	vadd.s32 v1, v4;
	v4 =	vld [tilespmem:$0x1C0]  }
0x6e: {  	[tilespmem:$0x170] =	vst v0;
	v0 =	vadd.s32 v1, v5;
	v5 =	vld [tilespmem:$0x1D0]  }
0x6f: {  	[tilespmem:$0x180] =	vst v0;
	v0 =	vadd.s32 v1, v6;
	v6 =	vld [tilespmem:$0x1E0]  }
0x70: {  	[tilespmem:$0x190] =	vst v0;
	v0 =	vadd.s32 v1, v2;
	v2 =	vld [tilespmem:$0x1F0]  }
0x71: {  	[tilespmem:$0x1A0] =	vst v0;
	v0 =	vadd.s32 v1, v3;
	v3 =	vld [tilespmem:$0x200]  }
0x72: {  	[tilespmem:$0x1B0] =	vst v0;
	v0 =	vadd.s32 v1, v4;
	v4 =	vld [tilespmem:$0x210]  }
0x73: {  	[tilespmem:$0x1C0] =	vst v0;
	v0 =	vadd.s32 v1, v5;
	v5 =	vld [tilespmem:$0x220]  }
0x74: {  	[tilespmem:$0x1D0] =	vst v0;
	v0 =	vadd.s32 v1, v6;
	v6 =	vld [tilespmem:$0x230]  }
0x75: {  	[tilespmem:$0x1E0] =	vst v0;
	v0 =	vadd.s32 v1, v2;
	v2 =	vld [tilespmem:$0x240]  }
0x76: {  	[tilespmem:$0x1F0] =	vst v0;
	v0 =	vadd.s32 v1, v3;
	v3 =	vld [tilespmem:$0x250]  }
0x77: {  	[tilespmem:$0x200] =	vst v0;
	v0 =	vadd.s32 v1, v4;
	v4 =	vld [tilespmem:$0x260]  }
0x78: {  	[tilespmem:$0x210] =	vst v0;
	v0 =	vadd.s32 v1, v5;
	v5 =	vld [tilespmem:$0x270]  }
0x79: {  	[tilespmem:$0x220] =	vst v0;
	v0 =	vadd.s32 v1, v6;
	v6 =	vld [tilespmem:$0x280]  }
0x7a: {  	[tilespmem:$0x230] =	vst v0;
	v0 =	vadd.s32 v1, v2;
	v2 =	vld [tilespmem:$0x290]  }
0x7b: {  	[tilespmem:$0x240] =	vst v0;
	v0 =	vadd.s32 v1, v3;
	v3 =	vld [tilespmem:$0x2A0]  }
0x7c: {  	[tilespmem:$0x250] =	vst v0;
	v0 =	vadd.s32 v1, v4;
	v4 =	vld [tilespmem:$0x2B0]  }
0x7d: {  	[tilespmem:$0x260] =	vst v0;
	v0 =	vadd.s32 v1, v5;
	v5 =	vld [tilespmem:$0x2C0]  }
0x7e: {  	[tilespmem:$0x270] =	vst v0;
	v0 =	vadd.s32 v1, v6;
	v6 =	vld [tilespmem:$0x2D0]  }
0x7f: {  	[tilespmem:$0x280] =	vst v0;
	v0 =	vadd.s32 v1, v2;
	v2 =	vld [tilespmem:$0x2E0]  }
0x80: {  	[tilespmem:$0x290] =	vst v0;
	v0 =	vadd.s32 v1, v3;
	v3 =	vld [tilespmem:$0x2F0]  }
0x81: {  	[tilespmem:$0x2A0] =	vst v0;
	v0 =	vadd.s32 v1, v4;
	v4 =	vld [tilespmem:$0x300]  }
0x82: {  	[tilespmem:$0x2B0] =	vst v0;
	v0 =	vadd.s32 v1, v5;
	v5 =	vld [tilespmem:$0x310]  }
0x83: {  	[tilespmem:$0x2C0] =	vst v0;
	v0 =	vadd.s32 v1, v6;
	v6 =	vld [tilespmem:$0x320]  }
0x84: {  	[tilespmem:$0x2D0] =	vst v0;
	v0 =	vadd.s32 v1, v2;
	v2 =	vld [tilespmem:$0x330]  }
0x85: {  	[tilespmem:$0x2E0] =	vst v0;
	v0 =	vadd.s32 v1, v3;
	v3 =	vld [tilespmem:$0x340]  }
0x86: {  	[tilespmem:$0x2F0] =	vst v0;
	v0 =	vadd.s32 v1, v4;
	v4 =	vld [tilespmem:$0x350]  }
0x87: {  	[tilespmem:$0x300] =	vst v0;
	v0 =	vadd.s32 v1, v5;
	v5 =	vld [tilespmem:$0x360]  }
0x88: {  	[tilespmem:$0x310] =	vst v0;
	v0 =	vadd.s32 v1, v6;
	v6 =	vld [tilespmem:$0x370]  }
0x89: {  	[tilespmem:$0x320] =	vst v0;
	v0 =	vadd.s32 v1, v2;
	v2 =	vld [tilespmem:$0x380]  }
0x8a: {  	[tilespmem:$0x330] =	vst v0;
	v0 =	vadd.s32 v1, v3;
	v3 =	vld [tilespmem:$0x390]  }
0x8b: {  	[tilespmem:$0x340] =	vst v0;
	v0 =	vadd.s32 v1, v4;
	v4 =	vld [tilespmem:$0x3A0]  }
0x8c: {  	[tilespmem:$0x350] =	vst v0;
	v0 =	vadd.s32 v1, v5;
	v5 =	vld [tilespmem:$0x3B0]  }
0x8d: {  	[tilespmem:$0x360] =	vst v0;
	v0 =	vadd.s32 v1, v6;
	v6 =	vld [tilespmem:$0x3C0]  }
0x8e: {  	[tilespmem:$0x370] =	vst v0;
	v0 =	vadd.s32 v1, v2;
	v2 =	vld [tilespmem:$0x3D0]  }
0x8f: {  	[tilespmem:$0x380] =	vst v0;
	v0 =	vadd.s32 v1, v3;
	v3 =	vld [tilespmem:$0x3E0]  }
0x90: {  	[tilespmem:$0x390] =	vst v0;
	v0 =	vadd.s32 v1, v4;
	v4 =	vld [tilespmem:$0x3F0]  }
0x91: {  	[tilespmem:$0x3A0] =	vst v0;
	v0 =	vadd.s32 v1, v5  }
0x92: {  	[tilespmem:$0x3B0] =	vst v0;
	v0 =	vadd.s32 v1, v6  }
0x93: {  	[tilespmem:$0x3C0] =	vst v0;
	v0 =	vadd.s32 v1, v2  }
0x94: {  	[tilespmem:$0x3D0] =	vst v0;
	v0 =	vadd.s32 v1, v3  }
0x95: {  	[tilespmem:$0x3E0] =	vst v0;
	v0 =	vadd.s32 v1, v4;
	v1 =	vld [tilespmem:$0x1FFE0];
	_ =	sdelay $0x6  }
0x96: {  	[tilespmem:$0x3F0] =	vst v0  }
0x97: {  	v0 =	vld.idx.msk [tilespmem:v1+s4+$0x0], $0xffff;
	_ =	sdelay $0x6  }
0x98: {  	[tilespmem:$0x400] =	vst v0  }
0x99: {  	v0 =	vld.idx.msk [tilespmem:v0+s10+$0x0], $0xffff;
	_ =	sdelay $0x4  }
0x9a: {  	[tilespmem:$0x800] =	vst v0;
	v0 =	vld [tilespmem:$0x1FC10];
	_ =	sdelay $0x7  }
0x9b: {  	v0 =	vld.idx.msk [tilespmem:v0+s4+$0x0], $0xffff;
	_ =	sdelay $0x6  }
0x9c: {  	[tilespmem:$0x410] =	vst v0  }
0x9d: {  	v0 =	vld.idx.msk [tilespmem:v0+s10+$0x0], $0xffff;
	_ =	sdelay $0x4  }
0x9e: {  	[tilespmem:$0x810] =	vst v0;
	v0 =	vld [tilespmem:$0x1FC20];
	_ =	sdelay $0x7  }
0x9f: {  	v0 =	vld.idx.msk [tilespmem:v0+s4+$0x0], $0xffff;
	_ =	sdelay $0x6  }
0xa0: {  	[tilespmem:$0x420] =	vst v0  }
0xa1: {  	v0 =	vld.idx.msk [tilespmem:v0+s10+$0x0], $0xffff;
	_ =	sdelay $0x4  }
0xa2: {  	[tilespmem:$0x820] =	vst v0;
	v0 =	vld [tilespmem:$0x1FC30];
	_ =	sdelay $0x7  }
0xa3: {  	v0 =	vld.idx.msk [tilespmem:v0+s4+$0x0], $0xffff;
	_ =	sdelay $0x6  }
0xa4: {  	[tilespmem:$0x430] =	vst v0  }
0xa5: {  	v0 =	vld.idx.msk [tilespmem:v0+s10+$0x0], $0xffff;
	_ =	sdelay $0x4  }
0xa6: {  	[tilespmem:$0x830] =	vst v0;
	v0 =	vld [tilespmem:$0x1FC40];
	_ =	sdelay $0x7  }
0xa7: {  	v0 =	vld.idx.msk [tilespmem:v0+s4+$0x0], $0xffff;
	_ =	sdelay $0x6  }
0xa8: {  	[tilespmem:$0x440] =	vst v0  }
0xa9: {  	v0 =	vld.idx.msk [tilespmem:v0+s10+$0x0], $0xffff;
	_ =	sdelay $0x4  }
0xaa: {  	[tilespmem:$0x840] =	vst v0;
	v0 =	vld [tilespmem:$0x1FC50];
	_ =	sdelay $0x7  }
0xab: {  	v0 =	vld.idx.msk [tilespmem:v0+s4+$0x0], $0xffff;
	_ =	sdelay $0x6  }
0xac: {  	[tilespmem:$0x450] =	vst v0  }
0xad: {  	v0 =	vld.idx.msk [tilespmem:v0+s10+$0x0], $0xffff;
	_ =	sdelay $0x4  }
0xae: {  	[tilespmem:$0x850] =	vst v0;
	v0 =	vld [tilespmem:$0x1FC60];
	_ =	sdelay $0x7  }
0xaf: {  	v0 =	vld.idx.msk [tilespmem:v0+s4+$0x0], $0xffff;
	_ =	sdelay $0x6  }
0xb0: {  	[tilespmem:$0x460] =	vst v0  }
0xb1: {  	v0 =	vld.idx.msk [tilespmem:v0+s10+$0x0], $0xffff;
	_ =	sdelay $0x4  }
0xb2: {  	[tilespmem:$0x860] =	vst v0;
	v0 =	vld [tilespmem:$0x1FC70];
	_ =	sdelay $0x7  }
0xb3: {  	v0 =	vld.idx.msk [tilespmem:v0+s4+$0x0], $0xffff;
	_ =	sdelay $0x6  }
0xb4: {  	[tilespmem:$0x470] =	vst v0  }
0xb5: {  	v0 =	vld.idx.msk [tilespmem:v0+s10+$0x0], $0xffff;
	_ =	sdelay $0x4  }
0xb6: {  	[tilespmem:$0x870] =	vst v0;
	v0 =	vld [tilespmem:$0x1FC80];
	_ =	sdelay $0x7  }
0xb7: {  	v0 =	vld.idx.msk [tilespmem:v0+s4+$0x0], $0xffff;
	_ =	sdelay $0x6  }
0xb8: {  	[tilespmem:$0x480] =	vst v0  }
0xb9: {  	v0 =	vld.idx.msk [tilespmem:v0+s10+$0x0], $0xffff;
	_ =	sdelay $0x4  }
0xba: {  	[tilespmem:$0x880] =	vst v0;
	v0 =	vld [tilespmem:$0x1FC90];
	_ =	sdelay $0x7  }
0xbb: {  	v0 =	vld.idx.msk [tilespmem:v0+s4+$0x0], $0xffff;
	_ =	sdelay $0x6  }
0xbc: {  	[tilespmem:$0x490] =	vst v0  }
0xbd: {  	v0 =	vld.idx.msk [tilespmem:v0+s10+$0x0], $0xffff;
	_ =	sdelay $0x4  }
0xbe: {  	[tilespmem:$0x890] =	vst v0;
	v0 =	vld [tilespmem:$0x1FCA0];
	_ =	sdelay $0x7  }
0xbf: {  	v0 =	vld.idx.msk [tilespmem:v0+s4+$0x0], $0xffff;
	_ =	sdelay $0x6  }
0xc0: {  	[tilespmem:$0x4A0] =	vst v0  }
0xc1: {  	v0 =	vld.idx.msk [tilespmem:v0+s10+$0x0], $0xffff;
	_ =	sdelay $0x4  }
0xc2: {  	[tilespmem:$0x8A0] =	vst v0;
	v0 =	vld [tilespmem:$0x1FCB0];
	_ =	sdelay $0x7  }
0xc3: {  	v0 =	vld.idx.msk [tilespmem:v0+s4+$0x0], $0xffff;
	_ =	sdelay $0x6  }
0xc4: {  	[tilespmem:$0x4B0] =	vst v0  }
0xc5: {  	v0 =	vld.idx.msk [tilespmem:v0+s10+$0x0], $0xffff;
	_ =	sdelay $0x4  }
0xc6: {  	[tilespmem:$0x8B0] =	vst v0;
	v0 =	vld [tilespmem:$0x1FCC0];
	_ =	sdelay $0x7  }
0xc7: {  	v0 =	vld.idx.msk [tilespmem:v0+s4+$0x0], $0xffff;
	_ =	sdelay $0x6  }
0xc8: {  	[tilespmem:$0x4C0] =	vst v0  }
0xc9: {  	v0 =	vld.idx.msk [tilespmem:v0+s10+$0x0], $0xffff;
	_ =	sdelay $0x4  }
0xca: {  	[tilespmem:$0x8C0] =	vst v0;
	v0 =	vld [tilespmem:$0x1FCD0];
	_ =	sdelay $0x7  }
0xcb: {  	v0 =	vld.idx.msk [tilespmem:v0+s4+$0x0], $0xffff;
	_ =	sdelay $0x6  }
0xcc: {  	[tilespmem:$0x4D0] =	vst v0  }
0xcd: {  	v0 =	vld.idx.msk [tilespmem:v0+s10+$0x0], $0xffff;
	_ =	sdelay $0x4  }
0xce: {  	[tilespmem:$0x8D0] =	vst v0;
	v0 =	vld [tilespmem:$0x1FCE0];
	_ =	sdelay $0x7  }
0xcf: {  	v0 =	vld.idx.msk [tilespmem:v0+s4+$0x0], $0xffff;
	_ =	sdelay $0x6  }
0xd0: {  	[tilespmem:$0x4E0] =	vst v0  }
0xd1: {  	v0 =	vld.idx.msk [tilespmem:v0+s10+$0x0], $0xffff;
	_ =	sdelay $0x4  }
0xd2: {  	[tilespmem:$0x8E0] =	vst v0;
	v0 =	vld [tilespmem:$0x1FCF0];
	_ =	sdelay $0x7  }
0xd3: {  	v0 =	vld.idx.msk [tilespmem:v0+s4+$0x0], $0xffff;
	_ =	sdelay $0x6  }
0xd4: {  	[tilespmem:$0x4F0] =	vst v0  }
0xd5: {  	v0 =	vld.idx.msk [tilespmem:v0+s10+$0x0], $0xffff;
	_ =	sdelay $0x4  }
0xd6: {  	[tilespmem:$0x8F0] =	vst v0;
	v0 =	vld [tilespmem:$0x1FD00];
	_ =	sdelay $0x7  }
0xd7: {  	v0 =	vld.idx.msk [tilespmem:v0+s4+$0x0], $0xffff;
	_ =	sdelay $0x6  }
0xd8: {  	[tilespmem:$0x500] =	vst v0  }
0xd9: {  	v0 =	vld.idx.msk [tilespmem:v0+s10+$0x0], $0xffff;
	_ =	sdelay $0x4  }
0xda: {  	[tilespmem:$0x900] =	vst v0;
	v0 =	vld [tilespmem:$0x1FD10];
	_ =	sdelay $0x7  }
0xdb: {  	v0 =	vld.idx.msk [tilespmem:v0+s4+$0x0], $0xffff;
	_ =	sdelay $0x6  }
0xdc: {  	[tilespmem:$0x510] =	vst v0  }
0xdd: {  	v0 =	vld.idx.msk [tilespmem:v0+s10+$0x0], $0xffff;
	_ =	sdelay $0x4  }
0xde: {  	[tilespmem:$0x910] =	vst v0;
	v0 =	vld [tilespmem:$0x1FD20];
	_ =	sdelay $0x7  }
0xdf: {  	v0 =	vld.idx.msk [tilespmem:v0+s4+$0x0], $0xffff;
	_ =	sdelay $0x6  }
0xe0: {  	[tilespmem:$0x520] =	vst v0  }
0xe1: {  	v0 =	vld.idx.msk [tilespmem:v0+s10+$0x0], $0xffff;
	_ =	sdelay $0x4  }
0xe2: {  	[tilespmem:$0x920] =	vst v0;
	v0 =	vld [tilespmem:$0x1FD30];
	_ =	sdelay $0x7  }
0xe3: {  	v0 =	vld.idx.msk [tilespmem:v0+s4+$0x0], $0xffff;
	_ =	sdelay $0x6  }
0xe4: {  	[tilespmem:$0x530] =	vst v0  }
0xe5: {  	v0 =	vld.idx.msk [tilespmem:v0+s10+$0x0], $0xffff;
	_ =	sdelay $0x4  }
0xe6: {  	[tilespmem:$0x930] =	vst v0;
	v0 =	vld [tilespmem:$0x1FD40];
	_ =	sdelay $0x7  }
0xe7: {  	v0 =	vld.idx.msk [tilespmem:v0+s4+$0x0], $0xffff;
	_ =	sdelay $0x6  }
0xe8: {  	[tilespmem:$0x540] =	vst v0  }
0xe9: {  	v0 =	vld.idx.msk [tilespmem:v0+s10+$0x0], $0xffff;
	_ =	sdelay $0x4  }
0xea: {  	[tilespmem:$0x940] =	vst v0;
	v0 =	vld [tilespmem:$0x1FD50];
	_ =	sdelay $0x7  }
0xeb: {  	v0 =	vld.idx.msk [tilespmem:v0+s4+$0x0], $0xffff;
	_ =	sdelay $0x6  }
0xec: {  	[tilespmem:$0x550] =	vst v0  }
0xed: {  	v0 =	vld.idx.msk [tilespmem:v0+s10+$0x0], $0xffff;
	_ =	sdelay $0x4  }
0xee: {  	[tilespmem:$0x950] =	vst v0;
	v0 =	vld [tilespmem:$0x1FD60];
	_ =	sdelay $0x7  }
0xef: {  	v0 =	vld.idx.msk [tilespmem:v0+s4+$0x0], $0xffff;
	_ =	sdelay $0x6  }
0xf0: {  	[tilespmem:$0x560] =	vst v0  }
0xf1: {  	v0 =	vld.idx.msk [tilespmem:v0+s10+$0x0], $0xffff;
	_ =	sdelay $0x4  }
0xf2: {  	[tilespmem:$0x960] =	vst v0;
	v0 =	vld [tilespmem:$0x1FD70];
	_ =	sdelay $0x7  }
0xf3: {  	v0 =	vld.idx.msk [tilespmem:v0+s4+$0x0], $0xffff;
	_ =	sdelay $0x6  }
0xf4: {  	[tilespmem:$0x570] =	vst v0  }
0xf5: {  	v0 =	vld.idx.msk [tilespmem:v0+s10+$0x0], $0xffff;
	_ =	sdelay $0x4  }
0xf6: {  	[tilespmem:$0x970] =	vst v0;
	v0 =	vld [tilespmem:$0x1FD80];
	_ =	sdelay $0x7  }
0xf7: {  	v0 =	vld.idx.msk [tilespmem:v0+s4+$0x0], $0xffff;
	_ =	sdelay $0x6  }
0xf8: {  	[tilespmem:$0x580] =	vst v0  }
0xf9: {  	v0 =	vld.idx.msk [tilespmem:v0+s10+$0x0], $0xffff;
	_ =	sdelay $0x4  }
0xfa: {  	[tilespmem:$0x980] =	vst v0;
	v0 =	vld [tilespmem:$0x1FD90];
	_ =	sdelay $0x7  }
0xfb: {  	v0 =	vld.idx.msk [tilespmem:v0+s4+$0x0], $0xffff;
	_ =	sdelay $0x6  }
0xfc: {  	[tilespmem:$0x590] =	vst v0  }
0xfd: {  	v0 =	vld.idx.msk [tilespmem:v0+s10+$0x0], $0xffff;
	_ =	sdelay $0x4  }
0xfe: {  	[tilespmem:$0x990] =	vst v0;
	v0 =	vld [tilespmem:$0x1FDA0];
	_ =	sdelay $0x7  }
0xff: {  	v0 =	vld.idx.msk [tilespmem:v0+s4+$0x0], $0xffff;
	_ =	sdelay $0x6  }
0x100: {  	[tilespmem:$0x5A0] =	vst v0  }
0x101: {  	v0 =	vld.idx.msk [tilespmem:v0+s10+$0x0], $0xffff;
	_ =	sdelay $0x4  }
0x102: {  	[tilespmem:$0x9A0] =	vst v0;
	v0 =	vld [tilespmem:$0x1FDB0];
	_ =	sdelay $0x7  }
0x103: {  	v0 =	vld.idx.msk [tilespmem:v0+s4+$0x0], $0xffff;
	_ =	sdelay $0x6  }
0x104: {  	[tilespmem:$0x5B0] =	vst v0  }
0x105: {  	v0 =	vld.idx.msk [tilespmem:v0+s10+$0x0], $0xffff;
	_ =	sdelay $0x4  }
0x106: {  	[tilespmem:$0x9B0] =	vst v0;
	v0 =	vld [tilespmem:$0x1FDC0];
	_ =	sdelay $0x7  }
0x107: {  	v0 =	vld.idx.msk [tilespmem:v0+s4+$0x0], $0xffff;
	_ =	sdelay $0x6  }
0x108: {  	[tilespmem:$0x5C0] =	vst v0  }
0x109: {  	v0 =	vld.idx.msk [tilespmem:v0+s10+$0x0], $0xffff;
	_ =	sdelay $0x4  }
0x10a: {  	[tilespmem:$0x9C0] =	vst v0;
	v0 =	vld [tilespmem:$0x1FDD0];
	_ =	sdelay $0x7  }
0x10b: {  	v0 =	vld.idx.msk [tilespmem:v0+s4+$0x0], $0xffff;
	_ =	sdelay $0x6  }
0x10c: {  	[tilespmem:$0x5D0] =	vst v0  }
0x10d: {  	v0 =	vld.idx.msk [tilespmem:v0+s10+$0x0], $0xffff;
	_ =	sdelay $0x4  }
0x10e: {  	[tilespmem:$0x9D0] =	vst v0;
	v0 =	vld [tilespmem:$0x1FDE0];
	_ =	sdelay $0x7  }
0x10f: {  	v0 =	vld.idx.msk [tilespmem:v0+s4+$0x0], $0xffff;
	_ =	sdelay $0x6  }
0x110: {  	[tilespmem:$0x5E0] =	vst v0  }
0x111: {  	v0 =	vld.idx.msk [tilespmem:v0+s10+$0x0], $0xffff;
	_ =	sdelay $0x4  }
0x112: {  	[tilespmem:$0x9E0] =	vst v0;
	v0 =	vld [tilespmem:$0x1FDF0];
	_ =	sdelay $0x7  }
0x113: {  	v0 =	vld.idx.msk [tilespmem:v0+s4+$0x0], $0xffff;
	_ =	sdelay $0x6  }
0x114: {  	[tilespmem:$0x5F0] =	vst v0  }
0x115: {  	v0 =	vld.idx.msk [tilespmem:v0+s10+$0x0], $0xffff;
	_ =	sdelay $0x4  }
0x116: {  	[tilespmem:$0x9F0] =	vst v0  }
0x117: {  	v0 =	vld [tilespmem:$0x1FE00];
	_ =	sdelay $0x7  }
0x118: {  	v0 =	vld.idx.msk [tilespmem:v0+s4+$0x0], $0xffff;
	_ =	sdelay $0x6  }
0x119: {  	[tilespmem:$0x600] =	vst v0  }
0x11a: {  	v0 =	vld.idx.msk [tilespmem:v0+s10+$0x0], $0xffff;
	_ =	sdelay $0x4  }
0x11b: {  	[tilespmem:$0xA00] =	vst v0;
	v0 =	vld [tilespmem:$0x1FE10];
	_ =	sdelay $0x7  }
0x11c: {  	v0 =	vld.idx.msk [tilespmem:v0+s4+$0x0], $0xffff;
	_ =	sdelay $0x6  }
0x11d: {  	[tilespmem:$0x610] =	vst v0  }
0x11e: {  	v0 =	vld.idx.msk [tilespmem:v0+s10+$0x0], $0xffff;
	_ =	sdelay $0x4  }
0x11f: {  	[tilespmem:$0xA10] =	vst v0;
	v0 =	vld [tilespmem:$0x1FE20];
	_ =	sdelay $0x7  }
0x120: {  	v0 =	vld.idx.msk [tilespmem:v0+s4+$0x0], $0xffff;
	_ =	sdelay $0x6  }
0x121: {  	[tilespmem:$0x620] =	vst v0  }
0x122: {  	v0 =	vld.idx.msk [tilespmem:v0+s10+$0x0], $0xffff;
	_ =	sdelay $0x4  }
0x123: {  	[tilespmem:$0xA20] =	vst v0;
	v0 =	vld [tilespmem:$0x1FE30];
	_ =	sdelay $0x7  }
0x124: {  	v0 =	vld.idx.msk [tilespmem:v0+s4+$0x0], $0xffff;
	_ =	sdelay $0x6  }
0x125: {  	[tilespmem:$0x630] =	vst v0  }
0x126: {  	v0 =	vld.idx.msk [tilespmem:v0+s10+$0x0], $0xffff;
	_ =	sdelay $0x4  }
0x127: {  	[tilespmem:$0xA30] =	vst v0;
	v0 =	vld [tilespmem:$0x1FE40];
	_ =	sdelay $0x7  }
0x128: {  	v0 =	vld.idx.msk [tilespmem:v0+s4+$0x0], $0xffff;
	_ =	sdelay $0x6  }
0x129: {  	[tilespmem:$0x640] =	vst v0  }
0x12a: {  	v0 =	vld.idx.msk [tilespmem:v0+s10+$0x0], $0xffff;
	_ =	sdelay $0x4  }
0x12b: {  	[tilespmem:$0xA40] =	vst v0;
	v0 =	vld [tilespmem:$0x1FE50];
	_ =	sdelay $0x7  }
0x12c: {  	v0 =	vld.idx.msk [tilespmem:v0+s4+$0x0], $0xffff;
	_ =	sdelay $0x6  }
0x12d: {  	[tilespmem:$0x650] =	vst v0  }
0x12e: {  	v0 =	vld.idx.msk [tilespmem:v0+s10+$0x0], $0xffff;
	_ =	sdelay $0x4  }
0x12f: {  	[tilespmem:$0xA50] =	vst v0;
	v0 =	vld [tilespmem:$0x1FE60];
	_ =	sdelay $0x7  }
0x130: {  	v0 =	vld.idx.msk [tilespmem:v0+s4+$0x0], $0xffff;
	_ =	sdelay $0x6  }
0x131: {  	[tilespmem:$0x660] =	vst v0  }
0x132: {  	v0 =	vld.idx.msk [tilespmem:v0+s10+$0x0], $0xffff;
	_ =	sdelay $0x4  }
0x133: {  	[tilespmem:$0xA60] =	vst v0;
	v0 =	vld [tilespmem:$0x1FE70];
	_ =	sdelay $0x7  }
0x134: {  	v0 =	vld.idx.msk [tilespmem:v0+s4+$0x0], $0xffff;
	_ =	sdelay $0x6  }
0x135: {  	[tilespmem:$0x670] =	vst v0  }
0x136: {  	v0 =	vld.idx.msk [tilespmem:v0+s10+$0x0], $0xffff;
	_ =	sdelay $0x4  }
0x137: {  	[tilespmem:$0xA70] =	vst v0;
	v0 =	vld [tilespmem:$0x1FE80];
	_ =	sdelay $0x7  }
0x138: {  	v0 =	vld.idx.msk [tilespmem:v0+s4+$0x0], $0xffff;
	_ =	sdelay $0x6  }
0x139: {  	[tilespmem:$0x680] =	vst v0  }
0x13a: {  	v0 =	vld.idx.msk [tilespmem:v0+s10+$0x0], $0xffff;
	_ =	sdelay $0x4  }
0x13b: {  	[tilespmem:$0xA80] =	vst v0;
	v0 =	vld [tilespmem:$0x1FE90];
	_ =	sdelay $0x7  }
0x13c: {  	v0 =	vld.idx.msk [tilespmem:v0+s4+$0x0], $0xffff;
	_ =	sdelay $0x6  }
0x13d: {  	[tilespmem:$0x690] =	vst v0  }
0x13e: {  	v0 =	vld.idx.msk [tilespmem:v0+s10+$0x0], $0xffff;
	_ =	sdelay $0x4  }
0x13f: {  	[tilespmem:$0xA90] =	vst v0;
	v0 =	vld [tilespmem:$0x1FEA0];
	_ =	sdelay $0x7  }
0x140: {  	v0 =	vld.idx.msk [tilespmem:v0+s4+$0x0], $0xffff;
	_ =	sdelay $0x6  }
0x141: {  	[tilespmem:$0x6A0] =	vst v0  }
0x142: {  	v0 =	vld.idx.msk [tilespmem:v0+s10+$0x0], $0xffff;
	_ =	sdelay $0x4  }
0x143: {  	[tilespmem:$0xAA0] =	vst v0;
	v0 =	vld [tilespmem:$0x1FEB0];
	_ =	sdelay $0x7  }
0x144: {  	v0 =	vld.idx.msk [tilespmem:v0+s4+$0x0], $0xffff;
	_ =	sdelay $0x6  }
0x145: {  	[tilespmem:$0x6B0] =	vst v0  }
0x146: {  	v0 =	vld.idx.msk [tilespmem:v0+s10+$0x0], $0xffff;
	_ =	sdelay $0x4  }
0x147: {  	[tilespmem:$0xAB0] =	vst v0;
	v0 =	vld [tilespmem:$0x1FEC0];
	_ =	sdelay $0x7  }
0x148: {  	v0 =	vld.idx.msk [tilespmem:v0+s4+$0x0], $0xffff;
	_ =	sdelay $0x6  }
0x149: {  	[tilespmem:$0x6C0] =	vst v0  }
0x14a: {  	v0 =	vld.idx.msk [tilespmem:v0+s10+$0x0], $0xffff;
	_ =	sdelay $0x4  }
0x14b: {  	[tilespmem:$0xAC0] =	vst v0;
	v0 =	vld [tilespmem:$0x1FED0];
	_ =	sdelay $0x7  }
0x14c: {  	v0 =	vld.idx.msk [tilespmem:v0+s4+$0x0], $0xffff;
	_ =	sdelay $0x6  }
0x14d: {  	[tilespmem:$0x6D0] =	vst v0  }
0x14e: {  	v0 =	vld.idx.msk [tilespmem:v0+s10+$0x0], $0xffff;
	_ =	sdelay $0x4  }
0x14f: {  	[tilespmem:$0xAD0] =	vst v0;
	v0 =	vld [tilespmem:$0x1FEE0];
	_ =	sdelay $0x7  }
0x150: {  	v0 =	vld.idx.msk [tilespmem:v0+s4+$0x0], $0xffff;
	_ =	sdelay $0x6  }
0x151: {  	[tilespmem:$0x6E0] =	vst v0  }
0x152: {  	v0 =	vld.idx.msk [tilespmem:v0+s10+$0x0], $0xffff;
	_ =	sdelay $0x4  }
0x153: {  	[tilespmem:$0xAE0] =	vst v0;
	v0 =	vld [tilespmem:$0x1FEF0];
	_ =	sdelay $0x7  }
0x154: {  	v0 =	vld.idx.msk [tilespmem:v0+s4+$0x0], $0xffff;
	_ =	sdelay $0x6  }
0x155: {  	[tilespmem:$0x6F0] =	vst v0  }
0x156: {  	v0 =	vld.idx.msk [tilespmem:v0+s10+$0x0], $0xffff;
	_ =	sdelay $0x4  }
0x157: {  	[tilespmem:$0xAF0] =	vst v0;
	v0 =	vld [tilespmem:$0x1FF00];
	_ =	sdelay $0x7  }
0x158: {  	v0 =	vld.idx.msk [tilespmem:v0+s4+$0x0], $0xffff;
	_ =	sdelay $0x6  }
0x159: {  	[tilespmem:$0x700] =	vst v0  }
0x15a: {  	v0 =	vld.idx.msk [tilespmem:v0+s10+$0x0], $0xffff;
	_ =	sdelay $0x4  }
0x15b: {  	[tilespmem:$0xB00] =	vst v0;
	v0 =	vld [tilespmem:$0x1FF10];
	_ =	sdelay $0x7  }
0x15c: {  	v0 =	vld.idx.msk [tilespmem:v0+s4+$0x0], $0xffff;
	_ =	sdelay $0x6  }
0x15d: {  	[tilespmem:$0x710] =	vst v0  }
0x15e: {  	v0 =	vld.idx.msk [tilespmem:v0+s10+$0x0], $0xffff;
	_ =	sdelay $0x4  }
0x15f: {  	[tilespmem:$0xB10] =	vst v0;
	v0 =	vld [tilespmem:$0x1FF20];
	_ =	sdelay $0x7  }
0x160: {  	v0 =	vld.idx.msk [tilespmem:v0+s4+$0x0], $0xffff;
	_ =	sdelay $0x6  }
0x161: {  	[tilespmem:$0x720] =	vst v0  }
0x162: {  	v0 =	vld.idx.msk [tilespmem:v0+s10+$0x0], $0xffff;
	_ =	sdelay $0x4  }
0x163: {  	[tilespmem:$0xB20] =	vst v0;
	v0 =	vld [tilespmem:$0x1FF30];
	_ =	sdelay $0x7  }
0x164: {  	v0 =	vld.idx.msk [tilespmem:v0+s4+$0x0], $0xffff;
	_ =	sdelay $0x6  }
0x165: {  	[tilespmem:$0x730] =	vst v0  }
0x166: {  	v0 =	vld.idx.msk [tilespmem:v0+s10+$0x0], $0xffff;
	_ =	sdelay $0x4  }
0x167: {  	[tilespmem:$0xB30] =	vst v0;
	v0 =	vld [tilespmem:$0x1FF40];
	_ =	sdelay $0x7  }
0x168: {  	v0 =	vld.idx.msk [tilespmem:v0+s4+$0x0], $0xffff;
	_ =	sdelay $0x6  }
0x169: {  	[tilespmem:$0x740] =	vst v0  }
0x16a: {  	v0 =	vld.idx.msk [tilespmem:v0+s10+$0x0], $0xffff;
	_ =	sdelay $0x4  }
0x16b: {  	[tilespmem:$0xB40] =	vst v0;
	v0 =	vld [tilespmem:$0x1FF50];
	_ =	sdelay $0x7  }
0x16c: {  	v0 =	vld.idx.msk [tilespmem:v0+s4+$0x0], $0xffff;
	_ =	sdelay $0x6  }
0x16d: {  	[tilespmem:$0x750] =	vst v0  }
0x16e: {  	v0 =	vld.idx.msk [tilespmem:v0+s10+$0x0], $0xffff;
	_ =	sdelay $0x4  }
0x16f: {  	[tilespmem:$0xB50] =	vst v0;
	v0 =	vld [tilespmem:$0x1FF60];
	_ =	sdelay $0x7  }
0x170: {  	v0 =	vld.idx.msk [tilespmem:v0+s4+$0x0], $0xffff;
	_ =	sdelay $0x6  }
0x171: {  	[tilespmem:$0x760] =	vst v0  }
0x172: {  	v0 =	vld.idx.msk [tilespmem:v0+s10+$0x0], $0xffff;
	_ =	sdelay $0x4  }
0x173: {  	[tilespmem:$0xB60] =	vst v0;
	v0 =	vld [tilespmem:$0x1FF70];
	_ =	sdelay $0x7  }
0x174: {  	v0 =	vld.idx.msk [tilespmem:v0+s4+$0x0], $0xffff;
	_ =	sdelay $0x6  }
0x175: {  	[tilespmem:$0x770] =	vst v0  }
0x176: {  	v0 =	vld.idx.msk [tilespmem:v0+s10+$0x0], $0xffff;
	_ =	sdelay $0x4  }
0x177: {  	[tilespmem:$0xB70] =	vst v0;
	v0 =	vld [tilespmem:$0x1FF80];
	_ =	sdelay $0x7  }
0x178: {  	v0 =	vld.idx.msk [tilespmem:v0+s4+$0x0], $0xffff;
	_ =	sdelay $0x6  }
0x179: {  	[tilespmem:$0x780] =	vst v0  }
0x17a: {  	v0 =	vld.idx.msk [tilespmem:v0+s10+$0x0], $0xffff;
	_ =	sdelay $0x4  }
0x17b: {  	[tilespmem:$0xB80] =	vst v0;
	v0 =	vld [tilespmem:$0x1FF90];
	_ =	sdelay $0x7  }
0x17c: {  	v0 =	vld.idx.msk [tilespmem:v0+s4+$0x0], $0xffff;
	_ =	sdelay $0x6  }
0x17d: {  	[tilespmem:$0x790] =	vst v0  }
0x17e: {  	v0 =	vld.idx.msk [tilespmem:v0+s10+$0x0], $0xffff;
	_ =	sdelay $0x4  }
0x17f: {  	[tilespmem:$0xB90] =	vst v0;
	v0 =	vld [tilespmem:$0x1FFA0];
	_ =	sdelay $0x7  }
0x180: {  	v0 =	vld.idx.msk [tilespmem:v0+s4+$0x0], $0xffff;
	_ =	sdelay $0x6  }
0x181: {  	[tilespmem:$0x7A0] =	vst v0  }
0x182: {  	v0 =	vld.idx.msk [tilespmem:v0+s10+$0x0], $0xffff;
	_ =	sdelay $0x4  }
0x183: {  	[tilespmem:$0xBA0] =	vst v0;
	v0 =	vld [tilespmem:$0x1FFB0];
	_ =	sdelay $0x7  }
0x184: {  	v0 =	vld.idx.msk [tilespmem:v0+s4+$0x0], $0xffff;
	_ =	sdelay $0x6  }
0x185: {  	[tilespmem:$0x7B0] =	vst v0  }
0x186: {  	v0 =	vld.idx.msk [tilespmem:v0+s10+$0x0], $0xffff;
	_ =	sdelay $0x4  }
0x187: {  	[tilespmem:$0xBB0] =	vst v0;
	v0 =	vld [tilespmem:$0x1FFC0];
	_ =	sdelay $0x7  }
0x188: {  	v0 =	vld.idx.msk [tilespmem:v0+s4+$0x0], $0xffff;
	_ =	sdelay $0x6  }
0x189: {  	[tilespmem:$0x7C0] =	vst v0  }
0x18a: {  	v0 =	vld.idx.msk [tilespmem:v0+s10+$0x0], $0xffff;
	_ =	sdelay $0x4  }
0x18b: {  	[tilespmem:$0xBC0] =	vst v0;
	v0 =	vld [tilespmem:$0x1FFD0];
	_ =	sdelay $0x7  }
0x18c: {  	v0 =	vld.idx.msk [tilespmem:v0+s4+$0x0], $0xffff;
	_ =	sdelay $0x6  }
0x18d: {  	[tilespmem:$0x7D0] =	vst v0  }
0x18e: {  	v0 =	vld.idx.msk [tilespmem:v0+s10+$0x0], $0xffff;
	_ =	sdelay $0x4  }
0x18f: {  	[tilespmem:$0xBD0] =	vst v0;
	v0 =	vld [tilespmem:$0x1FFF0];
	_ =	sdelay $0x7  }
0x190: {  	v0 =	vld.idx.msk [tilespmem:v0+s4+$0x0], $0xffff;
	_ =	sdelay $0x6  }
0x191: {  	[tilespmem:$0x7E0] =	vst v0  }
0x192: {  	v0 =	vld.idx.msk [tilespmem:v0+s10+$0x0], $0xffff  }
0x193: {  	v2 =	vor.u32 $0x3C3, v1;
	_ =	sdelay $0x3  }
0x194: {  	[tilespmem:$0xBE0] =	vst v0  }
0x195: {  	v0 =	vld.idx.msk [tilespmem:v2+s4+$0x0], $0xffff;
	_ =	sdelay $0x6  }
0x196: {  	[tilespmem:$0x7F0] =	vst v0  }
0x197: {  	v0 =	vld.idx.msk [tilespmem:v0+s10+$0x0], $0xffff;
	_ =	sdelay $0x4  }
0x198: {  	[tilespmem:$0xBF0] =	vst v0  }
0x199: {  	[tilespmem:s13], [sflag:$0x1] =	stream.indirect.gather [hbm4b:s1+s12], $0x40, s12, s12, $0xb8;
	[tilespmem:$0x17040] =	vst v63  }
0x19a: {  	_ =	swait.ge [sflag:s14], $0x10000  }
0x19b: {  	[sflag:s14] =	ssyncset.done $0x0  }
0x19c: {  	[sflag:s14] =	ssyncadd.s32 $0xFFFF0000  }
0x19d: {  	v0 =	vld [tilespmem:$0x800]  }
0x19e: {  	v2 =	vld [tilespmem:$0x900]  }
0x19f: {  	v3 =	vld [tilespmem:$0xA00]  }
0x1a0: {  	v4 =	vld [tilespmem:$0xB00];
	_ =	sdelay $0x4  }
0x1a1: {  	v5 =	vmax.f32 v0, v2;
	v6 =	vmax.f32 v3, v4  }
0x1a2: {  	v5 =	vmax.f32 v5, v6  }
0x1a3: {  	v0 =	vsub.f32 v0, v5  }
0x1a4: {  	v2 =	vsub.f32 v2, v5  }
0x1a5: {  	v0 =	vmul.f32 $1.442695020e+00, v0  }
0x1a6: {  	v3 =	vsub.f32 v3, v5;
	v2 =	vmul.f32 $1.442695020e+00, v2  }
0x1a7: {  	(erf) = vpow2.f32 v0  }
0x1a8: {  	v0 =	vmul.f32 $1.442695020e+00, v3;
	(erf) = vpow2.f32 v2;
	v2 =	vsub.f32 v4, v5;
	_ =	sdelay $0x1  }
0x1a9: {  	(erf) = vpow2.f32 v0;
	v0 =	vmul.f32 $1.442695020e+00, v2  }
0x1aa: {  	v7 =	vld [tilespmem:$0xB10]  }
0x1ab: {  	v6 =	vld [tilespmem:$0xA10];
	(erf) = vpow2.f32 v0  }
0x1ac: {  	v2 =	vld [tilespmem:$0x810]  }
0x1ad: {  	v0 =	vld [tilespmem:$0x910];
	_ =	sdelay $0x1  }
0x1ae: {  	v3 =	vpop (erf)  }
0x1af: {  	v1 =	vpop (erf)  }
0x1b0: {  	v5 =	vadd.f32 v1, v3  }
0x1b1: {  	v9 =	vmax.f32 v6, v7;
	v8 =	vmax.f32 v2, v0;
	[tilespmem:$0x1FB50] =	vst v1;
	v1 =	vpop (erf)  }
0x1b2: {  	v8 =	vmax.f32 v8, v9;
	v10 =	vadd.f32 v5, v1  }
0x1b3: {  	[tilespmem:$0x1FB60] =	vst v1;
	v2 =	vsub.f32 v2, v8;
	v1 =	vpop (erf)  }
0x1b4: {  	v0 =	vsub.f32 v0, v8;
	v48 =	vadd.f32 v10, v1  }
0x1b5: {  	v2 =	vmul.f32 $1.442695020e+00, v2  }
0x1b6: {  	v6 =	vsub.f32 v6, v8;
	v0 =	vmul.f32 $1.442695020e+00, v0;
	(erf) = vrcp.f32 v48  }
0x1b7: {  	(erf) = vpow2.f32 v2  }
0x1b8: {  	v2 =	vsub.f32 v7, v8;
	(erf) = vpow2.f32 v0;
	v0 =	vmul.f32 $1.442695020e+00, v6;
	_ =	sdelay $0x1  }
0x1b9: {  	(erf) = vpow2.f32 v0;
	v0 =	vmul.f32 $1.442695020e+00, v2  }
0x1ba: {  	v11 =	vld [tilespmem:$0xA20]  }
0x1bb: {  	v12 =	vld [tilespmem:$0xB20];
	(erf) = vpow2.f32 v0  }
0x1bc: {  	v2 =	vld [tilespmem:$0x820]  }
0x1bd: {  	v0 =	vld [tilespmem:$0x920]  }
0x1be: {  	v8 =	vpop (erf)  }
0x1bf: {  	[tilespmem:$0x1FB40] =	vst v3;
	v3 =	vpop (erf)  }
0x1c0: {  	[tilespmem:$0x1FB70] =	vst v1;
	v1 =	vpop (erf)  }
0x1c1: {  	v7 =	vadd.f32 v1, v3  }
0x1c2: {  	v14 =	vmax.f32 v11, v12;
	v13 =	vmax.f32 v2, v0;
	[tilespmem:$0x1FB90] =	vst v1;
	v1 =	vpop (erf)  }
0x1c3: {  	v13 =	vmax.f32 v13, v14;
	v15 =	vadd.f32 v7, v1  }
0x1c4: {  	v2 =	vsub.f32 v2, v13;
	[tilespmem:$0x1FBA0] =	vst v1;
	v1 =	vpop (erf)  }
0x1c5: {  	v0 =	vsub.f32 v0, v13;
	v49 =	vadd.f32 v15, v1  }
0x1c6: {  	v2 =	vmul.f32 $1.442695020e+00, v2  }
0x1c7: {  	v11 =	vsub.f32 v11, v13;
	v0 =	vmul.f32 $1.442695020e+00, v0;
	(erf) = vrcp.f32 v49  }
0x1c8: {  	(erf) = vpow2.f32 v2  }
0x1c9: {  	v2 =	vsub.f32 v12, v13;
	(erf) = vpow2.f32 v0;
	v0 =	vmul.f32 $1.442695020e+00, v11;
	_ =	sdelay $0x1  }
0x1ca: {  	(erf) = vpow2.f32 v0;
	v0 =	vmul.f32 $1.442695020e+00, v2  }
0x1cb: {  	v16 =	vld [tilespmem:$0xA30]  }
0x1cc: {  	v17 =	vld [tilespmem:$0xB30];
	(erf) = vpow2.f32 v0  }
0x1cd: {  	v2 =	vld [tilespmem:$0x830]  }
0x1ce: {  	v0 =	vld [tilespmem:$0x930]  }
0x1cf: {  	v15 =	vpop (erf)  }
0x1d0: {  	[tilespmem:$0x1FB80] =	vst v3;
	v3 =	vpop (erf)  }
0x1d1: {  	[tilespmem:$0x1FBB0] =	vst v1;
	v1 =	vpop (erf)  }
0x1d2: {  	v50 =	vadd.f32 v1, v3  }
0x1d3: {  	v19 =	vmax.f32 v16, v17;
	v18 =	vmax.f32 v2, v0;
	[tilespmem:$0x1FBD0] =	vst v1;
	v1 =	vpop (erf)  }
0x1d4: {  	v18 =	vmax.f32 v18, v19;
	v20 =	vadd.f32 v50, v1  }
0x1d5: {  	v2 =	vsub.f32 v2, v18;
	[tilespmem:$0x1FBE0] =	vst v1;
	v1 =	vpop (erf)  }
0x1d6: {  	v0 =	vsub.f32 v0, v18;
	v51 =	vadd.f32 v20, v1  }
0x1d7: {  	v2 =	vmul.f32 $1.442695020e+00, v2  }
0x1d8: {  	v16 =	vsub.f32 v16, v18;
	v0 =	vmul.f32 $1.442695020e+00, v0;
	(erf) = vrcp.f32 v51  }
0x1d9: {  	(erf) = vpow2.f32 v2  }
0x1da: {  	v2 =	vsub.f32 v17, v18;
	(erf) = vpow2.f32 v0;
	v0 =	vmul.f32 $1.442695020e+00, v16;
	_ =	sdelay $0x1  }
0x1db: {  	(erf) = vpow2.f32 v0;
	v0 =	vmul.f32 $1.442695020e+00, v2  }
0x1dc: {  	v21 =	vld [tilespmem:$0xA40]  }
0x1dd: {  	v22 =	vld [tilespmem:$0xB40];
	(erf) = vpow2.f32 v0  }
0x1de: {  	v2 =	vld [tilespmem:$0x840]  }
0x1df: {  	v0 =	vld [tilespmem:$0x940]  }
0x1e0: {  	v20 =	vpop (erf)  }
0x1e1: {  	v19 =	vpop (erf)  }
0x1e2: {  	v17 =	vpop (erf)  }
0x1e3: {  	v52 =	vadd.f32 v17, v19  }
0x1e4: {  	v24 =	vmax.f32 v21, v22;
	v23 =	vmax.f32 v2, v0;
	v16 =	vpop (erf)  }
0x1e5: {  	v23 =	vmax.f32 v23, v24;
	v25 =	vadd.f32 v52, v16  }
0x1e6: {  	v2 =	vsub.f32 v2, v23;
	v18 =	vpop (erf)  }
0x1e7: {  	v0 =	vsub.f32 v0, v23;
	v53 =	vadd.f32 v25, v18  }
0x1e8: {  	v2 =	vmul.f32 $1.442695020e+00, v2  }
0x1e9: {  	v21 =	vsub.f32 v21, v23;
	v0 =	vmul.f32 $1.442695020e+00, v0;
	(erf) = vrcp.f32 v53  }
0x1ea: {  	(erf) = vpow2.f32 v2  }
0x1eb: {  	v2 =	vsub.f32 v22, v23;
	(erf) = vpow2.f32 v0;
	v0 =	vmul.f32 $1.442695020e+00, v21;
	_ =	sdelay $0x1  }
0x1ec: {  	(erf) = vpow2.f32 v0;
	v0 =	vmul.f32 $1.442695020e+00, v2  }
0x1ed: {  	v26 =	vld [tilespmem:$0xA50]  }
0x1ee: {  	v27 =	vld [tilespmem:$0xB50];
	(erf) = vpow2.f32 v0  }
0x1ef: {  	v2 =	vld [tilespmem:$0x850]  }
0x1f0: {  	v0 =	vld [tilespmem:$0x950]  }
0x1f1: {  	v25 =	vpop (erf)  }
0x1f2: {  	v24 =	vpop (erf)  }
0x1f3: {  	v22 =	vpop (erf)  }
0x1f4: {  	v54 =	vadd.f32 v22, v24  }
0x1f5: {  	v29 =	vmax.f32 v26, v27;
	v28 =	vmax.f32 v2, v0;
	v21 =	vpop (erf)  }
0x1f6: {  	v28 =	vmax.f32 v28, v29;
	v30 =	vadd.f32 v54, v21  }
0x1f7: {  	v2 =	vsub.f32 v2, v28;
	v23 =	vpop (erf)  }
0x1f8: {  	v0 =	vsub.f32 v0, v28;
	v55 =	vadd.f32 v30, v23  }
0x1f9: {  	v2 =	vmul.f32 $1.442695020e+00, v2  }
0x1fa: {  	v26 =	vsub.f32 v26, v28;
	v0 =	vmul.f32 $1.442695020e+00, v0;
	(erf) = vrcp.f32 v55  }
0x1fb: {  	(erf) = vpow2.f32 v2  }
0x1fc: {  	v2 =	vsub.f32 v27, v28;
	(erf) = vpow2.f32 v0;
	v0 =	vmul.f32 $1.442695020e+00, v26;
	_ =	sdelay $0x1  }
0x1fd: {  	(erf) = vpow2.f32 v0;
	v0 =	vmul.f32 $1.442695020e+00, v2  }
0x1fe: {  	v31 =	vld [tilespmem:$0xA60]  }
0x1ff: {  	v32 =	vld [tilespmem:$0xB60];
	(erf) = vpow2.f32 v0  }
0x200: {  	v2 =	vld [tilespmem:$0x860]  }
0x201: {  	v0 =	vld [tilespmem:$0x960]  }
0x202: {  	v30 =	vpop (erf)  }
0x203: {  	v29 =	vpop (erf)  }
0x204: {  	v27 =	vpop (erf)  }
0x205: {  	v56 =	vadd.f32 v27, v29  }
0x206: {  	v34 =	vmax.f32 v31, v32;
	v33 =	vmax.f32 v2, v0;
	v26 =	vpop (erf)  }
0x207: {  	v33 =	vmax.f32 v33, v34;
	v35 =	vadd.f32 v56, v26  }
0x208: {  	v2 =	vsub.f32 v2, v33;
	v28 =	vpop (erf)  }
0x209: {  	v0 =	vsub.f32 v0, v33;
	v57 =	vadd.f32 v35, v28  }
0x20a: {  	v2 =	vmul.f32 $1.442695020e+00, v2  }
0x20b: {  	v31 =	vsub.f32 v31, v33;
	v0 =	vmul.f32 $1.442695020e+00, v0;
	(erf) = vrcp.f32 v57  }
0x20c: {  	(erf) = vpow2.f32 v2  }
0x20d: {  	v2 =	vsub.f32 v32, v33;
	(erf) = vpow2.f32 v0;
	v0 =	vmul.f32 $1.442695020e+00, v31;
	_ =	sdelay $0x1  }
0x20e: {  	(erf) = vpow2.f32 v0;
	v0 =	vmul.f32 $1.442695020e+00, v2  }
0x20f: {  	v36 =	vld [tilespmem:$0xA70]  }
0x210: {  	v37 =	vld [tilespmem:$0xB70];
	(erf) = vpow2.f32 v0  }
0x211: {  	v2 =	vld [tilespmem:$0x870]  }
0x212: {  	v0 =	vld [tilespmem:$0x970]  }
0x213: {  	v35 =	vpop (erf)  }
0x214: {  	v34 =	vpop (erf)  }
0x215: {  	v33 =	vpop (erf)  }
0x216: {  	v58 =	vadd.f32 v33, v34  }
0x217: {  	v39 =	vmax.f32 v36, v37;
	v38 =	vmax.f32 v2, v0;
	v31 =	vpop (erf)  }
0x218: {  	v38 =	vmax.f32 v38, v39;
	v40 =	vadd.f32 v58, v31  }
0x219: {  	v2 =	vsub.f32 v2, v38;
	v32 =	vpop (erf)  }
0x21a: {  	v0 =	vsub.f32 v0, v38;
	v59 =	vadd.f32 v40, v32  }
0x21b: {  	v2 =	vmul.f32 $1.442695020e+00, v2  }
0x21c: {  	v36 =	vsub.f32 v36, v38;
	v0 =	vmul.f32 $1.442695020e+00, v0;
	(erf) = vrcp.f32 v59  }
0x21d: {  	(erf) = vpow2.f32 v2  }
0x21e: {  	v2 =	vsub.f32 v37, v38;
	(erf) = vpow2.f32 v0;
	v0 =	vmul.f32 $1.442695020e+00, v36;
	_ =	sdelay $0x1  }
0x21f: {  	(erf) = vpow2.f32 v0;
	v0 =	vmul.f32 $1.442695020e+00, v2  }
0x220: {  	v41 =	vld [tilespmem:$0xA80]  }
0x221: {  	v42 =	vld [tilespmem:$0xB80];
	(erf) = vpow2.f32 v0  }
0x222: {  	v2 =	vld [tilespmem:$0x880]  }
0x223: {  	v0 =	vld [tilespmem:$0x980]  }
0x224: {  	v40 =	vpop (erf)  }
0x225: {  	v39 =	vpop (erf)  }
0x226: {  	v37 =	vpop (erf)  }
0x227: {  	v60 =	vadd.f32 v37, v39  }
0x228: {  	v44 =	vmax.f32 v41, v42;
	v43 =	vmax.f32 v2, v0;
	v36 =	vpop (erf)  }
0x229: {  	v43 =	vmax.f32 v43, v44;
	v45 =	vadd.f32 v60, v36  }
0x22a: {  	v2 =	vsub.f32 v2, v43;
	v38 =	vpop (erf)  }
0x22b: {  	v0 =	vsub.f32 v0, v43;
	v61 =	vadd.f32 v45, v38  }
0x22c: {  	v2 =	vmul.f32 $1.442695020e+00, v2  }
0x22d: {  	v41 =	vsub.f32 v41, v43;
	v0 =	vmul.f32 $1.442695020e+00, v0;
	(erf) = vrcp.f32 v61  }
0x22e: {  	(erf) = vpow2.f32 v2  }
0x22f: {  	v2 =	vsub.f32 v42, v43;
	(erf) = vpow2.f32 v0;
	v0 =	vmul.f32 $1.442695020e+00, v41;
	_ =	sdelay $0x1  }
0x230: {  	(erf) = vpow2.f32 v0;
	v0 =	vmul.f32 $1.442695020e+00, v2  }
0x231: {  	v46 =	vld [tilespmem:$0xA90]  }
0x232: {  	v47 =	vld [tilespmem:$0xB90];
	(erf) = vpow2.f32 v0  }
0x233: {  	v2 =	vld [tilespmem:$0x890]  }
0x234: {  	v0 =	vld [tilespmem:$0x990]  }
0x235: {  	v45 =	vpop (erf)  }
0x236: {  	v44 =	vpop (erf)  }
0x237: {  	v42 =	vpop (erf)  }
0x238: {  	v62 =	vadd.f32 v42, v44  }
0x239: {  	v49 =	vmax.f32 v46, v47;
	v48 =	vmax.f32 v2, v0;
	v41 =	vpop (erf)  }
0x23a: {  	v48 =	vmax.f32 v48, v49;
	v50 =	vadd.f32 v62, v41  }
0x23b: {  	v2 =	vsub.f32 v2, v48;
	v43 =	vpop (erf)  }
0x23c: {  	v0 =	vsub.f32 v0, v48;
	v63 =	vadd.f32 v50, v43  }
0x23d: {  	v2 =	vmul.f32 $1.442695020e+00, v2  }
0x23e: {  	v46 =	vsub.f32 v46, v48;
	v0 =	vmul.f32 $1.442695020e+00, v0;
	(erf) = vrcp.f32 v63  }
0x23f: {  	(erf) = vpow2.f32 v2  }
0x240: {  	v2 =	vsub.f32 v47, v48;
	(erf) = vpow2.f32 v0;
	v0 =	vmul.f32 $1.442695020e+00, v46;
	_ =	sdelay $0x1  }
0x241: {  	(erf) = vpow2.f32 v0;
	v0 =	vmul.f32 $1.442695020e+00, v2  }
0x242: {  	v51 =	vld [tilespmem:$0xAA0]  }
0x243: {  	v52 =	vld [tilespmem:$0xBA0];
	(erf) = vpow2.f32 v0  }
0x244: {  	v2 =	vld [tilespmem:$0x8A0]  }
0x245: {  	v0 =	vld [tilespmem:$0x9A0]  }
0x246: {  	v50 =	vpop (erf)  }
0x247: {  	v48 =	vpop (erf)  }
0x248: {  	v47 =	vpop (erf)  }
0x249: {  	v9 =	vadd.f32 v47, v48  }
0x24a: {  	v54 =	vmax.f32 v51, v52;
	v53 =	vmax.f32 v2, v0;
	v46 =	vpop (erf)  }
0x24b: {  	v53 =	vmax.f32 v53, v54;
	v55 =	vadd.f32 v9, v46  }
0x24c: {  	v2 =	vsub.f32 v2, v53;
	v49 =	vpop (erf)  }
0x24d: {  	v0 =	vsub.f32 v0, v53;
	v10 =	vadd.f32 v55, v49  }
0x24e: {  	v2 =	vmul.f32 $1.442695020e+00, v2  }
0x24f: {  	v51 =	vsub.f32 v51, v53;
	v0 =	vmul.f32 $1.442695020e+00, v0;
	(erf) = vrcp.f32 v10  }
0x250: {  	(erf) = vpow2.f32 v2  }
0x251: {  	v2 =	vsub.f32 v52, v53;
	(erf) = vpow2.f32 v0;
	v0 =	vmul.f32 $1.442695020e+00, v51;
	_ =	sdelay $0x1  }
0x252: {  	(erf) = vpow2.f32 v0;
	v0 =	vmul.f32 $1.442695020e+00, v2  }
0x253: {  	v56 =	vld [tilespmem:$0xAB0]  }
0x254: {  	v57 =	vld [tilespmem:$0xBB0];
	(erf) = vpow2.f32 v0  }
0x255: {  	v2 =	vld [tilespmem:$0x8B0]  }
0x256: {  	v0 =	vld [tilespmem:$0x9B0]  }
0x257: {  	v55 =	vpop (erf)  }
0x258: {  	v53 =	vpop (erf)  }
0x259: {  	v52 =	vpop (erf)  }
0x25a: {  	v11 =	vadd.f32 v52, v53  }
0x25b: {  	v59 =	vmax.f32 v56, v57;
	v58 =	vmax.f32 v2, v0;
	v51 =	vpop (erf)  }
0x25c: {  	v58 =	vmax.f32 v58, v59;
	v60 =	vadd.f32 v11, v51  }
0x25d: {  	v2 =	vsub.f32 v2, v58;
	v54 =	vpop (erf)  }
0x25e: {  	v0 =	vsub.f32 v0, v58;
	v12 =	vadd.f32 v60, v54  }
0x25f: {  	v2 =	vmul.f32 $1.442695020e+00, v2  }
0x260: {  	v56 =	vsub.f32 v56, v58;
	v0 =	vmul.f32 $1.442695020e+00, v0;
	(erf) = vrcp.f32 v12  }
0x261: {  	(erf) = vpow2.f32 v2  }
0x262: {  	v2 =	vsub.f32 v57, v58;
	(erf) = vpow2.f32 v0;
	v0 =	vmul.f32 $1.442695020e+00, v56;
	_ =	sdelay $0x1  }
0x263: {  	(erf) = vpow2.f32 v0;
	v0 =	vmul.f32 $1.442695020e+00, v2  }
0x264: {  	v61 =	vld [tilespmem:$0xAC0]  }
0x265: {  	v62 =	vld [tilespmem:$0xBC0];
	(erf) = vpow2.f32 v0  }
0x266: {  	v2 =	vld [tilespmem:$0x8C0]  }
0x267: {  	v0 =	vld [tilespmem:$0x9C0]  }
0x268: {  	v60 =	vpop (erf)  }
0x269: {  	v58 =	vpop (erf)  }
0x26a: {  	v56 =	vpop (erf)  }
0x26b: {  	v13 =	vadd.f32 v56, v58  }
0x26c: {  	[tilespmem:$0x1FBC0] =	vst v3;
	v3 =	vmax.f32 v61, v62;
	v63 =	vmax.f32 v2, v0;
	v57 =	vpop (erf)  }
0x26d: {  	v3 =	vmax.f32 v63, v3;
	v14 =	vadd.f32 v13, v57  }
0x26e: {  	v2 =	vsub.f32 v2, v3;
	v59 =	vpop (erf)  }
0x26f: {  	v0 =	vsub.f32 v0, v3;
	v63 =	vadd.f32 v14, v59  }
0x270: {  	v2 =	vmul.f32 $1.442695020e+00, v2  }
0x271: {  	v61 =	vsub.f32 v61, v3;
	v0 =	vmul.f32 $1.442695020e+00, v0;
	(erf) = vrcp.f32 v63  }
0x272: {  	(erf) = vpow2.f32 v2  }
0x273: {  	v2 =	vsub.f32 v62, v3;
	(erf) = vpow2.f32 v0;
	v0 =	vmul.f32 $1.442695020e+00, v61;
	_ =	sdelay $0x1  }
0x274: {  	(erf) = vpow2.f32 v0;
	v0 =	vmul.f32 $1.442695020e+00, v2  }
0x275: {  	v5 =	vld [tilespmem:$0xBD0]  }
0x276: {  	[tilespmem:$0x1FBF0] =	vst v1;
	v1 =	vld [tilespmem:$0xAD0];
	(erf) = vpow2.f32 v0  }
0x277: {  	v3 =	vld [tilespmem:$0x9D0]  }
0x278: {  	v2 =	vld [tilespmem:$0x8D0]  }
0x279: {  	v10 =	vpop (erf)  }
0x27a: {  	v63 =	vpop (erf)  }
0x27b: {  	v62 =	vpop (erf)  }
0x27c: {  	v4 =	vadd.f32 v62, v63  }
0x27d: {  	v7 =	vmax.f32 v1, v5;
	v0 =	vmax.f32 v2, v3;
	v61 =	vpop (erf)  }
0x27e: {  	v0 =	vmax.f32 v0, v7;
	v4 =	vadd.f32 v4, v61  }
0x27f: {  	v7 =	vsub.f32 v2, v0;
	v14 =	vpop (erf)  }
0x280: {  	v3 =	vsub.f32 v3, v0;
	v4 =	vadd.f32 v4, v14  }
0x281: {  	v1 =	vsub.f32 v1, v0;
	v7 =	vmul.f32 $1.442695020e+00, v7  }
0x282: {  	v0 =	vsub.f32 v5, v0;
	v3 =	vmul.f32 $1.442695020e+00, v3;
	(erf) = vrcp.f32 v4  }
0x283: {  	v1 =	vmul.f32 $1.442695020e+00, v1;
	(erf) = vpow2.f32 v7  }
0x284: {  	v0 =	vmul.f32 $1.442695020e+00, v0;
	(erf) = vpow2.f32 v3  }
0x285: {  	(erf) = vpow2.f32 v1  }
0x286: {  	(erf) = vpow2.f32 v0;
	v0 =	vld [tilespmem:$0x1FB40];
	_ =	sdelay $0x4  }
0x287: {  	v0 =	vmul.f32 v8, v0;
	_ =	sdelay $0x1  }
0x288: {  	[tilespmem:$0xC00] =	vst v0;
	v0 =	vld [tilespmem:$0x1FB60];
	_ =	sdelay $0x2  }
0x289: {  	v1 =	vld [tilespmem:$0x1FB50];
	_ =	sdelay $0x1  }
0x28a: {  	v0 =	vmul.f32 v8, v0  }
0x28b: {  	v6 =	vld [tilespmem:$0xBE0]  }
0x28c: {  	[tilespmem:$0xE00] =	vst v0;
	v0 =	vld [tilespmem:$0x1FB80]  }
0x28d: {  	v5 =	vld [tilespmem:$0x9E0];
	v1 =	vmul.f32 v8, v1  }
0x28e: {  	v4 =	vld [tilespmem:$0x8E0]  }
0x28f: {  	[tilespmem:$0xD00] =	vst v1;
	v1 =	vld [tilespmem:$0x1FB70]  }
0x290: {  	v7 =	vld [tilespmem:$0xAE0]  }
0x291: {  	v2 =	vmul.f32 v15, v0;
	v0 =	vld [tilespmem:$0x1FB90];
	_ =	sdelay $0x2  }
0x292: {  	v1 =	vmul.f32 v8, v1;
	_ =	sdelay $0x1  }
0x293: {  	[tilespmem:$0xF00] =	vst v1;
	v1 =	vmax.f32 v4, v5;
	v3 =	vmul.f32 v15, v0;
	v0 =	vmax.f32 v7, v6  }
0x294: {  	v0 =	vmax.f32 v1, v0;
	v1 =	vld [tilespmem:$0x1FBA0];
	_ =	sdelay $0x2  }
0x295: {  	v9 =	vpop (erf)  }
0x296: {  	v13 =	vpop (erf);
	[tilespmem:$0xD10] =	vst v3;
	v3 =	vld [tilespmem:$0x1FBB0]  }
0x297: {  	v12 =	vpop (erf);
	v1 =	vmul.f32 v15, v1  }
0x298: {  	v8 =	vadd.f32 v12, v13  }
0x299: {  	v11 =	vpop (erf);
	[tilespmem:$0xE10] =	vst v1;
	v1 =	vld [tilespmem:$0x1FBC0]  }
0x29a: {  	[tilespmem:$0xC10] =	vst v2;
	v2 =	vadd.f32 v8, v11  }
0x29b: {  	v3 =	vmul.f32 v15, v3;
	v15 =	vsub.f32 v4, v0;
	v4 =	vpop (erf)  }
0x29c: {  	v2 =	vadd.f32 v2, v4;
	_ =	sdelay $0x1  }
0x29d: {  	[tilespmem:$0xF10] =	vst v3;
	v3 =	vld [tilespmem:$0x1FBD0];
	(erf) = vrcp.f32 v2;
	v2 =	vsub.f32 v5, v0;
	v1 =	vmul.f32 v20, v1  }
0x29e: {  	v8 =	vmul.f32 $1.442695020e+00, v15  }
0x29f: {  	v2 =	vmul.f32 $1.442695020e+00, v2;
	[tilespmem:$0xC20] =	vst v1;
	v1 =	vld [tilespmem:$0x1FBE0]  }
0x2a0: {  	(erf) = vpow2.f32 v8  }
0x2a1: {  	(erf) = vpow2.f32 v2;
	v2 =	vmul.f32 v25, v18  }
0x2a2: {  	v3 =	vmul.f32 v20, v3  }
0x2a3: {  	[tilespmem:$0xF30] =	vst v2;
	v2 =	vmul.f32 v30, v22  }
0x2a4: {  	[tilespmem:$0xD20] =	vst v3;
	v3 =	vld [tilespmem:$0x1FBF0];
	v1 =	vmul.f32 v20, v1  }
0x2a5: {  	[tilespmem:$0xD40] =	vst v2;
	v2 =	vmul.f32 v30, v23  }
0x2a6: {  	v5 =	vsub.f32 v7, v0;
	[tilespmem:$0xE20] =	vst v1;
	v1 =	vmul.f32 v25, v19  }
0x2a7: {  	v0 =	vsub.f32 v6, v0;
	[tilespmem:$0xF40] =	vst v2;
	v2 =	vmul.f32 v35, v27  }
0x2a8: {  	v5 =	vmul.f32 $1.442695020e+00, v5;
	[tilespmem:$0xC30] =	vst v1;
	v1 =	vmul.f32 v25, v16  }
0x2a9: {  	v0 =	vmul.f32 $1.442695020e+00, v0;
	v3 =	vmul.f32 v20, v3;
	[tilespmem:$0xD50] =	vst v2  }
0x2aa: {  	(erf) = vpow2.f32 v5;
	[tilespmem:$0xE30] =	vst v1;
	v1 =	vmul.f32 v30, v24  }
0x2ab: {  	v6 =	vld [tilespmem:$0xBF0];
	[tilespmem:$0xF20] =	vst v3;
	v3 =	vmul.f32 v25, v17  }
0x2ac: {  	v5 =	vld [tilespmem:$0xAF0];
	(erf) = vpow2.f32 v0;
	[tilespmem:$0xC40] =	vst v1;
	v1 =	vmul.f32 v30, v21  }
0x2ad: {  	v0 =	vld [tilespmem:$0x9F0];
	v2 =	vmul.f32 v35, v28;
	[tilespmem:$0xD30] =	vst v3  }
0x2ae: {  	v3 =	vld [tilespmem:$0x8F0];
	[tilespmem:$0xE40] =	vst v1;
	v1 =	vmul.f32 v35, v29  }
0x2af: {  	v7 =	vpop (erf);
	[tilespmem:$0xF50] =	vst v2;
	v2 =	vmul.f32 v40, v33  }
0x2b0: {  	v8 =	vpop (erf);
	[tilespmem:$0xC50] =	vst v1;
	v1 =	vmul.f32 v35, v26  }
0x2b1: {  	v27 =	vpop (erf);
	[tilespmem:$0xD60] =	vst v2;
	v2 =	vmul.f32 v40, v32  }
0x2b2: {  	v28 =	vadd.f32 v27, v8;
	[tilespmem:$0xE50] =	vst v1;
	v1 =	vmul.f32 v40, v34  }
0x2b3: {  	v33 =	vmax.f32 v5, v6;
	[tilespmem:$0xF60] =	vst v2;
	v2 =	vmul.f32 v45, v37;
	v29 =	vpop (erf);
	v30 =	vmax.f32 v3, v0  }
0x2b4: {  	v16 =	vadd.f32 v28, v29;
	[tilespmem:$0xC60] =	vst v1;
	v1 =	vmax.f32 v30, v33  }
0x2b5: {  	[tilespmem:$0xD70] =	vst v2;
	v2 =	vmul.f32 v45, v38;
	v35 =	vpop (erf);
	v3 =	vsub.f32 v3, v1  }
0x2b6: {  	v39 =	vmul.f32 v45, v39;
	v16 =	vadd.f32 v16, v35;
	v0 =	vsub.f32 v0, v1  }
0x2b7: {  	[tilespmem:$0xF70] =	vst v2;
	v2 =	vmul.f32 v50, v42;
	v3 =	vmul.f32 $1.442695020e+00, v3  }
0x2b8: {  	(erf) = vrcp.f32 v16;
	v0 =	vmul.f32 $1.442695020e+00, v0  }
0x2b9: {  	[tilespmem:$0xC70] =	vst v39;
	v4 =	vmul.f32 v7, v4;
	(erf) = vpow2.f32 v3;
	v3 =	vsub.f32 v5, v1  }
0x2ba: {  	[tilespmem:$0xD80] =	vst v2;
	v2 =	vmul.f32 v50, v43;
	(erf) = vpow2.f32 v0;
	v0 =	vsub.f32 v6, v1  }
0x2bb: {  	[tilespmem:$0xFD0] =	vst v4;
	v1 =	vmul.f32 v50, v41;
	v3 =	vmul.f32 $1.442695020e+00, v3  }
0x2bc: {  	[tilespmem:$0xF80] =	vst v2;
	v2 =	vmul.f32 v55, v47;
	v0 =	vmul.f32 $1.442695020e+00, v0  }
0x2bd: {  	[tilespmem:$0xE80] =	vst v1;
	v1 =	vmul.f32 v55, v48;
	(erf) = vpow2.f32 v3  }
0x2be: {  	[tilespmem:$0xD90] =	vst v2;
	(erf) = vpow2.f32 v0;
	v0 =	vmul.f32 v55, v46  }
0x2bf: {  	v2 =	vmul.f32 v60, v52;
	[tilespmem:$0xC90] =	vst v1;
	v1 =	vmul.f32 v55, v49  }
0x2c0: {  	v5 =	vmul.f32 v50, v44;
	[tilespmem:$0xE90] =	vst v0;
	v0 =	vmul.f32 v60, v53  }
0x2c1: {  	[tilespmem:$0xDA0] =	vst v2  }
0x2c2: {  	[tilespmem:$0xC80] =	vst v5  }
0x2c3: {  	v2 =	vmul.f32 v60, v54;
	v3 =	vmul.f32 v60, v51;
	[tilespmem:$0xF90] =	vst v1;
	v1 =	vpop (erf)  }
0x2c4: {  	[tilespmem:$0xCA0] =	vst v0;
	v0 =	vpop (erf)  }
0x2c5: {  	[tilespmem:$0xEA0] =	vst v3;
	v3 =	vmul.f32 v10, v58;
	v5 =	vpop (erf)  }
0x2c6: {  	v34 =	vmul.f32 v40, v31;
	[tilespmem:$0xFA0] =	vst v2;
	v6 =	vadd.f32 v5, v0  }
0x2c7: {  	[tilespmem:$0xCB0] =	vst v3;
	v3 =	vmul.f32 v10, v57;
	v2 =	vpop (erf)  }
0x2c8: {  	v40 =	vmul.f32 v45, v36;
	[tilespmem:$0xE60] =	vst v34;
	v6 =	vadd.f32 v6, v2  }
0x2c9: {  	[tilespmem:$0xEB0] =	vst v3;
	v3 =	vmul.f32 v9, v63;
	v52 =	vpop (erf)  }
0x2ca: {  	[tilespmem:$0xE70] =	vst v40;
	v51 =	vmul.f32 v10, v56;
	v6 =	vadd.f32 v6, v52  }
0x2cb: {  	[tilespmem:$0xCC0] =	vst v3;
	v3 =	vmul.f32 v9, v61  }
0x2cc: {  	[tilespmem:$0xDB0] =	vst v51;
	v53 =	vmul.f32 v9, v62;
	(erf) = vrcp.f32 v6  }
0x2cd: {  	[tilespmem:$0xEC0] =	vst v3;
	v3 =	vmul.f32 v7, v13  }
0x2ce: {  	v10 =	vmul.f32 v10, v59;
	[tilespmem:$0xDC0] =	vst v53  }
0x2cf: {  	[tilespmem:$0xCD0] =	vst v3;
	v3 =	vmul.f32 v7, v11  }
0x2d0: {  	[tilespmem:$0xFB0] =	vst v10;
	v4 =	vmul.f32 v1, v27  }
0x2d1: {  	[tilespmem:$0xED0] =	vst v3;
	v3 =	vmul.f32 v1, v8  }
0x2d2: {  	[tilespmem:$0xDE0] =	vst v4;
	v6 =	vmul.f32 v9, v14  }
0x2d3: {  	[tilespmem:$0xCE0] =	vst v3;
	v3 =	vmul.f32 v1, v29  }
0x2d4: {  	v1 =	vmul.f32 v1, v35;
	[tilespmem:$0xFC0] =	vst v6  }
0x2d5: {  	v6 =	vmul.f32 v7, v12;
	[tilespmem:$0xEE0] =	vst v3;
	v4 =	vpop (erf)  }
0x2d6: {  	[tilespmem:$0xFE0] =	vst v1;
	v0 =	vmul.f32 v4, v0  }
0x2d7: {  	[tilespmem:$0xDD0] =	vst v6;
	v1 =	vmul.f32 v4, v5  }
0x2d8: {  	[tilespmem:$0xCF0] =	vst v0;
	v0 =	vmul.f32 v4, v2;
	v2 =	vmov s4  }
0x2d9: {  	s18 =	simm.s32 $0x100;
	[tilespmem:$0xDF0] =	vst v1;
	v1 =	vmul.f32 v4, v52  }
0x2da: {  	[tilespmem:$0xEF0] =	vst v0;
	v0 =	vmov s18  }
0x2db: {  	s19 =	simm.s32 $0x200;
	[tilespmem:$0xFF0] =	vst v1;
	s18 =	simm.s32 $0x0  }
0x2dc: {  	s31 =	simm.s32 $0x300;
	v1 =	vmov s19;
	v4 =	vld [tilespmem:s18+$0x1000]  }
0x2dd: {  	v5 =	vmov s31;
	v2 =	vld.idx.msk [tilespmem:v2+s15+$0x0], $0xffff  }
0x2de: {  	v6 =	vld [tilespmem:s18+$0x5000]  }
0x2df: {  	v0 =	vld.idx.msk [tilespmem:v0+s15+$0x0], $0xffff  }
0x2e0: {  	v7 =	vld [tilespmem:s18+$0x9000]  }
0x2e1: {  	v1 =	vld.idx.msk [tilespmem:v1+s15+$0x0], $0xffff  }
0x2e2: {  	v5 =	vld.idx.msk [tilespmem:v5+s15+$0x0], $0xffff;
	v4 =	vmul.f32 v4, v2  }
0x2e3: {  	v54 =	vld [tilespmem:s18+$0xD000]  }
0x2e4: {  	v6 =	vmul.f32 v6, v0;
	v4 =	vadd.f32 $0.0e+00, v4  }
0x2e5: {  	v10 =	vld [tilespmem:s18+$0x1010]  }
0x2e6: {  	v55 =	vld [tilespmem:s18+$0x5010];
	v7 =	vmul.f32 v7, v1;
	v4 =	vadd.f32 v6, v4  }
0x2e7: {  	v56 =	vld [tilespmem:s18+$0x1030]  }
0x2e8: {  	v57 =	vld [tilespmem:s18+$0x9010];
	v8 =	vmul.f32 v54, v5;
	v4 =	vadd.f32 v7, v4  }
0x2e9: {  	v7 =	vld [tilespmem:$0x13000]  }
0x2ea: {  	v58 =	vld [tilespmem:s18+$0x1020];
	v10 =	vmul.f32 v10, v2;
	v4 =	vadd.f32 v8, v4  }
0x2eb: {  	v59 =	vld [tilespmem:s18+$0xD010]  }
0x2ec: {  	v9 =	vmul.f32 v55, v0;
	v10 =	vadd.f32 $0.0e+00, v10;
	v6 =	vld [tilespmem:s18+$0x5020];
	v4 =	vmul.f32 $2.500000000e-01, v4  }
0x2ed: {  	v3 =	vld [tilespmem:s18+$0x5030]  }
0x2ee: {  	v12 =	vmul.f32 v57, v1;
	v9 =	vadd.f32 v9, v10;
	v4 =	vadd.f32 v7, v4  }
0x2ef: {  	v60 =	vld [tilespmem:s18+$0x9020];
	v7 =	vmul.f32 v58, v2  }
0x2f0: {  	v61 =	vld [tilespmem:s18+$0x9030];
	v9 =	vadd.f32 v12, v9;
	v8 =	vmul.f32 v59, v5;
	v2 =	vmul.f32 v56, v2;
	[tilespmem:s18+$0x13040] =	vst v4  }
0x2f1: {  	v6 =	vmul.f32 v6, v0;
	v4 =	vadd.f32 $0.0e+00, v7;
	v7 =	vld [tilespmem:$0x13010]  }
0x2f2: {  	v62 =	vld [tilespmem:s18+$0xD020];
	v0 =	vmul.f32 v3, v0;
	v3 =	vadd.f32 v8, v9;
	v2 =	vadd.f32 $0.0e+00, v2;
	_ =	sdelay $0x1  }
0x2f3: {  	v63 =	vld [tilespmem:s18+$0xD030];
	v0 =	vadd.f32 v0, v2;
	v2 =	vmul.f32 $2.500000000e-01, v3  }
0x2f4: {  	v4 =	vadd.f32 v6, v4;
	v6 =	vmul.f32 v60, v1  }
0x2f5: {  	v2 =	vadd.f32 v7, v2  }
0x2f6: {  	v1 =	vmul.f32 v61, v1;
	v3 =	vadd.f32 v6, v4;
	v4 =	vmul.f32 v62, v5  }
0x2f7: {  	[tilespmem:s18+$0x13050] =	vst v2  }
0x2f8: {  	v0 =	vadd.f32 v1, v0;
	v1 =	vmul.f32 v63, v5;
	v5 =	vadd.f32 v4, v3;
	v4 =	vld [tilespmem:$0x13020];
	_ =	sdelay $0x1  }
0x2f9: {  	s20 =	simm.s32 $0x101;
	s19 =	simm.s32 $0x1;
	v0 =	vadd.f32 v1, v0  }
0x2fa: {  	s23 =	simm.s32 $0x2;
	s22 =	simm.s32 $0x201;
	v3 =	vmov s20;
	s20 =	simm.s32 $0x0;
	v2 =	vmov s19;
	v5 =	vmul.f32 $2.500000000e-01, v5  }
.LBB2_2:
0x2fb: {  	v1 =	vmov s22;
	s22 =	sadd.s32 $0x300, s19  }
0x2fc: {  	v4 =	vadd.f32 v4, v5;
	s20 =	sadd.s32 $0x100, s20;
	s19 =	smov.u32 s23;
	s21 =	sadd.s32 $0x1, s23  }
0x2fd: {  	p0 =	sne.s32 s23, $0xFF;
	s23 =	sshra.s32 s20, $0x2;
	v5 =	vmov s22  }
0x2fe: {  	v6 =	vld [tilespmem:s23+$0x5030];
	[tilespmem:s18+$0x13060] =	vst v4  }
0x2ff: {  	v4 =	vld [tilespmem:$0x13030]  }
0x300: {  	v7 =	vld [tilespmem:s23+$0x5010]  }
0x301: {  	v8 =	vld [tilespmem:s23+$0x5000]  }
0x302: {  	v0 =	vmul.f32 $2.500000000e-01, v0;
	v9 =	vld [tilespmem:s23+$0x1010]  }
0x303: {  	v10 =	vld [tilespmem:s23+$0x1000]  }
0x304: {  	v11 =	vld [tilespmem:s23+$0x1030];
	v0 =	vadd.f32 v4, v0  }
0x305: {  	v4 =	vld [tilespmem:s23+$0x5020]  }
0x306: {  	v12 =	vld [tilespmem:s23+$0x1020];
	[tilespmem:s18+$0x13070] =	vst v0;
	s18 =	smov.u32 s23  }
0x307: {  	v0 =	vld.idx.msk [tilespmem:v2+s15+$0x0], $0xffff  }
0x308: {  	v2 =	vld.idx.msk [tilespmem:v3+s15+$0x0], $0xffff  }
0x309: {  	v3 =	vld [tilespmem:s18+$0x9010]  }
0x30a: {  	v1 =	vld.idx.msk [tilespmem:v1+s15+$0x0], $0xffff  }
0x30b: {  	v13 =	vld [tilespmem:s18+$0x9000]  }
0x30c: {  	v5 =	vld.idx.msk [tilespmem:v5+s15+$0x0], $0xffff  }
0x30d: {  	v10 =	vmul.f32 v10, v0;
	v11 =	vmul.f32 v11, v0;
	v14 =	vld [tilespmem:s18+$0xD000]  }
0x30e: {  	v9 =	vmul.f32 v9, v0;
	v8 =	vmul.f32 v8, v2;
	v15 =	vld [tilespmem:s18+$0xD010]  }
0x30f: {  	v0 =	vmul.f32 v12, v0;
	v7 =	vmul.f32 v7, v2;
	v10 =	vadd.f32 $0.0e+00, v10;
	v12 =	vld [tilespmem:s18+$0x9020]  }
0x310: {  	v6 =	vmul.f32 v6, v2;
	v9 =	vadd.f32 $0.0e+00, v9;
	v13 =	vmul.f32 v13, v1;
	v16 =	vld [tilespmem:s18+$0x9030]  }
0x311: {  	v3 =	vmul.f32 v3, v1;
	v8 =	vadd.f32 v8, v10;
	v10 =	vld [tilespmem:s18+$0xD020]  }
0x312: {  	v2 =	vmul.f32 v4, v2;
	v0 =	vadd.f32 $0.0e+00, v0;
	v4 =	vmul.f32 v14, v5;
	v14 =	vld [tilespmem:s18+$0xD030]  }
0x313: {  	v7 =	vadd.f32 v7, v9;
	v8 =	vadd.f32 v13, v8;
	v9 =	vmul.f32 v15, v5;
	v13 =	vld [tilespmem:$0x13000]  }
0x314: {  	v11 =	vadd.f32 $0.0e+00, v11;
	v0 =	vadd.f32 v2, v0;
	v2 =	vmul.f32 v12, v1  }
0x315: {  	v3 =	vadd.f32 v3, v7;
	v4 =	vadd.f32 v4, v8;
	v1 =	vmul.f32 v16, v1  }
0x316: {  	v6 =	vadd.f32 v6, v11;
	v0 =	vadd.f32 v2, v0;
	v2 =	vmul.f32 v10, v5  }
0x317: {  	v3 =	vadd.f32 v9, v3;
	v4 =	vmul.f32 $2.500000000e-01, v4  }
0x318: {  	v1 =	vadd.f32 v1, v6;
	v6 =	vadd.f32 v2, v0;
	v0 =	vmul.f32 v14, v5  }
0x319: {  	v2 =	vadd.f32 v13, v4  }
0x31a: {  	v0 =	vadd.f32 v0, v1  }
0x31b: {  	[tilespmem:s18+$0x13040] =	vst v2  }
0x31c: {  	v1 =	vld [tilespmem:$0x13010];
	_ =	sdelay $0x2  }
0x31d: {  	v2 =	vmul.f32 $2.500000000e-01, v3;
	_ =	sdelay $0x1  }
0x31e: {  	v1 =	vadd.f32 v1, v2;
	_ =	sdelay $0x1  }
0x31f: {  	[tilespmem:s18+$0x13050] =	vst v1  }
.Ltmp0:
0x320: {  	v4 =	vld [tilespmem:$0x13020];
	(pc) =	sbr.rel @p0 .LBB2_2-.Ltmp0, $4  }
0x321: {  	v2 =	vmov s19  }
0x322: {  	s22 =	sadd.s32 $0x100, s19  }
0x323: {  	v5 =	vmul.f32 $2.500000000e-01, v6;
	v3 =	vmov s22  }
0x324: {  	s23 =	smov.u32 s21;
	s22 =	sadd.s32 $0x200, s19  }
0x325: {  	s20 =	sadd.s32 $0x100, s20;
	v1 =	vadd.f32 v4, v5  }
0x326: {  	s20 =	sshra.s32 s20, $0x2  }
0x327: {  	v49 =	vld [tilespmem:s20+$0x5030];
	[tilespmem:s18+$0x13060] =	vst v1  }
0x328: {  	v1 =	vld [tilespmem:$0x13030]  }
0x329: {  	v50 =	vld [tilespmem:s20+$0x5010]  }
0x32a: {  	v6 =	vld [tilespmem:s20+$0x5000]  }
0x32b: {  	v0 =	vmul.f32 $2.500000000e-01, v0;
	v7 =	vld [tilespmem:s20+$0x1010]  }
0x32c: {  	v8 =	vld [tilespmem:s20+$0x1000]  }
0x32d: {  	v9 =	vld [tilespmem:s20+$0x1030];
	v0 =	vadd.f32 v1, v0  }
0x32e: {  	v10 =	vmov s22;
	v51 =	vld [tilespmem:s20+$0x5020]  }
0x32f: {  	s19 =	sadd.s32 $0x300, s19;
	v11 =	vld [tilespmem:s20+$0x1020];
	[tilespmem:s18+$0x13070] =	vst v0  }
0x330: {  	v52 =	vmov s19;
	v2 =	vld.idx.msk [tilespmem:v2+s15+$0x0], $0xffff;
	_ =	sdelay $0x1  }
0x331: {  	v3 =	vld.idx.msk [tilespmem:v3+s15+$0x0], $0xffff  }
0x332: {  	v10 =	vld.idx.msk [tilespmem:v10+s15+$0x0], $0xffff  }
0x333: {  	v12 =	vld [tilespmem:s20+$0x9000]  }
0x334: {  	v0 =	vld.idx.msk [tilespmem:v52+s15+$0x0], $0xffff;
	v8 =	vmul.f32 v8, v2  }
0x335: {  	v13 =	vld [tilespmem:s20+$0xD000]  }
0x336: {  	v6 =	vmul.f32 v6, v3;
	v8 =	vadd.f32 $0.0e+00, v8;
	_ =	sdelay $0x1  }
0x337: {  	v12 =	vmul.f32 v12, v10;
	v6 =	vadd.f32 v6, v8;
	_ =	sdelay $0x1  }
0x338: {  	v53 =	vld [tilespmem:s20+$0x9010];
	v13 =	vmul.f32 v13, v0;
	v6 =	vadd.f32 v12, v6  }
0x339: {  	v54 =	vld [tilespmem:$0x13000]  }
0x33a: {  	v7 =	vmul.f32 v7, v2;
	v6 =	vadd.f32 v13, v6  }
0x33b: {  	v55 =	vld [tilespmem:s20+$0xD010]  }
0x33c: {  	v5 =	vmul.f32 v50, v3;
	v7 =	vadd.f32 $0.0e+00, v7;
	v6 =	vmul.f32 $2.500000000e-01, v6;
	_ =	sdelay $0x1  }
0x33d: {  	v8 =	vmul.f32 v53, v10;
	v5 =	vadd.f32 v5, v7;
	v6 =	vadd.f32 v54, v6;
	_ =	sdelay $0x1  }
0x33e: {  	v56 =	vld [tilespmem:s20+$0x9020];
	v57 =	vmul.f32 v55, v0;
	v5 =	vadd.f32 v8, v5;
	[tilespmem:s20+$0x13040] =	vst v6  }
0x33f: {  	v6 =	vld [tilespmem:$0x13010]  }
0x340: {  	v58 =	vmul.f32 v11, v2;
	v5 =	vadd.f32 v57, v5  }
0x341: {  	v59 =	vld [tilespmem:s20+$0xD020]  }
0x342: {  	v1 =	vmul.f32 v51, v3;
	v8 =	vadd.f32 $0.0e+00, v58;
	v5 =	vmul.f32 $2.500000000e-01, v5;
	_ =	sdelay $0x1  }
0x343: {  	v7 =	vmul.f32 v56, v10;
	v1 =	vadd.f32 v1, v8;
	v5 =	vadd.f32 v6, v5;
	_ =	sdelay $0x1  }
0x344: {  	v60 =	vld [tilespmem:s20+$0x9030];
	v61 =	vmul.f32 v59, v0;
	v1 =	vadd.f32 v7, v1;
	[tilespmem:s20+$0x13050] =	vst v5  }
0x345: {  	v5 =	vld [tilespmem:$0x13020]  }
0x346: {  	v2 =	vmul.f32 v9, v2;
	v1 =	vadd.f32 v61, v1  }
0x347: {  	v62 =	vld [tilespmem:s20+$0xD030]  }
0x348: {  	v3 =	vmul.f32 v49, v3;
	v2 =	vadd.f32 $0.0e+00, v2;
	v1 =	vmul.f32 $2.500000000e-01, v1;
	_ =	sdelay $0x1  }
0x349: {  	v63 =	vmul.f32 v60, v10;
	v2 =	vadd.f32 v3, v2;
	v1 =	vadd.f32 v5, v1;
	_ =	sdelay $0x1  }
0x34a: {  	v0 =	vmul.f32 v62, v0;
	v2 =	vadd.f32 v63, v2;
	[tilespmem:s20+$0x13060] =	vst v1  }
0x34b: {  	v1 =	vld [tilespmem:$0x13030]  }
0x34c: {  	v0 =	vadd.f32 v0, v2;
	_ =	sdelay $0x1  }
0x34d: {  	v0 =	vmul.f32 $2.500000000e-01, v0;
	_ =	sdelay $0x1  }
0x34e: {  	s17 =	sadd.s32 $0x1, s17;
	v0 =	vadd.f32 v1, v0  }
0x34f: {  	p0 =	sne.s32 s17, s8  }
.Ltmp1:
0x350: {  	[tilespmem:s20+$0x13070] =	vst v0;
	(pc) =	sbr.rel @p0 .LBB2_1-.Ltmp1, $4  }
0x351: {  	[hbm4b:s7+s4] =	stream.linear.scatter [tilespmem:s16], [sflag:$0x2], $0x4000, $0x38;
	[tilespmem:$0x17040] =	vst v63  }
0x352: {  	_ =	swait.ge [sflag:s9], $0x4000  }
0x353: {  	[sflag:s9] =	ssyncset.done $0x0  }
0x354: {  	[sflag:s9] =	ssyncadd.s32 $0xFFFFC000  }
0x355: {  	_ =	sfence.sel $0x180000  }
0x356: {  	[bflag:$0x0] =	sbarrier.arrive $0xFFFF  }
0x357: {  	p0 =	sne.s32 s0, $0x0;
	_ =	strace $0x9000004A  }
0x358: {  	s0 =	sadd.s32 @!p0 $0x100000, s2;
	[bflag:$0x2] =	sbarrier.arrive $0xFFFF  }
0x359: {  	[sflag:s0] =	ssyncadd.tile.s32 @!p0 $0x1;
	_ =	shalt  }
.Lfunc_end2:
_tile_overlayer_lowered:
.L_overlay_start_2:
0x35a: {  	(tag) =	ssettag $0x2  }
0x35b: {  	s0 =	rddreg [dreg:$0x0];
	s2 =	stileid.u32  }
0x35c: {  	s1 =	rddreg [dreg:$0x1];
	p0 =	sne.s32 s2, $0x0  }
0x35d: {  	s3 =	rddreg [dreg:$0x2];
	[bflag:$0x3] =	sbarrier.arrive $0xFFFF;
	s2 =	simm.s32 @!p0 $0x1C02  }
0x35e: {  	[timem:s3], [sflag:s2] =	dma.local @!p0 [hbm:s0], s1  }
0x35f: {  	s0 =	simm.s32 @!p0 $0x2  }
0x360: {  	_ =	swait.ge @!p0 [sflag:s0], s1  }
0x361: {  	s1 =	ssub.s32 @!p0 $0x0, s1;
	[sflag:s0] =	ssyncset.done @!p0 $0x0  }
0x362: {  	[sflag:s0] =	ssyncadd.s32 @!p0 s1  }
0x363: {  	[bflag:$0x3] =	sbarrier.arrive $0xFFFF  }
0x364: {  	_ =	shalt  }

</sc_bundles>
